<compile_context>
chip_gen: v7x
topology: tpu7x:2x2x1
jax: 0.10.2.dev20260603
libtpu: 0.0.44.dev20260713+nightly
codegen_flags: <defaults>
</compile_context>

<pallas_src>
import functools

import jax
import jax.numpy as jnp
from jax import lax
from jax.experimental import pallas as pl
from jax.experimental.pallas import tpu as pltpu
from jax.experimental.pallas import tpu_sc as plsc

NN = 10000
EE = 320000
FI = 128
HH = 256
CC = 64

NC = 2
NS = 16
CH = 128
NCH2 = 162
NCHD = NCH2 // NC
EP = NS * NCH2 * CH
NP = 10240
RPT = NP // NS

_MESH = plsc.VectorSubcoreMesh(core_axis_name="c", subcore_axis_name="s")
_SC_PARAMS = pltpu.CompilerParams(use_tc_tiling_on_sc=False)


FH = FI // 2
CH2 = CC // 2
RCH = 128
NRQ = RPT // RCH


def _rsqrt16(d):
    i = lax.bitcast_convert_type(d, jnp.int32)
    i = jnp.int32(0x5F3759DF) - lax.shift_right_logical(i, 1)
    y = lax.bitcast_convert_type(i, jnp.float32)
    for _ in range(3):
        y = y * (1.5 - 0.5 * d * y * y)
    return y


def _make_l1_kernel():

    @functools.partial(
        pl.kernel,
        mesh=_MESH,
        compiler_params=_SC_PARAMS,
        out_type=jax.ShapeDtypeStruct((NC, NP, FH), jnp.float32),
        scratch_types=(
            [pltpu.VMEM((CH,), jnp.int32) for _ in range(6)]
            + [pltpu.VMEM((CH,), jnp.int32) for _ in range(3)]
            + [pltpu.VMEM((CH, FH), jnp.float32) for _ in range(3)]
            + [pltpu.VMEM((CH, 16), jnp.float32)]
            + [pltpu.VMEM((RCH, 16), jnp.float32)]
            + [pltpu.VMEM_SHARED((NP, 16), jnp.float32)]
            + [pltpu.VMEM_SHARED((NP, FH), jnp.float32)]
            + [pltpu.VMEM_SHARED((NP, FH), jnp.float32)]
            + [pltpu.SemaphoreType.DMA] * 12
        ),
    )
    def l1_kernel(x_hbm, srcq_hbm, dstq_hbm, ones_hbm, z16_hbm, out_hbm,
                  *refs):
        sidx = refs[0:6]
        didx = refs[6:9]
        rows = refs[9:12]
        ones_v, degc = refs[12], refs[13]
        degacc, table_s, acc = refs[14], refs[15], refs[16]
        sem_s = refs[17:23]
        sem_d = refs[23:26]
        sem_r = refs[26:29]
        c = lax.axis_index("c")
        s = lax.axis_index("s")

        pltpu.sync_copy(z16_hbm, degacc.at[pl.ds(s * RPT, RPT)])
        pltpu.sync_copy(ones_hbm, ones_v)
        plsc.subcore_barrier()
        for k in range(3):
            pltpu.async_copy(dstq_hbm.at[s, k], didx[k], sem_d[k])

        @pl.loop(0, NCH2 - 3, step=3)
        def _(j):
            for k in range(3):
                pltpu.make_async_copy(dstq_hbm.at[s, j], didx[k],
                                      sem_d[k]).wait()
                pltpu.sync_copy(ones_v, degacc.at[didx[k]], add=True)
                pltpu.async_copy(dstq_hbm.at[s, j + 3 + k], didx[k],
                                 sem_d[k])

        for k in range(3):
            pltpu.make_async_copy(dstq_hbm.at[s, 0], didx[k],
                                  sem_d[k]).wait()
            pltpu.sync_copy(ones_v, degacc.at[didx[k]], add=True)
        plsc.subcore_barrier()

        for q in range(NRQ):
            r0 = s * RPT + q * RCH
            pltpu.sync_copy(degacc.at[pl.ds(r0, RCH)], degc)
            pltpu.sync_copy(x_hbm.at[pl.ds(r0, RCH), pl.ds(c * FH, FH)],
                            rows[0])

            @pl.loop(0, RCH)
            def _(r):
                y = _rsqrt16(degc[r, :] + 1.0)
                for c2 in range(FH // 16):
                    sl = pl.ds(c2 * 16, 16)
                    rows[0][r, sl] = rows[0][r, sl] * y

            pltpu.sync_copy(rows[0], table_s.at[pl.ds(r0, RCH)])
            pltpu.sync_copy(rows[0], acc.at[pl.ds(r0, RCH)])
        plsc.subcore_barrier()

        for k in range(3):
            pltpu.async_copy(srcq_hbm.at[s, k], sidx[k], sem_s[k])
            pltpu.async_copy(srcq_hbm.at[s, 3 + k], sidx[3 + k],
                             sem_s[3 + k])
            pltpu.async_copy(dstq_hbm.at[s, k], didx[k], sem_d[k])
        for k in range(3):
            pltpu.make_async_copy(srcq_hbm.at[s, 0], sidx[k],
                                  sem_s[k]).wait()
            pltpu.async_copy(table_s.at[sidx[k]], rows[k], sem_r[k])

        def _halfstep(j, k, pa, pb, g_next, s_next):
            pltpu.make_async_copy(dstq_hbm.at[s, 0], didx[k],
                                  sem_d[k]).wait()
            pltpu.make_async_copy(table_s.at[sidx[pa]], rows[k],
                                  sem_r[k]).wait()
            pltpu.sync_copy(rows[k], acc.at[didx[k]], add=True)
            pltpu.async_copy(dstq_hbm.at[s, g_next + k], didx[k], sem_d[k])
            pltpu.make_async_copy(srcq_hbm.at[s, 0], sidx[pb],
                                  sem_s[pb]).wait()
            pltpu.async_copy(table_s.at[sidx[pb]], rows[k], sem_r[k])
            pltpu.async_copy(srcq_hbm.at[s, s_next + k], sidx[pa],
                             sem_s[pa])

        @pl.loop(0, NCH2 - 6, step=6)
        def _(j):
            for k in range(3):
                _halfstep(j, k, k, 3 + k, j + 3, j + 6)
            for k in range(3):
                _halfstep(j + 3, k, 3 + k, k, j + 6, j + 9)

        for k in range(3):
            pltpu.make_async_copy(dstq_hbm.at[s, 0], didx[k],
                                  sem_d[k]).wait()
            pltpu.make_async_copy(table_s.at[sidx[k]], rows[k],
                                  sem_r[k]).wait()
            pltpu.sync_copy(rows[k], acc.at[didx[k]], add=True)
            pltpu.async_copy(dstq_hbm.at[s, NCH2 - 3 + k], didx[k],
                             sem_d[k])
            pltpu.make_async_copy(srcq_hbm.at[s, 0], sidx[3 + k],
                                  sem_s[3 + k]).wait()
            pltpu.async_copy(table_s.at[sidx[3 + k]], rows[k], sem_r[k])
        for k in range(3):
            pltpu.make_async_copy(dstq_hbm.at[s, 0], didx[k],
                                  sem_d[k]).wait()
            pltpu.make_async_copy(table_s.at[sidx[3 + k]], rows[k],
                                  sem_r[k]).wait()
            pltpu.sync_copy(rows[k], acc.at[didx[k]], add=True)
        plsc.subcore_barrier()

        for q in range(NRQ):
            r0 = s * RPT + q * RCH
            pltpu.sync_copy(degacc.at[pl.ds(r0, RCH)], degc)
            pltpu.sync_copy(acc.at[pl.ds(r0, RCH)], rows[0])

            @pl.loop(0, RCH)
            def _(r):
                y = _rsqrt16(degc[r, :] + 1.0)
                for c2 in range(FH // 16):
                    sl = pl.ds(c2 * 16, 16)
                    rows[0][r, sl] = rows[0][r, sl] * y

            pltpu.sync_copy(rows[0], out_hbm.at[c, pl.ds(r0, RCH)])

    return l1_kernel


def _make_agg_kernel(dh, final=False):

    nbuf = 3
    out_ty = (jax.ShapeDtypeStruct((NN, NC * dh), jnp.float32) if final
              else jax.ShapeDtypeStruct((NC, NP, dh), jnp.float32))

    @functools.partial(
        pl.kernel,
        mesh=_MESH,
        compiler_params=_SC_PARAMS,
        out_type=out_ty,
        scratch_types=(
            [pltpu.VMEM((NCH2, CH), jnp.int32)]
            + [pltpu.VMEM((CH,), jnp.int32) for _ in range(nbuf)]
            + [pltpu.VMEM((CH, dh), jnp.float32) for _ in range(nbuf)]
            + [pltpu.VMEM_SHARED((NP, dh), jnp.float32)] * 2
            + [pltpu.SemaphoreType.DMA] * (2 * nbuf)
        ),
    )
    def agg_kernel(table2_hbm, srcq_hbm, dstq_hbm, init_hbm, out_hbm,
                   *refs):
        src_v = refs[0]
        dst_b = refs[1:1 + nbuf]
        rows_b = refs[1 + nbuf:1 + 2 * nbuf]
        table_s, acc = refs[1 + 2 * nbuf], refs[2 + 2 * nbuf]
        sem_r = refs[3 + 2 * nbuf:3 + 3 * nbuf]
        sem_d = refs[3 + 3 * nbuf:3 + 4 * nbuf]
        c = lax.axis_index("c")
        s = lax.axis_index("s")
        if final:
            pltpu.sync_copy(init_hbm.at[c], acc.at[pl.ds(s * RPT, RPT)])
        else:
            pltpu.sync_copy(init_hbm, acc.at[pl.ds(s * RPT, RPT)])
        pltpu.sync_copy(table2_hbm.at[c, pl.ds(s * RPT, RPT)],
                        table_s.at[pl.ds(s * RPT, RPT)])
        pltpu.sync_copy(srcq_hbm.at[s], src_v)
        plsc.subcore_barrier()

        for k in range(nbuf):
            pltpu.async_copy(dstq_hbm.at[s, k], dst_b[k], sem_d[k])
            pltpu.async_copy(table_s.at[src_v.at[k]], rows_b[k], sem_r[k])

        @pl.loop(0, NCH2 - nbuf, step=nbuf)
        def _(j):
            for k in range(nbuf):
                pltpu.make_async_copy(dstq_hbm.at[s, j], dst_b[k],
                                      sem_d[k]).wait()
                pltpu.make_async_copy(table_s.at[src_v.at[j]], rows_b[k],
                                      sem_r[k]).wait()
                pltpu.sync_copy(rows_b[k], acc.at[dst_b[k]], add=True)
                pltpu.async_copy(dstq_hbm.at[s, j + nbuf + k], dst_b[k],
                                 sem_d[k])
                pltpu.async_copy(table_s.at[src_v.at[j + nbuf + k]],
                                 rows_b[k], sem_r[k])

        for k in range(nbuf):
            pltpu.make_async_copy(dstq_hbm.at[s, 0], dst_b[k],
                                  sem_d[k]).wait()
            pltpu.make_async_copy(table_s.at[src_v.at[0]], rows_b[k],
                                  sem_r[k]).wait()
            pltpu.sync_copy(rows_b[k], acc.at[dst_b[k]], add=True)

        plsc.subcore_barrier()
        if final:
            rpn = NN // NS
            pltpu.sync_copy(
                acc.at[pl.ds(s * rpn, rpn)],
                out_hbm.at[pl.ds(s * rpn, rpn), pl.ds(c * dh, dh)])
        else:
            pltpu.sync_copy(acc.at[pl.ds(s * RPT, RPT)],
                            out_hbm.at[c, pl.ds(s * RPT, RPT)])

    return agg_kernel


_BLK = 1024
_GRID = NP // _BLK


def _mm_body(y2_ref, w1_ref, b1_ref, w2_ref, p2_ref):
    h = (jnp.dot(y2_ref[0], w1_ref[0], preferred_element_type=jnp.float32)
         + jnp.dot(y2_ref[1], w1_ref[1], preferred_element_type=jnp.float32))
    h = jnp.maximum(h + b1_ref[...], 0.0)
    p = jnp.dot(h, w2_ref[...], preferred_element_type=jnp.float32)
    p2_ref[0] = p[:, :CH2]
    p2_ref[1] = p[:, CH2:]


def kernel(x, edge_index, W1, b1, W2, b2):
    src = edge_index[0].astype(jnp.int32)
    dst = edge_index[1].astype(jnp.int32)
    npad = EP - EE
    srcq = jnp.concatenate([src, jnp.zeros((npad,), jnp.int32)])
    srcq = srcq.reshape(NS, NCH2, CH)
    dstq = jnp.concatenate([dst, jnp.full((npad,), NN, jnp.int32)])
    dstq = dstq.reshape(NS, NCH2, CH)
    x_pad = jnp.pad(x, ((0, NP - NN), (0, 0)))
    ones16 = jnp.ones((CH, 16), jnp.float32)
    z16 = jnp.zeros((RPT, 16), jnp.float32)
    w1s = W1.reshape(2, FH, HH)
    b1r = b1.reshape(1, HH)
    b2init = jnp.broadcast_to(b2.reshape(NC, 1, CH2), (NC, RPT, CH2))

    y2 = _make_l1_kernel()(x_pad, srcq, dstq, ones16, z16)

    p2 = pl.pallas_call(
        _mm_body,
        grid=(_GRID,),
        in_specs=[
            pl.BlockSpec((2, _BLK, FH), lambda i: (0, i, 0)),
            pl.BlockSpec((2, FH, HH), lambda i: (0, 0, 0)),
            pl.BlockSpec((1, HH), lambda i: (0, 0)),
            pl.BlockSpec((HH, CC), lambda i: (0, 0)),
        ],
        out_specs=pl.BlockSpec((2, _BLK, CH2), lambda i: (0, i, 0)),
        out_shape=jax.ShapeDtypeStruct((2, NP, CH2), jnp.float32),
    )(y2, w1s, b1r, W2)

    return _make_agg_kernel(CH2, final=True)(p2, srcq, dstq, b2init)

# --- scband reference (transcript-rebuilt; emitter-appended) ---
"""Pipeline reference for scband-gcn-37082747634530 (READ-ONLY COPY).

The authoritative reference and input builder live on the scoring server;
editing this copy changes nothing except your own understanding.
"""

import jax, jax.numpy as jnp
import numpy as np

N = 10000
E = 320000
F_IN = 128
H = 256
C = 64


def setup_inputs(seed: int = 0) -> dict:
    key = jax.random.key(seed)
    k1, k2, k3, k4, k5, k6 = jax.random.split(key, 6)
    x = jax.random.normal(k1, (N, F_IN), dtype=jnp.float32)
    edge_index = jax.random.randint(k2, (2, E), 0, N, dtype=jnp.int64)
    W1 = jax.random.normal(k3, (F_IN, H), dtype=jnp.float32) * 0.05
    b1 = jnp.zeros((H,), dtype=jnp.float32)
    W2 = jax.random.normal(k4, (H, C), dtype=jnp.float32) * 0.05
    b2 = jnp.zeros((C,), dtype=jnp.float32)
    return {"x": x, "edge_index": edge_index, "W1": W1, "b1": b1, "W2": W2, "b2": b2}


def _gcn_conv_normalized(x, edge_index, W, b):
    # GCNConv with normalize=True: add self-loops, symmetric normalization
    n = x.shape[0]
    src = edge_index[0]
    dst = edge_index[1]
    loop = jnp.arange(n, dtype=edge_index.dtype)
    src2 = jnp.concatenate([src, loop])
    dst2 = jnp.concatenate([dst, loop])
    ew = jnp.ones(src2.shape[0], dtype=x.dtype)
    deg = jax.ops.segment_sum(ew, dst2, num_segments=n)
    dinv = jnp.where(deg > 0, deg ** -0.5, 0.0)
    norm = dinv[src2] * dinv[dst2]
    xw = x @ W
    msgs = xw[src2] * norm[:, None]
    out = jax.ops.segment_sum(msgs, dst2, num_segments=n)
    return out + b


def _gcn_conv_plain(x, edge_index, W, b):
    # GCNConv with normalize=False: plain sum aggregation, no self-loops
    n = x.shape[0]
    src = edge_index[0]
    dst = edge_index[1]
    xw = x @ W
    out = jax.ops.segment_sum(xw[src], dst, num_segments=n)
    return out + b


def reference(x, edge_index, W1, b1, W2, b2):
    h = _gcn_conv_normalized(x, edge_index, W1, b1)
    h = jax.nn.relu(h)
    out = _gcn_conv_plain(h, edge_index, W2, b2)
    return out

if __name__ == "__main__":
    import jax
    _d = setup_inputs()
    print(jax.jit(kernel)(*tuple(_d.values())))

</pallas_src>

<mosaic_0001>
#map = affine_map<(d0, d1) -> (0, 0, 0)>
#map1 = affine_map<(d0, d1) -> (0, 0)>
module attributes {stable_mosaic.version = 14 : i64} {
  func.func @agg_kernel(%arg0: i32, %arg1: i32, %arg2: memref<2x10240x32xf32, #tpu.memory_space<hbm>>, %arg3: memref<16x162x128xi32, #tpu.memory_space<hbm>>, %arg4: memref<16x162x128xi32, #tpu.memory_space<hbm>>, %arg5: memref<2x640x32xf32, #tpu.memory_space<hbm>>, %arg6: memref<10000x64xf32, #tpu.memory_space<hbm>>, %arg7: memref<162x128xi32, #tpu.memory_space<vmem>>, %arg8: memref<128xi32, #tpu.memory_space<vmem>>, %arg9: memref<128xi32, #tpu.memory_space<vmem>>, %arg10: memref<128xi32, #tpu.memory_space<vmem>>, %arg11: memref<128x32xf32, #tpu.memory_space<vmem>>, %arg12: memref<128x32xf32, #tpu.memory_space<vmem>>, %arg13: memref<128x32xf32, #tpu.memory_space<vmem>>, %arg14: memref<10240x32xf32, #tpu.memory_space<vmem_shared>>, %arg15: memref<10240x32xf32, #tpu.memory_space<vmem_shared>>, %arg16: memref<!tpu.dma_semaphore, #tpu.memory_space<semaphore_mem>>, %arg17: memref<!tpu.dma_semaphore, #tpu.memory_space<semaphore_mem>>, %arg18: memref<!tpu.dma_semaphore, #tpu.memory_space<semaphore_mem>>, %arg19: memref<!tpu.dma_semaphore, #tpu.memory_space<semaphore_mem>>, %arg20: memref<!tpu.dma_semaphore, #tpu.memory_space<semaphore_mem>>, %arg21: memref<!tpu.dma_semaphore, #tpu.memory_space<semaphore_mem>>) attributes {dimension_semantics = [#tpu.dimension_semantics<core_parallel>, #tpu.dimension_semantics<subcore_parallel>], iteration_bounds = array<i64: 2, 16>, scalar_prefetch = 0 : i64, scratch_operands = 15 : i64, tpu.core_type = #tpu.core_type<sc_vector_subcore>, window_params = [{transform_indices = #map}, {transform_indices = #map}, {transform_indices = #map}, {transform_indices = #map}, {transform_indices = #map1}]} {
    %mul3A = arith.constant 640 : i32
    %mul3A_0 = arith.muli %arg1, %mul3A : i32
    "tpu.region"() ({
      %run_scoped3A = tpu.sem_alloc : memref<!tpu.dma_semaphore, #tpu.memory_space<semaphore_mem>>
      %dma_start3A_98 = arith.constant 0 : i32
      %dma_start3A_99 = tpu.memref_slice %arg15[%mul3A_0, %dma_start3A_98] : memref<10240x32xf32, #tpu.memory_space<vmem_shared>> -> memref<640x32xf32, #tpu.memory_space<vmem_shared>>
      %dma_start3A_100 = arith.constant 0 : i32
      %dma_start3A_101 = arith.constant 0 : i32
      %dma_start3A_102 = tpu.memref_slice %arg5[%arg0, %dma_start3A_100, %dma_start3A_101] : memref<2x640x32xf32, #tpu.memory_space<hbm>> -> memref<1x640x32xf32, #tpu.memory_space<hbm>>
      %dma_start3A_103 = tpu.memref_squeeze %dma_start3A_102 : memref<1x640x32xf32, #tpu.memory_space<hbm>> -> memref<640x32xf32, #tpu.memory_space<hbm>>
      tpu.enqueue_dma source(%dma_start3A_103 : memref<640x32xf32, #tpu.memory_space<hbm>>) target(%dma_start3A_99 : memref<640x32xf32, #tpu.memory_space<vmem_shared>>) target_semaphore(%run_scoped3A : memref<!tpu.dma_semaphore, #tpu.memory_space<semaphore_mem>>)
      %dma_wait3A_104 = arith.constant 0 : i32
      %dma_wait3A_105 = tpu.memref_slice %arg15[%mul3A_0, %dma_wait3A_104] : memref<10240x32xf32, #tpu.memory_space<vmem_shared>> -> memref<640x32xf32, #tpu.memory_space<vmem_shared>>
      %dma_wait3A_106 = arith.constant 0 : i32
      %dma_wait3A_107 = arith.constant 0 : i32
      %dma_wait3A_108 = tpu.memref_slice %arg5[%arg0, %dma_wait3A_106, %dma_wait3A_107] : memref<2x640x32xf32, #tpu.memory_space<hbm>> -> memref<1x640x32xf32, #tpu.memory_space<hbm>>
      %dma_wait3A_109 = tpu.memref_squeeze %dma_wait3A_108 : memref<1x640x32xf32, #tpu.memory_space<hbm>> -> memref<640x32xf32, #tpu.memory_space<hbm>>
      tpu.wait_dma2 semaphore(%run_scoped3A : memref<!tpu.dma_semaphore, #tpu.memory_space<semaphore_mem>>) src(%dma_wait3A_109 : memref<640x32xf32, #tpu.memory_space<hbm>>) dst(%dma_wait3A_105 : memref<640x32xf32, #tpu.memory_space<vmem_shared>>)
      tpu.yield
    }) : () -> ()
    %mul3A_1 = arith.constant 640 : i32
    %mul3A_2 = arith.muli %arg1, %mul3A_1 : i32
    %mul3A_3 = arith.constant 640 : i32
    %mul3A_4 = arith.muli %arg1, %mul3A_3 : i32
    "tpu.region"() ({
      %run_scoped3A = tpu.sem_alloc : memref<!tpu.dma_semaphore, #tpu.memory_space<semaphore_mem>>
      %dma_start3A_98 = arith.constant 0 : i32
      %dma_start3A_99 = tpu.memref_slice %arg14[%mul3A_4, %dma_start3A_98] : memref<10240x32xf32, #tpu.memory_space<vmem_shared>> -> memref<640x32xf32, #tpu.memory_space<vmem_shared>>
      %dma_start3A_100 = arith.constant 0 : i32
      %dma_start3A_101 = tpu.memref_slice %arg2[%arg0, %mul3A_2, %dma_start3A_100] : memref<2x10240x32xf32, #tpu.memory_space<hbm>> -> memref<1x640x32xf32, #tpu.memory_space<hbm>>
      %dma_start3A_102 = tpu.memref_squeeze %dma_start3A_101 : memref<1x640x32xf32, #tpu.memory_space<hbm>> -> memref<640x32xf32, #tpu.memory_space<hbm>>
      tpu.enqueue_dma source(%dma_start3A_102 : memref<640x32xf32, #tpu.memory_space<hbm>>) target(%dma_start3A_99 : memref<640x32xf32, #tpu.memory_space<vmem_shared>>) target_semaphore(%run_scoped3A : memref<!tpu.dma_semaphore, #tpu.memory_space<semaphore_mem>>)
      %dma_wait3A_103 = arith.constant 0 : i32
      %dma_wait3A_104 = tpu.memref_slice %arg14[%mul3A_4, %dma_wait3A_103] : memref<10240x32xf32, #tpu.memory_space<vmem_shared>> -> memref<640x32xf32, #tpu.memory_space<vmem_shared>>
      %dma_wait3A_105 = arith.constant 0 : i32
      %dma_wait3A_106 = tpu.memref_slice %arg2[%arg0, %mul3A_2, %dma_wait3A_105] : memref<2x10240x32xf32, #tpu.memory_space<hbm>> -> memref<1x640x32xf32, #tpu.memory_space<hbm>>
      %dma_wait3A_107 = tpu.memref_squeeze %dma_wait3A_106 : memref<1x640x32xf32, #tpu.memory_space<hbm>> -> memref<640x32xf32, #tpu.memory_space<hbm>>
      tpu.wait_dma2 semaphore(%run_scoped3A : memref<!tpu.dma_semaphore, #tpu.memory_space<semaphore_mem>>) src(%dma_wait3A_107 : memref<640x32xf32, #tpu.memory_space<hbm>>) dst(%dma_wait3A_104 : memref<640x32xf32, #tpu.memory_space<vmem_shared>>)
      tpu.yield
    }) : () -> ()
    "tpu.region"() ({
      %run_scoped3A = tpu.sem_alloc : memref<!tpu.dma_semaphore, #tpu.memory_space<semaphore_mem>>
      %dma_start3A_98 = arith.constant 0 : i32
      %dma_start3A_99 = arith.constant 0 : i32
      %dma_start3A_100 = tpu.memref_slice %arg3[%arg1, %dma_start3A_98, %dma_start3A_99] : memref<16x162x128xi32, #tpu.memory_space<hbm>> -> memref<1x162x128xi32, #tpu.memory_space<hbm>>
      %dma_start3A_101 = tpu.memref_squeeze %dma_start3A_100 : memref<1x162x128xi32, #tpu.memory_space<hbm>> -> memref<162x128xi32, #tpu.memory_space<hbm>>
      %dma_start3A_102 = arith.constant 0 : i32
      %dma_start3A_103 = arith.constant 0 : i32
      %dma_start3A_104 = tpu.memref_slice %arg3[%arg1, %dma_start3A_102, %dma_start3A_103] : memref<16x162x128xi32, #tpu.memory_space<hbm>> -> memref<1x162x128xi32, #tpu.memory_space<hbm>>
      %dma_start3A_105 = tpu.memref_squeeze %dma_start3A_104 : memref<1x162x128xi32, #tpu.memory_space<hbm>> -> memref<162x128xi32, #tpu.memory_space<hbm>>
      tpu.enqueue_dma source(%dma_start3A_105 : memref<162x128xi32, #tpu.memory_space<hbm>>) target(%arg7 : memref<162x128xi32, #tpu.memory_space<vmem>>) target_semaphore(%run_scoped3A : memref<!tpu.dma_semaphore, #tpu.memory_space<semaphore_mem>>)
      %dma_wait3A_106 = arith.constant 0 : i32
      %dma_wait3A_107 = arith.constant 0 : i32
      %dma_wait3A_108 = tpu.memref_slice %arg3[%arg1, %dma_wait3A_106, %dma_wait3A_107] : memref<16x162x128xi32, #tpu.memory_space<hbm>> -> memref<1x162x128xi32, #tpu.memory_space<hbm>>
      %dma_wait3A_109 = tpu.memref_squeeze %dma_wait3A_108 : memref<1x162x128xi32, #tpu.memory_space<hbm>> -> memref<162x128xi32, #tpu.memory_space<hbm>>
      %dma_wait3A_110 = arith.constant 0 : i32
      %dma_wait3A_111 = arith.constant 0 : i32
      %dma_wait3A_112 = tpu.memref_slice %arg3[%arg1, %dma_wait3A_110, %dma_wait3A_111] : memref<16x162x128xi32, #tpu.memory_space<hbm>> -> memref<1x162x128xi32, #tpu.memory_space<hbm>>
      %dma_wait3A_113 = tpu.memref_squeeze %dma_wait3A_112 : memref<1x162x128xi32, #tpu.memory_space<hbm>> -> memref<162x128xi32, #tpu.memory_space<hbm>>
      tpu.wait_dma2 semaphore(%run_scoped3A : memref<!tpu.dma_semaphore, #tpu.memory_space<semaphore_mem>>) src(%dma_wait3A_113 : memref<162x128xi32, #tpu.memory_space<hbm>>) dst(%arg7 : memref<162x128xi32, #tpu.memory_space<vmem>>)
      tpu.yield
    }) : () -> ()
    %barrier3A = arith.constant 0 : index
    tpu.barrier barrier_id(%barrier3A)
    %dma_start3A = arith.constant 0 : i32
    %dma_start3A_5 = arith.constant 0 : i32
    %dma_start3A_6 = tpu.memref_slice %arg4[%arg1, %dma_start3A, %dma_start3A_5] : memref<16x162x128xi32, #tpu.memory_space<hbm>> -> memref<1x1x128xi32, #tpu.memory_space<hbm>>
    %dma_start3A_7 = tpu.memref_squeeze %dma_start3A_6 : memref<1x1x128xi32, #tpu.memory_space<hbm>> -> memref<128xi32, #tpu.memory_space<hbm>>
    %dma_start3A_8 = arith.constant 0 : i32
    %dma_start3A_9 = tpu.memref_slice %arg4[%arg1, %dma_start3A, %dma_start3A_8] : memref<16x162x128xi32, #tpu.memory_space<hbm>> -> memref<1x1x128xi32, #tpu.memory_space<hbm>>
    %dma_start3A_10 = tpu.memref_squeeze %dma_start3A_9 : memref<1x1x128xi32, #tpu.memory_space<hbm>> -> memref<128xi32, #tpu.memory_space<hbm>>
    tpu.enqueue_dma source(%dma_start3A_10 : memref<128xi32, #tpu.memory_space<hbm>>) target(%arg8 : memref<128xi32, #tpu.memory_space<vmem>>) target_semaphore(%arg19 : memref<!tpu.dma_semaphore, #tpu.memory_space<semaphore_mem>>)
    %dma_start3A_11 = arith.constant 0 : i32
    %dma_start3A_12 = arith.constant 0 : i32
    %dma_start3A_13 = tpu.memref_slice %arg7[%dma_start3A_11, %dma_start3A_12] : memref<162x128xi32, #tpu.memory_space<vmem>> -> memref<1x128xi32, #tpu.memory_space<vmem>>
    %dma_start3A_14 = tpu.memref_squeeze %dma_start3A_13 : memref<1x128xi32, #tpu.memory_space<vmem>> -> memref<128xi32, #tpu.memory_space<vmem>>
    %dma_start3A_15 = arith.constant 0 : i32
    %dma_start3A_16 = arith.constant 0 : i32
    %dma_start3A_17 = tpu.memref_slice %arg14[%dma_start3A_15, %dma_start3A_16] : memref<10240x32xf32, #tpu.memory_space<vmem_shared>> -> memref<10240x32xf32, #tpu.memory_space<vmem_shared>>
    tpu.enqueue_indirect_dma source(%dma_start3A_17 : memref<10240x32xf32, #tpu.memory_space<vmem_shared>>) target(%arg11 : memref<128x32xf32, #tpu.memory_space<vmem>>) offsets(%dma_start3A_14 : memref<128xi32, #tpu.memory_space<vmem>>) semaphore(%arg16 : memref<!tpu.dma_semaphore, #tpu.memory_space<semaphore_mem>>)
    %dma_start3A_18 = arith.constant 1 : i32
    %dma_start3A_19 = arith.constant 0 : i32
    %dma_start3A_20 = tpu.memref_slice %arg4[%arg1, %dma_start3A_18, %dma_start3A_19] : memref<16x162x128xi32, #tpu.memory_space<hbm>> -> memref<1x1x128xi32, #tpu.memory_space<hbm>>
    %dma_start3A_21 = tpu.memref_squeeze %dma_start3A_20 : memref<1x1x128xi32, #tpu.memory_space<hbm>> -> memref<128xi32, #tpu.memory_space<hbm>>
    %dma_start3A_22 = arith.constant 0 : i32
    %dma_start3A_23 = tpu.memref_slice %arg4[%arg1, %dma_start3A_18, %dma_start3A_22] : memref<16x162x128xi32, #tpu.memory_space<hbm>> -> memref<1x1x128xi32, #tpu.memory_space<hbm>>
    %dma_start3A_24 = tpu.memref_squeeze %dma_start3A_23 : memref<1x1x128xi32, #tpu.memory_space<hbm>> -> memref<128xi32, #tpu.memory_space<hbm>>
    tpu.enqueue_dma source(%dma_start3A_24 : memref<128xi32, #tpu.memory_space<hbm>>) target(%arg9 : memref<128xi32, #tpu.memory_space<vmem>>) target_semaphore(%arg20 : memref<!tpu.dma_semaphore, #tpu.memory_space<semaphore_mem>>)
    %dma_start3A_25 = arith.constant 1 : i32
    %dma_start3A_26 = arith.constant 0 : i32
    %dma_start3A_27 = tpu.memref_slice %arg7[%dma_start3A_25, %dma_start3A_26] : memref<162x128xi32, #tpu.memory_space<vmem>> -> memref<1x128xi32, #tpu.memory_space<vmem>>
    %dma_start3A_28 = tpu.memref_squeeze %dma_start3A_27 : memref<1x128xi32, #tpu.memory_space<vmem>> -> memref<128xi32, #tpu.memory_space<vmem>>
    %dma_start3A_29 = arith.constant 0 : i32
    %dma_start3A_30 = arith.constant 0 : i32
    %dma_start3A_31 = tpu.memref_slice %arg14[%dma_start3A_29, %dma_start3A_30] : memref<10240x32xf32, #tpu.memory_space<vmem_shared>> -> memref<10240x32xf32, #tpu.memory_space<vmem_shared>>
    tpu.enqueue_indirect_dma source(%dma_start3A_31 : memref<10240x32xf32, #tpu.memory_space<vmem_shared>>) target(%arg12 : memref<128x32xf32, #tpu.memory_space<vmem>>) offsets(%dma_start3A_28 : memref<128xi32, #tpu.memory_space<vmem>>) semaphore(%arg17 : memref<!tpu.dma_semaphore, #tpu.memory_space<semaphore_mem>>)
    %dma_start3A_32 = arith.constant 2 : i32
    %dma_start3A_33 = arith.constant 0 : i32
    %dma_start3A_34 = tpu.memref_slice %arg4[%arg1, %dma_start3A_32, %dma_start3A_33] : memref<16x162x128xi32, #tpu.memory_space<hbm>> -> memref<1x1x128xi32, #tpu.memory_space<hbm>>
    %dma_start3A_35 = tpu.memref_squeeze %dma_start3A_34 : memref<1x1x128xi32, #tpu.memory_space<hbm>> -> memref<128xi32, #tpu.memory_space<hbm>>
    %dma_start3A_36 = arith.constant 0 : i32
    %dma_start3A_37 = tpu.memref_slice %arg4[%arg1, %dma_start3A_32, %dma_start3A_36] : memref<16x162x128xi32, #tpu.memory_space<hbm>> -> memref<1x1x128xi32, #tpu.memory_space<hbm>>
    %dma_start3A_38 = tpu.memref_squeeze %dma_start3A_37 : memref<1x1x128xi32, #tpu.memory_space<hbm>> -> memref<128xi32, #tpu.memory_space<hbm>>
    tpu.enqueue_dma source(%dma_start3A_38 : memref<128xi32, #tpu.memory_space<hbm>>) target(%arg10 : memref<128xi32, #tpu.memory_space<vmem>>) target_semaphore(%arg21 : memref<!tpu.dma_semaphore, #tpu.memory_space<semaphore_mem>>)
    %dma_start3A_39 = arith.constant 2 : i32
    %dma_start3A_40 = arith.constant 0 : i32
    %dma_start3A_41 = tpu.memref_slice %arg7[%dma_start3A_39, %dma_start3A_40] : memref<162x128xi32, #tpu.memory_space<vmem>> -> memref<1x128xi32, #tpu.memory_space<vmem>>
    %dma_start3A_42 = tpu.memref_squeeze %dma_start3A_41 : memref<1x128xi32, #tpu.memory_space<vmem>> -> memref<128xi32, #tpu.memory_space<vmem>>
    %dma_start3A_43 = arith.constant 0 : i32
    %dma_start3A_44 = arith.constant 0 : i32
    %dma_start3A_45 = tpu.memref_slice %arg14[%dma_start3A_43, %dma_start3A_44] : memref<10240x32xf32, #tpu.memory_space<vmem_shared>> -> memref<10240x32xf32, #tpu.memory_space<vmem_shared>>
    tpu.enqueue_indirect_dma source(%dma_start3A_45 : memref<10240x32xf32, #tpu.memory_space<vmem_shared>>) target(%arg13 : memref<128x32xf32, #tpu.memory_space<vmem>>) offsets(%dma_start3A_42 : memref<128xi32, #tpu.memory_space<vmem>>) semaphore(%arg18 : memref<!tpu.dma_semaphore, #tpu.memory_space<semaphore_mem>>)
    %scan3A = arith.constant 0 : i32
    %scan3A_46 = arith.constant 53 : i32
    %scan3A_47 = arith.addi %scan3A, %scan3A_46 : i32
    %scan3A_48 = arith.constant 1 : i32
    scf.for %scan3A_98 = %scan3A to %scan3A_47 step %scan3A_48  : i32 {
      %mul3A_99 = arith.constant 3 : i32
      %mul3A_100 = arith.muli %scan3A_98, %mul3A_99 : i32
      %add3A = arith.constant 0 : i32
      %add3A_101 = arith.addi %add3A, %mul3A_100 : i32
      %dma_wait3A_102 = arith.constant 0 : i32
      %dma_wait3A_103 = tpu.memref_slice %arg4[%arg1, %add3A_101, %dma_wait3A_102] : memref<16x162x128xi32, #tpu.memory_space<hbm>> -> memref<1x1x128xi32, #tpu.memory_space<hbm>>
      %dma_wait3A_104 = tpu.memref_squeeze %dma_wait3A_103 : memref<1x1x128xi32, #tpu.memory_space<hbm>> -> memref<128xi32, #tpu.memory_space<hbm>>
      %dma_wait3A_105 = arith.constant 0 : i32
      %dma_wait3A_106 = tpu.memref_slice %arg4[%arg1, %add3A_101, %dma_wait3A_105] : memref<16x162x128xi32, #tpu.memory_space<hbm>> -> memref<1x1x128xi32, #tpu.memory_space<hbm>>
      %dma_wait3A_107 = tpu.memref_squeeze %dma_wait3A_106 : memref<1x1x128xi32, #tpu.memory_space<hbm>> -> memref<128xi32, #tpu.memory_space<hbm>>
      tpu.wait_dma2 semaphore(%arg19 : memref<!tpu.dma_semaphore, #tpu.memory_space<semaphore_mem>>) src(%dma_wait3A_107 : memref<128xi32, #tpu.memory_space<hbm>>) dst(%arg8 : memref<128xi32, #tpu.memory_space<vmem>>)
      %dma_wait3A_108 = arith.constant 0 : i32
      %dma_wait3A_109 = tpu.memref_slice %arg7[%add3A_101, %dma_wait3A_108] : memref<162x128xi32, #tpu.memory_space<vmem>> -> memref<1x128xi32, #tpu.memory_space<vmem>>
      %dma_wait3A_110 = tpu.memref_squeeze %dma_wait3A_109 : memref<1x128xi32, #tpu.memory_space<vmem>> -> memref<128xi32, #tpu.memory_space<vmem>>
      %dma_wait3A_111 = arith.constant 0 : i32
      %dma_wait3A_112 = arith.constant 0 : i32
      %dma_wait3A_113 = tpu.memref_slice %arg14[%dma_wait3A_111, %dma_wait3A_112] : memref<10240x32xf32, #tpu.memory_space<vmem_shared>> -> memref<10240x32xf32, #tpu.memory_space<vmem_shared>>
      tpu.wait_indirect_dma semaphore(%arg16 : memref<!tpu.dma_semaphore, #tpu.memory_space<semaphore_mem>>) src(%dma_wait3A_113 : memref<10240x32xf32, #tpu.memory_space<vmem_shared>>) dst(%arg11 : memref<128x32xf32, #tpu.memory_space<vmem>>)
      "tpu.region"() ({
        %run_scoped3A = tpu.sem_alloc : memref<!tpu.dma_semaphore, #tpu.memory_space<semaphore_mem>>
        %dma_start3A_198 = arith.constant 0 : i32
        %dma_start3A_199 = arith.constant 0 : i32
        %dma_start3A_200 = tpu.memref_slice %arg15[%dma_start3A_198, %dma_start3A_199] : memref<10240x32xf32, #tpu.memory_space<vmem_shared>> -> memref<10240x32xf32, #tpu.memory_space<vmem_shared>>
        tpu.enqueue_indirect_dma source(%arg11 : memref<128x32xf32, #tpu.memory_space<vmem>>) target(%dma_start3A_200 : memref<10240x32xf32, #tpu.memory_space<vmem_shared>>) offsets(%arg8 : memref<128xi32, #tpu.memory_space<vmem>>) semaphore(%run_scoped3A : memref<!tpu.dma_semaphore, #tpu.memory_space<semaphore_mem>>) {add = true}
        %dma_wait3A_201 = arith.constant 0 : i32
        %dma_wait3A_202 = arith.constant 0 : i32
        %dma_wait3A_203 = tpu.memref_slice %arg15[%dma_wait3A_201, %dma_wait3A_202] : memref<10240x32xf32, #tpu.memory_space<vmem_shared>> -> memref<10240x32xf32, #tpu.memory_space<vmem_shared>>
        tpu.wait_indirect_dma semaphore(%run_scoped3A : memref<!tpu.dma_semaphore, #tpu.memory_space<semaphore_mem>>) src(%arg11 : memref<128x32xf32, #tpu.memory_space<vmem>>) dst(%dma_wait3A_203 : memref<10240x32xf32, #tpu.memory_space<vmem_shared>>)
        tpu.yield
      }) : () -> ()
      %add3A_114 = arith.constant 3 : i32
      %add3A_115 = arith.addi %add3A_101, %add3A_114 : i32
      %add3A_116 = arith.constant 0 : i32
      %add3A_117 = arith.addi %add3A_115, %add3A_116 : i32
      %dma_start3A_118 = arith.constant 0 : i32
      %dma_start3A_119 = tpu.memref_slice %arg4[%arg1, %add3A_117, %dma_start3A_118] : memref<16x162x128xi32, #tpu.memory_space<hbm>> -> memref<1x1x128xi32, #tpu.memory_space<hbm>>
      %dma_start3A_120 = tpu.memref_squeeze %dma_start3A_119 : memref<1x1x128xi32, #tpu.memory_space<hbm>> -> memref<128xi32, #tpu.memory_space<hbm>>
      %dma_start3A_121 = arith.constant 0 : i32
      %dma_start3A_122 = tpu.memref_slice %arg4[%arg1, %add3A_117, %dma_start3A_121] : memref<16x162x128xi32, #tpu.memory_space<hbm>> -> memref<1x1x128xi32, #tpu.memory_space<hbm>>
      %dma_start3A_123 = tpu.memref_squeeze %dma_start3A_122 : memref<1x1x128xi32, #tpu.memory_space<hbm>> -> memref<128xi32, #tpu.memory_space<hbm>>
      tpu.enqueue_dma source(%dma_start3A_123 : memref<128xi32, #tpu.memory_space<hbm>>) target(%arg8 : memref<128xi32, #tpu.memory_space<vmem>>) target_semaphore(%arg19 : memref<!tpu.dma_semaphore, #tpu.memory_space<semaphore_mem>>)
      %add3A_124 = arith.constant 3 : i32
      %add3A_125 = arith.addi %add3A_101, %add3A_124 : i32
      %add3A_126 = arith.constant 0 : i32
      %add3A_127 = arith.addi %add3A_125, %add3A_126 : i32
      %dma_start3A_128 = arith.constant 0 : i32
      %dma_start3A_129 = tpu.memref_slice %arg7[%add3A_127, %dma_start3A_128] : memref<162x128xi32, #tpu.memory_space<vmem>> -> memref<1x128xi32, #tpu.memory_space<vmem>>
      %dma_start3A_130 = tpu.memref_squeeze %dma_start3A_129 : memref<1x128xi32, #tpu.memory_space<vmem>> -> memref<128xi32, #tpu.memory_space<vmem>>
      %dma_start3A_131 = arith.constant 0 : i32
      %dma_start3A_132 = arith.constant 0 : i32
      %dma_start3A_133 = tpu.memref_slice %arg14[%dma_start3A_131, %dma_start3A_132] : memref<10240x32xf32, #tpu.memory_space<vmem_shared>> -> memref<10240x32xf32, #tpu.memory_space<vmem_shared>>
      tpu.enqueue_indirect_dma source(%dma_start3A_133 : memref<10240x32xf32, #tpu.memory_space<vmem_shared>>) target(%arg11 : memref<128x32xf32, #tpu.memory_space<vmem>>) offsets(%dma_start3A_130 : memref<128xi32, #tpu.memory_space<vmem>>) semaphore(%arg16 : memref<!tpu.dma_semaphore, #tpu.memory_space<semaphore_mem>>)
      %dma_wait3A_134 = arith.constant 0 : i32
      %dma_wait3A_135 = tpu.memref_slice %arg4[%arg1, %add3A_101, %dma_wait3A_134] : memref<16x162x128xi32, #tpu.memory_space<hbm>> -> memref<1x1x128xi32, #tpu.memory_space<hbm>>
      %dma_wait3A_136 = tpu.memref_squeeze %dma_wait3A_135 : memref<1x1x128xi32, #tpu.memory_space<hbm>> -> memref<128xi32, #tpu.memory_space<hbm>>
      %dma_wait3A_137 = arith.constant 0 : i32
      %dma_wait3A_138 = tpu.memref_slice %arg4[%arg1, %add3A_101, %dma_wait3A_137] : memref<16x162x128xi32, #tpu.memory_space<hbm>> -> memref<1x1x128xi32, #tpu.memory_space<hbm>>
      %dma_wait3A_139 = tpu.memref_squeeze %dma_wait3A_138 : memref<1x1x128xi32, #tpu.memory_space<hbm>> -> memref<128xi32, #tpu.memory_space<hbm>>
      tpu.wait_dma2 semaphore(%arg20 : memref<!tpu.dma_semaphore, #tpu.memory_space<semaphore_mem>>) src(%dma_wait3A_139 : memref<128xi32, #tpu.memory_space<hbm>>) dst(%arg9 : memref<128xi32, #tpu.memory_space<vmem>>)
      %dma_wait3A_140 = arith.constant 0 : i32
      %dma_wait3A_141 = tpu.memref_slice %arg7[%add3A_101, %dma_wait3A_140] : memref<162x128xi32, #tpu.memory_space<vmem>> -> memref<1x128xi32, #tpu.memory_space<vmem>>
      %dma_wait3A_142 = tpu.memref_squeeze %dma_wait3A_141 : memref<1x128xi32, #tpu.memory_space<vmem>> -> memref<128xi32, #tpu.memory_space<vmem>>
      %dma_wait3A_143 = arith.constant 0 : i32
      %dma_wait3A_144 = arith.constant 0 : i32
      %dma_wait3A_145 = tpu.memref_slice %arg14[%dma_wait3A_143, %dma_wait3A_144] : memref<10240x32xf32, #tpu.memory_space<vmem_shared>> -> memref<10240x32xf32, #tpu.memory_space<vmem_shared>>
      tpu.wait_indirect_dma semaphore(%arg17 : memref<!tpu.dma_semaphore, #tpu.memory_space<semaphore_mem>>) src(%dma_wait3A_145 : memref<10240x32xf32, #tpu.memory_space<vmem_shared>>) dst(%arg12 : memref<128x32xf32, #tpu.memory_space<vmem>>)
      "tpu.region"() ({
        %run_scoped3A = tpu.sem_alloc : memref<!tpu.dma_semaphore, #tpu.memory_space<semaphore_mem>>
        %dma_start3A_198 = arith.constant 0 : i32
        %dma_start3A_199 = arith.constant 0 : i32
        %dma_start3A_200 = tpu.memref_slice %arg15[%dma_start3A_198, %dma_start3A_199] : memref<10240x32xf32, #tpu.memory_space<vmem_shared>> -> memref<10240x32xf32, #tpu.memory_space<vmem_shared>>
        tpu.enqueue_indirect_dma source(%arg12 : memref<128x32xf32, #tpu.memory_space<vmem>>) target(%dma_start3A_200 : memref<10240x32xf32, #tpu.memory_space<vmem_shared>>) offsets(%arg9 : memref<128xi32, #tpu.memory_space<vmem>>) semaphore(%run_scoped3A : memref<!tpu.dma_semaphore, #tpu.memory_space<semaphore_mem>>) {add = true}
        %dma_wait3A_201 = arith.constant 0 : i32
        %dma_wait3A_202 = arith.constant 0 : i32
        %dma_wait3A_203 = tpu.memref_slice %arg15[%dma_wait3A_201, %dma_wait3A_202] : memref<10240x32xf32, #tpu.memory_space<vmem_shared>> -> memref<10240x32xf32, #tpu.memory_space<vmem_shared>>
        tpu.wait_indirect_dma semaphore(%run_scoped3A : memref<!tpu.dma_semaphore, #tpu.memory_space<semaphore_mem>>) src(%arg12 : memref<128x32xf32, #tpu.memory_space<vmem>>) dst(%dma_wait3A_203 : memref<10240x32xf32, #tpu.memory_space<vmem_shared>>)
        tpu.yield
      }) : () -> ()
      %add3A_146 = arith.constant 3 : i32
      %add3A_147 = arith.addi %add3A_101, %add3A_146 : i32
      %add3A_148 = arith.constant 1 : i32
      %add3A_149 = arith.addi %add3A_147, %add3A_148 : i32
      %dma_start3A_150 = arith.constant 0 : i32
      %dma_start3A_151 = tpu.memref_slice %arg4[%arg1, %add3A_149, %dma_start3A_150] : memref<16x162x128xi32, #tpu.memory_space<hbm>> -> memref<1x1x128xi32, #tpu.memory_space<hbm>>
      %dma_start3A_152 = tpu.memref_squeeze %dma_start3A_151 : memref<1x1x128xi32, #tpu.memory_space<hbm>> -> memref<128xi32, #tpu.memory_space<hbm>>
      %dma_start3A_153 = arith.constant 0 : i32
      %dma_start3A_154 = tpu.memref_slice %arg4[%arg1, %add3A_149, %dma_start3A_153] : memref<16x162x128xi32, #tpu.memory_space<hbm>> -> memref<1x1x128xi32, #tpu.memory_space<hbm>>
      %dma_start3A_155 = tpu.memref_squeeze %dma_start3A_154 : memref<1x1x128xi32, #tpu.memory_space<hbm>> -> memref<128xi32, #tpu.memory_space<hbm>>
      tpu.enqueue_dma source(%dma_start3A_155 : memref<128xi32, #tpu.memory_space<hbm>>) target(%arg9 : memref<128xi32, #tpu.memory_space<vmem>>) target_semaphore(%arg20 : memref<!tpu.dma_semaphore, #tpu.memory_space<semaphore_mem>>)
      %add3A_156 = arith.constant 3 : i32
      %add3A_157 = arith.addi %add3A_101, %add3A_156 : i32
      %add3A_158 = arith.constant 1 : i32
      %add3A_159 = arith.addi %add3A_157, %add3A_158 : i32
      %dma_start3A_160 = arith.constant 0 : i32
      %dma_start3A_161 = tpu.memref_slice %arg7[%add3A_159, %dma_start3A_160] : memref<162x128xi32, #tpu.memory_space<vmem>> -> memref<1x128xi32, #tpu.memory_space<vmem>>
      %dma_start3A_162 = tpu.memref_squeeze %dma_start3A_161 : memref<1x128xi32, #tpu.memory_space<vmem>> -> memref<128xi32, #tpu.memory_space<vmem>>
      %dma_start3A_163 = arith.constant 0 : i32
      %dma_start3A_164 = arith.constant 0 : i32
      %dma_start3A_165 = tpu.memref_slice %arg14[%dma_start3A_163, %dma_start3A_164] : memref<10240x32xf32, #tpu.memory_space<vmem_shared>> -> memref<10240x32xf32, #tpu.memory_space<vmem_shared>>
      tpu.enqueue_indirect_dma source(%dma_start3A_165 : memref<10240x32xf32, #tpu.memory_space<vmem_shared>>) target(%arg12 : memref<128x32xf32, #tpu.memory_space<vmem>>) offsets(%dma_start3A_162 : memref<128xi32, #tpu.memory_space<vmem>>) semaphore(%arg17 : memref<!tpu.dma_semaphore, #tpu.memory_space<semaphore_mem>>)
      %dma_wait3A_166 = arith.constant 0 : i32
      %dma_wait3A_167 = tpu.memref_slice %arg4[%arg1, %add3A_101, %dma_wait3A_166] : memref<16x162x128xi32, #tpu.memory_space<hbm>> -> memref<1x1x128xi32, #tpu.memory_space<hbm>>
      %dma_wait3A_168 = tpu.memref_squeeze %dma_wait3A_167 : memref<1x1x128xi32, #tpu.memory_space<hbm>> -> memref<128xi32, #tpu.memory_space<hbm>>
      %dma_wait3A_169 = arith.constant 0 : i32
      %dma_wait3A_170 = tpu.memref_slice %arg4[%arg1, %add3A_101, %dma_wait3A_169] : memref<16x162x128xi32, #tpu.memory_space<hbm>> -> memref<1x1x128xi32, #tpu.memory_space<hbm>>
      %dma_wait3A_171 = tpu.memref_squeeze %dma_wait3A_170 : memref<1x1x128xi32, #tpu.memory_space<hbm>> -> memref<128xi32, #tpu.memory_space<hbm>>
      tpu.wait_dma2 semaphore(%arg21 : memref<!tpu.dma_semaphore, #tpu.memory_space<semaphore_mem>>) src(%dma_wait3A_171 : memref<128xi32, #tpu.memory_space<hbm>>) dst(%arg10 : memref<128xi32, #tpu.memory_space<vmem>>)
      %dma_wait3A_172 = arith.constant 0 : i32
      %dma_wait3A_173 = tpu.memref_slice %arg7[%add3A_101, %dma_wait3A_172] : memref<162x128xi32, #tpu.memory_space<vmem>> -> memref<1x128xi32, #tpu.memory_space<vmem>>
      %dma_wait3A_174 = tpu.memref_squeeze %dma_wait3A_173 : memref<1x128xi32, #tpu.memory_space<vmem>> -> memref<128xi32, #tpu.memory_space<vmem>>
      %dma_wait3A_175 = arith.constant 0 : i32
      %dma_wait3A_176 = arith.constant 0 : i32
      %dma_wait3A_177 = tpu.memref_slice %arg14[%dma_wait3A_175, %dma_wait3A_176] : memref<10240x32xf32, #tpu.memory_space<vmem_shared>> -> memref<10240x32xf32, #tpu.memory_space<vmem_shared>>
      tpu.wait_indirect_dma semaphore(%arg18 : memref<!tpu.dma_semaphore, #tpu.memory_space<semaphore_mem>>) src(%dma_wait3A_177 : memref<10240x32xf32, #tpu.memory_space<vmem_shared>>) dst(%arg13 : memref<128x32xf32, #tpu.memory_space<vmem>>)
      "tpu.region"() ({
        %run_scoped3A = tpu.sem_alloc : memref<!tpu.dma_semaphore, #tpu.memory_space<semaphore_mem>>
        %dma_start3A_198 = arith.constant 0 : i32
        %dma_start3A_199 = arith.constant 0 : i32
        %dma_start3A_200 = tpu.memref_slice %arg15[%dma_start3A_198, %dma_start3A_199] : memref<10240x32xf32, #tpu.memory_space<vmem_shared>> -> memref<10240x32xf32, #tpu.memory_space<vmem_shared>>
        tpu.enqueue_indirect_dma source(%arg13 : memref<128x32xf32, #tpu.memory_space<vmem>>) target(%dma_start3A_200 : memref<10240x32xf32, #tpu.memory_space<vmem_shared>>) offsets(%arg10 : memref<128xi32, #tpu.memory_space<vmem>>) semaphore(%run_scoped3A : memref<!tpu.dma_semaphore, #tpu.memory_space<semaphore_mem>>) {add = true}
        %dma_wait3A_201 = arith.constant 0 : i32
        %dma_wait3A_202 = arith.constant 0 : i32
        %dma_wait3A_203 = tpu.memref_slice %arg15[%dma_wait3A_201, %dma_wait3A_202] : memref<10240x32xf32, #tpu.memory_space<vmem_shared>> -> memref<10240x32xf32, #tpu.memory_space<vmem_shared>>
        tpu.wait_indirect_dma semaphore(%run_scoped3A : memref<!tpu.dma_semaphore, #tpu.memory_space<semaphore_mem>>) src(%arg13 : memref<128x32xf32, #tpu.memory_space<vmem>>) dst(%dma_wait3A_203 : memref<10240x32xf32, #tpu.memory_space<vmem_shared>>)
        tpu.yield
      }) : () -> ()
      %add3A_178 = arith.constant 3 : i32
      %add3A_179 = arith.addi %add3A_101, %add3A_178 : i32
      %add3A_180 = arith.constant 2 : i32
      %add3A_181 = arith.addi %add3A_179, %add3A_180 : i32
      %dma_start3A_182 = arith.constant 0 : i32
      %dma_start3A_183 = tpu.memref_slice %arg4[%arg1, %add3A_181, %dma_start3A_182] : memref<16x162x128xi32, #tpu.memory_space<hbm>> -> memref<1x1x128xi32, #tpu.memory_space<hbm>>
      %dma_start3A_184 = tpu.memref_squeeze %dma_start3A_183 : memref<1x1x128xi32, #tpu.memory_space<hbm>> -> memref<128xi32, #tpu.memory_space<hbm>>
      %dma_start3A_185 = arith.constant 0 : i32
      %dma_start3A_186 = tpu.memref_slice %arg4[%arg1, %add3A_181, %dma_start3A_185] : memref<16x162x128xi32, #tpu.memory_space<hbm>> -> memref<1x1x128xi32, #tpu.memory_space<hbm>>
      %dma_start3A_187 = tpu.memref_squeeze %dma_start3A_186 : memref<1x1x128xi32, #tpu.memory_space<hbm>> -> memref<128xi32, #tpu.memory_space<hbm>>
      tpu.enqueue_dma source(%dma_start3A_187 : memref<128xi32, #tpu.memory_space<hbm>>) target(%arg10 : memref<128xi32, #tpu.memory_space<vmem>>) target_semaphore(%arg21 : memref<!tpu.dma_semaphore, #tpu.memory_space<semaphore_mem>>)
      %add3A_188 = arith.constant 3 : i32
      %add3A_189 = arith.addi %add3A_101, %add3A_188 : i32
      %add3A_190 = arith.constant 2 : i32
      %add3A_191 = arith.addi %add3A_189, %add3A_190 : i32
      %dma_start3A_192 = arith.constant 0 : i32
      %dma_start3A_193 = tpu.memref_slice %arg7[%add3A_191, %dma_start3A_192] : memref<162x128xi32, #tpu.memory_space<vmem>> -> memref<1x128xi32, #tpu.memory_space<vmem>>
      %dma_start3A_194 = tpu.memref_squeeze %dma_start3A_193 : memref<1x128xi32, #tpu.memory_space<vmem>> -> memref<128xi32, #tpu.memory_space<vmem>>
      %dma_start3A_195 = arith.constant 0 : i32
      %dma_start3A_196 = arith.constant 0 : i32
      %dma_start3A_197 = tpu.memref_slice %arg14[%dma_start3A_195, %dma_start3A_196] : memref<10240x32xf32, #tpu.memory_space<vmem_shared>> -> memref<10240x32xf32, #tpu.memory_space<vmem_shared>>
      tpu.enqueue_indirect_dma source(%dma_start3A_197 : memref<10240x32xf32, #tpu.memory_space<vmem_shared>>) target(%arg13 : memref<128x32xf32, #tpu.memory_space<vmem>>) offsets(%dma_start3A_194 : memref<128xi32, #tpu.memory_space<vmem>>) semaphore(%arg18 : memref<!tpu.dma_semaphore, #tpu.memory_space<semaphore_mem>>)
    }
    %scan3A_49 = arith.constant 53 : i32
    %dma_wait3A = arith.constant 0 : i32
    %dma_wait3A_50 = arith.constant 0 : i32
    %dma_wait3A_51 = tpu.memref_slice %arg4[%arg1, %dma_wait3A, %dma_wait3A_50] : memref<16x162x128xi32, #tpu.memory_space<hbm>> -> memref<1x1x128xi32, #tpu.memory_space<hbm>>
    %dma_wait3A_52 = tpu.memref_squeeze %dma_wait3A_51 : memref<1x1x128xi32, #tpu.memory_space<hbm>> -> memref<128xi32, #tpu.memory_space<hbm>>
    %dma_wait3A_53 = arith.constant 0 : i32
    %dma_wait3A_54 = tpu.memref_slice %arg4[%arg1, %dma_wait3A, %dma_wait3A_53] : memref<16x162x128xi32, #tpu.memory_space<hbm>> -> memref<1x1x128xi32, #tpu.memory_space<hbm>>
    %dma_wait3A_55 = tpu.memref_squeeze %dma_wait3A_54 : memref<1x1x128xi32, #tpu.memory_space<hbm>> -> memref<128xi32, #tpu.memory_space<hbm>>
    tpu.wait_dma2 semaphore(%arg19 : memref<!tpu.dma_semaphore, #tpu.memory_space<semaphore_mem>>) src(%dma_wait3A_55 : memref<128xi32, #tpu.memory_space<hbm>>) dst(%arg8 : memref<128xi32, #tpu.memory_space<vmem>>)
    %dma_wait3A_56 = arith.constant 0 : i32
    %dma_wait3A_57 = arith.constant 0 : i32
    %dma_wait3A_58 = tpu.memref_slice %arg7[%dma_wait3A_56, %dma_wait3A_57] : memref<162x128xi32, #tpu.memory_space<vmem>> -> memref<1x128xi32, #tpu.memory_space<vmem>>
    %dma_wait3A_59 = tpu.memref_squeeze %dma_wait3A_58 : memref<1x128xi32, #tpu.memory_space<vmem>> -> memref<128xi32, #tpu.memory_space<vmem>>
    %dma_wait3A_60 = arith.constant 0 : i32
    %dma_wait3A_61 = arith.constant 0 : i32
    %dma_wait3A_62 = tpu.memref_slice %arg14[%dma_wait3A_60, %dma_wait3A_61] : memref<10240x32xf32, #tpu.memory_space<vmem_shared>> -> memref<10240x32xf32, #tpu.memory_space<vmem_shared>>
    tpu.wait_indirect_dma semaphore(%arg16 : memref<!tpu.dma_semaphore, #tpu.memory_space<semaphore_mem>>) src(%dma_wait3A_62 : memref<10240x32xf32, #tpu.memory_space<vmem_shared>>) dst(%arg11 : memref<128x32xf32, #tpu.memory_space<vmem>>)
    "tpu.region"() ({
      %run_scoped3A = tpu.sem_alloc : memref<!tpu.dma_semaphore, #tpu.memory_space<semaphore_mem>>
      %dma_start3A_98 = arith.constant 0 : i32
      %dma_start3A_99 = arith.constant 0 : i32
      %dma_start3A_100 = tpu.memref_slice %arg15[%dma_start3A_98, %dma_start3A_99] : memref<10240x32xf32, #tpu.memory_space<vmem_shared>> -> memref<10240x32xf32, #tpu.memory_space<vmem_shared>>
      tpu.enqueue_indirect_dma source(%arg11 : memref<128x32xf32, #tpu.memory_space<vmem>>) target(%dma_start3A_100 : memref<10240x32xf32, #tpu.memory_space<vmem_shared>>) offsets(%arg8 : memref<128xi32, #tpu.memory_space<vmem>>) semaphore(%run_scoped3A : memref<!tpu.dma_semaphore, #tpu.memory_space<semaphore_mem>>) {add = true}
      %dma_wait3A_101 = arith.constant 0 : i32
      %dma_wait3A_102 = arith.constant 0 : i32
      %dma_wait3A_103 = tpu.memref_slice %arg15[%dma_wait3A_101, %dma_wait3A_102] : memref<10240x32xf32, #tpu.memory_space<vmem_shared>> -> memref<10240x32xf32, #tpu.memory_space<vmem_shared>>
      tpu.wait_indirect_dma semaphore(%run_scoped3A : memref<!tpu.dma_semaphore, #tpu.memory_space<semaphore_mem>>) src(%arg11 : memref<128x32xf32, #tpu.memory_space<vmem>>) dst(%dma_wait3A_103 : memref<10240x32xf32, #tpu.memory_space<vmem_shared>>)
      tpu.yield
    }) : () -> ()
    %dma_wait3A_63 = arith.constant 0 : i32
    %dma_wait3A_64 = arith.constant 0 : i32
    %dma_wait3A_65 = tpu.memref_slice %arg4[%arg1, %dma_wait3A_63, %dma_wait3A_64] : memref<16x162x128xi32, #tpu.memory_space<hbm>> -> memref<1x1x128xi32, #tpu.memory_space<hbm>>
    %dma_wait3A_66 = tpu.memref_squeeze %dma_wait3A_65 : memref<1x1x128xi32, #tpu.memory_space<hbm>> -> memref<128xi32, #tpu.memory_space<hbm>>
    %dma_wait3A_67 = arith.constant 0 : i32
    %dma_wait3A_68 = tpu.memref_slice %arg4[%arg1, %dma_wait3A_63, %dma_wait3A_67] : memref<16x162x128xi32, #tpu.memory_space<hbm>> -> memref<1x1x128xi32, #tpu.memory_space<hbm>>
    %dma_wait3A_69 = tpu.memref_squeeze %dma_wait3A_68 : memref<1x1x128xi32, #tpu.memory_space<hbm>> -> memref<128xi32, #tpu.memory_space<hbm>>
    tpu.wait_dma2 semaphore(%arg20 : memref<!tpu.dma_semaphore, #tpu.memory_space<semaphore_mem>>) src(%dma_wait3A_69 : memref<128xi32, #tpu.memory_space<hbm>>) dst(%arg9 : memref<128xi32, #tpu.memory_space<vmem>>)
    %dma_wait3A_70 = arith.constant 0 : i32
    %dma_wait3A_71 = arith.constant 0 : i32
    %dma_wait3A_72 = tpu.memref_slice %arg7[%dma_wait3A_70, %dma_wait3A_71] : memref<162x128xi32, #tpu.memory_space<vmem>> -> memref<1x128xi32, #tpu.memory_space<vmem>>
    %dma_wait3A_73 = tpu.memref_squeeze %dma_wait3A_72 : memref<1x128xi32, #tpu.memory_space<vmem>> -> memref<128xi32, #tpu.memory_space<vmem>>
    %dma_wait3A_74 = arith.constant 0 : i32
    %dma_wait3A_75 = arith.constant 0 : i32
    %dma_wait3A_76 = tpu.memref_slice %arg14[%dma_wait3A_74, %dma_wait3A_75] : memref<10240x32xf32, #tpu.memory_space<vmem_shared>> -> memref<10240x32xf32, #tpu.memory_space<vmem_shared>>
    tpu.wait_indirect_dma semaphore(%arg17 : memref<!tpu.dma_semaphore, #tpu.memory_space<semaphore_mem>>) src(%dma_wait3A_76 : memref<10240x32xf32, #tpu.memory_space<vmem_shared>>) dst(%arg12 : memref<128x32xf32, #tpu.memory_space<vmem>>)
    "tpu.region"() ({
      %run_scoped3A = tpu.sem_alloc : memref<!tpu.dma_semaphore, #tpu.memory_space<semaphore_mem>>
      %dma_start3A_98 = arith.constant 0 : i32
      %dma_start3A_99 = arith.constant 0 : i32
      %dma_start3A_100 = tpu.memref_slice %arg15[%dma_start3A_98, %dma_start3A_99] : memref<10240x32xf32, #tpu.memory_space<vmem_shared>> -> memref<10240x32xf32, #tpu.memory_space<vmem_shared>>
      tpu.enqueue_indirect_dma source(%arg12 : memref<128x32xf32, #tpu.memory_space<vmem>>) target(%dma_start3A_100 : memref<10240x32xf32, #tpu.memory_space<vmem_shared>>) offsets(%arg9 : memref<128xi32, #tpu.memory_space<vmem>>) semaphore(%run_scoped3A : memref<!tpu.dma_semaphore, #tpu.memory_space<semaphore_mem>>) {add = true}
      %dma_wait3A_101 = arith.constant 0 : i32
      %dma_wait3A_102 = arith.constant 0 : i32
      %dma_wait3A_103 = tpu.memref_slice %arg15[%dma_wait3A_101, %dma_wait3A_102] : memref<10240x32xf32, #tpu.memory_space<vmem_shared>> -> memref<10240x32xf32, #tpu.memory_space<vmem_shared>>
      tpu.wait_indirect_dma semaphore(%run_scoped3A : memref<!tpu.dma_semaphore, #tpu.memory_space<semaphore_mem>>) src(%arg12 : memref<128x32xf32, #tpu.memory_space<vmem>>) dst(%dma_wait3A_103 : memref<10240x32xf32, #tpu.memory_space<vmem_shared>>)
      tpu.yield
    }) : () -> ()
    %dma_wait3A_77 = arith.constant 0 : i32
    %dma_wait3A_78 = arith.constant 0 : i32
    %dma_wait3A_79 = tpu.memref_slice %arg4[%arg1, %dma_wait3A_77, %dma_wait3A_78] : memref<16x162x128xi32, #tpu.memory_space<hbm>> -> memref<1x1x128xi32, #tpu.memory_space<hbm>>
    %dma_wait3A_80 = tpu.memref_squeeze %dma_wait3A_79 : memref<1x1x128xi32, #tpu.memory_space<hbm>> -> memref<128xi32, #tpu.memory_space<hbm>>
    %dma_wait3A_81 = arith.constant 0 : i32
    %dma_wait3A_82 = tpu.memref_slice %arg4[%arg1, %dma_wait3A_77, %dma_wait3A_81] : memref<16x162x128xi32, #tpu.memory_space<hbm>> -> memref<1x1x128xi32, #tpu.memory_space<hbm>>
    %dma_wait3A_83 = tpu.memref_squeeze %dma_wait3A_82 : memref<1x1x128xi32, #tpu.memory_space<hbm>> -> memref<128xi32, #tpu.memory_space<hbm>>
    tpu.wait_dma2 semaphore(%arg21 : memref<!tpu.dma_semaphore, #tpu.memory_space<semaphore_mem>>) src(%dma_wait3A_83 : memref<128xi32, #tpu.memory_space<hbm>>) dst(%arg10 : memref<128xi32, #tpu.memory_space<vmem>>)
    %dma_wait3A_84 = arith.constant 0 : i32
    %dma_wait3A_85 = arith.constant 0 : i32
    %dma_wait3A_86 = tpu.memref_slice %arg7[%dma_wait3A_84, %dma_wait3A_85] : memref<162x128xi32, #tpu.memory_space<vmem>> -> memref<1x128xi32, #tpu.memory_space<vmem>>
    %dma_wait3A_87 = tpu.memref_squeeze %dma_wait3A_86 : memref<1x128xi32, #tpu.memory_space<vmem>> -> memref<128xi32, #tpu.memory_space<vmem>>
    %dma_wait3A_88 = arith.constant 0 : i32
    %dma_wait3A_89 = arith.constant 0 : i32
    %dma_wait3A_90 = tpu.memref_slice %arg14[%dma_wait3A_88, %dma_wait3A_89] : memref<10240x32xf32, #tpu.memory_space<vmem_shared>> -> memref<10240x32xf32, #tpu.memory_space<vmem_shared>>
    tpu.wait_indirect_dma semaphore(%arg18 : memref<!tpu.dma_semaphore, #tpu.memory_space<semaphore_mem>>) src(%dma_wait3A_90 : memref<10240x32xf32, #tpu.memory_space<vmem_shared>>) dst(%arg13 : memref<128x32xf32, #tpu.memory_space<vmem>>)
    "tpu.region"() ({
      %run_scoped3A = tpu.sem_alloc : memref<!tpu.dma_semaphore, #tpu.memory_space<semaphore_mem>>
      %dma_start3A_98 = arith.constant 0 : i32
      %dma_start3A_99 = arith.constant 0 : i32
      %dma_start3A_100 = tpu.memref_slice %arg15[%dma_start3A_98, %dma_start3A_99] : memref<10240x32xf32, #tpu.memory_space<vmem_shared>> -> memref<10240x32xf32, #tpu.memory_space<vmem_shared>>
      tpu.enqueue_indirect_dma source(%arg13 : memref<128x32xf32, #tpu.memory_space<vmem>>) target(%dma_start3A_100 : memref<10240x32xf32, #tpu.memory_space<vmem_shared>>) offsets(%arg10 : memref<128xi32, #tpu.memory_space<vmem>>) semaphore(%run_scoped3A : memref<!tpu.dma_semaphore, #tpu.memory_space<semaphore_mem>>) {add = true}
      %dma_wait3A_101 = arith.constant 0 : i32
      %dma_wait3A_102 = arith.constant 0 : i32
      %dma_wait3A_103 = tpu.memref_slice %arg15[%dma_wait3A_101, %dma_wait3A_102] : memref<10240x32xf32, #tpu.memory_space<vmem_shared>> -> memref<10240x32xf32, #tpu.memory_space<vmem_shared>>
      tpu.wait_indirect_dma semaphore(%run_scoped3A : memref<!tpu.dma_semaphore, #tpu.memory_space<semaphore_mem>>) src(%arg13 : memref<128x32xf32, #tpu.memory_space<vmem>>) dst(%dma_wait3A_103 : memref<10240x32xf32, #tpu.memory_space<vmem_shared>>)
      tpu.yield
    }) : () -> ()
    %barrier3A_91 = arith.constant 0 : index
    tpu.barrier barrier_id(%barrier3A_91)
    %mul3A_92 = arith.constant 625 : i32
    %mul3A_93 = arith.muli %arg1, %mul3A_92 : i32
    %mul3A_94 = arith.constant 625 : i32
    %mul3A_95 = arith.muli %arg1, %mul3A_94 : i32
    %mul3A_96 = arith.constant 32 : i32
    %mul3A_97 = arith.muli %arg0, %mul3A_96 : i32
    "tpu.region"() ({
      %run_scoped3A = tpu.sem_alloc : memref<!tpu.dma_semaphore, #tpu.memory_space<semaphore_mem>>
      %dma_start3A_98 = tpu.memref_slice %arg6[%mul3A_95, %mul3A_97] : memref<10000x64xf32, #tpu.memory_space<hbm>> -> memref<625x32xf32, #tpu.memory_space<hbm>>
      %dma_start3A_99 = arith.constant 0 : i32
      %dma_start3A_100 = tpu.memref_slice %arg15[%mul3A_93, %dma_start3A_99] : memref<10240x32xf32, #tpu.memory_space<vmem_shared>> -> memref<625x32xf32, #tpu.memory_space<vmem_shared>>
      tpu.enqueue_dma source(%dma_start3A_100 : memref<625x32xf32, #tpu.memory_space<vmem_shared>>) target(%dma_start3A_98 : memref<625x32xf32, #tpu.memory_space<hbm>>) target_semaphore(%run_scoped3A : memref<!tpu.dma_semaphore, #tpu.memory_space<semaphore_mem>>)
      %dma_wait3A_101 = tpu.memref_slice %arg6[%mul3A_95, %mul3A_97] : memref<10000x64xf32, #tpu.memory_space<hbm>> -> memref<625x32xf32, #tpu.memory_space<hbm>>
      %dma_wait3A_102 = arith.constant 0 : i32
      %dma_wait3A_103 = tpu.memref_slice %arg15[%mul3A_93, %dma_wait3A_102] : memref<10240x32xf32, #tpu.memory_space<vmem_shared>> -> memref<625x32xf32, #tpu.memory_space<vmem_shared>>
      tpu.wait_dma2 semaphore(%run_scoped3A : memref<!tpu.dma_semaphore, #tpu.memory_space<semaphore_mem>>) src(%dma_wait3A_103 : memref<625x32xf32, #tpu.memory_space<vmem_shared>>) dst(%dma_wait3A_101 : memref<625x32xf32, #tpu.memory_space<hbm>>)
      tpu.yield
    }) : () -> ()
    return
  }
}

#map = affine_map<(d0, d1) -> (0, 0)>
#map1 = affine_map<(d0, d1) -> (0, 0, 0)>
module attributes {stable_mosaic.version = 14 : i64} {
  func.func @l1_kernel(%arg0: i32, %arg1: i32, %arg2: memref<10240x128xf32, #tpu.memory_space<hbm>>, %arg3: memref<16x162x128xi32, #tpu.memory_space<hbm>>, %arg4: memref<16x162x128xi32, #tpu.memory_space<hbm>>, %arg5: memref<128x16xf32, #tpu.memory_space<hbm>>, %arg6: memref<640x16xf32, #tpu.memory_space<hbm>>, %arg7: memref<2x10240x64xf32, #tpu.memory_space<hbm>>, %arg8: memref<128xi32, #tpu.memory_space<vmem>>, %arg9: memref<128xi32, #tpu.memory_space<vmem>>, %arg10: memref<128xi32, #tpu.memory_space<vmem>>, %arg11: memref<128xi32, #tpu.memory_space<vmem>>, %arg12: memref<128xi32, #tpu.memory_space<vmem>>, %arg13: memref<128xi32, #tpu.memory_space<vmem>>, %arg14: memref<128xi32, #tpu.memory_space<vmem>>, %arg15: memref<128xi32, #tpu.memory_space<vmem>>, %arg16: memref<128xi32, #tpu.memory_space<vmem>>, %arg17: memref<128x64xf32, #tpu.memory_space<vmem>>, %arg18: memref<128x64xf32, #tpu.memory_space<vmem>>, %arg19: memref<128x64xf32, #tpu.memory_space<vmem>>, %arg20: memref<128x16xf32, #tpu.memory_space<vmem>>, %arg21: memref<128x16xf32, #tpu.memory_space<vmem>>, %arg22: memref<10240x16xf32, #tpu.memory_space<vmem_shared>>, %arg23: memref<10240x64xf32, #tpu.memory_space<vmem_shared>>, %arg24: memref<10240x64xf32, #tpu.memory_space<vmem_shared>>, %arg25: memref<!tpu.dma_semaphore, #tpu.memory_space<semaphore_mem>>, %arg26: memref<!tpu.dma_semaphore, #tpu.memory_space<semaphore_mem>>, %arg27: memref<!tpu.dma_semaphore, #tpu.memory_space<semaphore_mem>>, %arg28: memref<!tpu.dma_semaphore, #tpu.memory_space<semaphore_mem>>, %arg29: memref<!tpu.dma_semaphore, #tpu.memory_space<semaphore_mem>>, %arg30: memref<!tpu.dma_semaphore, #tpu.memory_space<semaphore_mem>>, %arg31: memref<!tpu.dma_semaphore, #tpu.memory_space<semaphore_mem>>, %arg32: memref<!tpu.dma_semaphore, #tpu.memory_space<semaphore_mem>>, %arg33: memref<!tpu.dma_semaphore, #tpu.memory_space<semaphore_mem>>, %arg34: memref<!tpu.dma_semaphore, #tpu.memory_space<semaphore_mem>>, %arg35: memref<!tpu.dma_semaphore, #tpu.memory_space<semaphore_mem>>, %arg36: memref<!tpu.dma_semaphore, #tpu.memory_space<semaphore_mem>>) attributes {dimension_semantics = [#tpu.dimension_semantics<core_parallel>, #tpu.dimension_semantics<subcore_parallel>], iteration_bounds = array<i64: 2, 16>, scalar_prefetch = 0 : i64, scratch_operands = 29 : i64, tpu.core_type = #tpu.core_type<sc_vector_subcore>, window_params = [{transform_indices = #map}, {transform_indices = #map1}, {transform_indices = #map1}, {transform_indices = #map}, {transform_indices = #map}, {transform_indices = #map1}]} {
    %mul3A = arith.constant 640 : i32
    %mul3A_0 = arith.muli %arg1, %mul3A : i32
    "tpu.region"() ({
      %run_scoped3A = tpu.sem_alloc : memref<!tpu.dma_semaphore, #tpu.memory_space<semaphore_mem>>
      %dma_start3A_356 = arith.constant 0 : i32
      %dma_start3A_357 = tpu.memref_slice %arg22[%mul3A_0, %dma_start3A_356] : memref<10240x16xf32, #tpu.memory_space<vmem_shared>> -> memref<640x16xf32, #tpu.memory_space<vmem_shared>>
      tpu.enqueue_dma source(%arg6 : memref<640x16xf32, #tpu.memory_space<hbm>>) target(%dma_start3A_357 : memref<640x16xf32, #tpu.memory_space<vmem_shared>>) target_semaphore(%run_scoped3A : memref<!tpu.dma_semaphore, #tpu.memory_space<semaphore_mem>>)
      %dma_wait3A_358 = arith.constant 0 : i32
      %dma_wait3A_359 = tpu.memref_slice %arg22[%mul3A_0, %dma_wait3A_358] : memref<10240x16xf32, #tpu.memory_space<vmem_shared>> -> memref<640x16xf32, #tpu.memory_space<vmem_shared>>
      tpu.wait_dma2 semaphore(%run_scoped3A : memref<!tpu.dma_semaphore, #tpu.memory_space<semaphore_mem>>) src(%arg6 : memref<640x16xf32, #tpu.memory_space<hbm>>) dst(%dma_wait3A_359 : memref<640x16xf32, #tpu.memory_space<vmem_shared>>)
      tpu.yield
    }) : () -> ()
    "tpu.region"() ({
      %run_scoped3A = tpu.sem_alloc : memref<!tpu.dma_semaphore, #tpu.memory_space<semaphore_mem>>
      tpu.enqueue_dma source(%arg5 : memref<128x16xf32, #tpu.memory_space<hbm>>) target(%arg20 : memref<128x16xf32, #tpu.memory_space<vmem>>) target_semaphore(%run_scoped3A : memref<!tpu.dma_semaphore, #tpu.memory_space<semaphore_mem>>)
      tpu.wait_dma2 semaphore(%run_scoped3A : memref<!tpu.dma_semaphore, #tpu.memory_space<semaphore_mem>>) src(%arg5 : memref<128x16xf32, #tpu.memory_space<hbm>>) dst(%arg20 : memref<128x16xf32, #tpu.memory_space<vmem>>)
      tpu.yield
    }) : () -> ()
    %barrier3A = arith.constant 0 : index
    tpu.barrier barrier_id(%barrier3A)
    %dma_start3A = arith.constant 0 : i32
    %dma_start3A_1 = arith.constant 0 : i32
    %dma_start3A_2 = tpu.memref_slice %arg4[%arg1, %dma_start3A, %dma_start3A_1] : memref<16x162x128xi32, #tpu.memory_space<hbm>> -> memref<1x1x128xi32, #tpu.memory_space<hbm>>
    %dma_start3A_3 = tpu.memref_squeeze %dma_start3A_2 : memref<1x1x128xi32, #tpu.memory_space<hbm>> -> memref<128xi32, #tpu.memory_space<hbm>>
    %dma_start3A_4 = arith.constant 0 : i32
    %dma_start3A_5 = tpu.memref_slice %arg4[%arg1, %dma_start3A, %dma_start3A_4] : memref<16x162x128xi32, #tpu.memory_space<hbm>> -> memref<1x1x128xi32, #tpu.memory_space<hbm>>
    %dma_start3A_6 = tpu.memref_squeeze %dma_start3A_5 : memref<1x1x128xi32, #tpu.memory_space<hbm>> -> memref<128xi32, #tpu.memory_space<hbm>>
    tpu.enqueue_dma source(%dma_start3A_6 : memref<128xi32, #tpu.memory_space<hbm>>) target(%arg14 : memref<128xi32, #tpu.memory_space<vmem>>) target_semaphore(%arg31 : memref<!tpu.dma_semaphore, #tpu.memory_space<semaphore_mem>>)
    %dma_start3A_7 = arith.constant 1 : i32
    %dma_start3A_8 = arith.constant 0 : i32
    %dma_start3A_9 = tpu.memref_slice %arg4[%arg1, %dma_start3A_7, %dma_start3A_8] : memref<16x162x128xi32, #tpu.memory_space<hbm>> -> memref<1x1x128xi32, #tpu.memory_space<hbm>>
    %dma_start3A_10 = tpu.memref_squeeze %dma_start3A_9 : memref<1x1x128xi32, #tpu.memory_space<hbm>> -> memref<128xi32, #tpu.memory_space<hbm>>
    %dma_start3A_11 = arith.constant 0 : i32
    %dma_start3A_12 = tpu.memref_slice %arg4[%arg1, %dma_start3A_7, %dma_start3A_11] : memref<16x162x128xi32, #tpu.memory_space<hbm>> -> memref<1x1x128xi32, #tpu.memory_space<hbm>>
    %dma_start3A_13 = tpu.memref_squeeze %dma_start3A_12 : memref<1x1x128xi32, #tpu.memory_space<hbm>> -> memref<128xi32, #tpu.memory_space<hbm>>
    tpu.enqueue_dma source(%dma_start3A_13 : memref<128xi32, #tpu.memory_space<hbm>>) target(%arg15 : memref<128xi32, #tpu.memory_space<vmem>>) target_semaphore(%arg32 : memref<!tpu.dma_semaphore, #tpu.memory_space<semaphore_mem>>)
    %dma_start3A_14 = arith.constant 2 : i32
    %dma_start3A_15 = arith.constant 0 : i32
    %dma_start3A_16 = tpu.memref_slice %arg4[%arg1, %dma_start3A_14, %dma_start3A_15] : memref<16x162x128xi32, #tpu.memory_space<hbm>> -> memref<1x1x128xi32, #tpu.memory_space<hbm>>
    %dma_start3A_17 = tpu.memref_squeeze %dma_start3A_16 : memref<1x1x128xi32, #tpu.memory_space<hbm>> -> memref<128xi32, #tpu.memory_space<hbm>>
    %dma_start3A_18 = arith.constant 0 : i32
    %dma_start3A_19 = tpu.memref_slice %arg4[%arg1, %dma_start3A_14, %dma_start3A_18] : memref<16x162x128xi32, #tpu.memory_space<hbm>> -> memref<1x1x128xi32, #tpu.memory_space<hbm>>
    %dma_start3A_20 = tpu.memref_squeeze %dma_start3A_19 : memref<1x1x128xi32, #tpu.memory_space<hbm>> -> memref<128xi32, #tpu.memory_space<hbm>>
    tpu.enqueue_dma source(%dma_start3A_20 : memref<128xi32, #tpu.memory_space<hbm>>) target(%arg16 : memref<128xi32, #tpu.memory_space<vmem>>) target_semaphore(%arg33 : memref<!tpu.dma_semaphore, #tpu.memory_space<semaphore_mem>>)
    %scan3A = arith.constant 0 : i32
    %scan3A_21 = arith.constant 53 : i32
    %scan3A_22 = arith.addi %scan3A, %scan3A_21 : i32
    %scan3A_23 = arith.constant 1 : i32
    scf.for %scan3A_356 = %scan3A to %scan3A_22 step %scan3A_23  : i32 {
      %mul3A_357 = arith.constant 3 : i32
      %mul3A_358 = arith.muli %scan3A_356, %mul3A_357 : i32
      %add3A_359 = arith.constant 0 : i32
      %add3A_360 = arith.addi %add3A_359, %mul3A_358 : i32
      %dma_wait3A_361 = arith.constant 0 : i32
      %dma_wait3A_362 = tpu.memref_slice %arg4[%arg1, %add3A_360, %dma_wait3A_361] : memref<16x162x128xi32, #tpu.memory_space<hbm>> -> memref<1x1x128xi32, #tpu.memory_space<hbm>>
      %dma_wait3A_363 = tpu.memref_squeeze %dma_wait3A_362 : memref<1x1x128xi32, #tpu.memory_space<hbm>> -> memref<128xi32, #tpu.memory_space<hbm>>
      %dma_wait3A_364 = arith.constant 0 : i32
      %dma_wait3A_365 = tpu.memref_slice %arg4[%arg1, %add3A_360, %dma_wait3A_364] : memref<16x162x128xi32, #tpu.memory_space<hbm>> -> memref<1x1x128xi32, #tpu.memory_space<hbm>>
      %dma_wait3A_366 = tpu.memref_squeeze %dma_wait3A_365 : memref<1x1x128xi32, #tpu.memory_space<hbm>> -> memref<128xi32, #tpu.memory_space<hbm>>
      tpu.wait_dma2 semaphore(%arg31 : memref<!tpu.dma_semaphore, #tpu.memory_space<semaphore_mem>>) src(%dma_wait3A_366 : memref<128xi32, #tpu.memory_space<hbm>>) dst(%arg14 : memref<128xi32, #tpu.memory_space<vmem>>)
      "tpu.region"() ({
        %run_scoped3A = tpu.sem_alloc : memref<!tpu.dma_semaphore, #tpu.memory_space<semaphore_mem>>
        %dma_start3A_409 = arith.constant 0 : i32
        %dma_start3A_410 = arith.constant 0 : i32
        %dma_start3A_411 = tpu.memref_slice %arg22[%dma_start3A_409, %dma_start3A_410] : memref<10240x16xf32, #tpu.memory_space<vmem_shared>> -> memref<10240x16xf32, #tpu.memory_space<vmem_shared>>
        tpu.enqueue_indirect_dma source(%arg20 : memref<128x16xf32, #tpu.memory_space<vmem>>) target(%dma_start3A_411 : memref<10240x16xf32, #tpu.memory_space<vmem_shared>>) offsets(%arg14 : memref<128xi32, #tpu.memory_space<vmem>>) semaphore(%run_scoped3A : memref<!tpu.dma_semaphore, #tpu.memory_space<semaphore_mem>>) {add = true}
        %dma_wait3A_412 = arith.constant 0 : i32
        %dma_wait3A_413 = arith.constant 0 : i32
        %dma_wait3A_414 = tpu.memref_slice %arg22[%dma_wait3A_412, %dma_wait3A_413] : memref<10240x16xf32, #tpu.memory_space<vmem_shared>> -> memref<10240x16xf32, #tpu.memory_space<vmem_shared>>
        tpu.wait_indirect_dma semaphore(%run_scoped3A : memref<!tpu.dma_semaphore, #tpu.memory_space<semaphore_mem>>) src(%arg20 : memref<128x16xf32, #tpu.memory_space<vmem>>) dst(%dma_wait3A_414 : memref<10240x16xf32, #tpu.memory_space<vmem_shared>>)
        tpu.yield
      }) : () -> ()
      %add3A_367 = arith.constant 3 : i32
      %add3A_368 = arith.addi %add3A_360, %add3A_367 : i32
      %add3A_369 = arith.constant 0 : i32
      %add3A_370 = arith.addi %add3A_368, %add3A_369 : i32
      %dma_start3A_371 = arith.constant 0 : i32
      %dma_start3A_372 = tpu.memref_slice %arg4[%arg1, %add3A_370, %dma_start3A_371] : memref<16x162x128xi32, #tpu.memory_space<hbm>> -> memref<1x1x128xi32, #tpu.memory_space<hbm>>
      %dma_start3A_373 = tpu.memref_squeeze %dma_start3A_372 : memref<1x1x128xi32, #tpu.memory_space<hbm>> -> memref<128xi32, #tpu.memory_space<hbm>>
      %dma_start3A_374 = arith.constant 0 : i32
      %dma_start3A_375 = tpu.memref_slice %arg4[%arg1, %add3A_370, %dma_start3A_374] : memref<16x162x128xi32, #tpu.memory_space<hbm>> -> memref<1x1x128xi32, #tpu.memory_space<hbm>>
      %dma_start3A_376 = tpu.memref_squeeze %dma_start3A_375 : memref<1x1x128xi32, #tpu.memory_space<hbm>> -> memref<128xi32, #tpu.memory_space<hbm>>
      tpu.enqueue_dma source(%dma_start3A_376 : memref<128xi32, #tpu.memory_space<hbm>>) target(%arg14 : memref<128xi32, #tpu.memory_space<vmem>>) target_semaphore(%arg31 : memref<!tpu.dma_semaphore, #tpu.memory_space<semaphore_mem>>)
      %dma_wait3A_377 = arith.constant 0 : i32
      %dma_wait3A_378 = tpu.memref_slice %arg4[%arg1, %add3A_360, %dma_wait3A_377] : memref<16x162x128xi32, #tpu.memory_space<hbm>> -> memref<1x1x128xi32, #tpu.memory_space<hbm>>
      %dma_wait3A_379 = tpu.memref_squeeze %dma_wait3A_378 : memref<1x1x128xi32, #tpu.memory_space<hbm>> -> memref<128xi32, #tpu.memory_space<hbm>>
      %dma_wait3A_380 = arith.constant 0 : i32
      %dma_wait3A_381 = tpu.memref_slice %arg4[%arg1, %add3A_360, %dma_wait3A_380] : memref<16x162x128xi32, #tpu.memory_space<hbm>> -> memref<1x1x128xi32, #tpu.memory_space<hbm>>
      %dma_wait3A_382 = tpu.memref_squeeze %dma_wait3A_381 : memref<1x1x128xi32, #tpu.memory_space<hbm>> -> memref<128xi32, #tpu.memory_space<hbm>>
      tpu.wait_dma2 semaphore(%arg32 : memref<!tpu.dma_semaphore, #tpu.memory_space<semaphore_mem>>) src(%dma_wait3A_382 : memref<128xi32, #tpu.memory_space<hbm>>) dst(%arg15 : memref<128xi32, #tpu.memory_space<vmem>>)
      "tpu.region"() ({
        %run_scoped3A = tpu.sem_alloc : memref<!tpu.dma_semaphore, #tpu.memory_space<semaphore_mem>>
        %dma_start3A_409 = arith.constant 0 : i32
        %dma_start3A_410 = arith.constant 0 : i32
        %dma_start3A_411 = tpu.memref_slice %arg22[%dma_start3A_409, %dma_start3A_410] : memref<10240x16xf32, #tpu.memory_space<vmem_shared>> -> memref<10240x16xf32, #tpu.memory_space<vmem_shared>>
        tpu.enqueue_indirect_dma source(%arg20 : memref<128x16xf32, #tpu.memory_space<vmem>>) target(%dma_start3A_411 : memref<10240x16xf32, #tpu.memory_space<vmem_shared>>) offsets(%arg15 : memref<128xi32, #tpu.memory_space<vmem>>) semaphore(%run_scoped3A : memref<!tpu.dma_semaphore, #tpu.memory_space<semaphore_mem>>) {add = true}
        %dma_wait3A_412 = arith.constant 0 : i32
        %dma_wait3A_413 = arith.constant 0 : i32
        %dma_wait3A_414 = tpu.memref_slice %arg22[%dma_wait3A_412, %dma_wait3A_413] : memref<10240x16xf32, #tpu.memory_space<vmem_shared>> -> memref<10240x16xf32, #tpu.memory_space<vmem_shared>>
        tpu.wait_indirect_dma semaphore(%run_scoped3A : memref<!tpu.dma_semaphore, #tpu.memory_space<semaphore_mem>>) src(%arg20 : memref<128x16xf32, #tpu.memory_space<vmem>>) dst(%dma_wait3A_414 : memref<10240x16xf32, #tpu.memory_space<vmem_shared>>)
        tpu.yield
      }) : () -> ()
      %add3A_383 = arith.constant 3 : i32
      %add3A_384 = arith.addi %add3A_360, %add3A_383 : i32
      %add3A_385 = arith.constant 1 : i32
      %add3A_386 = arith.addi %add3A_384, %add3A_385 : i32
      %dma_start3A_387 = arith.constant 0 : i32
      %dma_start3A_388 = tpu.memref_slice %arg4[%arg1, %add3A_386, %dma_start3A_387] : memref<16x162x128xi32, #tpu.memory_space<hbm>> -> memref<1x1x128xi32, #tpu.memory_space<hbm>>
      %dma_start3A_389 = tpu.memref_squeeze %dma_start3A_388 : memref<1x1x128xi32, #tpu.memory_space<hbm>> -> memref<128xi32, #tpu.memory_space<hbm>>
      %dma_start3A_390 = arith.constant 0 : i32
      %dma_start3A_391 = tpu.memref_slice %arg4[%arg1, %add3A_386, %dma_start3A_390] : memref<16x162x128xi32, #tpu.memory_space<hbm>> -> memref<1x1x128xi32, #tpu.memory_space<hbm>>
      %dma_start3A_392 = tpu.memref_squeeze %dma_start3A_391 : memref<1x1x128xi32, #tpu.memory_space<hbm>> -> memref<128xi32, #tpu.memory_space<hbm>>
      tpu.enqueue_dma source(%dma_start3A_392 : memref<128xi32, #tpu.memory_space<hbm>>) target(%arg15 : memref<128xi32, #tpu.memory_space<vmem>>) target_semaphore(%arg32 : memref<!tpu.dma_semaphore, #tpu.memory_space<semaphore_mem>>)
      %dma_wait3A_393 = arith.constant 0 : i32
      %dma_wait3A_394 = tpu.memref_slice %arg4[%arg1, %add3A_360, %dma_wait3A_393] : memref<16x162x128xi32, #tpu.memory_space<hbm>> -> memref<1x1x128xi32, #tpu.memory_space<hbm>>
      %dma_wait3A_395 = tpu.memref_squeeze %dma_wait3A_394 : memref<1x1x128xi32, #tpu.memory_space<hbm>> -> memref<128xi32, #tpu.memory_space<hbm>>
      %dma_wait3A_396 = arith.constant 0 : i32
      %dma_wait3A_397 = tpu.memref_slice %arg4[%arg1, %add3A_360, %dma_wait3A_396] : memref<16x162x128xi32, #tpu.memory_space<hbm>> -> memref<1x1x128xi32, #tpu.memory_space<hbm>>
      %dma_wait3A_398 = tpu.memref_squeeze %dma_wait3A_397 : memref<1x1x128xi32, #tpu.memory_space<hbm>> -> memref<128xi32, #tpu.memory_space<hbm>>
      tpu.wait_dma2 semaphore(%arg33 : memref<!tpu.dma_semaphore, #tpu.memory_space<semaphore_mem>>) src(%dma_wait3A_398 : memref<128xi32, #tpu.memory_space<hbm>>) dst(%arg16 : memref<128xi32, #tpu.memory_space<vmem>>)
      "tpu.region"() ({
        %run_scoped3A = tpu.sem_alloc : memref<!tpu.dma_semaphore, #tpu.memory_space<semaphore_mem>>
        %dma_start3A_409 = arith.constant 0 : i32
        %dma_start3A_410 = arith.constant 0 : i32
        %dma_start3A_411 = tpu.memref_slice %arg22[%dma_start3A_409, %dma_start3A_410] : memref<10240x16xf32, #tpu.memory_space<vmem_shared>> -> memref<10240x16xf32, #tpu.memory_space<vmem_shared>>
        tpu.enqueue_indirect_dma source(%arg20 : memref<128x16xf32, #tpu.memory_space<vmem>>) target(%dma_start3A_411 : memref<10240x16xf32, #tpu.memory_space<vmem_shared>>) offsets(%arg16 : memref<128xi32, #tpu.memory_space<vmem>>) semaphore(%run_scoped3A : memref<!tpu.dma_semaphore, #tpu.memory_space<semaphore_mem>>) {add = true}
        %dma_wait3A_412 = arith.constant 0 : i32
        %dma_wait3A_413 = arith.constant 0 : i32
        %dma_wait3A_414 = tpu.memref_slice %arg22[%dma_wait3A_412, %dma_wait3A_413] : memref<10240x16xf32, #tpu.memory_space<vmem_shared>> -> memref<10240x16xf32, #tpu.memory_space<vmem_shared>>
        tpu.wait_indirect_dma semaphore(%run_scoped3A : memref<!tpu.dma_semaphore, #tpu.memory_space<semaphore_mem>>) src(%arg20 : memref<128x16xf32, #tpu.memory_space<vmem>>) dst(%dma_wait3A_414 : memref<10240x16xf32, #tpu.memory_space<vmem_shared>>)
        tpu.yield
      }) : () -> ()
      %add3A_399 = arith.constant 3 : i32
      %add3A_400 = arith.addi %add3A_360, %add3A_399 : i32
      %add3A_401 = arith.constant 2 : i32
      %add3A_402 = arith.addi %add3A_400, %add3A_401 : i32
      %dma_start3A_403 = arith.constant 0 : i32
      %dma_start3A_404 = tpu.memref_slice %arg4[%arg1, %add3A_402, %dma_start3A_403] : memref<16x162x128xi32, #tpu.memory_space<hbm>> -> memref<1x1x128xi32, #tpu.memory_space<hbm>>
      %dma_start3A_405 = tpu.memref_squeeze %dma_start3A_404 : memref<1x1x128xi32, #tpu.memory_space<hbm>> -> memref<128xi32, #tpu.memory_space<hbm>>
      %dma_start3A_406 = arith.constant 0 : i32
      %dma_start3A_407 = tpu.memref_slice %arg4[%arg1, %add3A_402, %dma_start3A_406] : memref<16x162x128xi32, #tpu.memory_space<hbm>> -> memref<1x1x128xi32, #tpu.memory_space<hbm>>
      %dma_start3A_408 = tpu.memref_squeeze %dma_start3A_407 : memref<1x1x128xi32, #tpu.memory_space<hbm>> -> memref<128xi32, #tpu.memory_space<hbm>>
      tpu.enqueue_dma source(%dma_start3A_408 : memref<128xi32, #tpu.memory_space<hbm>>) target(%arg16 : memref<128xi32, #tpu.memory_space<vmem>>) target_semaphore(%arg33 : memref<!tpu.dma_semaphore, #tpu.memory_space<semaphore_mem>>)
    }
    %scan3A_24 = arith.constant 53 : i32
    %dma_wait3A = arith.constant 0 : i32
    %dma_wait3A_25 = arith.constant 0 : i32
    %dma_wait3A_26 = tpu.memref_slice %arg4[%arg1, %dma_wait3A, %dma_wait3A_25] : memref<16x162x128xi32, #tpu.memory_space<hbm>> -> memref<1x1x128xi32, #tpu.memory_space<hbm>>
    %dma_wait3A_27 = tpu.memref_squeeze %dma_wait3A_26 : memref<1x1x128xi32, #tpu.memory_space<hbm>> -> memref<128xi32, #tpu.memory_space<hbm>>
    %dma_wait3A_28 = arith.constant 0 : i32
    %dma_wait3A_29 = tpu.memref_slice %arg4[%arg1, %dma_wait3A, %dma_wait3A_28] : memref<16x162x128xi32, #tpu.memory_space<hbm>> -> memref<1x1x128xi32, #tpu.memory_space<hbm>>
    %dma_wait3A_30 = tpu.memref_squeeze %dma_wait3A_29 : memref<1x1x128xi32, #tpu.memory_space<hbm>> -> memref<128xi32, #tpu.memory_space<hbm>>
    tpu.wait_dma2 semaphore(%arg31 : memref<!tpu.dma_semaphore, #tpu.memory_space<semaphore_mem>>) src(%dma_wait3A_30 : memref<128xi32, #tpu.memory_space<hbm>>) dst(%arg14 : memref<128xi32, #tpu.memory_space<vmem>>)
    "tpu.region"() ({
      %run_scoped3A = tpu.sem_alloc : memref<!tpu.dma_semaphore, #tpu.memory_space<semaphore_mem>>
      %dma_start3A_356 = arith.constant 0 : i32
      %dma_start3A_357 = arith.constant 0 : i32
      %dma_start3A_358 = tpu.memref_slice %arg22[%dma_start3A_356, %dma_start3A_357] : memref<10240x16xf32, #tpu.memory_space<vmem_shared>> -> memref<10240x16xf32, #tpu.memory_space<vmem_shared>>
      tpu.enqueue_indirect_dma source(%arg20 : memref<128x16xf32, #tpu.memory_space<vmem>>) target(%dma_start3A_358 : memref<10240x16xf32, #tpu.memory_space<vmem_shared>>) offsets(%arg14 : memref<128xi32, #tpu.memory_space<vmem>>) semaphore(%run_scoped3A : memref<!tpu.dma_semaphore, #tpu.memory_space<semaphore_mem>>) {add = true}
      %dma_wait3A_359 = arith.constant 0 : i32
      %dma_wait3A_360 = arith.constant 0 : i32
      %dma_wait3A_361 = tpu.memref_slice %arg22[%dma_wait3A_359, %dma_wait3A_360] : memref<10240x16xf32, #tpu.memory_space<vmem_shared>> -> memref<10240x16xf32, #tpu.memory_space<vmem_shared>>
      tpu.wait_indirect_dma semaphore(%run_scoped3A : memref<!tpu.dma_semaphore, #tpu.memory_space<semaphore_mem>>) src(%arg20 : memref<128x16xf32, #tpu.memory_space<vmem>>) dst(%dma_wait3A_361 : memref<10240x16xf32, #tpu.memory_space<vmem_shared>>)
      tpu.yield
    }) : () -> ()
    %dma_wait3A_31 = arith.constant 0 : i32
    %dma_wait3A_32 = arith.constant 0 : i32
    %dma_wait3A_33 = tpu.memref_slice %arg4[%arg1, %dma_wait3A_31, %dma_wait3A_32] : memref<16x162x128xi32, #tpu.memory_space<hbm>> -> memref<1x1x128xi32, #tpu.memory_space<hbm>>
    %dma_wait3A_34 = tpu.memref_squeeze %dma_wait3A_33 : memref<1x1x128xi32, #tpu.memory_space<hbm>> -> memref<128xi32, #tpu.memory_space<hbm>>
    %dma_wait3A_35 = arith.constant 0 : i32
    %dma_wait3A_36 = tpu.memref_slice %arg4[%arg1, %dma_wait3A_31, %dma_wait3A_35] : memref<16x162x128xi32, #tpu.memory_space<hbm>> -> memref<1x1x128xi32, #tpu.memory_space<hbm>>
    %dma_wait3A_37 = tpu.memref_squeeze %dma_wait3A_36 : memref<1x1x128xi32, #tpu.memory_space<hbm>> -> memref<128xi32, #tpu.memory_space<hbm>>
    tpu.wait_dma2 semaphore(%arg32 : memref<!tpu.dma_semaphore, #tpu.memory_space<semaphore_mem>>) src(%dma_wait3A_37 : memref<128xi32, #tpu.memory_space<hbm>>) dst(%arg15 : memref<128xi32, #tpu.memory_space<vmem>>)
    "tpu.region"() ({
      %run_scoped3A = tpu.sem_alloc : memref<!tpu.dma_semaphore, #tpu.memory_space<semaphore_mem>>
      %dma_start3A_356 = arith.constant 0 : i32
      %dma_start3A_357 = arith.constant 0 : i32
      %dma_start3A_358 = tpu.memref_slice %arg22[%dma_start3A_356, %dma_start3A_357] : memref<10240x16xf32, #tpu.memory_space<vmem_shared>> -> memref<10240x16xf32, #tpu.memory_space<vmem_shared>>
      tpu.enqueue_indirect_dma source(%arg20 : memref<128x16xf32, #tpu.memory_space<vmem>>) target(%dma_start3A_358 : memref<10240x16xf32, #tpu.memory_space<vmem_shared>>) offsets(%arg15 : memref<128xi32, #tpu.memory_space<vmem>>) semaphore(%run_scoped3A : memref<!tpu.dma_semaphore, #tpu.memory_space<semaphore_mem>>) {add = true}
      %dma_wait3A_359 = arith.constant 0 : i32
      %dma_wait3A_360 = arith.constant 0 : i32
      %dma_wait3A_361 = tpu.memref_slice %arg22[%dma_wait3A_359, %dma_wait3A_360] : memref<10240x16xf32, #tpu.memory_space<vmem_shared>> -> memref<10240x16xf32, #tpu.memory_space<vmem_shared>>
      tpu.wait_indirect_dma semaphore(%run_scoped3A : memref<!tpu.dma_semaphore, #tpu.memory_space<semaphore_mem>>) src(%arg20 : memref<128x16xf32, #tpu.memory_space<vmem>>) dst(%dma_wait3A_361 : memref<10240x16xf32, #tpu.memory_space<vmem_shared>>)
      tpu.yield
    }) : () -> ()
    %dma_wait3A_38 = arith.constant 0 : i32
    %dma_wait3A_39 = arith.constant 0 : i32
    %dma_wait3A_40 = tpu.memref_slice %arg4[%arg1, %dma_wait3A_38, %dma_wait3A_39] : memref<16x162x128xi32, #tpu.memory_space<hbm>> -> memref<1x1x128xi32, #tpu.memory_space<hbm>>
    %dma_wait3A_41 = tpu.memref_squeeze %dma_wait3A_40 : memref<1x1x128xi32, #tpu.memory_space<hbm>> -> memref<128xi32, #tpu.memory_space<hbm>>
    %dma_wait3A_42 = arith.constant 0 : i32
    %dma_wait3A_43 = tpu.memref_slice %arg4[%arg1, %dma_wait3A_38, %dma_wait3A_42] : memref<16x162x128xi32, #tpu.memory_space<hbm>> -> memref<1x1x128xi32, #tpu.memory_space<hbm>>
    %dma_wait3A_44 = tpu.memref_squeeze %dma_wait3A_43 : memref<1x1x128xi32, #tpu.memory_space<hbm>> -> memref<128xi32, #tpu.memory_space<hbm>>
    tpu.wait_dma2 semaphore(%arg33 : memref<!tpu.dma_semaphore, #tpu.memory_space<semaphore_mem>>) src(%dma_wait3A_44 : memref<128xi32, #tpu.memory_space<hbm>>) dst(%arg16 : memref<128xi32, #tpu.memory_space<vmem>>)
    "tpu.region"() ({
      %run_scoped3A = tpu.sem_alloc : memref<!tpu.dma_semaphore, #tpu.memory_space<semaphore_mem>>
      %dma_start3A_356 = arith.constant 0 : i32
      %dma_start3A_357 = arith.constant 0 : i32
      %dma_start3A_358 = tpu.memref_slice %arg22[%dma_start3A_356, %dma_start3A_357] : memref<10240x16xf32, #tpu.memory_space<vmem_shared>> -> memref<10240x16xf32, #tpu.memory_space<vmem_shared>>
      tpu.enqueue_indirect_dma source(%arg20 : memref<128x16xf32, #tpu.memory_space<vmem>>) target(%dma_start3A_358 : memref<10240x16xf32, #tpu.memory_space<vmem_shared>>) offsets(%arg16 : memref<128xi32, #tpu.memory_space<vmem>>) semaphore(%run_scoped3A : memref<!tpu.dma_semaphore, #tpu.memory_space<semaphore_mem>>) {add = true}
      %dma_wait3A_359 = arith.constant 0 : i32
      %dma_wait3A_360 = arith.constant 0 : i32
      %dma_wait3A_361 = tpu.memref_slice %arg22[%dma_wait3A_359, %dma_wait3A_360] : memref<10240x16xf32, #tpu.memory_space<vmem_shared>> -> memref<10240x16xf32, #tpu.memory_space<vmem_shared>>
      tpu.wait_indirect_dma semaphore(%run_scoped3A : memref<!tpu.dma_semaphore, #tpu.memory_space<semaphore_mem>>) src(%arg20 : memref<128x16xf32, #tpu.memory_space<vmem>>) dst(%dma_wait3A_361 : memref<10240x16xf32, #tpu.memory_space<vmem_shared>>)
      tpu.yield
    }) : () -> ()
    %barrier3A_45 = arith.constant 0 : index
    tpu.barrier barrier_id(%barrier3A_45)
    %mul3A_46 = arith.constant 640 : i32
    %mul3A_47 = arith.muli %arg1, %mul3A_46 : i32
    %add3A = arith.constant 0 : i32
    %add3A_48 = arith.addi %mul3A_47, %add3A : i32
    "tpu.region"() ({
      %run_scoped3A = tpu.sem_alloc : memref<!tpu.dma_semaphore, #tpu.memory_space<semaphore_mem>>
      %dma_start3A_356 = arith.constant 0 : i32
      %dma_start3A_357 = tpu.memref_slice %arg22[%add3A_48, %dma_start3A_356] : memref<10240x16xf32, #tpu.memory_space<vmem_shared>> -> memref<128x16xf32, #tpu.memory_space<vmem_shared>>
      %dma_start3A_358 = arith.constant 0 : i32
      %dma_start3A_359 = tpu.memref_slice %arg22[%add3A_48, %dma_start3A_358] : memref<10240x16xf32, #tpu.memory_space<vmem_shared>> -> memref<128x16xf32, #tpu.memory_space<vmem_shared>>
      tpu.enqueue_dma source(%dma_start3A_359 : memref<128x16xf32, #tpu.memory_space<vmem_shared>>) target(%arg21 : memref<128x16xf32, #tpu.memory_space<vmem>>) target_semaphore(%run_scoped3A : memref<!tpu.dma_semaphore, #tpu.memory_space<semaphore_mem>>)
      %dma_wait3A_360 = arith.constant 0 : i32
      %dma_wait3A_361 = tpu.memref_slice %arg22[%add3A_48, %dma_wait3A_360] : memref<10240x16xf32, #tpu.memory_space<vmem_shared>> -> memref<128x16xf32, #tpu.memory_space<vmem_shared>>
      %dma_wait3A_362 = arith.constant 0 : i32
      %dma_wait3A_363 = tpu.memref_slice %arg22[%add3A_48, %dma_wait3A_362] : memref<10240x16xf32, #tpu.memory_space<vmem_shared>> -> memref<128x16xf32, #tpu.memory_space<vmem_shared>>
      tpu.wait_dma2 semaphore(%run_scoped3A : memref<!tpu.dma_semaphore, #tpu.memory_space<semaphore_mem>>) src(%dma_wait3A_363 : memref<128x16xf32, #tpu.memory_space<vmem_shared>>) dst(%arg21 : memref<128x16xf32, #tpu.memory_space<vmem>>)
      tpu.yield
    }) : () -> ()
    %mul3A_49 = arith.constant 64 : i32
    %mul3A_50 = arith.muli %arg0, %mul3A_49 : i32
    "tpu.region"() ({
      %run_scoped3A = tpu.sem_alloc : memref<!tpu.dma_semaphore, #tpu.memory_space<semaphore_mem>>
      %dma_start3A_356 = tpu.memref_slice %arg2[%add3A_48, %mul3A_50] : memref<10240x128xf32, #tpu.memory_space<hbm>> -> memref<128x64xf32, #tpu.memory_space<hbm>>
      %dma_start3A_357 = tpu.memref_slice %arg2[%add3A_48, %mul3A_50] : memref<10240x128xf32, #tpu.memory_space<hbm>> -> memref<128x64xf32, #tpu.memory_space<hbm>>
      tpu.enqueue_dma source(%dma_start3A_357 : memref<128x64xf32, #tpu.memory_space<hbm>>) target(%arg17 : memref<128x64xf32, #tpu.memory_space<vmem>>) target_semaphore(%run_scoped3A : memref<!tpu.dma_semaphore, #tpu.memory_space<semaphore_mem>>)
      %dma_wait3A_358 = tpu.memref_slice %arg2[%add3A_48, %mul3A_50] : memref<10240x128xf32, #tpu.memory_space<hbm>> -> memref<128x64xf32, #tpu.memory_space<hbm>>
      %dma_wait3A_359 = tpu.memref_slice %arg2[%add3A_48, %mul3A_50] : memref<10240x128xf32, #tpu.memory_space<hbm>> -> memref<128x64xf32, #tpu.memory_space<hbm>>
      tpu.wait_dma2 semaphore(%run_scoped3A : memref<!tpu.dma_semaphore, #tpu.memory_space<semaphore_mem>>) src(%dma_wait3A_359 : memref<128x64xf32, #tpu.memory_space<hbm>>) dst(%arg17 : memref<128x64xf32, #tpu.memory_space<vmem>>)
      tpu.yield
    }) : () -> ()
    %scan3A_51 = arith.constant 0 : i32
    %scan3A_52 = arith.constant 128 : i32
    %scan3A_53 = arith.addi %scan3A_51, %scan3A_52 : i32
    %scan3A_54 = arith.constant 1 : i32
    scf.for %scan3A_356 = %scan3A_51 to %scan3A_53 step %scan3A_54  : i32 {
      %mul3A_357 = arith.constant 1 : i32
      %mul3A_358 = arith.muli %scan3A_356, %mul3A_357 : i32
      %add3A_359 = arith.constant 0 : i32
      %add3A_360 = arith.addi %add3A_359, %mul3A_358 : i32
      %get3A = arith.index_cast %add3A_360 : i32 to index
      %get3A_361 = arith.constant 0 : index
      %get3A_362 = tpu.vector_load %arg21[%get3A, %get3A_361] {strides = array<i32>} : memref<128x16xf32, #tpu.memory_space<vmem>>, vector<1x16xf32>,
      %get3A_363 = vector.shape_cast %get3A_362 : vector<1x16xf32> to vector<16xf32>
      %add3A_364 = arith.constant 1.000000e+00 : f32
      %add3A_365 = vector.broadcast %add3A_364 : f32 to vector<16xf32>
      %add3A_366 = arith.addf %get3A_363, %add3A_365 : vector<16xf32>
      %bitcast_convert_type3A = tpu.bitcast %add3A_366 : vector<16xf32> -> vector<16xi32>
      %shift_right_logical3A = arith.constant 1 : i32
      %shift_right_logical3A_367 = vector.broadcast %shift_right_logical3A : i32 to vector<16xi32>
      %shift_right_logical3A_368 = arith.shrui %bitcast_convert_type3A, %shift_right_logical3A_367 : vector<16xi32>
      %sub3A = arith.constant 1597463007 : i32
      %sub3A_369 = vector.broadcast %sub3A : i32 to vector<16xi32>
      %sub3A_370 = arith.subi %sub3A_369, %shift_right_logical3A_368 : vector<16xi32>
      %bitcast_convert_type3A_371 = tpu.bitcast %sub3A_370 : vector<16xi32> -> vector<16xf32>
      %mul3A_372 = arith.constant 5.000000e-01 : f32
      %mul3A_373 = vector.broadcast %mul3A_372 : f32 to vector<16xf32>
      %mul3A_374 = arith.mulf %mul3A_373, %add3A_366 : vector<16xf32>
      %mul3A_375 = arith.mulf %mul3A_374, %bitcast_convert_type3A_371 : vector<16xf32>
      %mul3A_376 = arith.mulf %mul3A_375, %bitcast_convert_type3A_371 : vector<16xf32>
      %sub3A_377 = arith.constant 1.500000e+00 : f32
      %sub3A_378 = vector.broadcast %sub3A_377 : f32 to vector<16xf32>
      %sub3A_379 = arith.subf %sub3A_378, %mul3A_376 : vector<16xf32>
      %mul3A_380 = arith.mulf %bitcast_convert_type3A_371, %sub3A_379 : vector<16xf32>
      %mul3A_381 = arith.constant 5.000000e-01 : f32
      %mul3A_382 = vector.broadcast %mul3A_381 : f32 to vector<16xf32>
      %mul3A_383 = arith.mulf %mul3A_382, %add3A_366 : vector<16xf32>
      %mul3A_384 = arith.mulf %mul3A_383, %mul3A_380 : vector<16xf32>
      %mul3A_385 = arith.mulf %mul3A_384, %mul3A_380 : vector<16xf32>
      %sub3A_386 = arith.constant 1.500000e+00 : f32
      %sub3A_387 = vector.broadcast %sub3A_386 : f32 to vector<16xf32>
      %sub3A_388 = arith.subf %sub3A_387, %mul3A_385 : vector<16xf32>
      %mul3A_389 = arith.mulf %mul3A_380, %sub3A_388 : vector<16xf32>
      %mul3A_390 = arith.constant 5.000000e-01 : f32
      %mul3A_391 = vector.broadcast %mul3A_390 : f32 to vector<16xf32>
      %mul3A_392 = arith.mulf %mul3A_391, %add3A_366 : vector<16xf32>
      %mul3A_393 = arith.mulf %mul3A_392, %mul3A_389 : vector<16xf32>
      %mul3A_394 = arith.mulf %mul3A_393, %mul3A_389 : vector<16xf32>
      %sub3A_395 = arith.constant 1.500000e+00 : f32
      %sub3A_396 = vector.broadcast %sub3A_395 : f32 to vector<16xf32>
      %sub3A_397 = arith.subf %sub3A_396, %mul3A_394 : vector<16xf32>
      %mul3A_398 = arith.mulf %mul3A_389, %sub3A_397 : vector<16xf32>
      %get3A_399 = arith.index_cast %add3A_360 : i32 to index
      %get3A_400 = arith.constant 0 : index
      %get3A_401 = tpu.vector_load %arg17[%get3A_399, %get3A_400] {strides = array<i32>} : memref<128x64xf32, #tpu.memory_space<vmem>>, vector<1x16xf32>,
      %get3A_402 = vector.shape_cast %get3A_401 : vector<1x16xf32> to vector<16xf32>
      %mul3A_403 = arith.mulf %get3A_402, %mul3A_398 : vector<16xf32>
      %swap3A = arith.index_cast %add3A_360 : i32 to index
      %swap3A_404 = arith.constant 0 : index
      %swap3A_405 = tpu.vector_load %arg17[%swap3A, %swap3A_404] {strides = array<i32>} : memref<128x64xf32, #tpu.memory_space<vmem>>, vector<1x16xf32>,
      %swap3A_406 = vector.shape_cast %swap3A_405 : vector<1x16xf32> to vector<16xf32>
      %swap3A_407 = vector.shape_cast %mul3A_403 : vector<16xf32> to vector<1x16xf32>
      tpu.vector_store %arg17[%swap3A, %swap3A_404], %swap3A_407 {strides = array<i32>} : memref<128x64xf32, #tpu.memory_space<vmem>>, vector<1x16xf32>,
      %get3A_408 = arith.index_cast %add3A_360 : i32 to index
      %get3A_409 = arith.constant 16 : index
      %get3A_410 = tpu.vector_load %arg17[%get3A_408, %get3A_409] {strides = array<i32>} : memref<128x64xf32, #tpu.memory_space<vmem>>, vector<1x16xf32>,
      %get3A_411 = vector.shape_cast %get3A_410 : vector<1x16xf32> to vector<16xf32>
      %mul3A_412 = arith.mulf %get3A_411, %mul3A_398 : vector<16xf32>
      %swap3A_413 = arith.index_cast %add3A_360 : i32 to index
      %swap3A_414 = arith.constant 16 : index
      %swap3A_415 = tpu.vector_load %arg17[%swap3A_413, %swap3A_414] {strides = array<i32>} : memref<128x64xf32, #tpu.memory_space<vmem>>, vector<1x16xf32>,
      %swap3A_416 = vector.shape_cast %swap3A_415 : vector<1x16xf32> to vector<16xf32>
      %swap3A_417 = vector.shape_cast %mul3A_412 : vector<16xf32> to vector<1x16xf32>
      tpu.vector_store %arg17[%swap3A_413, %swap3A_414], %swap3A_417 {strides = array<i32>} : memref<128x64xf32, #tpu.memory_space<vmem>>, vector<1x16xf32>,
      %get3A_418 = arith.index_cast %add3A_360 : i32 to index
      %get3A_419 = arith.constant 32 : index
      %get3A_420 = tpu.vector_load %arg17[%get3A_418, %get3A_419] {strides = array<i32>} : memref<128x64xf32, #tpu.memory_space<vmem>>, vector<1x16xf32>,
      %get3A_421 = vector.shape_cast %get3A_420 : vector<1x16xf32> to vector<16xf32>
      %mul3A_422 = arith.mulf %get3A_421, %mul3A_398 : vector<16xf32>
      %swap3A_423 = arith.index_cast %add3A_360 : i32 to index
      %swap3A_424 = arith.constant 32 : index
      %swap3A_425 = tpu.vector_load %arg17[%swap3A_423, %swap3A_424] {strides = array<i32>} : memref<128x64xf32, #tpu.memory_space<vmem>>, vector<1x16xf32>,
      %swap3A_426 = vector.shape_cast %swap3A_425 : vector<1x16xf32> to vector<16xf32>
      %swap3A_427 = vector.shape_cast %mul3A_422 : vector<16xf32> to vector<1x16xf32>
      tpu.vector_store %arg17[%swap3A_423, %swap3A_424], %swap3A_427 {strides = array<i32>} : memref<128x64xf32, #tpu.memory_space<vmem>>, vector<1x16xf32>,
      %get3A_428 = arith.index_cast %add3A_360 : i32 to index
      %get3A_429 = arith.constant 48 : index
      %get3A_430 = tpu.vector_load %arg17[%get3A_428, %get3A_429] {strides = array<i32>} : memref<128x64xf32, #tpu.memory_space<vmem>>, vector<1x16xf32>,
      %get3A_431 = vector.shape_cast %get3A_430 : vector<1x16xf32> to vector<16xf32>
      %mul3A_432 = arith.mulf %get3A_431, %mul3A_398 : vector<16xf32>
      %swap3A_433 = arith.index_cast %add3A_360 : i32 to index
      %swap3A_434 = arith.constant 48 : index
      %swap3A_435 = tpu.vector_load %arg17[%swap3A_433, %swap3A_434] {strides = array<i32>} : memref<128x64xf32, #tpu.memory_space<vmem>>, vector<1x16xf32>,
      %swap3A_436 = vector.shape_cast %swap3A_435 : vector<1x16xf32> to vector<16xf32>
      %swap3A_437 = vector.shape_cast %mul3A_432 : vector<16xf32> to vector<1x16xf32>
      tpu.vector_store %arg17[%swap3A_433, %swap3A_434], %swap3A_437 {strides = array<i32>} : memref<128x64xf32, #tpu.memory_space<vmem>>, vector<1x16xf32>,
    }
    %scan3A_55 = arith.constant 128 : i32
    "tpu.region"() ({
      %run_scoped3A = tpu.sem_alloc : memref<!tpu.dma_semaphore, #tpu.memory_space<semaphore_mem>>
      %dma_start3A_356 = arith.constant 0 : i32
      %dma_start3A_357 = tpu.memref_slice %arg23[%add3A_48, %dma_start3A_356] : memref<10240x64xf32, #tpu.memory_space<vmem_shared>> -> memref<128x64xf32, #tpu.memory_space<vmem_shared>>
      %dma_start3A_358 = arith.constant 0 : i32
      %dma_start3A_359 = tpu.memref_slice %arg23[%add3A_48, %dma_start3A_358] : memref<10240x64xf32, #tpu.memory_space<vmem_shared>> -> memref<128x64xf32, #tpu.memory_space<vmem_shared>>
      tpu.enqueue_dma source(%arg17 : memref<128x64xf32, #tpu.memory_space<vmem>>) target(%dma_start3A_359 : memref<128x64xf32, #tpu.memory_space<vmem_shared>>) target_semaphore(%run_scoped3A : memref<!tpu.dma_semaphore, #tpu.memory_space<semaphore_mem>>)
      %dma_wait3A_360 = arith.constant 0 : i32
      %dma_wait3A_361 = tpu.memref_slice %arg23[%add3A_48, %dma_wait3A_360] : memref<10240x64xf32, #tpu.memory_space<vmem_shared>> -> memref<128x64xf32, #tpu.memory_space<vmem_shared>>
      %dma_wait3A_362 = arith.constant 0 : i32
      %dma_wait3A_363 = tpu.memref_slice %arg23[%add3A_48, %dma_wait3A_362] : memref<10240x64xf32, #tpu.memory_space<vmem_shared>> -> memref<128x64xf32, #tpu.memory_space<vmem_shared>>
      tpu.wait_dma2 semaphore(%run_scoped3A : memref<!tpu.dma_semaphore, #tpu.memory_space<semaphore_mem>>) src(%arg17 : memref<128x64xf32, #tpu.memory_space<vmem>>) dst(%dma_wait3A_363 : memref<128x64xf32, #tpu.memory_space<vmem_shared>>)
      tpu.yield
    }) : () -> ()
    "tpu.region"() ({
      %run_scoped3A = tpu.sem_alloc : memref<!tpu.dma_semaphore, #tpu.memory_space<semaphore_mem>>
      %dma_start3A_356 = arith.constant 0 : i32
      %dma_start3A_357 = tpu.memref_slice %arg24[%add3A_48, %dma_start3A_356] : memref<10240x64xf32, #tpu.memory_space<vmem_shared>> -> memref<128x64xf32, #tpu.memory_space<vmem_shared>>
      %dma_start3A_358 = arith.constant 0 : i32
      %dma_start3A_359 = tpu.memref_slice %arg24[%add3A_48, %dma_start3A_358] : memref<10240x64xf32, #tpu.memory_space<vmem_shared>> -> memref<128x64xf32, #tpu.memory_space<vmem_shared>>
      tpu.enqueue_dma source(%arg17 : memref<128x64xf32, #tpu.memory_space<vmem>>) target(%dma_start3A_359 : memref<128x64xf32, #tpu.memory_space<vmem_shared>>) target_semaphore(%run_scoped3A : memref<!tpu.dma_semaphore, #tpu.memory_space<semaphore_mem>>)
      %dma_wait3A_360 = arith.constant 0 : i32
      %dma_wait3A_361 = tpu.memref_slice %arg24[%add3A_48, %dma_wait3A_360] : memref<10240x64xf32, #tpu.memory_space<vmem_shared>> -> memref<128x64xf32, #tpu.memory_space<vmem_shared>>
      %dma_wait3A_362 = arith.constant 0 : i32
      %dma_wait3A_363 = tpu.memref_slice %arg24[%add3A_48, %dma_wait3A_362] : memref<10240x64xf32, #tpu.memory_space<vmem_shared>> -> memref<128x64xf32, #tpu.memory_space<vmem_shared>>
      tpu.wait_dma2 semaphore(%run_scoped3A : memref<!tpu.dma_semaphore, #tpu.memory_space<semaphore_mem>>) src(%arg17 : memref<128x64xf32, #tpu.memory_space<vmem>>) dst(%dma_wait3A_363 : memref<128x64xf32, #tpu.memory_space<vmem_shared>>)
      tpu.yield
    }) : () -> ()
    %mul3A_56 = arith.constant 640 : i32
    %mul3A_57 = arith.muli %arg1, %mul3A_56 : i32
    %add3A_58 = arith.constant 128 : i32
    %add3A_59 = arith.addi %mul3A_57, %add3A_58 : i32
    "tpu.region"() ({
      %run_scoped3A = tpu.sem_alloc : memref<!tpu.dma_semaphore, #tpu.memory_space<semaphore_mem>>
      %dma_start3A_356 = arith.constant 0 : i32
      %dma_start3A_357 = tpu.memref_slice %arg22[%add3A_59, %dma_start3A_356] : memref<10240x16xf32, #tpu.memory_space<vmem_shared>> -> memref<128x16xf32, #tpu.memory_space<vmem_shared>>
      %dma_start3A_358 = arith.constant 0 : i32
      %dma_start3A_359 = tpu.memref_slice %arg22[%add3A_59, %dma_start3A_358] : memref<10240x16xf32, #tpu.memory_space<vmem_shared>> -> memref<128x16xf32, #tpu.memory_space<vmem_shared>>
      tpu.enqueue_dma source(%dma_start3A_359 : memref<128x16xf32, #tpu.memory_space<vmem_shared>>) target(%arg21 : memref<128x16xf32, #tpu.memory_space<vmem>>) target_semaphore(%run_scoped3A : memref<!tpu.dma_semaphore, #tpu.memory_space<semaphore_mem>>)
      %dma_wait3A_360 = arith.constant 0 : i32
      %dma_wait3A_361 = tpu.memref_slice %arg22[%add3A_59, %dma_wait3A_360] : memref<10240x16xf32, #tpu.memory_space<vmem_shared>> -> memref<128x16xf32, #tpu.memory_space<vmem_shared>>
      %dma_wait3A_362 = arith.constant 0 : i32
      %dma_wait3A_363 = tpu.memref_slice %arg22[%add3A_59, %dma_wait3A_362] : memref<10240x16xf32, #tpu.memory_space<vmem_shared>> -> memref<128x16xf32, #tpu.memory_space<vmem_shared>>
      tpu.wait_dma2 semaphore(%run_scoped3A : memref<!tpu.dma_semaphore, #tpu.memory_space<semaphore_mem>>) src(%dma_wait3A_363 : memref<128x16xf32, #tpu.memory_space<vmem_shared>>) dst(%arg21 : memref<128x16xf32, #tpu.memory_space<vmem>>)
      tpu.yield
    }) : () -> ()
    %mul3A_60 = arith.constant 64 : i32
    %mul3A_61 = arith.muli %arg0, %mul3A_60 : i32
    "tpu.region"() ({
      %run_scoped3A = tpu.sem_alloc : memref<!tpu.dma_semaphore, #tpu.memory_space<semaphore_mem>>
      %dma_start3A_356 = tpu.memref_slice %arg2[%add3A_59, %mul3A_61] : memref<10240x128xf32, #tpu.memory_space<hbm>> -> memref<128x64xf32, #tpu.memory_space<hbm>>
      %dma_start3A_357 = tpu.memref_slice %arg2[%add3A_59, %mul3A_61] : memref<10240x128xf32, #tpu.memory_space<hbm>> -> memref<128x64xf32, #tpu.memory_space<hbm>>
      tpu.enqueue_dma source(%dma_start3A_357 : memref<128x64xf32, #tpu.memory_space<hbm>>) target(%arg17 : memref<128x64xf32, #tpu.memory_space<vmem>>) target_semaphore(%run_scoped3A : memref<!tpu.dma_semaphore, #tpu.memory_space<semaphore_mem>>)
      %dma_wait3A_358 = tpu.memref_slice %arg2[%add3A_59, %mul3A_61] : memref<10240x128xf32, #tpu.memory_space<hbm>> -> memref<128x64xf32, #tpu.memory_space<hbm>>
      %dma_wait3A_359 = tpu.memref_slice %arg2[%add3A_59, %mul3A_61] : memref<10240x128xf32, #tpu.memory_space<hbm>> -> memref<128x64xf32, #tpu.memory_space<hbm>>
      tpu.wait_dma2 semaphore(%run_scoped3A : memref<!tpu.dma_semaphore, #tpu.memory_space<semaphore_mem>>) src(%dma_wait3A_359 : memref<128x64xf32, #tpu.memory_space<hbm>>) dst(%arg17 : memref<128x64xf32, #tpu.memory_space<vmem>>)
      tpu.yield
    }) : () -> ()
    %scan3A_62 = arith.constant 0 : i32
    %scan3A_63 = arith.constant 128 : i32
    %scan3A_64 = arith.addi %scan3A_62, %scan3A_63 : i32
    %scan3A_65 = arith.constant 1 : i32
    scf.for %scan3A_356 = %scan3A_62 to %scan3A_64 step %scan3A_65  : i32 {
      %mul3A_357 = arith.constant 1 : i32
      %mul3A_358 = arith.muli %scan3A_356, %mul3A_357 : i32
      %add3A_359 = arith.constant 0 : i32
      %add3A_360 = arith.addi %add3A_359, %mul3A_358 : i32
      %get3A = arith.index_cast %add3A_360 : i32 to index
      %get3A_361 = arith.constant 0 : index
      %get3A_362 = tpu.vector_load %arg21[%get3A, %get3A_361] {strides = array<i32>} : memref<128x16xf32, #tpu.memory_space<vmem>>, vector<1x16xf32>,
      %get3A_363 = vector.shape_cast %get3A_362 : vector<1x16xf32> to vector<16xf32>
      %add3A_364 = arith.constant 1.000000e+00 : f32
      %add3A_365 = vector.broadcast %add3A_364 : f32 to vector<16xf32>
      %add3A_366 = arith.addf %get3A_363, %add3A_365 : vector<16xf32>
      %bitcast_convert_type3A = tpu.bitcast %add3A_366 : vector<16xf32> -> vector<16xi32>
      %shift_right_logical3A = arith.constant 1 : i32
      %shift_right_logical3A_367 = vector.broadcast %shift_right_logical3A : i32 to vector<16xi32>
      %shift_right_logical3A_368 = arith.shrui %bitcast_convert_type3A, %shift_right_logical3A_367 : vector<16xi32>
      %sub3A = arith.constant 1597463007 : i32
      %sub3A_369 = vector.broadcast %sub3A : i32 to vector<16xi32>
      %sub3A_370 = arith.subi %sub3A_369, %shift_right_logical3A_368 : vector<16xi32>
      %bitcast_convert_type3A_371 = tpu.bitcast %sub3A_370 : vector<16xi32> -> vector<16xf32>
      %mul3A_372 = arith.constant 5.000000e-01 : f32
      %mul3A_373 = vector.broadcast %mul3A_372 : f32 to vector<16xf32>
      %mul3A_374 = arith.mulf %mul3A_373, %add3A_366 : vector<16xf32>
      %mul3A_375 = arith.mulf %mul3A_374, %bitcast_convert_type3A_371 : vector<16xf32>
      %mul3A_376 = arith.mulf %mul3A_375, %bitcast_convert_type3A_371 : vector<16xf32>
      %sub3A_377 = arith.constant 1.500000e+00 : f32
      %sub3A_378 = vector.broadcast %sub3A_377 : f32 to vector<16xf32>
      %sub3A_379 = arith.subf %sub3A_378, %mul3A_376 : vector<16xf32>
      %mul3A_380 = arith.mulf %bitcast_convert_type3A_371, %sub3A_379 : vector<16xf32>
      %mul3A_381 = arith.constant 5.000000e-01 : f32
      %mul3A_382 = vector.broadcast %mul3A_381 : f32 to vector<16xf32>
      %mul3A_383 = arith.mulf %mul3A_382, %add3A_366 : vector<16xf32>
      %mul3A_384 = arith.mulf %mul3A_383, %mul3A_380 : vector<16xf32>
      %mul3A_385 = arith.mulf %mul3A_384, %mul3A_380 : vector<16xf32>
      %sub3A_386 = arith.constant 1.500000e+00 : f32
      %sub3A_387 = vector.broadcast %sub3A_386 : f32 to vector<16xf32>
      %sub3A_388 = arith.subf %sub3A_387, %mul3A_385 : vector<16xf32>
      %mul3A_389 = arith.mulf %mul3A_380, %sub3A_388 : vector<16xf32>
      %mul3A_390 = arith.constant 5.000000e-01 : f32
      %mul3A_391 = vector.broadcast %mul3A_390 : f32 to vector<16xf32>
      %mul3A_392 = arith.mulf %mul3A_391, %add3A_366 : vector<16xf32>
      %mul3A_393 = arith.mulf %mul3A_392, %mul3A_389 : vector<16xf32>
      %mul3A_394 = arith.mulf %mul3A_393, %mul3A_389 : vector<16xf32>
      %sub3A_395 = arith.constant 1.500000e+00 : f32
      %sub3A_396 = vector.broadcast %sub3A_395 : f32 to vector<16xf32>
      %sub3A_397 = arith.subf %sub3A_396, %mul3A_394 : vector<16xf32>
      %mul3A_398 = arith.mulf %mul3A_389, %sub3A_397 : vector<16xf32>
      %get3A_399 = arith.index_cast %add3A_360 : i32 to index
      %get3A_400 = arith.constant 0 : index
      %get3A_401 = tpu.vector_load %arg17[%get3A_399, %get3A_400] {strides = array<i32>} : memref<128x64xf32, #tpu.memory_space<vmem>>, vector<1x16xf32>,
      %get3A_402 = vector.shape_cast %get3A_401 : vector<1x16xf32> to vector<16xf32>
      %mul3A_403 = arith.mulf %get3A_402, %mul3A_398 : vector<16xf32>
      %swap3A = arith.index_cast %add3A_360 : i32 to index
      %swap3A_404 = arith.constant 0 : index
      %swap3A_405 = tpu.vector_load %arg17[%swap3A, %swap3A_404] {strides = array<i32>} : memref<128x64xf32, #tpu.memory_space<vmem>>, vector<1x16xf32>,
      %swap3A_406 = vector.shape_cast %swap3A_405 : vector<1x16xf32> to vector<16xf32>
      %swap3A_407 = vector.shape_cast %mul3A_403 : vector<16xf32> to vector<1x16xf32>
      tpu.vector_store %arg17[%swap3A, %swap3A_404], %swap3A_407 {strides = array<i32>} : memref<128x64xf32, #tpu.memory_space<vmem>>, vector<1x16xf32>,
      %get3A_408 = arith.index_cast %add3A_360 : i32 to index
      %get3A_409 = arith.constant 16 : index
      %get3A_410 = tpu.vector_load %arg17[%get3A_408, %get3A_409] {strides = array<i32>} : memref<128x64xf32, #tpu.memory_space<vmem>>, vector<1x16xf32>,
      %get3A_411 = vector.shape_cast %get3A_410 : vector<1x16xf32> to vector<16xf32>
      %mul3A_412 = arith.mulf %get3A_411, %mul3A_398 : vector<16xf32>
      %swap3A_413 = arith.index_cast %add3A_360 : i32 to index
      %swap3A_414 = arith.constant 16 : index
      %swap3A_415 = tpu.vector_load %arg17[%swap3A_413, %swap3A_414] {strides = array<i32>} : memref<128x64xf32, #tpu.memory_space<vmem>>, vector<1x16xf32>,
      %swap3A_416 = vector.shape_cast %swap3A_415 : vector<1x16xf32> to vector<16xf32>
      %swap3A_417 = vector.shape_cast %mul3A_412 : vector<16xf32> to vector<1x16xf32>
      tpu.vector_store %arg17[%swap3A_413, %swap3A_414], %swap3A_417 {strides = array<i32>} : memref<128x64xf32, #tpu.memory_space<vmem>>, vector<1x16xf32>,
      %get3A_418 = arith.index_cast %add3A_360 : i32 to index
      %get3A_419 = arith.constant 32 : index
      %get3A_420 = tpu.vector_load %arg17[%get3A_418, %get3A_419] {strides = array<i32>} : memref<128x64xf32, #tpu.memory_space<vmem>>, vector<1x16xf32>,
      %get3A_421 = vector.shape_cast %get3A_420 : vector<1x16xf32> to vector<16xf32>
      %mul3A_422 = arith.mulf %get3A_421, %mul3A_398 : vector<16xf32>
      %swap3A_423 = arith.index_cast %add3A_360 : i32 to index
      %swap3A_424 = arith.constant 32 : index
      %swap3A_425 = tpu.vector_load %arg17[%swap3A_423, %swap3A_424] {strides = array<i32>} : memref<128x64xf32, #tpu.memory_space<vmem>>, vector<1x16xf32>,
      %swap3A_426 = vector.shape_cast %swap3A_425 : vector<1x16xf32> to vector<16xf32>
      %swap3A_427 = vector.shape_cast %mul3A_422 : vector<16xf32> to vector<1x16xf32>
      tpu.vector_store %arg17[%swap3A_423, %swap3A_424], %swap3A_427 {strides = array<i32>} : memref<128x64xf32, #tpu.memory_space<vmem>>, vector<1x16xf32>,
      %get3A_428 = arith.index_cast %add3A_360 : i32 to index
      %get3A_429 = arith.constant 48 : index
      %get3A_430 = tpu.vector_load %arg17[%get3A_428, %get3A_429] {strides = array<i32>} : memref<128x64xf32, #tpu.memory_space<vmem>>, vector<1x16xf32>,
      %get3A_431 = vector.shape_cast %get3A_430 : vector<1x16xf32> to vector<16xf32>
      %mul3A_432 = arith.mulf %get3A_431, %mul3A_398 : vector<16xf32>
      %swap3A_433 = arith.index_cast %add3A_360 : i32 to index
      %swap3A_434 = arith.constant 48 : index
      %swap3A_435 = tpu.vector_load %arg17[%swap3A_433, %swap3A_434] {strides = array<i32>} : memref<128x64xf32, #tpu.memory_space<vmem>>, vector<1x16xf32>,
      %swap3A_436 = vector.shape_cast %swap3A_435 : vector<1x16xf32> to vector<16xf32>
      %swap3A_437 = vector.shape_cast %mul3A_432 : vector<16xf32> to vector<1x16xf32>
      tpu.vector_store %arg17[%swap3A_433, %swap3A_434], %swap3A_437 {strides = array<i32>} : memref<128x64xf32, #tpu.memory_space<vmem>>, vector<1x16xf32>,
    }
    %scan3A_66 = arith.constant 128 : i32
    "tpu.region"() ({
      %run_scoped3A = tpu.sem_alloc : memref<!tpu.dma_semaphore, #tpu.memory_space<semaphore_mem>>
      %dma_start3A_356 = arith.constant 0 : i32
      %dma_start3A_357 = tpu.memref_slice %arg23[%add3A_59, %dma_start3A_356] : memref<10240x64xf32, #tpu.memory_space<vmem_shared>> -> memref<128x64xf32, #tpu.memory_space<vmem_shared>>
      %dma_start3A_358 = arith.constant 0 : i32
      %dma_start3A_359 = tpu.memref_slice %arg23[%add3A_59, %dma_start3A_358] : memref<10240x64xf32, #tpu.memory_space<vmem_shared>> -> memref<128x64xf32, #tpu.memory_space<vmem_shared>>
      tpu.enqueue_dma source(%arg17 : memref<128x64xf32, #tpu.memory_space<vmem>>) target(%dma_start3A_359 : memref<128x64xf32, #tpu.memory_space<vmem_shared>>) target_semaphore(%run_scoped3A : memref<!tpu.dma_semaphore, #tpu.memory_space<semaphore_mem>>)
      %dma_wait3A_360 = arith.constant 0 : i32
      %dma_wait3A_361 = tpu.memref_slice %arg23[%add3A_59, %dma_wait3A_360] : memref<10240x64xf32, #tpu.memory_space<vmem_shared>> -> memref<128x64xf32, #tpu.memory_space<vmem_shared>>
      %dma_wait3A_362 = arith.constant 0 : i32
      %dma_wait3A_363 = tpu.memref_slice %arg23[%add3A_59, %dma_wait3A_362] : memref<10240x64xf32, #tpu.memory_space<vmem_shared>> -> memref<128x64xf32, #tpu.memory_space<vmem_shared>>
      tpu.wait_dma2 semaphore(%run_scoped3A : memref<!tpu.dma_semaphore, #tpu.memory_space<semaphore_mem>>) src(%arg17 : memref<128x64xf32, #tpu.memory_space<vmem>>) dst(%dma_wait3A_363 : memref<128x64xf32, #tpu.memory_space<vmem_shared>>)
      tpu.yield
    }) : () -> ()
    "tpu.region"() ({
      %run_scoped3A = tpu.sem_alloc : memref<!tpu.dma_semaphore, #tpu.memory_space<semaphore_mem>>
      %dma_start3A_356 = arith.constant 0 : i32
      %dma_start3A_357 = tpu.memref_slice %arg24[%add3A_59, %dma_start3A_356] : memref<10240x64xf32, #tpu.memory_space<vmem_shared>> -> memref<128x64xf32, #tpu.memory_space<vmem_shared>>
      %dma_start3A_358 = arith.constant 0 : i32
      %dma_start3A_359 = tpu.memref_slice %arg24[%add3A_59, %dma_start3A_358] : memref<10240x64xf32, #tpu.memory_space<vmem_shared>> -> memref<128x64xf32, #tpu.memory_space<vmem_shared>>
      tpu.enqueue_dma source(%arg17 : memref<128x64xf32, #tpu.memory_space<vmem>>) target(%dma_start3A_359 : memref<128x64xf32, #tpu.memory_space<vmem_shared>>) target_semaphore(%run_scoped3A : memref<!tpu.dma_semaphore, #tpu.memory_space<semaphore_mem>>)
      %dma_wait3A_360 = arith.constant 0 : i32
      %dma_wait3A_361 = tpu.memref_slice %arg24[%add3A_59, %dma_wait3A_360] : memref<10240x64xf32, #tpu.memory_space<vmem_shared>> -> memref<128x64xf32, #tpu.memory_space<vmem_shared>>
      %dma_wait3A_362 = arith.constant 0 : i32
      %dma_wait3A_363 = tpu.memref_slice %arg24[%add3A_59, %dma_wait3A_362] : memref<10240x64xf32, #tpu.memory_space<vmem_shared>> -> memref<128x64xf32, #tpu.memory_space<vmem_shared>>
      tpu.wait_dma2 semaphore(%run_scoped3A : memref<!tpu.dma_semaphore, #tpu.memory_space<semaphore_mem>>) src(%arg17 : memref<128x64xf32, #tpu.memory_space<vmem>>) dst(%dma_wait3A_363 : memref<128x64xf32, #tpu.memory_space<vmem_shared>>)
      tpu.yield
    }) : () -> ()
    %mul3A_67 = arith.constant 640 : i32
    %mul3A_68 = arith.muli %arg1, %mul3A_67 : i32
    %add3A_69 = arith.constant 256 : i32
    %add3A_70 = arith.addi %mul3A_68, %add3A_69 : i32
    "tpu.region"() ({
      %run_scoped3A = tpu.sem_alloc : memref<!tpu.dma_semaphore, #tpu.memory_space<semaphore_mem>>
      %dma_start3A_356 = arith.constant 0 : i32
      %dma_start3A_357 = tpu.memref_slice %arg22[%add3A_70, %dma_start3A_356] : memref<10240x16xf32, #tpu.memory_space<vmem_shared>> -> memref<128x16xf32, #tpu.memory_space<vmem_shared>>
      %dma_start3A_358 = arith.constant 0 : i32
      %dma_start3A_359 = tpu.memref_slice %arg22[%add3A_70, %dma_start3A_358] : memref<10240x16xf32, #tpu.memory_space<vmem_shared>> -> memref<128x16xf32, #tpu.memory_space<vmem_shared>>
      tpu.enqueue_dma source(%dma_start3A_359 : memref<128x16xf32, #tpu.memory_space<vmem_shared>>) target(%arg21 : memref<128x16xf32, #tpu.memory_space<vmem>>) target_semaphore(%run_scoped3A : memref<!tpu.dma_semaphore, #tpu.memory_space<semaphore_mem>>)
      %dma_wait3A_360 = arith.constant 0 : i32
      %dma_wait3A_361 = tpu.memref_slice %arg22[%add3A_70, %dma_wait3A_360] : memref<10240x16xf32, #tpu.memory_space<vmem_shared>> -> memref<128x16xf32, #tpu.memory_space<vmem_shared>>
      %dma_wait3A_362 = arith.constant 0 : i32
      %dma_wait3A_363 = tpu.memref_slice %arg22[%add3A_70, %dma_wait3A_362] : memref<10240x16xf32, #tpu.memory_space<vmem_shared>> -> memref<128x16xf32, #tpu.memory_space<vmem_shared>>
      tpu.wait_dma2 semaphore(%run_scoped3A : memref<!tpu.dma_semaphore, #tpu.memory_space<semaphore_mem>>) src(%dma_wait3A_363 : memref<128x16xf32, #tpu.memory_space<vmem_shared>>) dst(%arg21 : memref<128x16xf32, #tpu.memory_space<vmem>>)
      tpu.yield
    }) : () -> ()
    %mul3A_71 = arith.constant 64 : i32
    %mul3A_72 = arith.muli %arg0, %mul3A_71 : i32
    "tpu.region"() ({
      %run_scoped3A = tpu.sem_alloc : memref<!tpu.dma_semaphore, #tpu.memory_space<semaphore_mem>>
      %dma_start3A_356 = tpu.memref_slice %arg2[%add3A_70, %mul3A_72] : memref<10240x128xf32, #tpu.memory_space<hbm>> -> memref<128x64xf32, #tpu.memory_space<hbm>>
      %dma_start3A_357 = tpu.memref_slice %arg2[%add3A_70, %mul3A_72] : memref<10240x128xf32, #tpu.memory_space<hbm>> -> memref<128x64xf32, #tpu.memory_space<hbm>>
      tpu.enqueue_dma source(%dma_start3A_357 : memref<128x64xf32, #tpu.memory_space<hbm>>) target(%arg17 : memref<128x64xf32, #tpu.memory_space<vmem>>) target_semaphore(%run_scoped3A : memref<!tpu.dma_semaphore, #tpu.memory_space<semaphore_mem>>)
      %dma_wait3A_358 = tpu.memref_slice %arg2[%add3A_70, %mul3A_72] : memref<10240x128xf32, #tpu.memory_space<hbm>> -> memref<128x64xf32, #tpu.memory_space<hbm>>
      %dma_wait3A_359 = tpu.memref_slice %arg2[%add3A_70, %mul3A_72] : memref<10240x128xf32, #tpu.memory_space<hbm>> -> memref<128x64xf32, #tpu.memory_space<hbm>>
      tpu.wait_dma2 semaphore(%run_scoped3A : memref<!tpu.dma_semaphore, #tpu.memory_space<semaphore_mem>>) src(%dma_wait3A_359 : memref<128x64xf32, #tpu.memory_space<hbm>>) dst(%arg17 : memref<128x64xf32, #tpu.memory_space<vmem>>)
      tpu.yield
    }) : () -> ()
    %scan3A_73 = arith.constant 0 : i32
    %scan3A_74 = arith.constant 128 : i32
    %scan3A_75 = arith.addi %scan3A_73, %scan3A_74 : i32
    %scan3A_76 = arith.constant 1 : i32
    scf.for %scan3A_356 = %scan3A_73 to %scan3A_75 step %scan3A_76  : i32 {
      %mul3A_357 = arith.constant 1 : i32
      %mul3A_358 = arith.muli %scan3A_356, %mul3A_357 : i32
      %add3A_359 = arith.constant 0 : i32
      %add3A_360 = arith.addi %add3A_359, %mul3A_358 : i32
      %get3A = arith.index_cast %add3A_360 : i32 to index
      %get3A_361 = arith.constant 0 : index
      %get3A_362 = tpu.vector_load %arg21[%get3A, %get3A_361] {strides = array<i32>} : memref<128x16xf32, #tpu.memory_space<vmem>>, vector<1x16xf32>,
      %get3A_363 = vector.shape_cast %get3A_362 : vector<1x16xf32> to vector<16xf32>
      %add3A_364 = arith.constant 1.000000e+00 : f32
      %add3A_365 = vector.broadcast %add3A_364 : f32 to vector<16xf32>
      %add3A_366 = arith.addf %get3A_363, %add3A_365 : vector<16xf32>
      %bitcast_convert_type3A = tpu.bitcast %add3A_366 : vector<16xf32> -> vector<16xi32>
      %shift_right_logical3A = arith.constant 1 : i32
      %shift_right_logical3A_367 = vector.broadcast %shift_right_logical3A : i32 to vector<16xi32>
      %shift_right_logical3A_368 = arith.shrui %bitcast_convert_type3A, %shift_right_logical3A_367 : vector<16xi32>
      %sub3A = arith.constant 1597463007 : i32
      %sub3A_369 = vector.broadcast %sub3A : i32 to vector<16xi32>
      %sub3A_370 = arith.subi %sub3A_369, %shift_right_logical3A_368 : vector<16xi32>
      %bitcast_convert_type3A_371 = tpu.bitcast %sub3A_370 : vector<16xi32> -> vector<16xf32>
      %mul3A_372 = arith.constant 5.000000e-01 : f32
      %mul3A_373 = vector.broadcast %mul3A_372 : f32 to vector<16xf32>
      %mul3A_374 = arith.mulf %mul3A_373, %add3A_366 : vector<16xf32>
      %mul3A_375 = arith.mulf %mul3A_374, %bitcast_convert_type3A_371 : vector<16xf32>
      %mul3A_376 = arith.mulf %mul3A_375, %bitcast_convert_type3A_371 : vector<16xf32>
      %sub3A_377 = arith.constant 1.500000e+00 : f32
      %sub3A_378 = vector.broadcast %sub3A_377 : f32 to vector<16xf32>
      %sub3A_379 = arith.subf %sub3A_378, %mul3A_376 : vector<16xf32>
      %mul3A_380 = arith.mulf %bitcast_convert_type3A_371, %sub3A_379 : vector<16xf32>
      %mul3A_381 = arith.constant 5.000000e-01 : f32
      %mul3A_382 = vector.broadcast %mul3A_381 : f32 to vector<16xf32>
      %mul3A_383 = arith.mulf %mul3A_382, %add3A_366 : vector<16xf32>
      %mul3A_384 = arith.mulf %mul3A_383, %mul3A_380 : vector<16xf32>
      %mul3A_385 = arith.mulf %mul3A_384, %mul3A_380 : vector<16xf32>
      %sub3A_386 = arith.constant 1.500000e+00 : f32
      %sub3A_387 = vector.broadcast %sub3A_386 : f32 to vector<16xf32>
      %sub3A_388 = arith.subf %sub3A_387, %mul3A_385 : vector<16xf32>
      %mul3A_389 = arith.mulf %mul3A_380, %sub3A_388 : vector<16xf32>
      %mul3A_390 = arith.constant 5.000000e-01 : f32
      %mul3A_391 = vector.broadcast %mul3A_390 : f32 to vector<16xf32>
      %mul3A_392 = arith.mulf %mul3A_391, %add3A_366 : vector<16xf32>
      %mul3A_393 = arith.mulf %mul3A_392, %mul3A_389 : vector<16xf32>
      %mul3A_394 = arith.mulf %mul3A_393, %mul3A_389 : vector<16xf32>
      %sub3A_395 = arith.constant 1.500000e+00 : f32
      %sub3A_396 = vector.broadcast %sub3A_395 : f32 to vector<16xf32>
      %sub3A_397 = arith.subf %sub3A_396, %mul3A_394 : vector<16xf32>
      %mul3A_398 = arith.mulf %mul3A_389, %sub3A_397 : vector<16xf32>
      %get3A_399 = arith.index_cast %add3A_360 : i32 to index
      %get3A_400 = arith.constant 0 : index
      %get3A_401 = tpu.vector_load %arg17[%get3A_399, %get3A_400] {strides = array<i32>} : memref<128x64xf32, #tpu.memory_space<vmem>>, vector<1x16xf32>,
      %get3A_402 = vector.shape_cast %get3A_401 : vector<1x16xf32> to vector<16xf32>
      %mul3A_403 = arith.mulf %get3A_402, %mul3A_398 : vector<16xf32>
      %swap3A = arith.index_cast %add3A_360 : i32 to index
      %swap3A_404 = arith.constant 0 : index
      %swap3A_405 = tpu.vector_load %arg17[%swap3A, %swap3A_404] {strides = array<i32>} : memref<128x64xf32, #tpu.memory_space<vmem>>, vector<1x16xf32>,
      %swap3A_406 = vector.shape_cast %swap3A_405 : vector<1x16xf32> to vector<16xf32>
      %swap3A_407 = vector.shape_cast %mul3A_403 : vector<16xf32> to vector<1x16xf32>
      tpu.vector_store %arg17[%swap3A, %swap3A_404], %swap3A_407 {strides = array<i32>} : memref<128x64xf32, #tpu.memory_space<vmem>>, vector<1x16xf32>,
      %get3A_408 = arith.index_cast %add3A_360 : i32 to index
      %get3A_409 = arith.constant 16 : index
      %get3A_410 = tpu.vector_load %arg17[%get3A_408, %get3A_409] {strides = array<i32>} : memref<128x64xf32, #tpu.memory_space<vmem>>, vector<1x16xf32>,
      %get3A_411 = vector.shape_cast %get3A_410 : vector<1x16xf32> to vector<16xf32>
      %mul3A_412 = arith.mulf %get3A_411, %mul3A_398 : vector<16xf32>
      %swap3A_413 = arith.index_cast %add3A_360 : i32 to index
      %swap3A_414 = arith.constant 16 : index
      %swap3A_415 = tpu.vector_load %arg17[%swap3A_413, %swap3A_414] {strides = array<i32>} : memref<128x64xf32, #tpu.memory_space<vmem>>, vector<1x16xf32>,
      %swap3A_416 = vector.shape_cast %swap3A_415 : vector<1x16xf32> to vector<16xf32>
      %swap3A_417 = vector.shape_cast %mul3A_412 : vector<16xf32> to vector<1x16xf32>
      tpu.vector_store %arg17[%swap3A_413, %swap3A_414], %swap3A_417 {strides = array<i32>} : memref<128x64xf32, #tpu.memory_space<vmem>>, vector<1x16xf32>,
      %get3A_418 = arith.index_cast %add3A_360 : i32 to index
      %get3A_419 = arith.constant 32 : index
      %get3A_420 = tpu.vector_load %arg17[%get3A_418, %get3A_419] {strides = array<i32>} : memref<128x64xf32, #tpu.memory_space<vmem>>, vector<1x16xf32>,
      %get3A_421 = vector.shape_cast %get3A_420 : vector<1x16xf32> to vector<16xf32>
      %mul3A_422 = arith.mulf %get3A_421, %mul3A_398 : vector<16xf32>
      %swap3A_423 = arith.index_cast %add3A_360 : i32 to index
      %swap3A_424 = arith.constant 32 : index
      %swap3A_425 = tpu.vector_load %arg17[%swap3A_423, %swap3A_424] {strides = array<i32>} : memref<128x64xf32, #tpu.memory_space<vmem>>, vector<1x16xf32>,
      %swap3A_426 = vector.shape_cast %swap3A_425 : vector<1x16xf32> to vector<16xf32>
      %swap3A_427 = vector.shape_cast %mul3A_422 : vector<16xf32> to vector<1x16xf32>
      tpu.vector_store %arg17[%swap3A_423, %swap3A_424], %swap3A_427 {strides = array<i32>} : memref<128x64xf32, #tpu.memory_space<vmem>>, vector<1x16xf32>,
      %get3A_428 = arith.index_cast %add3A_360 : i32 to index
      %get3A_429 = arith.constant 48 : index
      %get3A_430 = tpu.vector_load %arg17[%get3A_428, %get3A_429] {strides = array<i32>} : memref<128x64xf32, #tpu.memory_space<vmem>>, vector<1x16xf32>,
      %get3A_431 = vector.shape_cast %get3A_430 : vector<1x16xf32> to vector<16xf32>
      %mul3A_432 = arith.mulf %get3A_431, %mul3A_398 : vector<16xf32>
      %swap3A_433 = arith.index_cast %add3A_360 : i32 to index
      %swap3A_434 = arith.constant 48 : index
      %swap3A_435 = tpu.vector_load %arg17[%swap3A_433, %swap3A_434] {strides = array<i32>} : memref<128x64xf32, #tpu.memory_space<vmem>>, vector<1x16xf32>,
      %swap3A_436 = vector.shape_cast %swap3A_435 : vector<1x16xf32> to vector<16xf32>
      %swap3A_437 = vector.shape_cast %mul3A_432 : vector<16xf32> to vector<1x16xf32>
      tpu.vector_store %arg17[%swap3A_433, %swap3A_434], %swap3A_437 {strides = array<i32>} : memref<128x64xf32, #tpu.memory_space<vmem>>, vector<1x16xf32>,
    }
    %scan3A_77 = arith.constant 128 : i32
    "tpu.region"() ({
      %run_scoped3A = tpu.sem_alloc : memref<!tpu.dma_semaphore, #tpu.memory_space<semaphore_mem>>
      %dma_start3A_356 = arith.constant 0 : i32
      %dma_start3A_357 = tpu.memref_slice %arg23[%add3A_70, %dma_start3A_356] : memref<10240x64xf32, #tpu.memory_space<vmem_shared>> -> memref<128x64xf32, #tpu.memory_space<vmem_shared>>
      %dma_start3A_358 = arith.constant 0 : i32
      %dma_start3A_359 = tpu.memref_slice %arg23[%add3A_70, %dma_start3A_358] : memref<10240x64xf32, #tpu.memory_space<vmem_shared>> -> memref<128x64xf32, #tpu.memory_space<vmem_shared>>
      tpu.enqueue_dma source(%arg17 : memref<128x64xf32, #tpu.memory_space<vmem>>) target(%dma_start3A_359 : memref<128x64xf32, #tpu.memory_space<vmem_shared>>) target_semaphore(%run_scoped3A : memref<!tpu.dma_semaphore, #tpu.memory_space<semaphore_mem>>)
      %dma_wait3A_360 = arith.constant 0 : i32
      %dma_wait3A_361 = tpu.memref_slice %arg23[%add3A_70, %dma_wait3A_360] : memref<10240x64xf32, #tpu.memory_space<vmem_shared>> -> memref<128x64xf32, #tpu.memory_space<vmem_shared>>
      %dma_wait3A_362 = arith.constant 0 : i32
      %dma_wait3A_363 = tpu.memref_slice %arg23[%add3A_70, %dma_wait3A_362] : memref<10240x64xf32, #tpu.memory_space<vmem_shared>> -> memref<128x64xf32, #tpu.memory_space<vmem_shared>>
      tpu.wait_dma2 semaphore(%run_scoped3A : memref<!tpu.dma_semaphore, #tpu.memory_space<semaphore_mem>>) src(%arg17 : memref<128x64xf32, #tpu.memory_space<vmem>>) dst(%dma_wait3A_363 : memref<128x64xf32, #tpu.memory_space<vmem_shared>>)
      tpu.yield
    }) : () -> ()
    "tpu.region"() ({
      %run_scoped3A = tpu.sem_alloc : memref<!tpu.dma_semaphore, #tpu.memory_space<semaphore_mem>>
      %dma_start3A_356 = arith.constant 0 : i32
      %dma_start3A_357 = tpu.memref_slice %arg24[%add3A_70, %dma_start3A_356] : memref<10240x64xf32, #tpu.memory_space<vmem_shared>> -> memref<128x64xf32, #tpu.memory_space<vmem_shared>>
      %dma_start3A_358 = arith.constant 0 : i32
      %dma_start3A_359 = tpu.memref_slice %arg24[%add3A_70, %dma_start3A_358] : memref<10240x64xf32, #tpu.memory_space<vmem_shared>> -> memref<128x64xf32, #tpu.memory_space<vmem_shared>>
      tpu.enqueue_dma source(%arg17 : memref<128x64xf32, #tpu.memory_space<vmem>>) target(%dma_start3A_359 : memref<128x64xf32, #tpu.memory_space<vmem_shared>>) target_semaphore(%run_scoped3A : memref<!tpu.dma_semaphore, #tpu.memory_space<semaphore_mem>>)
      %dma_wait3A_360 = arith.constant 0 : i32
      %dma_wait3A_361 = tpu.memref_slice %arg24[%add3A_70, %dma_wait3A_360] : memref<10240x64xf32, #tpu.memory_space<vmem_shared>> -> memref<128x64xf32, #tpu.memory_space<vmem_shared>>
      %dma_wait3A_362 = arith.constant 0 : i32
      %dma_wait3A_363 = tpu.memref_slice %arg24[%add3A_70, %dma_wait3A_362] : memref<10240x64xf32, #tpu.memory_space<vmem_shared>> -> memref<128x64xf32, #tpu.memory_space<vmem_shared>>
      tpu.wait_dma2 semaphore(%run_scoped3A : memref<!tpu.dma_semaphore, #tpu.memory_space<semaphore_mem>>) src(%arg17 : memref<128x64xf32, #tpu.memory_space<vmem>>) dst(%dma_wait3A_363 : memref<128x64xf32, #tpu.memory_space<vmem_shared>>)
      tpu.yield
    }) : () -> ()
    %mul3A_78 = arith.constant 640 : i32
    %mul3A_79 = arith.muli %arg1, %mul3A_78 : i32
    %add3A_80 = arith.constant 384 : i32
    %add3A_81 = arith.addi %mul3A_79, %add3A_80 : i32
    "tpu.region"() ({
      %run_scoped3A = tpu.sem_alloc : memref<!tpu.dma_semaphore, #tpu.memory_space<semaphore_mem>>
      %dma_start3A_356 = arith.constant 0 : i32
      %dma_start3A_357 = tpu.memref_slice %arg22[%add3A_81, %dma_start3A_356] : memref<10240x16xf32, #tpu.memory_space<vmem_shared>> -> memref<128x16xf32, #tpu.memory_space<vmem_shared>>
      %dma_start3A_358 = arith.constant 0 : i32
      %dma_start3A_359 = tpu.memref_slice %arg22[%add3A_81, %dma_start3A_358] : memref<10240x16xf32, #tpu.memory_space<vmem_shared>> -> memref<128x16xf32, #tpu.memory_space<vmem_shared>>
      tpu.enqueue_dma source(%dma_start3A_359 : memref<128x16xf32, #tpu.memory_space<vmem_shared>>) target(%arg21 : memref<128x16xf32, #tpu.memory_space<vmem>>) target_semaphore(%run_scoped3A : memref<!tpu.dma_semaphore, #tpu.memory_space<semaphore_mem>>)
      %dma_wait3A_360 = arith.constant 0 : i32
      %dma_wait3A_361 = tpu.memref_slice %arg22[%add3A_81, %dma_wait3A_360] : memref<10240x16xf32, #tpu.memory_space<vmem_shared>> -> memref<128x16xf32, #tpu.memory_space<vmem_shared>>
      %dma_wait3A_362 = arith.constant 0 : i32
      %dma_wait3A_363 = tpu.memref_slice %arg22[%add3A_81, %dma_wait3A_362] : memref<10240x16xf32, #tpu.memory_space<vmem_shared>> -> memref<128x16xf32, #tpu.memory_space<vmem_shared>>
      tpu.wait_dma2 semaphore(%run_scoped3A : memref<!tpu.dma_semaphore, #tpu.memory_space<semaphore_mem>>) src(%dma_wait3A_363 : memref<128x16xf32, #tpu.memory_space<vmem_shared>>) dst(%arg21 : memref<128x16xf32, #tpu.memory_space<vmem>>)
      tpu.yield
    }) : () -> ()
    %mul3A_82 = arith.constant 64 : i32
    %mul3A_83 = arith.muli %arg0, %mul3A_82 : i32
    "tpu.region"() ({
      %run_scoped3A = tpu.sem_alloc : memref<!tpu.dma_semaphore, #tpu.memory_space<semaphore_mem>>
      %dma_start3A_356 = tpu.memref_slice %arg2[%add3A_81, %mul3A_83] : memref<10240x128xf32, #tpu.memory_space<hbm>> -> memref<128x64xf32, #tpu.memory_space<hbm>>
      %dma_start3A_357 = tpu.memref_slice %arg2[%add3A_81, %mul3A_83] : memref<10240x128xf32, #tpu.memory_space<hbm>> -> memref<128x64xf32, #tpu.memory_space<hbm>>
      tpu.enqueue_dma source(%dma_start3A_357 : memref<128x64xf32, #tpu.memory_space<hbm>>) target(%arg17 : memref<128x64xf32, #tpu.memory_space<vmem>>) target_semaphore(%run_scoped3A : memref<!tpu.dma_semaphore, #tpu.memory_space<semaphore_mem>>)
      %dma_wait3A_358 = tpu.memref_slice %arg2[%add3A_81, %mul3A_83] : memref<10240x128xf32, #tpu.memory_space<hbm>> -> memref<128x64xf32, #tpu.memory_space<hbm>>
      %dma_wait3A_359 = tpu.memref_slice %arg2[%add3A_81, %mul3A_83] : memref<10240x128xf32, #tpu.memory_space<hbm>> -> memref<128x64xf32, #tpu.memory_space<hbm>>
      tpu.wait_dma2 semaphore(%run_scoped3A : memref<!tpu.dma_semaphore, #tpu.memory_space<semaphore_mem>>) src(%dma_wait3A_359 : memref<128x64xf32, #tpu.memory_space<hbm>>) dst(%arg17 : memref<128x64xf32, #tpu.memory_space<vmem>>)
      tpu.yield
    }) : () -> ()
    %scan3A_84 = arith.constant 0 : i32
    %scan3A_85 = arith.constant 128 : i32
    %scan3A_86 = arith.addi %scan3A_84, %scan3A_85 : i32
    %scan3A_87 = arith.constant 1 : i32
    scf.for %scan3A_356 = %scan3A_84 to %scan3A_86 step %scan3A_87  : i32 {
      %mul3A_357 = arith.constant 1 : i32
      %mul3A_358 = arith.muli %scan3A_356, %mul3A_357 : i32
      %add3A_359 = arith.constant 0 : i32
      %add3A_360 = arith.addi %add3A_359, %mul3A_358 : i32
      %get3A = arith.index_cast %add3A_360 : i32 to index
      %get3A_361 = arith.constant 0 : index
      %get3A_362 = tpu.vector_load %arg21[%get3A, %get3A_361] {strides = array<i32>} : memref<128x16xf32, #tpu.memory_space<vmem>>, vector<1x16xf32>,
      %get3A_363 = vector.shape_cast %get3A_362 : vector<1x16xf32> to vector<16xf32>
      %add3A_364 = arith.constant 1.000000e+00 : f32
      %add3A_365 = vector.broadcast %add3A_364 : f32 to vector<16xf32>
      %add3A_366 = arith.addf %get3A_363, %add3A_365 : vector<16xf32>
      %bitcast_convert_type3A = tpu.bitcast %add3A_366 : vector<16xf32> -> vector<16xi32>
      %shift_right_logical3A = arith.constant 1 : i32
      %shift_right_logical3A_367 = vector.broadcast %shift_right_logical3A : i32 to vector<16xi32>
      %shift_right_logical3A_368 = arith.shrui %bitcast_convert_type3A, %shift_right_logical3A_367 : vector<16xi32>
      %sub3A = arith.constant 1597463007 : i32
      %sub3A_369 = vector.broadcast %sub3A : i32 to vector<16xi32>
      %sub3A_370 = arith.subi %sub3A_369, %shift_right_logical3A_368 : vector<16xi32>
      %bitcast_convert_type3A_371 = tpu.bitcast %sub3A_370 : vector<16xi32> -> vector<16xf32>
      %mul3A_372 = arith.constant 5.000000e-01 : f32
      %mul3A_373 = vector.broadcast %mul3A_372 : f32 to vector<16xf32>
      %mul3A_374 = arith.mulf %mul3A_373, %add3A_366 : vector<16xf32>
      %mul3A_375 = arith.mulf %mul3A_374, %bitcast_convert_type3A_371 : vector<16xf32>
      %mul3A_376 = arith.mulf %mul3A_375, %bitcast_convert_type3A_371 : vector<16xf32>
      %sub3A_377 = arith.constant 1.500000e+00 : f32
      %sub3A_378 = vector.broadcast %sub3A_377 : f32 to vector<16xf32>
      %sub3A_379 = arith.subf %sub3A_378, %mul3A_376 : vector<16xf32>
      %mul3A_380 = arith.mulf %bitcast_convert_type3A_371, %sub3A_379 : vector<16xf32>
      %mul3A_381 = arith.constant 5.000000e-01 : f32
      %mul3A_382 = vector.broadcast %mul3A_381 : f32 to vector<16xf32>
      %mul3A_383 = arith.mulf %mul3A_382, %add3A_366 : vector<16xf32>
      %mul3A_384 = arith.mulf %mul3A_383, %mul3A_380 : vector<16xf32>
      %mul3A_385 = arith.mulf %mul3A_384, %mul3A_380 : vector<16xf32>
      %sub3A_386 = arith.constant 1.500000e+00 : f32
      %sub3A_387 = vector.broadcast %sub3A_386 : f32 to vector<16xf32>
      %sub3A_388 = arith.subf %sub3A_387, %mul3A_385 : vector<16xf32>
      %mul3A_389 = arith.mulf %mul3A_380, %sub3A_388 : vector<16xf32>
      %mul3A_390 = arith.constant 5.000000e-01 : f32
      %mul3A_391 = vector.broadcast %mul3A_390 : f32 to vector<16xf32>
      %mul3A_392 = arith.mulf %mul3A_391, %add3A_366 : vector<16xf32>
      %mul3A_393 = arith.mulf %mul3A_392, %mul3A_389 : vector<16xf32>
      %mul3A_394 = arith.mulf %mul3A_393, %mul3A_389 : vector<16xf32>
      %sub3A_395 = arith.constant 1.500000e+00 : f32
      %sub3A_396 = vector.broadcast %sub3A_395 : f32 to vector<16xf32>
      %sub3A_397 = arith.subf %sub3A_396, %mul3A_394 : vector<16xf32>
      %mul3A_398 = arith.mulf %mul3A_389, %sub3A_397 : vector<16xf32>
      %get3A_399 = arith.index_cast %add3A_360 : i32 to index
      %get3A_400 = arith.constant 0 : index
      %get3A_401 = tpu.vector_load %arg17[%get3A_399, %get3A_400] {strides = array<i32>} : memref<128x64xf32, #tpu.memory_space<vmem>>, vector<1x16xf32>,
      %get3A_402 = vector.shape_cast %get3A_401 : vector<1x16xf32> to vector<16xf32>
      %mul3A_403 = arith.mulf %get3A_402, %mul3A_398 : vector<16xf32>
      %swap3A = arith.index_cast %add3A_360 : i32 to index
      %swap3A_404 = arith.constant 0 : index
      %swap3A_405 = tpu.vector_load %arg17[%swap3A, %swap3A_404] {strides = array<i32>} : memref<128x64xf32, #tpu.memory_space<vmem>>, vector<1x16xf32>,
      %swap3A_406 = vector.shape_cast %swap3A_405 : vector<1x16xf32> to vector<16xf32>
      %swap3A_407 = vector.shape_cast %mul3A_403 : vector<16xf32> to vector<1x16xf32>
      tpu.vector_store %arg17[%swap3A, %swap3A_404], %swap3A_407 {strides = array<i32>} : memref<128x64xf32, #tpu.memory_space<vmem>>, vector<1x16xf32>,
      %get3A_408 = arith.index_cast %add3A_360 : i32 to index
      %get3A_409 = arith.constant 16 : index
      %get3A_410 = tpu.vector_load %arg17[%get3A_408, %get3A_409] {strides = array<i32>} : memref<128x64xf32, #tpu.memory_space<vmem>>, vector<1x16xf32>,
      %get3A_411 = vector.shape_cast %get3A_410 : vector<1x16xf32> to vector<16xf32>
      %mul3A_412 = arith.mulf %get3A_411, %mul3A_398 : vector<16xf32>
      %swap3A_413 = arith.index_cast %add3A_360 : i32 to index
      %swap3A_414 = arith.constant 16 : index
      %swap3A_415 = tpu.vector_load %arg17[%swap3A_413, %swap3A_414] {strides = array<i32>} : memref<128x64xf32, #tpu.memory_space<vmem>>, vector<1x16xf32>,
      %swap3A_416 = vector.shape_cast %swap3A_415 : vector<1x16xf32> to vector<16xf32>
      %swap3A_417 = vector.shape_cast %mul3A_412 : vector<16xf32> to vector<1x16xf32>
      tpu.vector_store %arg17[%swap3A_413, %swap3A_414], %swap3A_417 {strides = array<i32>} : memref<128x64xf32, #tpu.memory_space<vmem>>, vector<1x16xf32>,
      %get3A_418 = arith.index_cast %add3A_360 : i32 to index
      %get3A_419 = arith.constant 32 : index
      %get3A_420 = tpu.vector_load %arg17[%get3A_418, %get3A_419] {strides = array<i32>} : memref<128x64xf32, #tpu.memory_space<vmem>>, vector<1x16xf32>,
      %get3A_421 = vector.shape_cast %get3A_420 : vector<1x16xf32> to vector<16xf32>
      %mul3A_422 = arith.mulf %get3A_421, %mul3A_398 : vector<16xf32>
      %swap3A_423 = arith.index_cast %add3A_360 : i32 to index
      %swap3A_424 = arith.constant 32 : index
      %swap3A_425 = tpu.vector_load %arg17[%swap3A_423, %swap3A_424] {strides = array<i32>} : memref<128x64xf32, #tpu.memory_space<vmem>>, vector<1x16xf32>,
      %swap3A_426 = vector.shape_cast %swap3A_425 : vector<1x16xf32> to vector<16xf32>
      %swap3A_427 = vector.shape_cast %mul3A_422 : vector<16xf32> to vector<1x16xf32>
      tpu.vector_store %arg17[%swap3A_423, %swap3A_424], %swap3A_427 {strides = array<i32>} : memref<128x64xf32, #tpu.memory_space<vmem>>, vector<1x16xf32>,
      %get3A_428 = arith.index_cast %add3A_360 : i32 to index
      %get3A_429 = arith.constant 48 : index
      %get3A_430 = tpu.vector_load %arg17[%get3A_428, %get3A_429] {strides = array<i32>} : memref<128x64xf32, #tpu.memory_space<vmem>>, vector<1x16xf32>,
      %get3A_431 = vector.shape_cast %get3A_430 : vector<1x16xf32> to vector<16xf32>
      %mul3A_432 = arith.mulf %get3A_431, %mul3A_398 : vector<16xf32>
      %swap3A_433 = arith.index_cast %add3A_360 : i32 to index
      %swap3A_434 = arith.constant 48 : index
      %swap3A_435 = tpu.vector_load %arg17[%swap3A_433, %swap3A_434] {strides = array<i32>} : memref<128x64xf32, #tpu.memory_space<vmem>>, vector<1x16xf32>,
      %swap3A_436 = vector.shape_cast %swap3A_435 : vector<1x16xf32> to vector<16xf32>
      %swap3A_437 = vector.shape_cast %mul3A_432 : vector<16xf32> to vector<1x16xf32>
      tpu.vector_store %arg17[%swap3A_433, %swap3A_434], %swap3A_437 {strides = array<i32>} : memref<128x64xf32, #tpu.memory_space<vmem>>, vector<1x16xf32>,
    }
    %scan3A_88 = arith.constant 128 : i32
    "tpu.region"() ({
      %run_scoped3A = tpu.sem_alloc : memref<!tpu.dma_semaphore, #tpu.memory_space<semaphore_mem>>
      %dma_start3A_356 = arith.constant 0 : i32
      %dma_start3A_357 = tpu.memref_slice %arg23[%add3A_81, %dma_start3A_356] : memref<10240x64xf32, #tpu.memory_space<vmem_shared>> -> memref<128x64xf32, #tpu.memory_space<vmem_shared>>
      %dma_start3A_358 = arith.constant 0 : i32
      %dma_start3A_359 = tpu.memref_slice %arg23[%add3A_81, %dma_start3A_358] : memref<10240x64xf32, #tpu.memory_space<vmem_shared>> -> memref<128x64xf32, #tpu.memory_space<vmem_shared>>
      tpu.enqueue_dma source(%arg17 : memref<128x64xf32, #tpu.memory_space<vmem>>) target(%dma_start3A_359 : memref<128x64xf32, #tpu.memory_space<vmem_shared>>) target_semaphore(%run_scoped3A : memref<!tpu.dma_semaphore, #tpu.memory_space<semaphore_mem>>)
      %dma_wait3A_360 = arith.constant 0 : i32
      %dma_wait3A_361 = tpu.memref_slice %arg23[%add3A_81, %dma_wait3A_360] : memref<10240x64xf32, #tpu.memory_space<vmem_shared>> -> memref<128x64xf32, #tpu.memory_space<vmem_shared>>
      %dma_wait3A_362 = arith.constant 0 : i32
      %dma_wait3A_363 = tpu.memref_slice %arg23[%add3A_81, %dma_wait3A_362] : memref<10240x64xf32, #tpu.memory_space<vmem_shared>> -> memref<128x64xf32, #tpu.memory_space<vmem_shared>>
      tpu.wait_dma2 semaphore(%run_scoped3A : memref<!tpu.dma_semaphore, #tpu.memory_space<semaphore_mem>>) src(%arg17 : memref<128x64xf32, #tpu.memory_space<vmem>>) dst(%dma_wait3A_363 : memref<128x64xf32, #tpu.memory_space<vmem_shared>>)
      tpu.yield
    }) : () -> ()
    "tpu.region"() ({
      %run_scoped3A = tpu.sem_alloc : memref<!tpu.dma_semaphore, #tpu.memory_space<semaphore_mem>>
      %dma_start3A_356 = arith.constant 0 : i32
      %dma_start3A_357 = tpu.memref_slice %arg24[%add3A_81, %dma_start3A_356] : memref<10240x64xf32, #tpu.memory_space<vmem_shared>> -> memref<128x64xf32, #tpu.memory_space<vmem_shared>>
      %dma_start3A_358 = arith.constant 0 : i32
      %dma_start3A_359 = tpu.memref_slice %arg24[%add3A_81, %dma_start3A_358] : memref<10240x64xf32, #tpu.memory_space<vmem_shared>> -> memref<128x64xf32, #tpu.memory_space<vmem_shared>>
      tpu.enqueue_dma source(%arg17 : memref<128x64xf32, #tpu.memory_space<vmem>>) target(%dma_start3A_359 : memref<128x64xf32, #tpu.memory_space<vmem_shared>>) target_semaphore(%run_scoped3A : memref<!tpu.dma_semaphore, #tpu.memory_space<semaphore_mem>>)
      %dma_wait3A_360 = arith.constant 0 : i32
      %dma_wait3A_361 = tpu.memref_slice %arg24[%add3A_81, %dma_wait3A_360] : memref<10240x64xf32, #tpu.memory_space<vmem_shared>> -> memref<128x64xf32, #tpu.memory_space<vmem_shared>>
      %dma_wait3A_362 = arith.constant 0 : i32
      %dma_wait3A_363 = tpu.memref_slice %arg24[%add3A_81, %dma_wait3A_362] : memref<10240x64xf32, #tpu.memory_space<vmem_shared>> -> memref<128x64xf32, #tpu.memory_space<vmem_shared>>
      tpu.wait_dma2 semaphore(%run_scoped3A : memref<!tpu.dma_semaphore, #tpu.memory_space<semaphore_mem>>) src(%arg17 : memref<128x64xf32, #tpu.memory_space<vmem>>) dst(%dma_wait3A_363 : memref<128x64xf32, #tpu.memory_space<vmem_shared>>)
      tpu.yield
    }) : () -> ()
    %mul3A_89 = arith.constant 640 : i32
    %mul3A_90 = arith.muli %arg1, %mul3A_89 : i32
    %add3A_91 = arith.constant 512 : i32
    %add3A_92 = arith.addi %mul3A_90, %add3A_91 : i32
    "tpu.region"() ({
      %run_scoped3A = tpu.sem_alloc : memref<!tpu.dma_semaphore, #tpu.memory_space<semaphore_mem>>
      %dma_start3A_356 = arith.constant 0 : i32
      %dma_start3A_357 = tpu.memref_slice %arg22[%add3A_92, %dma_start3A_356] : memref<10240x16xf32, #tpu.memory_space<vmem_shared>> -> memref<128x16xf32, #tpu.memory_space<vmem_shared>>
      %dma_start3A_358 = arith.constant 0 : i32
      %dma_start3A_359 = tpu.memref_slice %arg22[%add3A_92, %dma_start3A_358] : memref<10240x16xf32, #tpu.memory_space<vmem_shared>> -> memref<128x16xf32, #tpu.memory_space<vmem_shared>>
      tpu.enqueue_dma source(%dma_start3A_359 : memref<128x16xf32, #tpu.memory_space<vmem_shared>>) target(%arg21 : memref<128x16xf32, #tpu.memory_space<vmem>>) target_semaphore(%run_scoped3A : memref<!tpu.dma_semaphore, #tpu.memory_space<semaphore_mem>>)
      %dma_wait3A_360 = arith.constant 0 : i32
      %dma_wait3A_361 = tpu.memref_slice %arg22[%add3A_92, %dma_wait3A_360] : memref<10240x16xf32, #tpu.memory_space<vmem_shared>> -> memref<128x16xf32, #tpu.memory_space<vmem_shared>>
      %dma_wait3A_362 = arith.constant 0 : i32
      %dma_wait3A_363 = tpu.memref_slice %arg22[%add3A_92, %dma_wait3A_362] : memref<10240x16xf32, #tpu.memory_space<vmem_shared>> -> memref<128x16xf32, #tpu.memory_space<vmem_shared>>
      tpu.wait_dma2 semaphore(%run_scoped3A : memref<!tpu.dma_semaphore, #tpu.memory_space<semaphore_mem>>) src(%dma_wait3A_363 : memref<128x16xf32, #tpu.memory_space<vmem_shared>>) dst(%arg21 : memref<128x16xf32, #tpu.memory_space<vmem>>)
      tpu.yield
    }) : () -> ()
    %mul3A_93 = arith.constant 64 : i32
    %mul3A_94 = arith.muli %arg0, %mul3A_93 : i32
    "tpu.region"() ({
      %run_scoped3A = tpu.sem_alloc : memref<!tpu.dma_semaphore, #tpu.memory_space<semaphore_mem>>
      %dma_start3A_356 = tpu.memref_slice %arg2[%add3A_92, %mul3A_94] : memref<10240x128xf32, #tpu.memory_space<hbm>> -> memref<128x64xf32, #tpu.memory_space<hbm>>
      %dma_start3A_357 = tpu.memref_slice %arg2[%add3A_92, %mul3A_94] : memref<10240x128xf32, #tpu.memory_space<hbm>> -> memref<128x64xf32, #tpu.memory_space<hbm>>
      tpu.enqueue_dma source(%dma_start3A_357 : memref<128x64xf32, #tpu.memory_space<hbm>>) target(%arg17 : memref<128x64xf32, #tpu.memory_space<vmem>>) target_semaphore(%run_scoped3A : memref<!tpu.dma_semaphore, #tpu.memory_space<semaphore_mem>>)
      %dma_wait3A_358 = tpu.memref_slice %arg2[%add3A_92, %mul3A_94] : memref<10240x128xf32, #tpu.memory_space<hbm>> -> memref<128x64xf32, #tpu.memory_space<hbm>>
      %dma_wait3A_359 = tpu.memref_slice %arg2[%add3A_92, %mul3A_94] : memref<10240x128xf32, #tpu.memory_space<hbm>> -> memref<128x64xf32, #tpu.memory_space<hbm>>
      tpu.wait_dma2 semaphore(%run_scoped3A : memref<!tpu.dma_semaphore, #tpu.memory_space<semaphore_mem>>) src(%dma_wait3A_359 : memref<128x64xf32, #tpu.memory_space<hbm>>) dst(%arg17 : memref<128x64xf32, #tpu.memory_space<vmem>>)
      tpu.yield
    }) : () -> ()
    %scan3A_95 = arith.constant 0 : i32
    %scan3A_96 = arith.constant 128 : i32
    %scan3A_97 = arith.addi %scan3A_95, %scan3A_96 : i32
    %scan3A_98 = arith.constant 1 : i32
    scf.for %scan3A_356 = %scan3A_95 to %scan3A_97 step %scan3A_98  : i32 {
      %mul3A_357 = arith.constant 1 : i32
      %mul3A_358 = arith.muli %scan3A_356, %mul3A_357 : i32
      %add3A_359 = arith.constant 0 : i32
      %add3A_360 = arith.addi %add3A_359, %mul3A_358 : i32
      %get3A = arith.index_cast %add3A_360 : i32 to index
      %get3A_361 = arith.constant 0 : index
      %get3A_362 = tpu.vector_load %arg21[%get3A, %get3A_361] {strides = array<i32>} : memref<128x16xf32, #tpu.memory_space<vmem>>, vector<1x16xf32>,
      %get3A_363 = vector.shape_cast %get3A_362 : vector<1x16xf32> to vector<16xf32>
      %add3A_364 = arith.constant 1.000000e+00 : f32
      %add3A_365 = vector.broadcast %add3A_364 : f32 to vector<16xf32>
      %add3A_366 = arith.addf %get3A_363, %add3A_365 : vector<16xf32>
      %bitcast_convert_type3A = tpu.bitcast %add3A_366 : vector<16xf32> -> vector<16xi32>
      %shift_right_logical3A = arith.constant 1 : i32
      %shift_right_logical3A_367 = vector.broadcast %shift_right_logical3A : i32 to vector<16xi32>
      %shift_right_logical3A_368 = arith.shrui %bitcast_convert_type3A, %shift_right_logical3A_367 : vector<16xi32>
      %sub3A = arith.constant 1597463007 : i32
      %sub3A_369 = vector.broadcast %sub3A : i32 to vector<16xi32>
      %sub3A_370 = arith.subi %sub3A_369, %shift_right_logical3A_368 : vector<16xi32>
      %bitcast_convert_type3A_371 = tpu.bitcast %sub3A_370 : vector<16xi32> -> vector<16xf32>
      %mul3A_372 = arith.constant 5.000000e-01 : f32
      %mul3A_373 = vector.broadcast %mul3A_372 : f32 to vector<16xf32>
      %mul3A_374 = arith.mulf %mul3A_373, %add3A_366 : vector<16xf32>
      %mul3A_375 = arith.mulf %mul3A_374, %bitcast_convert_type3A_371 : vector<16xf32>
      %mul3A_376 = arith.mulf %mul3A_375, %bitcast_convert_type3A_371 : vector<16xf32>
      %sub3A_377 = arith.constant 1.500000e+00 : f32
      %sub3A_378 = vector.broadcast %sub3A_377 : f32 to vector<16xf32>
      %sub3A_379 = arith.subf %sub3A_378, %mul3A_376 : vector<16xf32>
      %mul3A_380 = arith.mulf %bitcast_convert_type3A_371, %sub3A_379 : vector<16xf32>
      %mul3A_381 = arith.constant 5.000000e-01 : f32
      %mul3A_382 = vector.broadcast %mul3A_381 : f32 to vector<16xf32>
      %mul3A_383 = arith.mulf %mul3A_382, %add3A_366 : vector<16xf32>
      %mul3A_384 = arith.mulf %mul3A_383, %mul3A_380 : vector<16xf32>
      %mul3A_385 = arith.mulf %mul3A_384, %mul3A_380 : vector<16xf32>
      %sub3A_386 = arith.constant 1.500000e+00 : f32
      %sub3A_387 = vector.broadcast %sub3A_386 : f32 to vector<16xf32>
      %sub3A_388 = arith.subf %sub3A_387, %mul3A_385 : vector<16xf32>
      %mul3A_389 = arith.mulf %mul3A_380, %sub3A_388 : vector<16xf32>
      %mul3A_390 = arith.constant 5.000000e-01 : f32
      %mul3A_391 = vector.broadcast %mul3A_390 : f32 to vector<16xf32>
      %mul3A_392 = arith.mulf %mul3A_391, %add3A_366 : vector<16xf32>
      %mul3A_393 = arith.mulf %mul3A_392, %mul3A_389 : vector<16xf32>
      %mul3A_394 = arith.mulf %mul3A_393, %mul3A_389 : vector<16xf32>
      %sub3A_395 = arith.constant 1.500000e+00 : f32
      %sub3A_396 = vector.broadcast %sub3A_395 : f32 to vector<16xf32>
      %sub3A_397 = arith.subf %sub3A_396, %mul3A_394 : vector<16xf32>
      %mul3A_398 = arith.mulf %mul3A_389, %sub3A_397 : vector<16xf32>
      %get3A_399 = arith.index_cast %add3A_360 : i32 to index
      %get3A_400 = arith.constant 0 : index
      %get3A_401 = tpu.vector_load %arg17[%get3A_399, %get3A_400] {strides = array<i32>} : memref<128x64xf32, #tpu.memory_space<vmem>>, vector<1x16xf32>,
      %get3A_402 = vector.shape_cast %get3A_401 : vector<1x16xf32> to vector<16xf32>
      %mul3A_403 = arith.mulf %get3A_402, %mul3A_398 : vector<16xf32>
      %swap3A = arith.index_cast %add3A_360 : i32 to index
      %swap3A_404 = arith.constant 0 : index
      %swap3A_405 = tpu.vector_load %arg17[%swap3A, %swap3A_404] {strides = array<i32>} : memref<128x64xf32, #tpu.memory_space<vmem>>, vector<1x16xf32>,
      %swap3A_406 = vector.shape_cast %swap3A_405 : vector<1x16xf32> to vector<16xf32>
      %swap3A_407 = vector.shape_cast %mul3A_403 : vector<16xf32> to vector<1x16xf32>
      tpu.vector_store %arg17[%swap3A, %swap3A_404], %swap3A_407 {strides = array<i32>} : memref<128x64xf32, #tpu.memory_space<vmem>>, vector<1x16xf32>,
      %get3A_408 = arith.index_cast %add3A_360 : i32 to index
      %get3A_409 = arith.constant 16 : index
      %get3A_410 = tpu.vector_load %arg17[%get3A_408, %get3A_409] {strides = array<i32>} : memref<128x64xf32, #tpu.memory_space<vmem>>, vector<1x16xf32>,
      %get3A_411 = vector.shape_cast %get3A_410 : vector<1x16xf32> to vector<16xf32>
      %mul3A_412 = arith.mulf %get3A_411, %mul3A_398 : vector<16xf32>
      %swap3A_413 = arith.index_cast %add3A_360 : i32 to index
      %swap3A_414 = arith.constant 16 : index
      %swap3A_415 = tpu.vector_load %arg17[%swap3A_413, %swap3A_414] {strides = array<i32>} : memref<128x64xf32, #tpu.memory_space<vmem>>, vector<1x16xf32>,
      %swap3A_416 = vector.shape_cast %swap3A_415 : vector<1x16xf32> to vector<16xf32>
      %swap3A_417 = vector.shape_cast %mul3A_412 : vector<16xf32> to vector<1x16xf32>
      tpu.vector_store %arg17[%swap3A_413, %swap3A_414], %swap3A_417 {strides = array<i32>} : memref<128x64xf32, #tpu.memory_space<vmem>>, vector<1x16xf32>,
      %get3A_418 = arith.index_cast %add3A_360 : i32 to index
      %get3A_419 = arith.constant 32 : index
      %get3A_420 = tpu.vector_load %arg17[%get3A_418, %get3A_419] {strides = array<i32>} : memref<128x64xf32, #tpu.memory_space<vmem>>, vector<1x16xf32>,
      %get3A_421 = vector.shape_cast %get3A_420 : vector<1x16xf32> to vector<16xf32>
      %mul3A_422 = arith.mulf %get3A_421, %mul3A_398 : vector<16xf32>
      %swap3A_423 = arith.index_cast %add3A_360 : i32 to index
      %swap3A_424 = arith.constant 32 : index
      %swap3A_425 = tpu.vector_load %arg17[%swap3A_423, %swap3A_424] {strides = array<i32>} : memref<128x64xf32, #tpu.memory_space<vmem>>, vector<1x16xf32>,
      %swap3A_426 = vector.shape_cast %swap3A_425 : vector<1x16xf32> to vector<16xf32>
      %swap3A_427 = vector.shape_cast %mul3A_422 : vector<16xf32> to vector<1x16xf32>
      tpu.vector_store %arg17[%swap3A_423, %swap3A_424], %swap3A_427 {strides = array<i32>} : memref<128x64xf32, #tpu.memory_space<vmem>>, vector<1x16xf32>,
      %get3A_428 = arith.index_cast %add3A_360 : i32 to index
      %get3A_429 = arith.constant 48 : index
      %get3A_430 = tpu.vector_load %arg17[%get3A_428, %get3A_429] {strides = array<i32>} : memref<128x64xf32, #tpu.memory_space<vmem>>, vector<1x16xf32>,
      %get3A_431 = vector.shape_cast %get3A_430 : vector<1x16xf32> to vector<16xf32>
      %mul3A_432 = arith.mulf %get3A_431, %mul3A_398 : vector<16xf32>
      %swap3A_433 = arith.index_cast %add3A_360 : i32 to index
      %swap3A_434 = arith.constant 48 : index
      %swap3A_435 = tpu.vector_load %arg17[%swap3A_433, %swap3A_434] {strides = array<i32>} : memref<128x64xf32, #tpu.memory_space<vmem>>, vector<1x16xf32>,
      %swap3A_436 = vector.shape_cast %swap3A_435 : vector<1x16xf32> to vector<16xf32>
      %swap3A_437 = vector.shape_cast %mul3A_432 : vector<16xf32> to vector<1x16xf32>
      tpu.vector_store %arg17[%swap3A_433, %swap3A_434], %swap3A_437 {strides = array<i32>} : memref<128x64xf32, #tpu.memory_space<vmem>>, vector<1x16xf32>,
    }
    %scan3A_99 = arith.constant 128 : i32
    "tpu.region"() ({
      %run_scoped3A = tpu.sem_alloc : memref<!tpu.dma_semaphore, #tpu.memory_space<semaphore_mem>>
      %dma_start3A_356 = arith.constant 0 : i32
      %dma_start3A_357 = tpu.memref_slice %arg23[%add3A_92, %dma_start3A_356] : memref<10240x64xf32, #tpu.memory_space<vmem_shared>> -> memref<128x64xf32, #tpu.memory_space<vmem_shared>>
      %dma_start3A_358 = arith.constant 0 : i32
      %dma_start3A_359 = tpu.memref_slice %arg23[%add3A_92, %dma_start3A_358] : memref<10240x64xf32, #tpu.memory_space<vmem_shared>> -> memref<128x64xf32, #tpu.memory_space<vmem_shared>>
      tpu.enqueue_dma source(%arg17 : memref<128x64xf32, #tpu.memory_space<vmem>>) target(%dma_start3A_359 : memref<128x64xf32, #tpu.memory_space<vmem_shared>>) target_semaphore(%run_scoped3A : memref<!tpu.dma_semaphore, #tpu.memory_space<semaphore_mem>>)
      %dma_wait3A_360 = arith.constant 0 : i32
      %dma_wait3A_361 = tpu.memref_slice %arg23[%add3A_92, %dma_wait3A_360] : memref<10240x64xf32, #tpu.memory_space<vmem_shared>> -> memref<128x64xf32, #tpu.memory_space<vmem_shared>>
      %dma_wait3A_362 = arith.constant 0 : i32
      %dma_wait3A_363 = tpu.memref_slice %arg23[%add3A_92, %dma_wait3A_362] : memref<10240x64xf32, #tpu.memory_space<vmem_shared>> -> memref<128x64xf32, #tpu.memory_space<vmem_shared>>
      tpu.wait_dma2 semaphore(%run_scoped3A : memref<!tpu.dma_semaphore, #tpu.memory_space<semaphore_mem>>) src(%arg17 : memref<128x64xf32, #tpu.memory_space<vmem>>) dst(%dma_wait3A_363 : memref<128x64xf32, #tpu.memory_space<vmem_shared>>)
      tpu.yield
    }) : () -> ()
    "tpu.region"() ({
      %run_scoped3A = tpu.sem_alloc : memref<!tpu.dma_semaphore, #tpu.memory_space<semaphore_mem>>
      %dma_start3A_356 = arith.constant 0 : i32
      %dma_start3A_357 = tpu.memref_slice %arg24[%add3A_92, %dma_start3A_356] : memref<10240x64xf32, #tpu.memory_space<vmem_shared>> -> memref<128x64xf32, #tpu.memory_space<vmem_shared>>
      %dma_start3A_358 = arith.constant 0 : i32
      %dma_start3A_359 = tpu.memref_slice %arg24[%add3A_92, %dma_start3A_358] : memref<10240x64xf32, #tpu.memory_space<vmem_shared>> -> memref<128x64xf32, #tpu.memory_space<vmem_shared>>
      tpu.enqueue_dma source(%arg17 : memref<128x64xf32, #tpu.memory_space<vmem>>) target(%dma_start3A_359 : memref<128x64xf32, #tpu.memory_space<vmem_shared>>) target_semaphore(%run_scoped3A : memref<!tpu.dma_semaphore, #tpu.memory_space<semaphore_mem>>)
      %dma_wait3A_360 = arith.constant 0 : i32
      %dma_wait3A_361 = tpu.memref_slice %arg24[%add3A_92, %dma_wait3A_360] : memref<10240x64xf32, #tpu.memory_space<vmem_shared>> -> memref<128x64xf32, #tpu.memory_space<vmem_shared>>
      %dma_wait3A_362 = arith.constant 0 : i32
      %dma_wait3A_363 = tpu.memref_slice %arg24[%add3A_92, %dma_wait3A_362] : memref<10240x64xf32, #tpu.memory_space<vmem_shared>> -> memref<128x64xf32, #tpu.memory_space<vmem_shared>>
      tpu.wait_dma2 semaphore(%run_scoped3A : memref<!tpu.dma_semaphore, #tpu.memory_space<semaphore_mem>>) src(%arg17 : memref<128x64xf32, #tpu.memory_space<vmem>>) dst(%dma_wait3A_363 : memref<128x64xf32, #tpu.memory_space<vmem_shared>>)
      tpu.yield
    }) : () -> ()
    %barrier3A_100 = arith.constant 0 : index
    tpu.barrier barrier_id(%barrier3A_100)
    %dma_start3A_101 = arith.constant 0 : i32
    %dma_start3A_102 = arith.constant 0 : i32
    %dma_start3A_103 = tpu.memref_slice %arg3[%arg1, %dma_start3A_101, %dma_start3A_102] : memref<16x162x128xi32, #tpu.memory_space<hbm>> -> memref<1x1x128xi32, #tpu.memory_space<hbm>>
    %dma_start3A_104 = tpu.memref_squeeze %dma_start3A_103 : memref<1x1x128xi32, #tpu.memory_space<hbm>> -> memref<128xi32, #tpu.memory_space<hbm>>
    %dma_start3A_105 = arith.constant 0 : i32
    %dma_start3A_106 = tpu.memref_slice %arg3[%arg1, %dma_start3A_101, %dma_start3A_105] : memref<16x162x128xi32, #tpu.memory_space<hbm>> -> memref<1x1x128xi32, #tpu.memory_space<hbm>>
    %dma_start3A_107 = tpu.memref_squeeze %dma_start3A_106 : memref<1x1x128xi32, #tpu.memory_space<hbm>> -> memref<128xi32, #tpu.memory_space<hbm>>
    tpu.enqueue_dma source(%dma_start3A_107 : memref<128xi32, #tpu.memory_space<hbm>>) target(%arg8 : memref<128xi32, #tpu.memory_space<vmem>>) target_semaphore(%arg25 : memref<!tpu.dma_semaphore, #tpu.memory_space<semaphore_mem>>)
    %dma_start3A_108 = arith.constant 3 : i32
    %dma_start3A_109 = arith.constant 0 : i32
    %dma_start3A_110 = tpu.memref_slice %arg3[%arg1, %dma_start3A_108, %dma_start3A_109] : memref<16x162x128xi32, #tpu.memory_space<hbm>> -> memref<1x1x128xi32, #tpu.memory_space<hbm>>
    %dma_start3A_111 = tpu.memref_squeeze %dma_start3A_110 : memref<1x1x128xi32, #tpu.memory_space<hbm>> -> memref<128xi32, #tpu.memory_space<hbm>>
    %dma_start3A_112 = arith.constant 0 : i32
    %dma_start3A_113 = tpu.memref_slice %arg3[%arg1, %dma_start3A_108, %dma_start3A_112] : memref<16x162x128xi32, #tpu.memory_space<hbm>> -> memref<1x1x128xi32, #tpu.memory_space<hbm>>
    %dma_start3A_114 = tpu.memref_squeeze %dma_start3A_113 : memref<1x1x128xi32, #tpu.memory_space<hbm>> -> memref<128xi32, #tpu.memory_space<hbm>>
    tpu.enqueue_dma source(%dma_start3A_114 : memref<128xi32, #tpu.memory_space<hbm>>) target(%arg11 : memref<128xi32, #tpu.memory_space<vmem>>) target_semaphore(%arg28 : memref<!tpu.dma_semaphore, #tpu.memory_space<semaphore_mem>>)
    %dma_start3A_115 = arith.constant 0 : i32
    %dma_start3A_116 = arith.constant 0 : i32
    %dma_start3A_117 = tpu.memref_slice %arg4[%arg1, %dma_start3A_115, %dma_start3A_116] : memref<16x162x128xi32, #tpu.memory_space<hbm>> -> memref<1x1x128xi32, #tpu.memory_space<hbm>>
    %dma_start3A_118 = tpu.memref_squeeze %dma_start3A_117 : memref<1x1x128xi32, #tpu.memory_space<hbm>> -> memref<128xi32, #tpu.memory_space<hbm>>
    %dma_start3A_119 = arith.constant 0 : i32
    %dma_start3A_120 = tpu.memref_slice %arg4[%arg1, %dma_start3A_115, %dma_start3A_119] : memref<16x162x128xi32, #tpu.memory_space<hbm>> -> memref<1x1x128xi32, #tpu.memory_space<hbm>>
    %dma_start3A_121 = tpu.memref_squeeze %dma_start3A_120 : memref<1x1x128xi32, #tpu.memory_space<hbm>> -> memref<128xi32, #tpu.memory_space<hbm>>
    tpu.enqueue_dma source(%dma_start3A_121 : memref<128xi32, #tpu.memory_space<hbm>>) target(%arg14 : memref<128xi32, #tpu.memory_space<vmem>>) target_semaphore(%arg31 : memref<!tpu.dma_semaphore, #tpu.memory_space<semaphore_mem>>)
    %dma_start3A_122 = arith.constant 1 : i32
    %dma_start3A_123 = arith.constant 0 : i32
    %dma_start3A_124 = tpu.memref_slice %arg3[%arg1, %dma_start3A_122, %dma_start3A_123] : memref<16x162x128xi32, #tpu.memory_space<hbm>> -> memref<1x1x128xi32, #tpu.memory_space<hbm>>
    %dma_start3A_125 = tpu.memref_squeeze %dma_start3A_124 : memref<1x1x128xi32, #tpu.memory_space<hbm>> -> memref<128xi32, #tpu.memory_space<hbm>>
    %dma_start3A_126 = arith.constant 0 : i32
    %dma_start3A_127 = tpu.memref_slice %arg3[%arg1, %dma_start3A_122, %dma_start3A_126] : memref<16x162x128xi32, #tpu.memory_space<hbm>> -> memref<1x1x128xi32, #tpu.memory_space<hbm>>
    %dma_start3A_128 = tpu.memref_squeeze %dma_start3A_127 : memref<1x1x128xi32, #tpu.memory_space<hbm>> -> memref<128xi32, #tpu.memory_space<hbm>>
    tpu.enqueue_dma source(%dma_start3A_128 : memref<128xi32, #tpu.memory_space<hbm>>) target(%arg9 : memref<128xi32, #tpu.memory_space<vmem>>) target_semaphore(%arg26 : memref<!tpu.dma_semaphore, #tpu.memory_space<semaphore_mem>>)
    %dma_start3A_129 = arith.constant 4 : i32
    %dma_start3A_130 = arith.constant 0 : i32
    %dma_start3A_131 = tpu.memref_slice %arg3[%arg1, %dma_start3A_129, %dma_start3A_130] : memref<16x162x128xi32, #tpu.memory_space<hbm>> -> memref<1x1x128xi32, #tpu.memory_space<hbm>>
    %dma_start3A_132 = tpu.memref_squeeze %dma_start3A_131 : memref<1x1x128xi32, #tpu.memory_space<hbm>> -> memref<128xi32, #tpu.memory_space<hbm>>
    %dma_start3A_133 = arith.constant 0 : i32
    %dma_start3A_134 = tpu.memref_slice %arg3[%arg1, %dma_start3A_129, %dma_start3A_133] : memref<16x162x128xi32, #tpu.memory_space<hbm>> -> memref<1x1x128xi32, #tpu.memory_space<hbm>>
    %dma_start3A_135 = tpu.memref_squeeze %dma_start3A_134 : memref<1x1x128xi32, #tpu.memory_space<hbm>> -> memref<128xi32, #tpu.memory_space<hbm>>
    tpu.enqueue_dma source(%dma_start3A_135 : memref<128xi32, #tpu.memory_space<hbm>>) target(%arg12 : memref<128xi32, #tpu.memory_space<vmem>>) target_semaphore(%arg29 : memref<!tpu.dma_semaphore, #tpu.memory_space<semaphore_mem>>)
    %dma_start3A_136 = arith.constant 1 : i32
    %dma_start3A_137 = arith.constant 0 : i32
    %dma_start3A_138 = tpu.memref_slice %arg4[%arg1, %dma_start3A_136, %dma_start3A_137] : memref<16x162x128xi32, #tpu.memory_space<hbm>> -> memref<1x1x128xi32, #tpu.memory_space<hbm>>
    %dma_start3A_139 = tpu.memref_squeeze %dma_start3A_138 : memref<1x1x128xi32, #tpu.memory_space<hbm>> -> memref<128xi32, #tpu.memory_space<hbm>>
    %dma_start3A_140 = arith.constant 0 : i32
    %dma_start3A_141 = tpu.memref_slice %arg4[%arg1, %dma_start3A_136, %dma_start3A_140] : memref<16x162x128xi32, #tpu.memory_space<hbm>> -> memref<1x1x128xi32, #tpu.memory_space<hbm>>
    %dma_start3A_142 = tpu.memref_squeeze %dma_start3A_141 : memref<1x1x128xi32, #tpu.memory_space<hbm>> -> memref<128xi32, #tpu.memory_space<hbm>>
    tpu.enqueue_dma source(%dma_start3A_142 : memref<128xi32, #tpu.memory_space<hbm>>) target(%arg15 : memref<128xi32, #tpu.memory_space<vmem>>) target_semaphore(%arg32 : memref<!tpu.dma_semaphore, #tpu.memory_space<semaphore_mem>>)
    %dma_start3A_143 = arith.constant 2 : i32
    %dma_start3A_144 = arith.constant 0 : i32
    %dma_start3A_145 = tpu.memref_slice %arg3[%arg1, %dma_start3A_143, %dma_start3A_144] : memref<16x162x128xi32, #tpu.memory_space<hbm>> -> memref<1x1x128xi32, #tpu.memory_space<hbm>>
    %dma_start3A_146 = tpu.memref_squeeze %dma_start3A_145 : memref<1x1x128xi32, #tpu.memory_space<hbm>> -> memref<128xi32, #tpu.memory_space<hbm>>
    %dma_start3A_147 = arith.constant 0 : i32
    %dma_start3A_148 = tpu.memref_slice %arg3[%arg1, %dma_start3A_143, %dma_start3A_147] : memref<16x162x128xi32, #tpu.memory_space<hbm>> -> memref<1x1x128xi32, #tpu.memory_space<hbm>>
    %dma_start3A_149 = tpu.memref_squeeze %dma_start3A_148 : memref<1x1x128xi32, #tpu.memory_space<hbm>> -> memref<128xi32, #tpu.memory_space<hbm>>
    tpu.enqueue_dma source(%dma_start3A_149 : memref<128xi32, #tpu.memory_space<hbm>>) target(%arg10 : memref<128xi32, #tpu.memory_space<vmem>>) target_semaphore(%arg27 : memref<!tpu.dma_semaphore, #tpu.memory_space<semaphore_mem>>)
    %dma_start3A_150 = arith.constant 5 : i32
    %dma_start3A_151 = arith.constant 0 : i32
    %dma_start3A_152 = tpu.memref_slice %arg3[%arg1, %dma_start3A_150, %dma_start3A_151] : memref<16x162x128xi32, #tpu.memory_space<hbm>> -> memref<1x1x128xi32, #tpu.memory_space<hbm>>
    %dma_start3A_153 = tpu.memref_squeeze %dma_start3A_152 : memref<1x1x128xi32, #tpu.memory_space<hbm>> -> memref<128xi32, #tpu.memory_space<hbm>>
    %dma_start3A_154 = arith.constant 0 : i32
    %dma_start3A_155 = tpu.memref_slice %arg3[%arg1, %dma_start3A_150, %dma_start3A_154] : memref<16x162x128xi32, #tpu.memory_space<hbm>> -> memref<1x1x128xi32, #tpu.memory_space<hbm>>
    %dma_start3A_156 = tpu.memref_squeeze %dma_start3A_155 : memref<1x1x128xi32, #tpu.memory_space<hbm>> -> memref<128xi32, #tpu.memory_space<hbm>>
    tpu.enqueue_dma source(%dma_start3A_156 : memref<128xi32, #tpu.memory_space<hbm>>) target(%arg13 : memref<128xi32, #tpu.memory_space<vmem>>) target_semaphore(%arg30 : memref<!tpu.dma_semaphore, #tpu.memory_space<semaphore_mem>>)
    %dma_start3A_157 = arith.constant 2 : i32
    %dma_start3A_158 = arith.constant 0 : i32
    %dma_start3A_159 = tpu.memref_slice %arg4[%arg1, %dma_start3A_157, %dma_start3A_158] : memref<16x162x128xi32, #tpu.memory_space<hbm>> -> memref<1x1x128xi32, #tpu.memory_space<hbm>>
    %dma_start3A_160 = tpu.memref_squeeze %dma_start3A_159 : memref<1x1x128xi32, #tpu.memory_space<hbm>> -> memref<128xi32, #tpu.memory_space<hbm>>
    %dma_start3A_161 = arith.constant 0 : i32
    %dma_start3A_162 = tpu.memref_slice %arg4[%arg1, %dma_start3A_157, %dma_start3A_161] : memref<16x162x128xi32, #tpu.memory_space<hbm>> -> memref<1x1x128xi32, #tpu.memory_space<hbm>>
    %dma_start3A_163 = tpu.memref_squeeze %dma_start3A_162 : memref<1x1x128xi32, #tpu.memory_space<hbm>> -> memref<128xi32, #tpu.memory_space<hbm>>
    tpu.enqueue_dma source(%dma_start3A_163 : memref<128xi32, #tpu.memory_space<hbm>>) target(%arg16 : memref<128xi32, #tpu.memory_space<vmem>>) target_semaphore(%arg33 : memref<!tpu.dma_semaphore, #tpu.memory_space<semaphore_mem>>)
    %dma_wait3A_164 = arith.constant 0 : i32
    %dma_wait3A_165 = arith.constant 0 : i32
    %dma_wait3A_166 = tpu.memref_slice %arg3[%arg1, %dma_wait3A_164, %dma_wait3A_165] : memref<16x162x128xi32, #tpu.memory_space<hbm>> -> memref<1x1x128xi32, #tpu.memory_space<hbm>>
    %dma_wait3A_167 = tpu.memref_squeeze %dma_wait3A_166 : memref<1x1x128xi32, #tpu.memory_space<hbm>> -> memref<128xi32, #tpu.memory_space<hbm>>
    %dma_wait3A_168 = arith.constant 0 : i32
    %dma_wait3A_169 = tpu.memref_slice %arg3[%arg1, %dma_wait3A_164, %dma_wait3A_168] : memref<16x162x128xi32, #tpu.memory_space<hbm>> -> memref<1x1x128xi32, #tpu.memory_space<hbm>>
    %dma_wait3A_170 = tpu.memref_squeeze %dma_wait3A_169 : memref<1x1x128xi32, #tpu.memory_space<hbm>> -> memref<128xi32, #tpu.memory_space<hbm>>
    tpu.wait_dma2 semaphore(%arg25 : memref<!tpu.dma_semaphore, #tpu.memory_space<semaphore_mem>>) src(%dma_wait3A_170 : memref<128xi32, #tpu.memory_space<hbm>>) dst(%arg8 : memref<128xi32, #tpu.memory_space<vmem>>)
    %dma_start3A_171 = arith.constant 0 : i32
    %dma_start3A_172 = arith.constant 0 : i32
    %dma_start3A_173 = tpu.memref_slice %arg23[%dma_start3A_171, %dma_start3A_172] : memref<10240x64xf32, #tpu.memory_space<vmem_shared>> -> memref<10240x64xf32, #tpu.memory_space<vmem_shared>>
    tpu.enqueue_indirect_dma source(%dma_start3A_173 : memref<10240x64xf32, #tpu.memory_space<vmem_shared>>) target(%arg17 : memref<128x64xf32, #tpu.memory_space<vmem>>) offsets(%arg8 : memref<128xi32, #tpu.memory_space<vmem>>) semaphore(%arg34 : memref<!tpu.dma_semaphore, #tpu.memory_space<semaphore_mem>>)
    %dma_wait3A_174 = arith.constant 0 : i32
    %dma_wait3A_175 = arith.constant 0 : i32
    %dma_wait3A_176 = tpu.memref_slice %arg3[%arg1, %dma_wait3A_174, %dma_wait3A_175] : memref<16x162x128xi32, #tpu.memory_space<hbm>> -> memref<1x1x128xi32, #tpu.memory_space<hbm>>
    %dma_wait3A_177 = tpu.memref_squeeze %dma_wait3A_176 : memref<1x1x128xi32, #tpu.memory_space<hbm>> -> memref<128xi32, #tpu.memory_space<hbm>>
    %dma_wait3A_178 = arith.constant 0 : i32
    %dma_wait3A_179 = tpu.memref_slice %arg3[%arg1, %dma_wait3A_174, %dma_wait3A_178] : memref<16x162x128xi32, #tpu.memory_space<hbm>> -> memref<1x1x128xi32, #tpu.memory_space<hbm>>
    %dma_wait3A_180 = tpu.memref_squeeze %dma_wait3A_179 : memref<1x1x128xi32, #tpu.memory_space<hbm>> -> memref<128xi32, #tpu.memory_space<hbm>>
    tpu.wait_dma2 semaphore(%arg26 : memref<!tpu.dma_semaphore, #tpu.memory_space<semaphore_mem>>) src(%dma_wait3A_180 : memref<128xi32, #tpu.memory_space<hbm>>) dst(%arg9 : memref<128xi32, #tpu.memory_space<vmem>>)
    %dma_start3A_181 = arith.constant 0 : i32
    %dma_start3A_182 = arith.constant 0 : i32
    %dma_start3A_183 = tpu.memref_slice %arg23[%dma_start3A_181, %dma_start3A_182] : memref<10240x64xf32, #tpu.memory_space<vmem_shared>> -> memref<10240x64xf32, #tpu.memory_space<vmem_shared>>
    tpu.enqueue_indirect_dma source(%dma_start3A_183 : memref<10240x64xf32, #tpu.memory_space<vmem_shared>>) target(%arg18 : memref<128x64xf32, #tpu.memory_space<vmem>>) offsets(%arg9 : memref<128xi32, #tpu.memory_space<vmem>>) semaphore(%arg35 : memref<!tpu.dma_semaphore, #tpu.memory_space<semaphore_mem>>)
    %dma_wait3A_184 = arith.constant 0 : i32
    %dma_wait3A_185 = arith.constant 0 : i32
    %dma_wait3A_186 = tpu.memref_slice %arg3[%arg1, %dma_wait3A_184, %dma_wait3A_185] : memref<16x162x128xi32, #tpu.memory_space<hbm>> -> memref<1x1x128xi32, #tpu.memory_space<hbm>>
    %dma_wait3A_187 = tpu.memref_squeeze %dma_wait3A_186 : memref<1x1x128xi32, #tpu.memory_space<hbm>> -> memref<128xi32, #tpu.memory_space<hbm>>
    %dma_wait3A_188 = arith.constant 0 : i32
    %dma_wait3A_189 = tpu.memref_slice %arg3[%arg1, %dma_wait3A_184, %dma_wait3A_188] : memref<16x162x128xi32, #tpu.memory_space<hbm>> -> memref<1x1x128xi32, #tpu.memory_space<hbm>>
    %dma_wait3A_190 = tpu.memref_squeeze %dma_wait3A_189 : memref<1x1x128xi32, #tpu.memory_space<hbm>> -> memref<128xi32, #tpu.memory_space<hbm>>
    tpu.wait_dma2 semaphore(%arg27 : memref<!tpu.dma_semaphore, #tpu.memory_space<semaphore_mem>>) src(%dma_wait3A_190 : memref<128xi32, #tpu.memory_space<hbm>>) dst(%arg10 : memref<128xi32, #tpu.memory_space<vmem>>)
    %dma_start3A_191 = arith.constant 0 : i32
    %dma_start3A_192 = arith.constant 0 : i32
    %dma_start3A_193 = tpu.memref_slice %arg23[%dma_start3A_191, %dma_start3A_192] : memref<10240x64xf32, #tpu.memory_space<vmem_shared>> -> memref<10240x64xf32, #tpu.memory_space<vmem_shared>>
    tpu.enqueue_indirect_dma source(%dma_start3A_193 : memref<10240x64xf32, #tpu.memory_space<vmem_shared>>) target(%arg19 : memref<128x64xf32, #tpu.memory_space<vmem>>) offsets(%arg10 : memref<128xi32, #tpu.memory_space<vmem>>) semaphore(%arg36 : memref<!tpu.dma_semaphore, #tpu.memory_space<semaphore_mem>>)
    %scan3A_194 = arith.constant 0 : i32
    %scan3A_195 = arith.constant 26 : i32
    %scan3A_196 = arith.addi %scan3A_194, %scan3A_195 : i32
    %scan3A_197 = arith.constant 1 : i32
    scf.for %scan3A_356 = %scan3A_194 to %scan3A_196 step %scan3A_197  : i32 {
      %mul3A_357 = arith.constant 6 : i32
      %mul3A_358 = arith.muli %scan3A_356, %mul3A_357 : i32
      %add3A_359 = arith.constant 0 : i32
      %add3A_360 = arith.addi %add3A_359, %mul3A_358 : i32
      %add3A_361 = arith.constant 3 : i32
      %add3A_362 = arith.addi %add3A_360, %add3A_361 : i32
      %add3A_363 = arith.constant 6 : i32
      %add3A_364 = arith.addi %add3A_360, %add3A_363 : i32
      %dma_wait3A_365 = arith.constant 0 : i32
      %dma_wait3A_366 = arith.constant 0 : i32
      %dma_wait3A_367 = tpu.memref_slice %arg4[%arg1, %dma_wait3A_365, %dma_wait3A_366] : memref<16x162x128xi32, #tpu.memory_space<hbm>> -> memref<1x1x128xi32, #tpu.memory_space<hbm>>
      %dma_wait3A_368 = tpu.memref_squeeze %dma_wait3A_367 : memref<1x1x128xi32, #tpu.memory_space<hbm>> -> memref<128xi32, #tpu.memory_space<hbm>>
      %dma_wait3A_369 = arith.constant 0 : i32
      %dma_wait3A_370 = tpu.memref_slice %arg4[%arg1, %dma_wait3A_365, %dma_wait3A_369] : memref<16x162x128xi32, #tpu.memory_space<hbm>> -> memref<1x1x128xi32, #tpu.memory_space<hbm>>
      %dma_wait3A_371 = tpu.memref_squeeze %dma_wait3A_370 : memref<1x1x128xi32, #tpu.memory_space<hbm>> -> memref<128xi32, #tpu.memory_space<hbm>>
      tpu.wait_dma2 semaphore(%arg31 : memref<!tpu.dma_semaphore, #tpu.memory_space<semaphore_mem>>) src(%dma_wait3A_371 : memref<128xi32, #tpu.memory_space<hbm>>) dst(%arg14 : memref<128xi32, #tpu.memory_space<vmem>>)
      %dma_wait3A_372 = arith.constant 0 : i32
      %dma_wait3A_373 = arith.constant 0 : i32
      %dma_wait3A_374 = tpu.memref_slice %arg23[%dma_wait3A_372, %dma_wait3A_373] : memref<10240x64xf32, #tpu.memory_space<vmem_shared>> -> memref<10240x64xf32, #tpu.memory_space<vmem_shared>>
      tpu.wait_indirect_dma semaphore(%arg34 : memref<!tpu.dma_semaphore, #tpu.memory_space<semaphore_mem>>) src(%dma_wait3A_374 : memref<10240x64xf32, #tpu.memory_space<vmem_shared>>) dst(%arg17 : memref<128x64xf32, #tpu.memory_space<vmem>>)
      "tpu.region"() ({
        %run_scoped3A = tpu.sem_alloc : memref<!tpu.dma_semaphore, #tpu.memory_space<semaphore_mem>>
        %dma_start3A_607 = arith.constant 0 : i32
        %dma_start3A_608 = arith.constant 0 : i32
        %dma_start3A_609 = tpu.memref_slice %arg24[%dma_start3A_607, %dma_start3A_608] : memref<10240x64xf32, #tpu.memory_space<vmem_shared>> -> memref<10240x64xf32, #tpu.memory_space<vmem_shared>>
        tpu.enqueue_indirect_dma source(%arg17 : memref<128x64xf32, #tpu.memory_space<vmem>>) target(%dma_start3A_609 : memref<10240x64xf32, #tpu.memory_space<vmem_shared>>) offsets(%arg14 : memref<128xi32, #tpu.memory_space<vmem>>) semaphore(%run_scoped3A : memref<!tpu.dma_semaphore, #tpu.memory_space<semaphore_mem>>) {add = true}
        %dma_wait3A_610 = arith.constant 0 : i32
        %dma_wait3A_611 = arith.constant 0 : i32
        %dma_wait3A_612 = tpu.memref_slice %arg24[%dma_wait3A_610, %dma_wait3A_611] : memref<10240x64xf32, #tpu.memory_space<vmem_shared>> -> memref<10240x64xf32, #tpu.memory_space<vmem_shared>>
        tpu.wait_indirect_dma semaphore(%run_scoped3A : memref<!tpu.dma_semaphore, #tpu.memory_space<semaphore_mem>>) src(%arg17 : memref<128x64xf32, #tpu.memory_space<vmem>>) dst(%dma_wait3A_612 : memref<10240x64xf32, #tpu.memory_space<vmem_shared>>)
        tpu.yield
      }) : () -> ()
      %add3A_375 = arith.constant 0 : i32
      %add3A_376 = arith.addi %add3A_362, %add3A_375 : i32
      %dma_start3A_377 = arith.constant 0 : i32
      %dma_start3A_378 = tpu.memref_slice %arg4[%arg1, %add3A_376, %dma_start3A_377] : memref<16x162x128xi32, #tpu.memory_space<hbm>> -> memref<1x1x128xi32, #tpu.memory_space<hbm>>
      %dma_start3A_379 = tpu.memref_squeeze %dma_start3A_378 : memref<1x1x128xi32, #tpu.memory_space<hbm>> -> memref<128xi32, #tpu.memory_space<hbm>>
      %dma_start3A_380 = arith.constant 0 : i32
      %dma_start3A_381 = tpu.memref_slice %arg4[%arg1, %add3A_376, %dma_start3A_380] : memref<16x162x128xi32, #tpu.memory_space<hbm>> -> memref<1x1x128xi32, #tpu.memory_space<hbm>>
      %dma_start3A_382 = tpu.memref_squeeze %dma_start3A_381 : memref<1x1x128xi32, #tpu.memory_space<hbm>> -> memref<128xi32, #tpu.memory_space<hbm>>
      tpu.enqueue_dma source(%dma_start3A_382 : memref<128xi32, #tpu.memory_space<hbm>>) target(%arg14 : memref<128xi32, #tpu.memory_space<vmem>>) target_semaphore(%arg31 : memref<!tpu.dma_semaphore, #tpu.memory_space<semaphore_mem>>)
      %dma_wait3A_383 = arith.constant 0 : i32
      %dma_wait3A_384 = arith.constant 0 : i32
      %dma_wait3A_385 = tpu.memref_slice %arg3[%arg1, %dma_wait3A_383, %dma_wait3A_384] : memref<16x162x128xi32, #tpu.memory_space<hbm>> -> memref<1x1x128xi32, #tpu.memory_space<hbm>>
      %dma_wait3A_386 = tpu.memref_squeeze %dma_wait3A_385 : memref<1x1x128xi32, #tpu.memory_space<hbm>> -> memref<128xi32, #tpu.memory_space<hbm>>
      %dma_wait3A_387 = arith.constant 0 : i32
      %dma_wait3A_388 = tpu.memref_slice %arg3[%arg1, %dma_wait3A_383, %dma_wait3A_387] : memref<16x162x128xi32, #tpu.memory_space<hbm>> -> memref<1x1x128xi32, #tpu.memory_space<hbm>>
      %dma_wait3A_389 = tpu.memref_squeeze %dma_wait3A_388 : memref<1x1x128xi32, #tpu.memory_space<hbm>> -> memref<128xi32, #tpu.memory_space<hbm>>
      tpu.wait_dma2 semaphore(%arg28 : memref<!tpu.dma_semaphore, #tpu.memory_space<semaphore_mem>>) src(%dma_wait3A_389 : memref<128xi32, #tpu.memory_space<hbm>>) dst(%arg11 : memref<128xi32, #tpu.memory_space<vmem>>)
      %dma_start3A_390 = arith.constant 0 : i32
      %dma_start3A_391 = arith.constant 0 : i32
      %dma_start3A_392 = tpu.memref_slice %arg23[%dma_start3A_390, %dma_start3A_391] : memref<10240x64xf32, #tpu.memory_space<vmem_shared>> -> memref<10240x64xf32, #tpu.memory_space<vmem_shared>>
      tpu.enqueue_indirect_dma source(%dma_start3A_392 : memref<10240x64xf32, #tpu.memory_space<vmem_shared>>) target(%arg17 : memref<128x64xf32, #tpu.memory_space<vmem>>) offsets(%arg11 : memref<128xi32, #tpu.memory_space<vmem>>) semaphore(%arg34 : memref<!tpu.dma_semaphore, #tpu.memory_space<semaphore_mem>>)
      %add3A_393 = arith.constant 0 : i32
      %add3A_394 = arith.addi %add3A_364, %add3A_393 : i32
      %dma_start3A_395 = arith.constant 0 : i32
      %dma_start3A_396 = tpu.memref_slice %arg3[%arg1, %add3A_394, %dma_start3A_395] : memref<16x162x128xi32, #tpu.memory_space<hbm>> -> memref<1x1x128xi32, #tpu.memory_space<hbm>>
      %dma_start3A_397 = tpu.memref_squeeze %dma_start3A_396 : memref<1x1x128xi32, #tpu.memory_space<hbm>> -> memref<128xi32, #tpu.memory_space<hbm>>
      %dma_start3A_398 = arith.constant 0 : i32
      %dma_start3A_399 = tpu.memref_slice %arg3[%arg1, %add3A_394, %dma_start3A_398] : memref<16x162x128xi32, #tpu.memory_space<hbm>> -> memref<1x1x128xi32, #tpu.memory_space<hbm>>
      %dma_start3A_400 = tpu.memref_squeeze %dma_start3A_399 : memref<1x1x128xi32, #tpu.memory_space<hbm>> -> memref<128xi32, #tpu.memory_space<hbm>>
      tpu.enqueue_dma source(%dma_start3A_400 : memref<128xi32, #tpu.memory_space<hbm>>) target(%arg8 : memref<128xi32, #tpu.memory_space<vmem>>) target_semaphore(%arg25 : memref<!tpu.dma_semaphore, #tpu.memory_space<semaphore_mem>>)
      %add3A_401 = arith.constant 3 : i32
      %add3A_402 = arith.addi %add3A_360, %add3A_401 : i32
      %add3A_403 = arith.constant 6 : i32
      %add3A_404 = arith.addi %add3A_360, %add3A_403 : i32
      %dma_wait3A_405 = arith.constant 0 : i32
      %dma_wait3A_406 = arith.constant 0 : i32
      %dma_wait3A_407 = tpu.memref_slice %arg4[%arg1, %dma_wait3A_405, %dma_wait3A_406] : memref<16x162x128xi32, #tpu.memory_space<hbm>> -> memref<1x1x128xi32, #tpu.memory_space<hbm>>
      %dma_wait3A_408 = tpu.memref_squeeze %dma_wait3A_407 : memref<1x1x128xi32, #tpu.memory_space<hbm>> -> memref<128xi32, #tpu.memory_space<hbm>>
      %dma_wait3A_409 = arith.constant 0 : i32
      %dma_wait3A_410 = tpu.memref_slice %arg4[%arg1, %dma_wait3A_405, %dma_wait3A_409] : memref<16x162x128xi32, #tpu.memory_space<hbm>> -> memref<1x1x128xi32, #tpu.memory_space<hbm>>
      %dma_wait3A_411 = tpu.memref_squeeze %dma_wait3A_410 : memref<1x1x128xi32, #tpu.memory_space<hbm>> -> memref<128xi32, #tpu.memory_space<hbm>>
      tpu.wait_dma2 semaphore(%arg32 : memref<!tpu.dma_semaphore, #tpu.memory_space<semaphore_mem>>) src(%dma_wait3A_411 : memref<128xi32, #tpu.memory_space<hbm>>) dst(%arg15 : memref<128xi32, #tpu.memory_space<vmem>>)
      %dma_wait3A_412 = arith.constant 0 : i32
      %dma_wait3A_413 = arith.constant 0 : i32
      %dma_wait3A_414 = tpu.memref_slice %arg23[%dma_wait3A_412, %dma_wait3A_413] : memref<10240x64xf32, #tpu.memory_space<vmem_shared>> -> memref<10240x64xf32, #tpu.memory_space<vmem_shared>>
      tpu.wait_indirect_dma semaphore(%arg35 : memref<!tpu.dma_semaphore, #tpu.memory_space<semaphore_mem>>) src(%dma_wait3A_414 : memref<10240x64xf32, #tpu.memory_space<vmem_shared>>) dst(%arg18 : memref<128x64xf32, #tpu.memory_space<vmem>>)
      "tpu.region"() ({
        %run_scoped3A = tpu.sem_alloc : memref<!tpu.dma_semaphore, #tpu.memory_space<semaphore_mem>>
        %dma_start3A_607 = arith.constant 0 : i32
        %dma_start3A_608 = arith.constant 0 : i32
        %dma_start3A_609 = tpu.memref_slice %arg24[%dma_start3A_607, %dma_start3A_608] : memref<10240x64xf32, #tpu.memory_space<vmem_shared>> -> memref<10240x64xf32, #tpu.memory_space<vmem_shared>>
        tpu.enqueue_indirect_dma source(%arg18 : memref<128x64xf32, #tpu.memory_space<vmem>>) target(%dma_start3A_609 : memref<10240x64xf32, #tpu.memory_space<vmem_shared>>) offsets(%arg15 : memref<128xi32, #tpu.memory_space<vmem>>) semaphore(%run_scoped3A : memref<!tpu.dma_semaphore, #tpu.memory_space<semaphore_mem>>) {add = true}
        %dma_wait3A_610 = arith.constant 0 : i32
        %dma_wait3A_611 = arith.constant 0 : i32
        %dma_wait3A_612 = tpu.memref_slice %arg24[%dma_wait3A_610, %dma_wait3A_611] : memref<10240x64xf32, #tpu.memory_space<vmem_shared>> -> memref<10240x64xf32, #tpu.memory_space<vmem_shared>>
        tpu.wait_indirect_dma semaphore(%run_scoped3A : memref<!tpu.dma_semaphore, #tpu.memory_space<semaphore_mem>>) src(%arg18 : memref<128x64xf32, #tpu.memory_space<vmem>>) dst(%dma_wait3A_612 : memref<10240x64xf32, #tpu.memory_space<vmem_shared>>)
        tpu.yield
      }) : () -> ()
      %add3A_415 = arith.constant 1 : i32
      %add3A_416 = arith.addi %add3A_402, %add3A_415 : i32
      %dma_start3A_417 = arith.constant 0 : i32
      %dma_start3A_418 = tpu.memref_slice %arg4[%arg1, %add3A_416, %dma_start3A_417] : memref<16x162x128xi32, #tpu.memory_space<hbm>> -> memref<1x1x128xi32, #tpu.memory_space<hbm>>
      %dma_start3A_419 = tpu.memref_squeeze %dma_start3A_418 : memref<1x1x128xi32, #tpu.memory_space<hbm>> -> memref<128xi32, #tpu.memory_space<hbm>>
      %dma_start3A_420 = arith.constant 0 : i32
      %dma_start3A_421 = tpu.memref_slice %arg4[%arg1, %add3A_416, %dma_start3A_420] : memref<16x162x128xi32, #tpu.memory_space<hbm>> -> memref<1x1x128xi32, #tpu.memory_space<hbm>>
      %dma_start3A_422 = tpu.memref_squeeze %dma_start3A_421 : memref<1x1x128xi32, #tpu.memory_space<hbm>> -> memref<128xi32, #tpu.memory_space<hbm>>
      tpu.enqueue_dma source(%dma_start3A_422 : memref<128xi32, #tpu.memory_space<hbm>>) target(%arg15 : memref<128xi32, #tpu.memory_space<vmem>>) target_semaphore(%arg32 : memref<!tpu.dma_semaphore, #tpu.memory_space<semaphore_mem>>)
      %dma_wait3A_423 = arith.constant 0 : i32
      %dma_wait3A_424 = arith.constant 0 : i32
      %dma_wait3A_425 = tpu.memref_slice %arg3[%arg1, %dma_wait3A_423, %dma_wait3A_424] : memref<16x162x128xi32, #tpu.memory_space<hbm>> -> memref<1x1x128xi32, #tpu.memory_space<hbm>>
      %dma_wait3A_426 = tpu.memref_squeeze %dma_wait3A_425 : memref<1x1x128xi32, #tpu.memory_space<hbm>> -> memref<128xi32, #tpu.memory_space<hbm>>
      %dma_wait3A_427 = arith.constant 0 : i32
      %dma_wait3A_428 = tpu.memref_slice %arg3[%arg1, %dma_wait3A_423, %dma_wait3A_427] : memref<16x162x128xi32, #tpu.memory_space<hbm>> -> memref<1x1x128xi32, #tpu.memory_space<hbm>>
      %dma_wait3A_429 = tpu.memref_squeeze %dma_wait3A_428 : memref<1x1x128xi32, #tpu.memory_space<hbm>> -> memref<128xi32, #tpu.memory_space<hbm>>
      tpu.wait_dma2 semaphore(%arg29 : memref<!tpu.dma_semaphore, #tpu.memory_space<semaphore_mem>>) src(%dma_wait3A_429 : memref<128xi32, #tpu.memory_space<hbm>>) dst(%arg12 : memref<128xi32, #tpu.memory_space<vmem>>)
      %dma_start3A_430 = arith.constant 0 : i32
      %dma_start3A_431 = arith.constant 0 : i32
      %dma_start3A_432 = tpu.memref_slice %arg23[%dma_start3A_430, %dma_start3A_431] : memref<10240x64xf32, #tpu.memory_space<vmem_shared>> -> memref<10240x64xf32, #tpu.memory_space<vmem_shared>>
      tpu.enqueue_indirect_dma source(%dma_start3A_432 : memref<10240x64xf32, #tpu.memory_space<vmem_shared>>) target(%arg18 : memref<128x64xf32, #tpu.memory_space<vmem>>) offsets(%arg12 : memref<128xi32, #tpu.memory_space<vmem>>) semaphore(%arg35 : memref<!tpu.dma_semaphore, #tpu.memory_space<semaphore_mem>>)
      %add3A_433 = arith.constant 1 : i32
      %add3A_434 = arith.addi %add3A_404, %add3A_433 : i32
      %dma_start3A_435 = arith.constant 0 : i32
      %dma_start3A_436 = tpu.memref_slice %arg3[%arg1, %add3A_434, %dma_start3A_435] : memref<16x162x128xi32, #tpu.memory_space<hbm>> -> memref<1x1x128xi32, #tpu.memory_space<hbm>>
      %dma_start3A_437 = tpu.memref_squeeze %dma_start3A_436 : memref<1x1x128xi32, #tpu.memory_space<hbm>> -> memref<128xi32, #tpu.memory_space<hbm>>
      %dma_start3A_438 = arith.constant 0 : i32
      %dma_start3A_439 = tpu.memref_slice %arg3[%arg1, %add3A_434, %dma_start3A_438] : memref<16x162x128xi32, #tpu.memory_space<hbm>> -> memref<1x1x128xi32, #tpu.memory_space<hbm>>
      %dma_start3A_440 = tpu.memref_squeeze %dma_start3A_439 : memref<1x1x128xi32, #tpu.memory_space<hbm>> -> memref<128xi32, #tpu.memory_space<hbm>>
      tpu.enqueue_dma source(%dma_start3A_440 : memref<128xi32, #tpu.memory_space<hbm>>) target(%arg9 : memref<128xi32, #tpu.memory_space<vmem>>) target_semaphore(%arg26 : memref<!tpu.dma_semaphore, #tpu.memory_space<semaphore_mem>>)
      %add3A_441 = arith.constant 3 : i32
      %add3A_442 = arith.addi %add3A_360, %add3A_441 : i32
      %add3A_443 = arith.constant 6 : i32
      %add3A_444 = arith.addi %add3A_360, %add3A_443 : i32
      %dma_wait3A_445 = arith.constant 0 : i32
      %dma_wait3A_446 = arith.constant 0 : i32
      %dma_wait3A_447 = tpu.memref_slice %arg4[%arg1, %dma_wait3A_445, %dma_wait3A_446] : memref<16x162x128xi32, #tpu.memory_space<hbm>> -> memref<1x1x128xi32, #tpu.memory_space<hbm>>
      %dma_wait3A_448 = tpu.memref_squeeze %dma_wait3A_447 : memref<1x1x128xi32, #tpu.memory_space<hbm>> -> memref<128xi32, #tpu.memory_space<hbm>>
      %dma_wait3A_449 = arith.constant 0 : i32
      %dma_wait3A_450 = tpu.memref_slice %arg4[%arg1, %dma_wait3A_445, %dma_wait3A_449] : memref<16x162x128xi32, #tpu.memory_space<hbm>> -> memref<1x1x128xi32, #tpu.memory_space<hbm>>
      %dma_wait3A_451 = tpu.memref_squeeze %dma_wait3A_450 : memref<1x1x128xi32, #tpu.memory_space<hbm>> -> memref<128xi32, #tpu.memory_space<hbm>>
      tpu.wait_dma2 semaphore(%arg33 : memref<!tpu.dma_semaphore, #tpu.memory_space<semaphore_mem>>) src(%dma_wait3A_451 : memref<128xi32, #tpu.memory_space<hbm>>) dst(%arg16 : memref<128xi32, #tpu.memory_space<vmem>>)
      %dma_wait3A_452 = arith.constant 0 : i32
      %dma_wait3A_453 = arith.constant 0 : i32
      %dma_wait3A_454 = tpu.memref_slice %arg23[%dma_wait3A_452, %dma_wait3A_453] : memref<10240x64xf32, #tpu.memory_space<vmem_shared>> -> memref<10240x64xf32, #tpu.memory_space<vmem_shared>>
      tpu.wait_indirect_dma semaphore(%arg36 : memref<!tpu.dma_semaphore, #tpu.memory_space<semaphore_mem>>) src(%dma_wait3A_454 : memref<10240x64xf32, #tpu.memory_space<vmem_shared>>) dst(%arg19 : memref<128x64xf32, #tpu.memory_space<vmem>>)
      "tpu.region"() ({
        %run_scoped3A = tpu.sem_alloc : memref<!tpu.dma_semaphore, #tpu.memory_space<semaphore_mem>>
        %dma_start3A_607 = arith.constant 0 : i32
        %dma_start3A_608 = arith.constant 0 : i32
        %dma_start3A_609 = tpu.memref_slice %arg24[%dma_start3A_607, %dma_start3A_608] : memref<10240x64xf32, #tpu.memory_space<vmem_shared>> -> memref<10240x64xf32, #tpu.memory_space<vmem_shared>>
        tpu.enqueue_indirect_dma source(%arg19 : memref<128x64xf32, #tpu.memory_space<vmem>>) target(%dma_start3A_609 : memref<10240x64xf32, #tpu.memory_space<vmem_shared>>) offsets(%arg16 : memref<128xi32, #tpu.memory_space<vmem>>) semaphore(%run_scoped3A : memref<!tpu.dma_semaphore, #tpu.memory_space<semaphore_mem>>) {add = true}
        %dma_wait3A_610 = arith.constant 0 : i32
        %dma_wait3A_611 = arith.constant 0 : i32
        %dma_wait3A_612 = tpu.memref_slice %arg24[%dma_wait3A_610, %dma_wait3A_611] : memref<10240x64xf32, #tpu.memory_space<vmem_shared>> -> memref<10240x64xf32, #tpu.memory_space<vmem_shared>>
        tpu.wait_indirect_dma semaphore(%run_scoped3A : memref<!tpu.dma_semaphore, #tpu.memory_space<semaphore_mem>>) src(%arg19 : memref<128x64xf32, #tpu.memory_space<vmem>>) dst(%dma_wait3A_612 : memref<10240x64xf32, #tpu.memory_space<vmem_shared>>)
        tpu.yield
      }) : () -> ()
      %add3A_455 = arith.constant 2 : i32
      %add3A_456 = arith.addi %add3A_442, %add3A_455 : i32
      %dma_start3A_457 = arith.constant 0 : i32
      %dma_start3A_458 = tpu.memref_slice %arg4[%arg1, %add3A_456, %dma_start3A_457] : memref<16x162x128xi32, #tpu.memory_space<hbm>> -> memref<1x1x128xi32, #tpu.memory_space<hbm>>
      %dma_start3A_459 = tpu.memref_squeeze %dma_start3A_458 : memref<1x1x128xi32, #tpu.memory_space<hbm>> -> memref<128xi32, #tpu.memory_space<hbm>>
      %dma_start3A_460 = arith.constant 0 : i32
      %dma_start3A_461 = tpu.memref_slice %arg4[%arg1, %add3A_456, %dma_start3A_460] : memref<16x162x128xi32, #tpu.memory_space<hbm>> -> memref<1x1x128xi32, #tpu.memory_space<hbm>>
      %dma_start3A_462 = tpu.memref_squeeze %dma_start3A_461 : memref<1x1x128xi32, #tpu.memory_space<hbm>> -> memref<128xi32, #tpu.memory_space<hbm>>
      tpu.enqueue_dma source(%dma_start3A_462 : memref<128xi32, #tpu.memory_space<hbm>>) target(%arg16 : memref<128xi32, #tpu.memory_space<vmem>>) target_semaphore(%arg33 : memref<!tpu.dma_semaphore, #tpu.memory_space<semaphore_mem>>)
      %dma_wait3A_463 = arith.constant 0 : i32
      %dma_wait3A_464 = arith.constant 0 : i32
      %dma_wait3A_465 = tpu.memref_slice %arg3[%arg1, %dma_wait3A_463, %dma_wait3A_464] : memref<16x162x128xi32, #tpu.memory_space<hbm>> -> memref<1x1x128xi32, #tpu.memory_space<hbm>>
      %dma_wait3A_466 = tpu.memref_squeeze %dma_wait3A_465 : memref<1x1x128xi32, #tpu.memory_space<hbm>> -> memref<128xi32, #tpu.memory_space<hbm>>
      %dma_wait3A_467 = arith.constant 0 : i32
      %dma_wait3A_468 = tpu.memref_slice %arg3[%arg1, %dma_wait3A_463, %dma_wait3A_467] : memref<16x162x128xi32, #tpu.memory_space<hbm>> -> memref<1x1x128xi32, #tpu.memory_space<hbm>>
      %dma_wait3A_469 = tpu.memref_squeeze %dma_wait3A_468 : memref<1x1x128xi32, #tpu.memory_space<hbm>> -> memref<128xi32, #tpu.memory_space<hbm>>
      tpu.wait_dma2 semaphore(%arg30 : memref<!tpu.dma_semaphore, #tpu.memory_space<semaphore_mem>>) src(%dma_wait3A_469 : memref<128xi32, #tpu.memory_space<hbm>>) dst(%arg13 : memref<128xi32, #tpu.memory_space<vmem>>)
      %dma_start3A_470 = arith.constant 0 : i32
      %dma_start3A_471 = arith.constant 0 : i32
      %dma_start3A_472 = tpu.memref_slice %arg23[%dma_start3A_470, %dma_start3A_471] : memref<10240x64xf32, #tpu.memory_space<vmem_shared>> -> memref<10240x64xf32, #tpu.memory_space<vmem_shared>>
      tpu.enqueue_indirect_dma source(%dma_start3A_472 : memref<10240x64xf32, #tpu.memory_space<vmem_shared>>) target(%arg19 : memref<128x64xf32, #tpu.memory_space<vmem>>) offsets(%arg13 : memref<128xi32, #tpu.memory_space<vmem>>) semaphore(%arg36 : memref<!tpu.dma_semaphore, #tpu.memory_space<semaphore_mem>>)
      %add3A_473 = arith.constant 2 : i32
      %add3A_474 = arith.addi %add3A_444, %add3A_473 : i32
      %dma_start3A_475 = arith.constant 0 : i32
      %dma_start3A_476 = tpu.memref_slice %arg3[%arg1, %add3A_474, %dma_start3A_475] : memref<16x162x128xi32, #tpu.memory_space<hbm>> -> memref<1x1x128xi32, #tpu.memory_space<hbm>>
      %dma_start3A_477 = tpu.memref_squeeze %dma_start3A_476 : memref<1x1x128xi32, #tpu.memory_space<hbm>> -> memref<128xi32, #tpu.memory_space<hbm>>
      %dma_start3A_478 = arith.constant 0 : i32
      %dma_start3A_479 = tpu.memref_slice %arg3[%arg1, %add3A_474, %dma_start3A_478] : memref<16x162x128xi32, #tpu.memory_space<hbm>> -> memref<1x1x128xi32, #tpu.memory_space<hbm>>
      %dma_start3A_480 = tpu.memref_squeeze %dma_start3A_479 : memref<1x1x128xi32, #tpu.memory_space<hbm>> -> memref<128xi32, #tpu.memory_space<hbm>>
      tpu.enqueue_dma source(%dma_start3A_480 : memref<128xi32, #tpu.memory_space<hbm>>) target(%arg10 : memref<128xi32, #tpu.memory_space<vmem>>) target_semaphore(%arg27 : memref<!tpu.dma_semaphore, #tpu.memory_space<semaphore_mem>>)
      %add3A_481 = arith.constant 3 : i32
      %add3A_482 = arith.addi %add3A_360, %add3A_481 : i32
      %add3A_483 = arith.constant 6 : i32
      %add3A_484 = arith.addi %add3A_360, %add3A_483 : i32
      %add3A_485 = arith.constant 9 : i32
      %add3A_486 = arith.addi %add3A_360, %add3A_485 : i32
      %dma_wait3A_487 = arith.constant 0 : i32
      %dma_wait3A_488 = arith.constant 0 : i32
      %dma_wait3A_489 = tpu.memref_slice %arg4[%arg1, %dma_wait3A_487, %dma_wait3A_488] : memref<16x162x128xi32, #tpu.memory_space<hbm>> -> memref<1x1x128xi32, #tpu.memory_space<hbm>>
      %dma_wait3A_490 = tpu.memref_squeeze %dma_wait3A_489 : memref<1x1x128xi32, #tpu.memory_space<hbm>> -> memref<128xi32, #tpu.memory_space<hbm>>
      %dma_wait3A_491 = arith.constant 0 : i32
      %dma_wait3A_492 = tpu.memref_slice %arg4[%arg1, %dma_wait3A_487, %dma_wait3A_491] : memref<16x162x128xi32, #tpu.memory_space<hbm>> -> memref<1x1x128xi32, #tpu.memory_space<hbm>>
      %dma_wait3A_493 = tpu.memref_squeeze %dma_wait3A_492 : memref<1x1x128xi32, #tpu.memory_space<hbm>> -> memref<128xi32, #tpu.memory_space<hbm>>
      tpu.wait_dma2 semaphore(%arg31 : memref<!tpu.dma_semaphore, #tpu.memory_space<semaphore_mem>>) src(%dma_wait3A_493 : memref<128xi32, #tpu.memory_space<hbm>>) dst(%arg14 : memref<128xi32, #tpu.memory_space<vmem>>)
      %dma_wait3A_494 = arith.constant 0 : i32
      %dma_wait3A_495 = arith.constant 0 : i32
      %dma_wait3A_496 = tpu.memref_slice %arg23[%dma_wait3A_494, %dma_wait3A_495] : memref<10240x64xf32, #tpu.memory_space<vmem_shared>> -> memref<10240x64xf32, #tpu.memory_space<vmem_shared>>
      tpu.wait_indirect_dma semaphore(%arg34 : memref<!tpu.dma_semaphore, #tpu.memory_space<semaphore_mem>>) src(%dma_wait3A_496 : memref<10240x64xf32, #tpu.memory_space<vmem_shared>>) dst(%arg17 : memref<128x64xf32, #tpu.memory_space<vmem>>)
      "tpu.region"() ({
        %run_scoped3A = tpu.sem_alloc : memref<!tpu.dma_semaphore, #tpu.memory_space<semaphore_mem>>
        %dma_start3A_607 = arith.constant 0 : i32
        %dma_start3A_608 = arith.constant 0 : i32
        %dma_start3A_609 = tpu.memref_slice %arg24[%dma_start3A_607, %dma_start3A_608] : memref<10240x64xf32, #tpu.memory_space<vmem_shared>> -> memref<10240x64xf32, #tpu.memory_space<vmem_shared>>
        tpu.enqueue_indirect_dma source(%arg17 : memref<128x64xf32, #tpu.memory_space<vmem>>) target(%dma_start3A_609 : memref<10240x64xf32, #tpu.memory_space<vmem_shared>>) offsets(%arg14 : memref<128xi32, #tpu.memory_space<vmem>>) semaphore(%run_scoped3A : memref<!tpu.dma_semaphore, #tpu.memory_space<semaphore_mem>>) {add = true}
        %dma_wait3A_610 = arith.constant 0 : i32
        %dma_wait3A_611 = arith.constant 0 : i32
        %dma_wait3A_612 = tpu.memref_slice %arg24[%dma_wait3A_610, %dma_wait3A_611] : memref<10240x64xf32, #tpu.memory_space<vmem_shared>> -> memref<10240x64xf32, #tpu.memory_space<vmem_shared>>
        tpu.wait_indirect_dma semaphore(%run_scoped3A : memref<!tpu.dma_semaphore, #tpu.memory_space<semaphore_mem>>) src(%arg17 : memref<128x64xf32, #tpu.memory_space<vmem>>) dst(%dma_wait3A_612 : memref<10240x64xf32, #tpu.memory_space<vmem_shared>>)
        tpu.yield
      }) : () -> ()
      %add3A_497 = arith.constant 0 : i32
      %add3A_498 = arith.addi %add3A_484, %add3A_497 : i32
      %dma_start3A_499 = arith.constant 0 : i32
      %dma_start3A_500 = tpu.memref_slice %arg4[%arg1, %add3A_498, %dma_start3A_499] : memref<16x162x128xi32, #tpu.memory_space<hbm>> -> memref<1x1x128xi32, #tpu.memory_space<hbm>>
      %dma_start3A_501 = tpu.memref_squeeze %dma_start3A_500 : memref<1x1x128xi32, #tpu.memory_space<hbm>> -> memref<128xi32, #tpu.memory_space<hbm>>
      %dma_start3A_502 = arith.constant 0 : i32
      %dma_start3A_503 = tpu.memref_slice %arg4[%arg1, %add3A_498, %dma_start3A_502] : memref<16x162x128xi32, #tpu.memory_space<hbm>> -> memref<1x1x128xi32, #tpu.memory_space<hbm>>
      %dma_start3A_504 = tpu.memref_squeeze %dma_start3A_503 : memref<1x1x128xi32, #tpu.memory_space<hbm>> -> memref<128xi32, #tpu.memory_space<hbm>>
      tpu.enqueue_dma source(%dma_start3A_504 : memref<128xi32, #tpu.memory_space<hbm>>) target(%arg14 : memref<128xi32, #tpu.memory_space<vmem>>) target_semaphore(%arg31 : memref<!tpu.dma_semaphore, #tpu.memory_space<semaphore_mem>>)
      %dma_wait3A_505 = arith.constant 0 : i32
      %dma_wait3A_506 = arith.constant 0 : i32
      %dma_wait3A_507 = tpu.memref_slice %arg3[%arg1, %dma_wait3A_505, %dma_wait3A_506] : memref<16x162x128xi32, #tpu.memory_space<hbm>> -> memref<1x1x128xi32, #tpu.memory_space<hbm>>
      %dma_wait3A_508 = tpu.memref_squeeze %dma_wait3A_507 : memref<1x1x128xi32, #tpu.memory_space<hbm>> -> memref<128xi32, #tpu.memory_space<hbm>>
      %dma_wait3A_509 = arith.constant 0 : i32
      %dma_wait3A_510 = tpu.memref_slice %arg3[%arg1, %dma_wait3A_505, %dma_wait3A_509] : memref<16x162x128xi32, #tpu.memory_space<hbm>> -> memref<1x1x128xi32, #tpu.memory_space<hbm>>
      %dma_wait3A_511 = tpu.memref_squeeze %dma_wait3A_510 : memref<1x1x128xi32, #tpu.memory_space<hbm>> -> memref<128xi32, #tpu.memory_space<hbm>>
      tpu.wait_dma2 semaphore(%arg25 : memref<!tpu.dma_semaphore, #tpu.memory_space<semaphore_mem>>) src(%dma_wait3A_511 : memref<128xi32, #tpu.memory_space<hbm>>) dst(%arg8 : memref<128xi32, #tpu.memory_space<vmem>>)
      %dma_start3A_512 = arith.constant 0 : i32
      %dma_start3A_513 = arith.constant 0 : i32
      %dma_start3A_514 = tpu.memref_slice %arg23[%dma_start3A_512, %dma_start3A_513] : memref<10240x64xf32, #tpu.memory_space<vmem_shared>> -> memref<10240x64xf32, #tpu.memory_space<vmem_shared>>
      tpu.enqueue_indirect_dma source(%dma_start3A_514 : memref<10240x64xf32, #tpu.memory_space<vmem_shared>>) target(%arg17 : memref<128x64xf32, #tpu.memory_space<vmem>>) offsets(%arg8 : memref<128xi32, #tpu.memory_space<vmem>>) semaphore(%arg34 : memref<!tpu.dma_semaphore, #tpu.memory_space<semaphore_mem>>)
      %add3A_515 = arith.constant 0 : i32
      %add3A_516 = arith.addi %add3A_486, %add3A_515 : i32
      %dma_start3A_517 = arith.constant 0 : i32
      %dma_start3A_518 = tpu.memref_slice %arg3[%arg1, %add3A_516, %dma_start3A_517] : memref<16x162x128xi32, #tpu.memory_space<hbm>> -> memref<1x1x128xi32, #tpu.memory_space<hbm>>
      %dma_start3A_519 = tpu.memref_squeeze %dma_start3A_518 : memref<1x1x128xi32, #tpu.memory_space<hbm>> -> memref<128xi32, #tpu.memory_space<hbm>>
      %dma_start3A_520 = arith.constant 0 : i32
      %dma_start3A_521 = tpu.memref_slice %arg3[%arg1, %add3A_516, %dma_start3A_520] : memref<16x162x128xi32, #tpu.memory_space<hbm>> -> memref<1x1x128xi32, #tpu.memory_space<hbm>>
      %dma_start3A_522 = tpu.memref_squeeze %dma_start3A_521 : memref<1x1x128xi32, #tpu.memory_space<hbm>> -> memref<128xi32, #tpu.memory_space<hbm>>
      tpu.enqueue_dma source(%dma_start3A_522 : memref<128xi32, #tpu.memory_space<hbm>>) target(%arg11 : memref<128xi32, #tpu.memory_space<vmem>>) target_semaphore(%arg28 : memref<!tpu.dma_semaphore, #tpu.memory_space<semaphore_mem>>)
      %add3A_523 = arith.constant 3 : i32
      %add3A_524 = arith.addi %add3A_360, %add3A_523 : i32
      %add3A_525 = arith.constant 6 : i32
      %add3A_526 = arith.addi %add3A_360, %add3A_525 : i32
      %add3A_527 = arith.constant 9 : i32
      %add3A_528 = arith.addi %add3A_360, %add3A_527 : i32
      %dma_wait3A_529 = arith.constant 0 : i32
      %dma_wait3A_530 = arith.constant 0 : i32
      %dma_wait3A_531 = tpu.memref_slice %arg4[%arg1, %dma_wait3A_529, %dma_wait3A_530] : memref<16x162x128xi32, #tpu.memory_space<hbm>> -> memref<1x1x128xi32, #tpu.memory_space<hbm>>
      %dma_wait3A_532 = tpu.memref_squeeze %dma_wait3A_531 : memref<1x1x128xi32, #tpu.memory_space<hbm>> -> memref<128xi32, #tpu.memory_space<hbm>>
      %dma_wait3A_533 = arith.constant 0 : i32
      %dma_wait3A_534 = tpu.memref_slice %arg4[%arg1, %dma_wait3A_529, %dma_wait3A_533] : memref<16x162x128xi32, #tpu.memory_space<hbm>> -> memref<1x1x128xi32, #tpu.memory_space<hbm>>
      %dma_wait3A_535 = tpu.memref_squeeze %dma_wait3A_534 : memref<1x1x128xi32, #tpu.memory_space<hbm>> -> memref<128xi32, #tpu.memory_space<hbm>>
      tpu.wait_dma2 semaphore(%arg32 : memref<!tpu.dma_semaphore, #tpu.memory_space<semaphore_mem>>) src(%dma_wait3A_535 : memref<128xi32, #tpu.memory_space<hbm>>) dst(%arg15 : memref<128xi32, #tpu.memory_space<vmem>>)
      %dma_wait3A_536 = arith.constant 0 : i32
      %dma_wait3A_537 = arith.constant 0 : i32
      %dma_wait3A_538 = tpu.memref_slice %arg23[%dma_wait3A_536, %dma_wait3A_537] : memref<10240x64xf32, #tpu.memory_space<vmem_shared>> -> memref<10240x64xf32, #tpu.memory_space<vmem_shared>>
      tpu.wait_indirect_dma semaphore(%arg35 : memref<!tpu.dma_semaphore, #tpu.memory_space<semaphore_mem>>) src(%dma_wait3A_538 : memref<10240x64xf32, #tpu.memory_space<vmem_shared>>) dst(%arg18 : memref<128x64xf32, #tpu.memory_space<vmem>>)
      "tpu.region"() ({
        %run_scoped3A = tpu.sem_alloc : memref<!tpu.dma_semaphore, #tpu.memory_space<semaphore_mem>>
        %dma_start3A_607 = arith.constant 0 : i32
        %dma_start3A_608 = arith.constant 0 : i32
        %dma_start3A_609 = tpu.memref_slice %arg24[%dma_start3A_607, %dma_start3A_608] : memref<10240x64xf32, #tpu.memory_space<vmem_shared>> -> memref<10240x64xf32, #tpu.memory_space<vmem_shared>>
        tpu.enqueue_indirect_dma source(%arg18 : memref<128x64xf32, #tpu.memory_space<vmem>>) target(%dma_start3A_609 : memref<10240x64xf32, #tpu.memory_space<vmem_shared>>) offsets(%arg15 : memref<128xi32, #tpu.memory_space<vmem>>) semaphore(%run_scoped3A : memref<!tpu.dma_semaphore, #tpu.memory_space<semaphore_mem>>) {add = true}
        %dma_wait3A_610 = arith.constant 0 : i32
        %dma_wait3A_611 = arith.constant 0 : i32
        %dma_wait3A_612 = tpu.memref_slice %arg24[%dma_wait3A_610, %dma_wait3A_611] : memref<10240x64xf32, #tpu.memory_space<vmem_shared>> -> memref<10240x64xf32, #tpu.memory_space<vmem_shared>>
        tpu.wait_indirect_dma semaphore(%run_scoped3A : memref<!tpu.dma_semaphore, #tpu.memory_space<semaphore_mem>>) src(%arg18 : memref<128x64xf32, #tpu.memory_space<vmem>>) dst(%dma_wait3A_612 : memref<10240x64xf32, #tpu.memory_space<vmem_shared>>)
        tpu.yield
      }) : () -> ()
      %add3A_539 = arith.constant 1 : i32
      %add3A_540 = arith.addi %add3A_526, %add3A_539 : i32
      %dma_start3A_541 = arith.constant 0 : i32
      %dma_start3A_542 = tpu.memref_slice %arg4[%arg1, %add3A_540, %dma_start3A_541] : memref<16x162x128xi32, #tpu.memory_space<hbm>> -> memref<1x1x128xi32, #tpu.memory_space<hbm>>
      %dma_start3A_543 = tpu.memref_squeeze %dma_start3A_542 : memref<1x1x128xi32, #tpu.memory_space<hbm>> -> memref<128xi32, #tpu.memory_space<hbm>>
      %dma_start3A_544 = arith.constant 0 : i32
      %dma_start3A_545 = tpu.memref_slice %arg4[%arg1, %add3A_540, %dma_start3A_544] : memref<16x162x128xi32, #tpu.memory_space<hbm>> -> memref<1x1x128xi32, #tpu.memory_space<hbm>>
      %dma_start3A_546 = tpu.memref_squeeze %dma_start3A_545 : memref<1x1x128xi32, #tpu.memory_space<hbm>> -> memref<128xi32, #tpu.memory_space<hbm>>
      tpu.enqueue_dma source(%dma_start3A_546 : memref<128xi32, #tpu.memory_space<hbm>>) target(%arg15 : memref<128xi32, #tpu.memory_space<vmem>>) target_semaphore(%arg32 : memref<!tpu.dma_semaphore, #tpu.memory_space<semaphore_mem>>)
      %dma_wait3A_547 = arith.constant 0 : i32
      %dma_wait3A_548 = arith.constant 0 : i32
      %dma_wait3A_549 = tpu.memref_slice %arg3[%arg1, %dma_wait3A_547, %dma_wait3A_548] : memref<16x162x128xi32, #tpu.memory_space<hbm>> -> memref<1x1x128xi32, #tpu.memory_space<hbm>>
      %dma_wait3A_550 = tpu.memref_squeeze %dma_wait3A_549 : memref<1x1x128xi32, #tpu.memory_space<hbm>> -> memref<128xi32, #tpu.memory_space<hbm>>
      %dma_wait3A_551 = arith.constant 0 : i32
      %dma_wait3A_552 = tpu.memref_slice %arg3[%arg1, %dma_wait3A_547, %dma_wait3A_551] : memref<16x162x128xi32, #tpu.memory_space<hbm>> -> memref<1x1x128xi32, #tpu.memory_space<hbm>>
      %dma_wait3A_553 = tpu.memref_squeeze %dma_wait3A_552 : memref<1x1x128xi32, #tpu.memory_space<hbm>> -> memref<128xi32, #tpu.memory_space<hbm>>
      tpu.wait_dma2 semaphore(%arg26 : memref<!tpu.dma_semaphore, #tpu.memory_space<semaphore_mem>>) src(%dma_wait3A_553 : memref<128xi32, #tpu.memory_space<hbm>>) dst(%arg9 : memref<128xi32, #tpu.memory_space<vmem>>)
      %dma_start3A_554 = arith.constant 0 : i32
      %dma_start3A_555 = arith.constant 0 : i32
      %dma_start3A_556 = tpu.memref_slice %arg23[%dma_start3A_554, %dma_start3A_555] : memref<10240x64xf32, #tpu.memory_space<vmem_shared>> -> memref<10240x64xf32, #tpu.memory_space<vmem_shared>>
      tpu.enqueue_indirect_dma source(%dma_start3A_556 : memref<10240x64xf32, #tpu.memory_space<vmem_shared>>) target(%arg18 : memref<128x64xf32, #tpu.memory_space<vmem>>) offsets(%arg9 : memref<128xi32, #tpu.memory_space<vmem>>) semaphore(%arg35 : memref<!tpu.dma_semaphore, #tpu.memory_space<semaphore_mem>>)
      %add3A_557 = arith.constant 1 : i32
      %add3A_558 = arith.addi %add3A_528, %add3A_557 : i32
      %dma_start3A_559 = arith.constant 0 : i32
      %dma_start3A_560 = tpu.memref_slice %arg3[%arg1, %add3A_558, %dma_start3A_559] : memref<16x162x128xi32, #tpu.memory_space<hbm>> -> memref<1x1x128xi32, #tpu.memory_space<hbm>>
      %dma_start3A_561 = tpu.memref_squeeze %dma_start3A_560 : memref<1x1x128xi32, #tpu.memory_space<hbm>> -> memref<128xi32, #tpu.memory_space<hbm>>
      %dma_start3A_562 = arith.constant 0 : i32
      %dma_start3A_563 = tpu.memref_slice %arg3[%arg1, %add3A_558, %dma_start3A_562] : memref<16x162x128xi32, #tpu.memory_space<hbm>> -> memref<1x1x128xi32, #tpu.memory_space<hbm>>
      %dma_start3A_564 = tpu.memref_squeeze %dma_start3A_563 : memref<1x1x128xi32, #tpu.memory_space<hbm>> -> memref<128xi32, #tpu.memory_space<hbm>>
      tpu.enqueue_dma source(%dma_start3A_564 : memref<128xi32, #tpu.memory_space<hbm>>) target(%arg12 : memref<128xi32, #tpu.memory_space<vmem>>) target_semaphore(%arg29 : memref<!tpu.dma_semaphore, #tpu.memory_space<semaphore_mem>>)
      %add3A_565 = arith.constant 3 : i32
      %add3A_566 = arith.addi %add3A_360, %add3A_565 : i32
      %add3A_567 = arith.constant 6 : i32
      %add3A_568 = arith.addi %add3A_360, %add3A_567 : i32
      %add3A_569 = arith.constant 9 : i32
      %add3A_570 = arith.addi %add3A_360, %add3A_569 : i32
      %dma_wait3A_571 = arith.constant 0 : i32
      %dma_wait3A_572 = arith.constant 0 : i32
      %dma_wait3A_573 = tpu.memref_slice %arg4[%arg1, %dma_wait3A_571, %dma_wait3A_572] : memref<16x162x128xi32, #tpu.memory_space<hbm>> -> memref<1x1x128xi32, #tpu.memory_space<hbm>>
      %dma_wait3A_574 = tpu.memref_squeeze %dma_wait3A_573 : memref<1x1x128xi32, #tpu.memory_space<hbm>> -> memref<128xi32, #tpu.memory_space<hbm>>
      %dma_wait3A_575 = arith.constant 0 : i32
      %dma_wait3A_576 = tpu.memref_slice %arg4[%arg1, %dma_wait3A_571, %dma_wait3A_575] : memref<16x162x128xi32, #tpu.memory_space<hbm>> -> memref<1x1x128xi32, #tpu.memory_space<hbm>>
      %dma_wait3A_577 = tpu.memref_squeeze %dma_wait3A_576 : memref<1x1x128xi32, #tpu.memory_space<hbm>> -> memref<128xi32, #tpu.memory_space<hbm>>
      tpu.wait_dma2 semaphore(%arg33 : memref<!tpu.dma_semaphore, #tpu.memory_space<semaphore_mem>>) src(%dma_wait3A_577 : memref<128xi32, #tpu.memory_space<hbm>>) dst(%arg16 : memref<128xi32, #tpu.memory_space<vmem>>)
      %dma_wait3A_578 = arith.constant 0 : i32
      %dma_wait3A_579 = arith.constant 0 : i32
      %dma_wait3A_580 = tpu.memref_slice %arg23[%dma_wait3A_578, %dma_wait3A_579] : memref<10240x64xf32, #tpu.memory_space<vmem_shared>> -> memref<10240x64xf32, #tpu.memory_space<vmem_shared>>
      tpu.wait_indirect_dma semaphore(%arg36 : memref<!tpu.dma_semaphore, #tpu.memory_space<semaphore_mem>>) src(%dma_wait3A_580 : memref<10240x64xf32, #tpu.memory_space<vmem_shared>>) dst(%arg19 : memref<128x64xf32, #tpu.memory_space<vmem>>)
      "tpu.region"() ({
        %run_scoped3A = tpu.sem_alloc : memref<!tpu.dma_semaphore, #tpu.memory_space<semaphore_mem>>
        %dma_start3A_607 = arith.constant 0 : i32
        %dma_start3A_608 = arith.constant 0 : i32
        %dma_start3A_609 = tpu.memref_slice %arg24[%dma_start3A_607, %dma_start3A_608] : memref<10240x64xf32, #tpu.memory_space<vmem_shared>> -> memref<10240x64xf32, #tpu.memory_space<vmem_shared>>
        tpu.enqueue_indirect_dma source(%arg19 : memref<128x64xf32, #tpu.memory_space<vmem>>) target(%dma_start3A_609 : memref<10240x64xf32, #tpu.memory_space<vmem_shared>>) offsets(%arg16 : memref<128xi32, #tpu.memory_space<vmem>>) semaphore(%run_scoped3A : memref<!tpu.dma_semaphore, #tpu.memory_space<semaphore_mem>>) {add = true}
        %dma_wait3A_610 = arith.constant 0 : i32
        %dma_wait3A_611 = arith.constant 0 : i32
        %dma_wait3A_612 = tpu.memref_slice %arg24[%dma_wait3A_610, %dma_wait3A_611] : memref<10240x64xf32, #tpu.memory_space<vmem_shared>> -> memref<10240x64xf32, #tpu.memory_space<vmem_shared>>
        tpu.wait_indirect_dma semaphore(%run_scoped3A : memref<!tpu.dma_semaphore, #tpu.memory_space<semaphore_mem>>) src(%arg19 : memref<128x64xf32, #tpu.memory_space<vmem>>) dst(%dma_wait3A_612 : memref<10240x64xf32, #tpu.memory_space<vmem_shared>>)
        tpu.yield
      }) : () -> ()
      %add3A_581 = arith.constant 2 : i32
      %add3A_582 = arith.addi %add3A_568, %add3A_581 : i32
      %dma_start3A_583 = arith.constant 0 : i32
      %dma_start3A_584 = tpu.memref_slice %arg4[%arg1, %add3A_582, %dma_start3A_583] : memref<16x162x128xi32, #tpu.memory_space<hbm>> -> memref<1x1x128xi32, #tpu.memory_space<hbm>>
      %dma_start3A_585 = tpu.memref_squeeze %dma_start3A_584 : memref<1x1x128xi32, #tpu.memory_space<hbm>> -> memref<128xi32, #tpu.memory_space<hbm>>
      %dma_start3A_586 = arith.constant 0 : i32
      %dma_start3A_587 = tpu.memref_slice %arg4[%arg1, %add3A_582, %dma_start3A_586] : memref<16x162x128xi32, #tpu.memory_space<hbm>> -> memref<1x1x128xi32, #tpu.memory_space<hbm>>
      %dma_start3A_588 = tpu.memref_squeeze %dma_start3A_587 : memref<1x1x128xi32, #tpu.memory_space<hbm>> -> memref<128xi32, #tpu.memory_space<hbm>>
      tpu.enqueue_dma source(%dma_start3A_588 : memref<128xi32, #tpu.memory_space<hbm>>) target(%arg16 : memref<128xi32, #tpu.memory_space<vmem>>) target_semaphore(%arg33 : memref<!tpu.dma_semaphore, #tpu.memory_space<semaphore_mem>>)
      %dma_wait3A_589 = arith.constant 0 : i32
      %dma_wait3A_590 = arith.constant 0 : i32
      %dma_wait3A_591 = tpu.memref_slice %arg3[%arg1, %dma_wait3A_589, %dma_wait3A_590] : memref<16x162x128xi32, #tpu.memory_space<hbm>> -> memref<1x1x128xi32, #tpu.memory_space<hbm>>
      %dma_wait3A_592 = tpu.memref_squeeze %dma_wait3A_591 : memref<1x1x128xi32, #tpu.memory_space<hbm>> -> memref<128xi32, #tpu.memory_space<hbm>>
      %dma_wait3A_593 = arith.constant 0 : i32
      %dma_wait3A_594 = tpu.memref_slice %arg3[%arg1, %dma_wait3A_589, %dma_wait3A_593] : memref<16x162x128xi32, #tpu.memory_space<hbm>> -> memref<1x1x128xi32, #tpu.memory_space<hbm>>
      %dma_wait3A_595 = tpu.memref_squeeze %dma_wait3A_594 : memref<1x1x128xi32, #tpu.memory_space<hbm>> -> memref<128xi32, #tpu.memory_space<hbm>>
      tpu.wait_dma2 semaphore(%arg27 : memref<!tpu.dma_semaphore, #tpu.memory_space<semaphore_mem>>) src(%dma_wait3A_595 : memref<128xi32, #tpu.memory_space<hbm>>) dst(%arg10 : memref<128xi32, #tpu.memory_space<vmem>>)
      %dma_start3A_596 = arith.constant 0 : i32
      %dma_start3A_597 = arith.constant 0 : i32
      %dma_start3A_598 = tpu.memref_slice %arg23[%dma_start3A_596, %dma_start3A_597] : memref<10240x64xf32, #tpu.memory_space<vmem_shared>> -> memref<10240x64xf32, #tpu.memory_space<vmem_shared>>
      tpu.enqueue_indirect_dma source(%dma_start3A_598 : memref<10240x64xf32, #tpu.memory_space<vmem_shared>>) target(%arg19 : memref<128x64xf32, #tpu.memory_space<vmem>>) offsets(%arg10 : memref<128xi32, #tpu.memory_space<vmem>>) semaphore(%arg36 : memref<!tpu.dma_semaphore, #tpu.memory_space<semaphore_mem>>)
      %add3A_599 = arith.constant 2 : i32
      %add3A_600 = arith.addi %add3A_570, %add3A_599 : i32
      %dma_start3A_601 = arith.constant 0 : i32
      %dma_start3A_602 = tpu.memref_slice %arg3[%arg1, %add3A_600, %dma_start3A_601] : memref<16x162x128xi32, #tpu.memory_space<hbm>> -> memref<1x1x128xi32, #tpu.memory_space<hbm>>
      %dma_start3A_603 = tpu.memref_squeeze %dma_start3A_602 : memref<1x1x128xi32, #tpu.memory_space<hbm>> -> memref<128xi32, #tpu.memory_space<hbm>>
      %dma_start3A_604 = arith.constant 0 : i32
      %dma_start3A_605 = tpu.memref_slice %arg3[%arg1, %add3A_600, %dma_start3A_604] : memref<16x162x128xi32, #tpu.memory_space<hbm>> -> memref<1x1x128xi32, #tpu.memory_space<hbm>>
      %dma_start3A_606 = tpu.memref_squeeze %dma_start3A_605 : memref<1x1x128xi32, #tpu.memory_space<hbm>> -> memref<128xi32, #tpu.memory_space<hbm>>
      tpu.enqueue_dma source(%dma_start3A_606 : memref<128xi32, #tpu.memory_space<hbm>>) target(%arg13 : memref<128xi32, #tpu.memory_space<vmem>>) target_semaphore(%arg30 : memref<!tpu.dma_semaphore, #tpu.memory_space<semaphore_mem>>)
    }
    %scan3A_198 = arith.constant 26 : i32
    %dma_wait3A_199 = arith.constant 0 : i32
    %dma_wait3A_200 = arith.constant 0 : i32
    %dma_wait3A_201 = tpu.memref_slice %arg4[%arg1, %dma_wait3A_199, %dma_wait3A_200] : memref<16x162x128xi32, #tpu.memory_space<hbm>> -> memref<1x1x128xi32, #tpu.memory_space<hbm>>
    %dma_wait3A_202 = tpu.memref_squeeze %dma_wait3A_201 : memref<1x1x128xi32, #tpu.memory_space<hbm>> -> memref<128xi32, #tpu.memory_space<hbm>>
    %dma_wait3A_203 = arith.constant 0 : i32
    %dma_wait3A_204 = tpu.memref_slice %arg4[%arg1, %dma_wait3A_199, %dma_wait3A_203] : memref<16x162x128xi32, #tpu.memory_space<hbm>> -> memref<1x1x128xi32, #tpu.memory_space<hbm>>
    %dma_wait3A_205 = tpu.memref_squeeze %dma_wait3A_204 : memref<1x1x128xi32, #tpu.memory_space<hbm>> -> memref<128xi32, #tpu.memory_space<hbm>>
    tpu.wait_dma2 semaphore(%arg31 : memref<!tpu.dma_semaphore, #tpu.memory_space<semaphore_mem>>) src(%dma_wait3A_205 : memref<128xi32, #tpu.memory_space<hbm>>) dst(%arg14 : memref<128xi32, #tpu.memory_space<vmem>>)
    %dma_wait3A_206 = arith.constant 0 : i32
    %dma_wait3A_207 = arith.constant 0 : i32
    %dma_wait3A_208 = tpu.memref_slice %arg23[%dma_wait3A_206, %dma_wait3A_207] : memref<10240x64xf32, #tpu.memory_space<vmem_shared>> -> memref<10240x64xf32, #tpu.memory_space<vmem_shared>>
    tpu.wait_indirect_dma semaphore(%arg34 : memref<!tpu.dma_semaphore, #tpu.memory_space<semaphore_mem>>) src(%dma_wait3A_208 : memref<10240x64xf32, #tpu.memory_space<vmem_shared>>) dst(%arg17 : memref<128x64xf32, #tpu.memory_space<vmem>>)
    "tpu.region"() ({
      %run_scoped3A = tpu.sem_alloc : memref<!tpu.dma_semaphore, #tpu.memory_space<semaphore_mem>>
      %dma_start3A_356 = arith.constant 0 : i32
      %dma_start3A_357 = arith.constant 0 : i32
      %dma_start3A_358 = tpu.memref_slice %arg24[%dma_start3A_356, %dma_start3A_357] : memref<10240x64xf32, #tpu.memory_space<vmem_shared>> -> memref<10240x64xf32, #tpu.memory_space<vmem_shared>>
      tpu.enqueue_indirect_dma source(%arg17 : memref<128x64xf32, #tpu.memory_space<vmem>>) target(%dma_start3A_358 : memref<10240x64xf32, #tpu.memory_space<vmem_shared>>) offsets(%arg14 : memref<128xi32, #tpu.memory_space<vmem>>) semaphore(%run_scoped3A : memref<!tpu.dma_semaphore, #tpu.memory_space<semaphore_mem>>) {add = true}
      %dma_wait3A_359 = arith.constant 0 : i32
      %dma_wait3A_360 = arith.constant 0 : i32
      %dma_wait3A_361 = tpu.memref_slice %arg24[%dma_wait3A_359, %dma_wait3A_360] : memref<10240x64xf32, #tpu.memory_space<vmem_shared>> -> memref<10240x64xf32, #tpu.memory_space<vmem_shared>>
      tpu.wait_indirect_dma semaphore(%run_scoped3A : memref<!tpu.dma_semaphore, #tpu.memory_space<semaphore_mem>>) src(%arg17 : memref<128x64xf32, #tpu.memory_space<vmem>>) dst(%dma_wait3A_361 : memref<10240x64xf32, #tpu.memory_space<vmem_shared>>)
      tpu.yield
    }) : () -> ()
    %dma_start3A_209 = arith.constant 159 : i32
    %dma_start3A_210 = arith.constant 0 : i32
    %dma_start3A_211 = tpu.memref_slice %arg4[%arg1, %dma_start3A_209, %dma_start3A_210] : memref<16x162x128xi32, #tpu.memory_space<hbm>> -> memref<1x1x128xi32, #tpu.memory_space<hbm>>
    %dma_start3A_212 = tpu.memref_squeeze %dma_start3A_211 : memref<1x1x128xi32, #tpu.memory_space<hbm>> -> memref<128xi32, #tpu.memory_space<hbm>>
    %dma_start3A_213 = arith.constant 0 : i32
    %dma_start3A_214 = tpu.memref_slice %arg4[%arg1, %dma_start3A_209, %dma_start3A_213] : memref<16x162x128xi32, #tpu.memory_space<hbm>> -> memref<1x1x128xi32, #tpu.memory_space<hbm>>
    %dma_start3A_215 = tpu.memref_squeeze %dma_start3A_214 : memref<1x1x128xi32, #tpu.memory_space<hbm>> -> memref<128xi32, #tpu.memory_space<hbm>>
    tpu.enqueue_dma source(%dma_start3A_215 : memref<128xi32, #tpu.memory_space<hbm>>) target(%arg14 : memref<128xi32, #tpu.memory_space<vmem>>) target_semaphore(%arg31 : memref<!tpu.dma_semaphore, #tpu.memory_space<semaphore_mem>>)
    %dma_wait3A_216 = arith.constant 0 : i32
    %dma_wait3A_217 = arith.constant 0 : i32
    %dma_wait3A_218 = tpu.memref_slice %arg3[%arg1, %dma_wait3A_216, %dma_wait3A_217] : memref<16x162x128xi32, #tpu.memory_space<hbm>> -> memref<1x1x128xi32, #tpu.memory_space<hbm>>
    %dma_wait3A_219 = tpu.memref_squeeze %dma_wait3A_218 : memref<1x1x128xi32, #tpu.memory_space<hbm>> -> memref<128xi32, #tpu.memory_space<hbm>>
    %dma_wait3A_220 = arith.constant 0 : i32
    %dma_wait3A_221 = tpu.memref_slice %arg3[%arg1, %dma_wait3A_216, %dma_wait3A_220] : memref<16x162x128xi32, #tpu.memory_space<hbm>> -> memref<1x1x128xi32, #tpu.memory_space<hbm>>
    %dma_wait3A_222 = tpu.memref_squeeze %dma_wait3A_221 : memref<1x1x128xi32, #tpu.memory_space<hbm>> -> memref<128xi32, #tpu.memory_space<hbm>>
    tpu.wait_dma2 semaphore(%arg28 : memref<!tpu.dma_semaphore, #tpu.memory_space<semaphore_mem>>) src(%dma_wait3A_222 : memref<128xi32, #tpu.memory_space<hbm>>) dst(%arg11 : memref<128xi32, #tpu.memory_space<vmem>>)
    %dma_start3A_223 = arith.constant 0 : i32
    %dma_start3A_224 = arith.constant 0 : i32
    %dma_start3A_225 = tpu.memref_slice %arg23[%dma_start3A_223, %dma_start3A_224] : memref<10240x64xf32, #tpu.memory_space<vmem_shared>> -> memref<10240x64xf32, #tpu.memory_space<vmem_shared>>
    tpu.enqueue_indirect_dma source(%dma_start3A_225 : memref<10240x64xf32, #tpu.memory_space<vmem_shared>>) target(%arg17 : memref<128x64xf32, #tpu.memory_space<vmem>>) offsets(%arg11 : memref<128xi32, #tpu.memory_space<vmem>>) semaphore(%arg34 : memref<!tpu.dma_semaphore, #tpu.memory_space<semaphore_mem>>)
    %dma_wait3A_226 = arith.constant 0 : i32
    %dma_wait3A_227 = arith.constant 0 : i32
    %dma_wait3A_228 = tpu.memref_slice %arg4[%arg1, %dma_wait3A_226, %dma_wait3A_227] : memref<16x162x128xi32, #tpu.memory_space<hbm>> -> memref<1x1x128xi32, #tpu.memory_space<hbm>>
    %dma_wait3A_229 = tpu.memref_squeeze %dma_wait3A_228 : memref<1x1x128xi32, #tpu.memory_space<hbm>> -> memref<128xi32, #tpu.memory_space<hbm>>
    %dma_wait3A_230 = arith.constant 0 : i32
    %dma_wait3A_231 = tpu.memref_slice %arg4[%arg1, %dma_wait3A_226, %dma_wait3A_230] : memref<16x162x128xi32, #tpu.memory_space<hbm>> -> memref<1x1x128xi32, #tpu.memory_space<hbm>>
    %dma_wait3A_232 = tpu.memref_squeeze %dma_wait3A_231 : memref<1x1x128xi32, #tpu.memory_space<hbm>> -> memref<128xi32, #tpu.memory_space<hbm>>
    tpu.wait_dma2 semaphore(%arg32 : memref<!tpu.dma_semaphore, #tpu.memory_space<semaphore_mem>>) src(%dma_wait3A_232 : memref<128xi32, #tpu.memory_space<hbm>>) dst(%arg15 : memref<128xi32, #tpu.memory_space<vmem>>)
    %dma_wait3A_233 = arith.constant 0 : i32
    %dma_wait3A_234 = arith.constant 0 : i32
    %dma_wait3A_235 = tpu.memref_slice %arg23[%dma_wait3A_233, %dma_wait3A_234] : memref<10240x64xf32, #tpu.memory_space<vmem_shared>> -> memref<10240x64xf32, #tpu.memory_space<vmem_shared>>
    tpu.wait_indirect_dma semaphore(%arg35 : memref<!tpu.dma_semaphore, #tpu.memory_space<semaphore_mem>>) src(%dma_wait3A_235 : memref<10240x64xf32, #tpu.memory_space<vmem_shared>>) dst(%arg18 : memref<128x64xf32, #tpu.memory_space<vmem>>)
    "tpu.region"() ({
      %run_scoped3A = tpu.sem_alloc : memref<!tpu.dma_semaphore, #tpu.memory_space<semaphore_mem>>
      %dma_start3A_356 = arith.constant 0 : i32
      %dma_start3A_357 = arith.constant 0 : i32
      %dma_start3A_358 = tpu.memref_slice %arg24[%dma_start3A_356, %dma_start3A_357] : memref<10240x64xf32, #tpu.memory_space<vmem_shared>> -> memref<10240x64xf32, #tpu.memory_space<vmem_shared>>
      tpu.enqueue_indirect_dma source(%arg18 : memref<128x64xf32, #tpu.memory_space<vmem>>) target(%dma_start3A_358 : memref<10240x64xf32, #tpu.memory_space<vmem_shared>>) offsets(%arg15 : memref<128xi32, #tpu.memory_space<vmem>>) semaphore(%run_scoped3A : memref<!tpu.dma_semaphore, #tpu.memory_space<semaphore_mem>>) {add = true}
      %dma_wait3A_359 = arith.constant 0 : i32
      %dma_wait3A_360 = arith.constant 0 : i32
      %dma_wait3A_361 = tpu.memref_slice %arg24[%dma_wait3A_359, %dma_wait3A_360] : memref<10240x64xf32, #tpu.memory_space<vmem_shared>> -> memref<10240x64xf32, #tpu.memory_space<vmem_shared>>
      tpu.wait_indirect_dma semaphore(%run_scoped3A : memref<!tpu.dma_semaphore, #tpu.memory_space<semaphore_mem>>) src(%arg18 : memref<128x64xf32, #tpu.memory_space<vmem>>) dst(%dma_wait3A_361 : memref<10240x64xf32, #tpu.memory_space<vmem_shared>>)
      tpu.yield
    }) : () -> ()
    %dma_start3A_236 = arith.constant 160 : i32
    %dma_start3A_237 = arith.constant 0 : i32
    %dma_start3A_238 = tpu.memref_slice %arg4[%arg1, %dma_start3A_236, %dma_start3A_237] : memref<16x162x128xi32, #tpu.memory_space<hbm>> -> memref<1x1x128xi32, #tpu.memory_space<hbm>>
    %dma_start3A_239 = tpu.memref_squeeze %dma_start3A_238 : memref<1x1x128xi32, #tpu.memory_space<hbm>> -> memref<128xi32, #tpu.memory_space<hbm>>
    %dma_start3A_240 = arith.constant 0 : i32
    %dma_start3A_241 = tpu.memref_slice %arg4[%arg1, %dma_start3A_236, %dma_start3A_240] : memref<16x162x128xi32, #tpu.memory_space<hbm>> -> memref<1x1x128xi32, #tpu.memory_space<hbm>>
    %dma_start3A_242 = tpu.memref_squeeze %dma_start3A_241 : memref<1x1x128xi32, #tpu.memory_space<hbm>> -> memref<128xi32, #tpu.memory_space<hbm>>
    tpu.enqueue_dma source(%dma_start3A_242 : memref<128xi32, #tpu.memory_space<hbm>>) target(%arg15 : memref<128xi32, #tpu.memory_space<vmem>>) target_semaphore(%arg32 : memref<!tpu.dma_semaphore, #tpu.memory_space<semaphore_mem>>)
    %dma_wait3A_243 = arith.constant 0 : i32
    %dma_wait3A_244 = arith.constant 0 : i32
    %dma_wait3A_245 = tpu.memref_slice %arg3[%arg1, %dma_wait3A_243, %dma_wait3A_244] : memref<16x162x128xi32, #tpu.memory_space<hbm>> -> memref<1x1x128xi32, #tpu.memory_space<hbm>>
    %dma_wait3A_246 = tpu.memref_squeeze %dma_wait3A_245 : memref<1x1x128xi32, #tpu.memory_space<hbm>> -> memref<128xi32, #tpu.memory_space<hbm>>
    %dma_wait3A_247 = arith.constant 0 : i32
    %dma_wait3A_248 = tpu.memref_slice %arg3[%arg1, %dma_wait3A_243, %dma_wait3A_247] : memref<16x162x128xi32, #tpu.memory_space<hbm>> -> memref<1x1x128xi32, #tpu.memory_space<hbm>>
    %dma_wait3A_249 = tpu.memref_squeeze %dma_wait3A_248 : memref<1x1x128xi32, #tpu.memory_space<hbm>> -> memref<128xi32, #tpu.memory_space<hbm>>
    tpu.wait_dma2 semaphore(%arg29 : memref<!tpu.dma_semaphore, #tpu.memory_space<semaphore_mem>>) src(%dma_wait3A_249 : memref<128xi32, #tpu.memory_space<hbm>>) dst(%arg12 : memref<128xi32, #tpu.memory_space<vmem>>)
    %dma_start3A_250 = arith.constant 0 : i32
    %dma_start3A_251 = arith.constant 0 : i32
    %dma_start3A_252 = tpu.memref_slice %arg23[%dma_start3A_250, %dma_start3A_251] : memref<10240x64xf32, #tpu.memory_space<vmem_shared>> -> memref<10240x64xf32, #tpu.memory_space<vmem_shared>>
    tpu.enqueue_indirect_dma source(%dma_start3A_252 : memref<10240x64xf32, #tpu.memory_space<vmem_shared>>) target(%arg18 : memref<128x64xf32, #tpu.memory_space<vmem>>) offsets(%arg12 : memref<128xi32, #tpu.memory_space<vmem>>) semaphore(%arg35 : memref<!tpu.dma_semaphore, #tpu.memory_space<semaphore_mem>>)
    %dma_wait3A_253 = arith.constant 0 : i32
    %dma_wait3A_254 = arith.constant 0 : i32
    %dma_wait3A_255 = tpu.memref_slice %arg4[%arg1, %dma_wait3A_253, %dma_wait3A_254] : memref<16x162x128xi32, #tpu.memory_space<hbm>> -> memref<1x1x128xi32, #tpu.memory_space<hbm>>
    %dma_wait3A_256 = tpu.memref_squeeze %dma_wait3A_255 : memref<1x1x128xi32, #tpu.memory_space<hbm>> -> memref<128xi32, #tpu.memory_space<hbm>>
    %dma_wait3A_257 = arith.constant 0 : i32
    %dma_wait3A_258 = tpu.memref_slice %arg4[%arg1, %dma_wait3A_253, %dma_wait3A_257] : memref<16x162x128xi32, #tpu.memory_space<hbm>> -> memref<1x1x128xi32, #tpu.memory_space<hbm>>
    %dma_wait3A_259 = tpu.memref_squeeze %dma_wait3A_258 : memref<1x1x128xi32, #tpu.memory_space<hbm>> -> memref<128xi32, #tpu.memory_space<hbm>>
    tpu.wait_dma2 semaphore(%arg33 : memref<!tpu.dma_semaphore, #tpu.memory_space<semaphore_mem>>) src(%dma_wait3A_259 : memref<128xi32, #tpu.memory_space<hbm>>) dst(%arg16 : memref<128xi32, #tpu.memory_space<vmem>>)
    %dma_wait3A_260 = arith.constant 0 : i32
    %dma_wait3A_261 = arith.constant 0 : i32
    %dma_wait3A_262 = tpu.memref_slice %arg23[%dma_wait3A_260, %dma_wait3A_261] : memref<10240x64xf32, #tpu.memory_space<vmem_shared>> -> memref<10240x64xf32, #tpu.memory_space<vmem_shared>>
    tpu.wait_indirect_dma semaphore(%arg36 : memref<!tpu.dma_semaphore, #tpu.memory_space<semaphore_mem>>) src(%dma_wait3A_262 : memref<10240x64xf32, #tpu.memory_space<vmem_shared>>) dst(%arg19 : memref<128x64xf32, #tpu.memory_space<vmem>>)
    "tpu.region"() ({
      %run_scoped3A = tpu.sem_alloc : memref<!tpu.dma_semaphore, #tpu.memory_space<semaphore_mem>>
      %dma_start3A_356 = arith.constant 0 : i32
      %dma_start3A_357 = arith.constant 0 : i32
      %dma_start3A_358 = tpu.memref_slice %arg24[%dma_start3A_356, %dma_start3A_357] : memref<10240x64xf32, #tpu.memory_space<vmem_shared>> -> memref<10240x64xf32, #tpu.memory_space<vmem_shared>>
      tpu.enqueue_indirect_dma source(%arg19 : memref<128x64xf32, #tpu.memory_space<vmem>>) target(%dma_start3A_358 : memref<10240x64xf32, #tpu.memory_space<vmem_shared>>) offsets(%arg16 : memref<128xi32, #tpu.memory_space<vmem>>) semaphore(%run_scoped3A : memref<!tpu.dma_semaphore, #tpu.memory_space<semaphore_mem>>) {add = true}
      %dma_wait3A_359 = arith.constant 0 : i32
      %dma_wait3A_360 = arith.constant 0 : i32
      %dma_wait3A_361 = tpu.memref_slice %arg24[%dma_wait3A_359, %dma_wait3A_360] : memref<10240x64xf32, #tpu.memory_space<vmem_shared>> -> memref<10240x64xf32, #tpu.memory_space<vmem_shared>>
      tpu.wait_indirect_dma semaphore(%run_scoped3A : memref<!tpu.dma_semaphore, #tpu.memory_space<semaphore_mem>>) src(%arg19 : memref<128x64xf32, #tpu.memory_space<vmem>>) dst(%dma_wait3A_361 : memref<10240x64xf32, #tpu.memory_space<vmem_shared>>)
      tpu.yield
    }) : () -> ()
    %dma_start3A_263 = arith.constant 161 : i32
    %dma_start3A_264 = arith.constant 0 : i32
    %dma_start3A_265 = tpu.memref_slice %arg4[%arg1, %dma_start3A_263, %dma_start3A_264] : memref<16x162x128xi32, #tpu.memory_space<hbm>> -> memref<1x1x128xi32, #tpu.memory_space<hbm>>
    %dma_start3A_266 = tpu.memref_squeeze %dma_start3A_265 : memref<1x1x128xi32, #tpu.memory_space<hbm>> -> memref<128xi32, #tpu.memory_space<hbm>>
    %dma_start3A_267 = arith.constant 0 : i32
    %dma_start3A_268 = tpu.memref_slice %arg4[%arg1, %dma_start3A_263, %dma_start3A_267] : memref<16x162x128xi32, #tpu.memory_space<hbm>> -> memref<1x1x128xi32, #tpu.memory_space<hbm>>
    %dma_start3A_269 = tpu.memref_squeeze %dma_start3A_268 : memref<1x1x128xi32, #tpu.memory_space<hbm>> -> memref<128xi32, #tpu.memory_space<hbm>>
    tpu.enqueue_dma source(%dma_start3A_269 : memref<128xi32, #tpu.memory_space<hbm>>) target(%arg16 : memref<128xi32, #tpu.memory_space<vmem>>) target_semaphore(%arg33 : memref<!tpu.dma_semaphore, #tpu.memory_space<semaphore_mem>>)
    %dma_wait3A_270 = arith.constant 0 : i32
    %dma_wait3A_271 = arith.constant 0 : i32
    %dma_wait3A_272 = tpu.memref_slice %arg3[%arg1, %dma_wait3A_270, %dma_wait3A_271] : memref<16x162x128xi32, #tpu.memory_space<hbm>> -> memref<1x1x128xi32, #tpu.memory_space<hbm>>
    %dma_wait3A_273 = tpu.memref_squeeze %dma_wait3A_272 : memref<1x1x128xi32, #tpu.memory_space<hbm>> -> memref<128xi32, #tpu.memory_space<hbm>>
    %dma_wait3A_274 = arith.constant 0 : i32
    %dma_wait3A_275 = tpu.memref_slice %arg3[%arg1, %dma_wait3A_270, %dma_wait3A_274] : memref<16x162x128xi32, #tpu.memory_space<hbm>> -> memref<1x1x128xi32, #tpu.memory_space<hbm>>
    %dma_wait3A_276 = tpu.memref_squeeze %dma_wait3A_275 : memref<1x1x128xi32, #tpu.memory_space<hbm>> -> memref<128xi32, #tpu.memory_space<hbm>>
    tpu.wait_dma2 semaphore(%arg30 : memref<!tpu.dma_semaphore, #tpu.memory_space<semaphore_mem>>) src(%dma_wait3A_276 : memref<128xi32, #tpu.memory_space<hbm>>) dst(%arg13 : memref<128xi32, #tpu.memory_space<vmem>>)
    %dma_start3A_277 = arith.constant 0 : i32
    %dma_start3A_278 = arith.constant 0 : i32
    %dma_start3A_279 = tpu.memref_slice %arg23[%dma_start3A_277, %dma_start3A_278] : memref<10240x64xf32, #tpu.memory_space<vmem_shared>> -> memref<10240x64xf32, #tpu.memory_space<vmem_shared>>
    tpu.enqueue_indirect_dma source(%dma_start3A_279 : memref<10240x64xf32, #tpu.memory_space<vmem_shared>>) target(%arg19 : memref<128x64xf32, #tpu.memory_space<vmem>>) offsets(%arg13 : memref<128xi32, #tpu.memory_space<vmem>>) semaphore(%arg36 : memref<!tpu.dma_semaphore, #tpu.memory_space<semaphore_mem>>)
    %dma_wait3A_280 = arith.constant 0 : i32
    %dma_wait3A_281 = arith.constant 0 : i32
    %dma_wait3A_282 = tpu.memref_slice %arg4[%arg1, %dma_wait3A_280, %dma_wait3A_281] : memref<16x162x128xi32, #tpu.memory_space<hbm>> -> memref<1x1x128xi32, #tpu.memory_space<hbm>>
    %dma_wait3A_283 = tpu.memref_squeeze %dma_wait3A_282 : memref<1x1x128xi32, #tpu.memory_space<hbm>> -> memref<128xi32, #tpu.memory_space<hbm>>
    %dma_wait3A_284 = arith.constant 0 : i32
    %dma_wait3A_285 = tpu.memref_slice %arg4[%arg1, %dma_wait3A_280, %dma_wait3A_284] : memref<16x162x128xi32, #tpu.memory_space<hbm>> -> memref<1x1x128xi32, #tpu.memory_space<hbm>>
    %dma_wait3A_286 = tpu.memref_squeeze %dma_wait3A_285 : memref<1x1x128xi32, #tpu.memory_space<hbm>> -> memref<128xi32, #tpu.memory_space<hbm>>
    tpu.wait_dma2 semaphore(%arg31 : memref<!tpu.dma_semaphore, #tpu.memory_space<semaphore_mem>>) src(%dma_wait3A_286 : memref<128xi32, #tpu.memory_space<hbm>>) dst(%arg14 : memref<128xi32, #tpu.memory_space<vmem>>)
    %dma_wait3A_287 = arith.constant 0 : i32
    %dma_wait3A_288 = arith.constant 0 : i32
    %dma_wait3A_289 = tpu.memref_slice %arg23[%dma_wait3A_287, %dma_wait3A_288] : memref<10240x64xf32, #tpu.memory_space<vmem_shared>> -> memref<10240x64xf32, #tpu.memory_space<vmem_shared>>
    tpu.wait_indirect_dma semaphore(%arg34 : memref<!tpu.dma_semaphore, #tpu.memory_space<semaphore_mem>>) src(%dma_wait3A_289 : memref<10240x64xf32, #tpu.memory_space<vmem_shared>>) dst(%arg17 : memref<128x64xf32, #tpu.memory_space<vmem>>)
    "tpu.region"() ({
      %run_scoped3A = tpu.sem_alloc : memref<!tpu.dma_semaphore, #tpu.memory_space<semaphore_mem>>
      %dma_start3A_356 = arith.constant 0 : i32
      %dma_start3A_357 = arith.constant 0 : i32
      %dma_start3A_358 = tpu.memref_slice %arg24[%dma_start3A_356, %dma_start3A_357] : memref<10240x64xf32, #tpu.memory_space<vmem_shared>> -> memref<10240x64xf32, #tpu.memory_space<vmem_shared>>
      tpu.enqueue_indirect_dma source(%arg17 : memref<128x64xf32, #tpu.memory_space<vmem>>) target(%dma_start3A_358 : memref<10240x64xf32, #tpu.memory_space<vmem_shared>>) offsets(%arg14 : memref<128xi32, #tpu.memory_space<vmem>>) semaphore(%run_scoped3A : memref<!tpu.dma_semaphore, #tpu.memory_space<semaphore_mem>>) {add = true}
      %dma_wait3A_359 = arith.constant 0 : i32
      %dma_wait3A_360 = arith.constant 0 : i32
      %dma_wait3A_361 = tpu.memref_slice %arg24[%dma_wait3A_359, %dma_wait3A_360] : memref<10240x64xf32, #tpu.memory_space<vmem_shared>> -> memref<10240x64xf32, #tpu.memory_space<vmem_shared>>
      tpu.wait_indirect_dma semaphore(%run_scoped3A : memref<!tpu.dma_semaphore, #tpu.memory_space<semaphore_mem>>) src(%arg17 : memref<128x64xf32, #tpu.memory_space<vmem>>) dst(%dma_wait3A_361 : memref<10240x64xf32, #tpu.memory_space<vmem_shared>>)
      tpu.yield
    }) : () -> ()
    %dma_wait3A_290 = arith.constant 0 : i32
    %dma_wait3A_291 = arith.constant 0 : i32
    %dma_wait3A_292 = tpu.memref_slice %arg4[%arg1, %dma_wait3A_290, %dma_wait3A_291] : memref<16x162x128xi32, #tpu.memory_space<hbm>> -> memref<1x1x128xi32, #tpu.memory_space<hbm>>
    %dma_wait3A_293 = tpu.memref_squeeze %dma_wait3A_292 : memref<1x1x128xi32, #tpu.memory_space<hbm>> -> memref<128xi32, #tpu.memory_space<hbm>>
    %dma_wait3A_294 = arith.constant 0 : i32
    %dma_wait3A_295 = tpu.memref_slice %arg4[%arg1, %dma_wait3A_290, %dma_wait3A_294] : memref<16x162x128xi32, #tpu.memory_space<hbm>> -> memref<1x1x128xi32, #tpu.memory_space<hbm>>
    %dma_wait3A_296 = tpu.memref_squeeze %dma_wait3A_295 : memref<1x1x128xi32, #tpu.memory_space<hbm>> -> memref<128xi32, #tpu.memory_space<hbm>>
    tpu.wait_dma2 semaphore(%arg32 : memref<!tpu.dma_semaphore, #tpu.memory_space<semaphore_mem>>) src(%dma_wait3A_296 : memref<128xi32, #tpu.memory_space<hbm>>) dst(%arg15 : memref<128xi32, #tpu.memory_space<vmem>>)
    %dma_wait3A_297 = arith.constant 0 : i32
    %dma_wait3A_298 = arith.constant 0 : i32
    %dma_wait3A_299 = tpu.memref_slice %arg23[%dma_wait3A_297, %dma_wait3A_298] : memref<10240x64xf32, #tpu.memory_space<vmem_shared>> -> memref<10240x64xf32, #tpu.memory_space<vmem_shared>>
    tpu.wait_indirect_dma semaphore(%arg35 : memref<!tpu.dma_semaphore, #tpu.memory_space<semaphore_mem>>) src(%dma_wait3A_299 : memref<10240x64xf32, #tpu.memory_space<vmem_shared>>) dst(%arg18 : memref<128x64xf32, #tpu.memory_space<vmem>>)
    "tpu.region"() ({
      %run_scoped3A = tpu.sem_alloc : memref<!tpu.dma_semaphore, #tpu.memory_space<semaphore_mem>>
      %dma_start3A_356 = arith.constant 0 : i32
      %dma_start3A_357 = arith.constant 0 : i32
      %dma_start3A_358 = tpu.memref_slice %arg24[%dma_start3A_356, %dma_start3A_357] : memref<10240x64xf32, #tpu.memory_space<vmem_shared>> -> memref<10240x64xf32, #tpu.memory_space<vmem_shared>>
      tpu.enqueue_indirect_dma source(%arg18 : memref<128x64xf32, #tpu.memory_space<vmem>>) target(%dma_start3A_358 : memref<10240x64xf32, #tpu.memory_space<vmem_shared>>) offsets(%arg15 : memref<128xi32, #tpu.memory_space<vmem>>) semaphore(%run_scoped3A : memref<!tpu.dma_semaphore, #tpu.memory_space<semaphore_mem>>) {add = true}
      %dma_wait3A_359 = arith.constant 0 : i32
      %dma_wait3A_360 = arith.constant 0 : i32
      %dma_wait3A_361 = tpu.memref_slice %arg24[%dma_wait3A_359, %dma_wait3A_360] : memref<10240x64xf32, #tpu.memory_space<vmem_shared>> -> memref<10240x64xf32, #tpu.memory_space<vmem_shared>>
      tpu.wait_indirect_dma semaphore(%run_scoped3A : memref<!tpu.dma_semaphore, #tpu.memory_space<semaphore_mem>>) src(%arg18 : memref<128x64xf32, #tpu.memory_space<vmem>>) dst(%dma_wait3A_361 : memref<10240x64xf32, #tpu.memory_space<vmem_shared>>)
      tpu.yield
    }) : () -> ()
    %dma_wait3A_300 = arith.constant 0 : i32
    %dma_wait3A_301 = arith.constant 0 : i32
    %dma_wait3A_302 = tpu.memref_slice %arg4[%arg1, %dma_wait3A_300, %dma_wait3A_301] : memref<16x162x128xi32, #tpu.memory_space<hbm>> -> memref<1x1x128xi32, #tpu.memory_space<hbm>>
    %dma_wait3A_303 = tpu.memref_squeeze %dma_wait3A_302 : memref<1x1x128xi32, #tpu.memory_space<hbm>> -> memref<128xi32, #tpu.memory_space<hbm>>
    %dma_wait3A_304 = arith.constant 0 : i32
    %dma_wait3A_305 = tpu.memref_slice %arg4[%arg1, %dma_wait3A_300, %dma_wait3A_304] : memref<16x162x128xi32, #tpu.memory_space<hbm>> -> memref<1x1x128xi32, #tpu.memory_space<hbm>>
    %dma_wait3A_306 = tpu.memref_squeeze %dma_wait3A_305 : memref<1x1x128xi32, #tpu.memory_space<hbm>> -> memref<128xi32, #tpu.memory_space<hbm>>
    tpu.wait_dma2 semaphore(%arg33 : memref<!tpu.dma_semaphore, #tpu.memory_space<semaphore_mem>>) src(%dma_wait3A_306 : memref<128xi32, #tpu.memory_space<hbm>>) dst(%arg16 : memref<128xi32, #tpu.memory_space<vmem>>)
    %dma_wait3A_307 = arith.constant 0 : i32
    %dma_wait3A_308 = arith.constant 0 : i32
    %dma_wait3A_309 = tpu.memref_slice %arg23[%dma_wait3A_307, %dma_wait3A_308] : memref<10240x64xf32, #tpu.memory_space<vmem_shared>> -> memref<10240x64xf32, #tpu.memory_space<vmem_shared>>
    tpu.wait_indirect_dma semaphore(%arg36 : memref<!tpu.dma_semaphore, #tpu.memory_space<semaphore_mem>>) src(%dma_wait3A_309 : memref<10240x64xf32, #tpu.memory_space<vmem_shared>>) dst(%arg19 : memref<128x64xf32, #tpu.memory_space<vmem>>)
    "tpu.region"() ({
      %run_scoped3A = tpu.sem_alloc : memref<!tpu.dma_semaphore, #tpu.memory_space<semaphore_mem>>
      %dma_start3A_356 = arith.constant 0 : i32
      %dma_start3A_357 = arith.constant 0 : i32
      %dma_start3A_358 = tpu.memref_slice %arg24[%dma_start3A_356, %dma_start3A_357] : memref<10240x64xf32, #tpu.memory_space<vmem_shared>> -> memref<10240x64xf32, #tpu.memory_space<vmem_shared>>
      tpu.enqueue_indirect_dma source(%arg19 : memref<128x64xf32, #tpu.memory_space<vmem>>) target(%dma_start3A_358 : memref<10240x64xf32, #tpu.memory_space<vmem_shared>>) offsets(%arg16 : memref<128xi32, #tpu.memory_space<vmem>>) semaphore(%run_scoped3A : memref<!tpu.dma_semaphore, #tpu.memory_space<semaphore_mem>>) {add = true}
      %dma_wait3A_359 = arith.constant 0 : i32
      %dma_wait3A_360 = arith.constant 0 : i32
      %dma_wait3A_361 = tpu.memref_slice %arg24[%dma_wait3A_359, %dma_wait3A_360] : memref<10240x64xf32, #tpu.memory_space<vmem_shared>> -> memref<10240x64xf32, #tpu.memory_space<vmem_shared>>
      tpu.wait_indirect_dma semaphore(%run_scoped3A : memref<!tpu.dma_semaphore, #tpu.memory_space<semaphore_mem>>) src(%arg19 : memref<128x64xf32, #tpu.memory_space<vmem>>) dst(%dma_wait3A_361 : memref<10240x64xf32, #tpu.memory_space<vmem_shared>>)
      tpu.yield
    }) : () -> ()
    %barrier3A_310 = arith.constant 0 : index
    tpu.barrier barrier_id(%barrier3A_310)
    %mul3A_311 = arith.constant 640 : i32
    %mul3A_312 = arith.muli %arg1, %mul3A_311 : i32
    %add3A_313 = arith.constant 0 : i32
    %add3A_314 = arith.addi %mul3A_312, %add3A_313 : i32
    "tpu.region"() ({
      %run_scoped3A = tpu.sem_alloc : memref<!tpu.dma_semaphore, #tpu.memory_space<semaphore_mem>>
      %dma_start3A_356 = arith.constant 0 : i32
      %dma_start3A_357 = tpu.memref_slice %arg22[%add3A_314, %dma_start3A_356] : memref<10240x16xf32, #tpu.memory_space<vmem_shared>> -> memref<128x16xf32, #tpu.memory_space<vmem_shared>>
      %dma_start3A_358 = arith.constant 0 : i32
      %dma_start3A_359 = tpu.memref_slice %arg22[%add3A_314, %dma_start3A_358] : memref<10240x16xf32, #tpu.memory_space<vmem_shared>> -> memref<128x16xf32, #tpu.memory_space<vmem_shared>>
      tpu.enqueue_dma source(%dma_start3A_359 : memref<128x16xf32, #tpu.memory_space<vmem_shared>>) target(%arg21 : memref<128x16xf32, #tpu.memory_space<vmem>>) target_semaphore(%run_scoped3A : memref<!tpu.dma_semaphore, #tpu.memory_space<semaphore_mem>>)
      %dma_wait3A_360 = arith.constant 0 : i32
      %dma_wait3A_361 = tpu.memref_slice %arg22[%add3A_314, %dma_wait3A_360] : memref<10240x16xf32, #tpu.memory_space<vmem_shared>> -> memref<128x16xf32, #tpu.memory_space<vmem_shared>>
      %dma_wait3A_362 = arith.constant 0 : i32
      %dma_wait3A_363 = tpu.memref_slice %arg22[%add3A_314, %dma_wait3A_362] : memref<10240x16xf32, #tpu.memory_space<vmem_shared>> -> memref<128x16xf32, #tpu.memory_space<vmem_shared>>
      tpu.wait_dma2 semaphore(%run_scoped3A : memref<!tpu.dma_semaphore, #tpu.memory_space<semaphore_mem>>) src(%dma_wait3A_363 : memref<128x16xf32, #tpu.memory_space<vmem_shared>>) dst(%arg21 : memref<128x16xf32, #tpu.memory_space<vmem>>)
      tpu.yield
    }) : () -> ()
    "tpu.region"() ({
      %run_scoped3A = tpu.sem_alloc : memref<!tpu.dma_semaphore, #tpu.memory_space<semaphore_mem>>
      %dma_start3A_356 = arith.constant 0 : i32
      %dma_start3A_357 = tpu.memref_slice %arg24[%add3A_314, %dma_start3A_356] : memref<10240x64xf32, #tpu.memory_space<vmem_shared>> -> memref<128x64xf32, #tpu.memory_space<vmem_shared>>
      %dma_start3A_358 = arith.constant 0 : i32
      %dma_start3A_359 = tpu.memref_slice %arg24[%add3A_314, %dma_start3A_358] : memref<10240x64xf32, #tpu.memory_space<vmem_shared>> -> memref<128x64xf32, #tpu.memory_space<vmem_shared>>
      tpu.enqueue_dma source(%dma_start3A_359 : memref<128x64xf32, #tpu.memory_space<vmem_shared>>) target(%arg17 : memref<128x64xf32, #tpu.memory_space<vmem>>) target_semaphore(%run_scoped3A : memref<!tpu.dma_semaphore, #tpu.memory_space<semaphore_mem>>)
      %dma_wait3A_360 = arith.constant 0 : i32
      %dma_wait3A_361 = tpu.memref_slice %arg24[%add3A_314, %dma_wait3A_360] : memref<10240x64xf32, #tpu.memory_space<vmem_shared>> -> memref<128x64xf32, #tpu.memory_space<vmem_shared>>
      %dma_wait3A_362 = arith.constant 0 : i32
      %dma_wait3A_363 = tpu.memref_slice %arg24[%add3A_314, %dma_wait3A_362] : memref<10240x64xf32, #tpu.memory_space<vmem_shared>> -> memref<128x64xf32, #tpu.memory_space<vmem_shared>>
      tpu.wait_dma2 semaphore(%run_scoped3A : memref<!tpu.dma_semaphore, #tpu.memory_space<semaphore_mem>>) src(%dma_wait3A_363 : memref<128x64xf32, #tpu.memory_space<vmem_shared>>) dst(%arg17 : memref<128x64xf32, #tpu.memory_space<vmem>>)
      tpu.yield
    }) : () -> ()
    %scan3A_315 = arith.constant 0 : i32
    %scan3A_316 = arith.constant 128 : i32
    %scan3A_317 = arith.addi %scan3A_315, %scan3A_316 : i32
    %scan3A_318 = arith.constant 1 : i32
    scf.for %scan3A_356 = %scan3A_315 to %scan3A_317 step %scan3A_318  : i32 {
      %mul3A_357 = arith.constant 1 : i32
      %mul3A_358 = arith.muli %scan3A_356, %mul3A_357 : i32
      %add3A_359 = arith.constant 0 : i32
      %add3A_360 = arith.addi %add3A_359, %mul3A_358 : i32
      %get3A = arith.index_cast %add3A_360 : i32 to index
      %get3A_361 = arith.constant 0 : index
      %get3A_362 = tpu.vector_load %arg21[%get3A, %get3A_361] {strides = array<i32>} : memref<128x16xf32, #tpu.memory_space<vmem>>, vector<1x16xf32>,
      %get3A_363 = vector.shape_cast %get3A_362 : vector<1x16xf32> to vector<16xf32>
      %add3A_364 = arith.constant 1.000000e+00 : f32
      %add3A_365 = vector.broadcast %add3A_364 : f32 to vector<16xf32>
      %add3A_366 = arith.addf %get3A_363, %add3A_365 : vector<16xf32>
      %bitcast_convert_type3A = tpu.bitcast %add3A_366 : vector<16xf32> -> vector<16xi32>
      %shift_right_logical3A = arith.constant 1 : i32
      %shift_right_logical3A_367 = vector.broadcast %shift_right_logical3A : i32 to vector<16xi32>
      %shift_right_logical3A_368 = arith.shrui %bitcast_convert_type3A, %shift_right_logical3A_367 : vector<16xi32>
      %sub3A = arith.constant 1597463007 : i32
      %sub3A_369 = vector.broadcast %sub3A : i32 to vector<16xi32>
      %sub3A_370 = arith.subi %sub3A_369, %shift_right_logical3A_368 : vector<16xi32>
      %bitcast_convert_type3A_371 = tpu.bitcast %sub3A_370 : vector<16xi32> -> vector<16xf32>
      %mul3A_372 = arith.constant 5.000000e-01 : f32
      %mul3A_373 = vector.broadcast %mul3A_372 : f32 to vector<16xf32>
      %mul3A_374 = arith.mulf %mul3A_373, %add3A_366 : vector<16xf32>
      %mul3A_375 = arith.mulf %mul3A_374, %bitcast_convert_type3A_371 : vector<16xf32>
      %mul3A_376 = arith.mulf %mul3A_375, %bitcast_convert_type3A_371 : vector<16xf32>
      %sub3A_377 = arith.constant 1.500000e+00 : f32
      %sub3A_378 = vector.broadcast %sub3A_377 : f32 to vector<16xf32>
      %sub3A_379 = arith.subf %sub3A_378, %mul3A_376 : vector<16xf32>
      %mul3A_380 = arith.mulf %bitcast_convert_type3A_371, %sub3A_379 : vector<16xf32>
      %mul3A_381 = arith.constant 5.000000e-01 : f32
      %mul3A_382 = vector.broadcast %mul3A_381 : f32 to vector<16xf32>
      %mul3A_383 = arith.mulf %mul3A_382, %add3A_366 : vector<16xf32>
      %mul3A_384 = arith.mulf %mul3A_383, %mul3A_380 : vector<16xf32>
      %mul3A_385 = arith.mulf %mul3A_384, %mul3A_380 : vector<16xf32>
      %sub3A_386 = arith.constant 1.500000e+00 : f32
      %sub3A_387 = vector.broadcast %sub3A_386 : f32 to vector<16xf32>
      %sub3A_388 = arith.subf %sub3A_387, %mul3A_385 : vector<16xf32>
      %mul3A_389 = arith.mulf %mul3A_380, %sub3A_388 : vector<16xf32>
      %mul3A_390 = arith.constant 5.000000e-01 : f32
      %mul3A_391 = vector.broadcast %mul3A_390 : f32 to vector<16xf32>
      %mul3A_392 = arith.mulf %mul3A_391, %add3A_366 : vector<16xf32>
      %mul3A_393 = arith.mulf %mul3A_392, %mul3A_389 : vector<16xf32>
      %mul3A_394 = arith.mulf %mul3A_393, %mul3A_389 : vector<16xf32>
      %sub3A_395 = arith.constant 1.500000e+00 : f32
      %sub3A_396 = vector.broadcast %sub3A_395 : f32 to vector<16xf32>
      %sub3A_397 = arith.subf %sub3A_396, %mul3A_394 : vector<16xf32>
      %mul3A_398 = arith.mulf %mul3A_389, %sub3A_397 : vector<16xf32>
      %get3A_399 = arith.index_cast %add3A_360 : i32 to index
      %get3A_400 = arith.constant 0 : index
      %get3A_401 = tpu.vector_load %arg17[%get3A_399, %get3A_400] {strides = array<i32>} : memref<128x64xf32, #tpu.memory_space<vmem>>, vector<1x16xf32>,
      %get3A_402 = vector.shape_cast %get3A_401 : vector<1x16xf32> to vector<16xf32>
      %mul3A_403 = arith.mulf %get3A_402, %mul3A_398 : vector<16xf32>
      %swap3A = arith.index_cast %add3A_360 : i32 to index
      %swap3A_404 = arith.constant 0 : index
      %swap3A_405 = tpu.vector_load %arg17[%swap3A, %swap3A_404] {strides = array<i32>} : memref<128x64xf32, #tpu.memory_space<vmem>>, vector<1x16xf32>,
      %swap3A_406 = vector.shape_cast %swap3A_405 : vector<1x16xf32> to vector<16xf32>
      %swap3A_407 = vector.shape_cast %mul3A_403 : vector<16xf32> to vector<1x16xf32>
      tpu.vector_store %arg17[%swap3A, %swap3A_404], %swap3A_407 {strides = array<i32>} : memref<128x64xf32, #tpu.memory_space<vmem>>, vector<1x16xf32>,
      %get3A_408 = arith.index_cast %add3A_360 : i32 to index
      %get3A_409 = arith.constant 16 : index
      %get3A_410 = tpu.vector_load %arg17[%get3A_408, %get3A_409] {strides = array<i32>} : memref<128x64xf32, #tpu.memory_space<vmem>>, vector<1x16xf32>,
      %get3A_411 = vector.shape_cast %get3A_410 : vector<1x16xf32> to vector<16xf32>
      %mul3A_412 = arith.mulf %get3A_411, %mul3A_398 : vector<16xf32>
      %swap3A_413 = arith.index_cast %add3A_360 : i32 to index
      %swap3A_414 = arith.constant 16 : index
      %swap3A_415 = tpu.vector_load %arg17[%swap3A_413, %swap3A_414] {strides = array<i32>} : memref<128x64xf32, #tpu.memory_space<vmem>>, vector<1x16xf32>,
      %swap3A_416 = vector.shape_cast %swap3A_415 : vector<1x16xf32> to vector<16xf32>
      %swap3A_417 = vector.shape_cast %mul3A_412 : vector<16xf32> to vector<1x16xf32>
      tpu.vector_store %arg17[%swap3A_413, %swap3A_414], %swap3A_417 {strides = array<i32>} : memref<128x64xf32, #tpu.memory_space<vmem>>, vector<1x16xf32>,
      %get3A_418 = arith.index_cast %add3A_360 : i32 to index
      %get3A_419 = arith.constant 32 : index
      %get3A_420 = tpu.vector_load %arg17[%get3A_418, %get3A_419] {strides = array<i32>} : memref<128x64xf32, #tpu.memory_space<vmem>>, vector<1x16xf32>,
      %get3A_421 = vector.shape_cast %get3A_420 : vector<1x16xf32> to vector<16xf32>
      %mul3A_422 = arith.mulf %get3A_421, %mul3A_398 : vector<16xf32>
      %swap3A_423 = arith.index_cast %add3A_360 : i32 to index
      %swap3A_424 = arith.constant 32 : index
      %swap3A_425 = tpu.vector_load %arg17[%swap3A_423, %swap3A_424] {strides = array<i32>} : memref<128x64xf32, #tpu.memory_space<vmem>>, vector<1x16xf32>,
      %swap3A_426 = vector.shape_cast %swap3A_425 : vector<1x16xf32> to vector<16xf32>
      %swap3A_427 = vector.shape_cast %mul3A_422 : vector<16xf32> to vector<1x16xf32>
      tpu.vector_store %arg17[%swap3A_423, %swap3A_424], %swap3A_427 {strides = array<i32>} : memref<128x64xf32, #tpu.memory_space<vmem>>, vector<1x16xf32>,
      %get3A_428 = arith.index_cast %add3A_360 : i32 to index
      %get3A_429 = arith.constant 48 : index
      %get3A_430 = tpu.vector_load %arg17[%get3A_428, %get3A_429] {strides = array<i32>} : memref<128x64xf32, #tpu.memory_space<vmem>>, vector<1x16xf32>,
      %get3A_431 = vector.shape_cast %get3A_430 : vector<1x16xf32> to vector<16xf32>
      %mul3A_432 = arith.mulf %get3A_431, %mul3A_398 : vector<16xf32>
      %swap3A_433 = arith.index_cast %add3A_360 : i32 to index
      %swap3A_434 = arith.constant 48 : index
      %swap3A_435 = tpu.vector_load %arg17[%swap3A_433, %swap3A_434] {strides = array<i32>} : memref<128x64xf32, #tpu.memory_space<vmem>>, vector<1x16xf32>,
      %swap3A_436 = vector.shape_cast %swap3A_435 : vector<1x16xf32> to vector<16xf32>
      %swap3A_437 = vector.shape_cast %mul3A_432 : vector<16xf32> to vector<1x16xf32>
      tpu.vector_store %arg17[%swap3A_433, %swap3A_434], %swap3A_437 {strides = array<i32>} : memref<128x64xf32, #tpu.memory_space<vmem>>, vector<1x16xf32>,
    }
    %scan3A_319 = arith.constant 128 : i32
    "tpu.region"() ({
      %run_scoped3A = tpu.sem_alloc : memref<!tpu.dma_semaphore, #tpu.memory_space<semaphore_mem>>
      %dma_start3A_356 = arith.constant 0 : i32
      %dma_start3A_357 = tpu.memref_slice %arg7[%arg0, %add3A_314, %dma_start3A_356] : memref<2x10240x64xf32, #tpu.memory_space<hbm>> -> memref<1x128x64xf32, #tpu.memory_space<hbm>>
      %dma_start3A_358 = tpu.memref_squeeze %dma_start3A_357 : memref<1x128x64xf32, #tpu.memory_space<hbm>> -> memref<128x64xf32, #tpu.memory_space<hbm>>
      %dma_start3A_359 = arith.constant 0 : i32
      %dma_start3A_360 = tpu.memref_slice %arg7[%arg0, %add3A_314, %dma_start3A_359] : memref<2x10240x64xf32, #tpu.memory_space<hbm>> -> memref<1x128x64xf32, #tpu.memory_space<hbm>>
      %dma_start3A_361 = tpu.memref_squeeze %dma_start3A_360 : memref<1x128x64xf32, #tpu.memory_space<hbm>> -> memref<128x64xf32, #tpu.memory_space<hbm>>
      tpu.enqueue_dma source(%arg17 : memref<128x64xf32, #tpu.memory_space<vmem>>) target(%dma_start3A_361 : memref<128x64xf32, #tpu.memory_space<hbm>>) target_semaphore(%run_scoped3A : memref<!tpu.dma_semaphore, #tpu.memory_space<semaphore_mem>>)
      %dma_wait3A_362 = arith.constant 0 : i32
      %dma_wait3A_363 = tpu.memref_slice %arg7[%arg0, %add3A_314, %dma_wait3A_362] : memref<2x10240x64xf32, #tpu.memory_space<hbm>> -> memref<1x128x64xf32, #tpu.memory_space<hbm>>
      %dma_wait3A_364 = tpu.memref_squeeze %dma_wait3A_363 : memref<1x128x64xf32, #tpu.memory_space<hbm>> -> memref<128x64xf32, #tpu.memory_space<hbm>>
      %dma_wait3A_365 = arith.constant 0 : i32
      %dma_wait3A_366 = tpu.memref_slice %arg7[%arg0, %add3A_314, %dma_wait3A_365] : memref<2x10240x64xf32, #tpu.memory_space<hbm>> -> memref<1x128x64xf32, #tpu.memory_space<hbm>>
      %dma_wait3A_367 = tpu.memref_squeeze %dma_wait3A_366 : memref<1x128x64xf32, #tpu.memory_space<hbm>> -> memref<128x64xf32, #tpu.memory_space<hbm>>
      tpu.wait_dma2 semaphore(%run_scoped3A : memref<!tpu.dma_semaphore, #tpu.memory_space<semaphore_mem>>) src(%arg17 : memref<128x64xf32, #tpu.memory_space<vmem>>) dst(%dma_wait3A_367 : memref<128x64xf32, #tpu.memory_space<hbm>>)
      tpu.yield
    }) : () -> ()
    %mul3A_320 = arith.constant 640 : i32
    %mul3A_321 = arith.muli %arg1, %mul3A_320 : i32
    %add3A_322 = arith.constant 128 : i32
    %add3A_323 = arith.addi %mul3A_321, %add3A_322 : i32
    "tpu.region"() ({
      %run_scoped3A = tpu.sem_alloc : memref<!tpu.dma_semaphore, #tpu.memory_space<semaphore_mem>>
      %dma_start3A_356 = arith.constant 0 : i32
      %dma_start3A_357 = tpu.memref_slice %arg22[%add3A_323, %dma_start3A_356] : memref<10240x16xf32, #tpu.memory_space<vmem_shared>> -> memref<128x16xf32, #tpu.memory_space<vmem_shared>>
      %dma_start3A_358 = arith.constant 0 : i32
      %dma_start3A_359 = tpu.memref_slice %arg22[%add3A_323, %dma_start3A_358] : memref<10240x16xf32, #tpu.memory_space<vmem_shared>> -> memref<128x16xf32, #tpu.memory_space<vmem_shared>>
      tpu.enqueue_dma source(%dma_start3A_359 : memref<128x16xf32, #tpu.memory_space<vmem_shared>>) target(%arg21 : memref<128x16xf32, #tpu.memory_space<vmem>>) target_semaphore(%run_scoped3A : memref<!tpu.dma_semaphore, #tpu.memory_space<semaphore_mem>>)
      %dma_wait3A_360 = arith.constant 0 : i32
      %dma_wait3A_361 = tpu.memref_slice %arg22[%add3A_323, %dma_wait3A_360] : memref<10240x16xf32, #tpu.memory_space<vmem_shared>> -> memref<128x16xf32, #tpu.memory_space<vmem_shared>>
      %dma_wait3A_362 = arith.constant 0 : i32
      %dma_wait3A_363 = tpu.memref_slice %arg22[%add3A_323, %dma_wait3A_362] : memref<10240x16xf32, #tpu.memory_space<vmem_shared>> -> memref<128x16xf32, #tpu.memory_space<vmem_shared>>
      tpu.wait_dma2 semaphore(%run_scoped3A : memref<!tpu.dma_semaphore, #tpu.memory_space<semaphore_mem>>) src(%dma_wait3A_363 : memref<128x16xf32, #tpu.memory_space<vmem_shared>>) dst(%arg21 : memref<128x16xf32, #tpu.memory_space<vmem>>)
      tpu.yield
    }) : () -> ()
    "tpu.region"() ({
      %run_scoped3A = tpu.sem_alloc : memref<!tpu.dma_semaphore, #tpu.memory_space<semaphore_mem>>
      %dma_start3A_356 = arith.constant 0 : i32
      %dma_start3A_357 = tpu.memref_slice %arg24[%add3A_323, %dma_start3A_356] : memref<10240x64xf32, #tpu.memory_space<vmem_shared>> -> memref<128x64xf32, #tpu.memory_space<vmem_shared>>
      %dma_start3A_358 = arith.constant 0 : i32
      %dma_start3A_359 = tpu.memref_slice %arg24[%add3A_323, %dma_start3A_358] : memref<10240x64xf32, #tpu.memory_space<vmem_shared>> -> memref<128x64xf32, #tpu.memory_space<vmem_shared>>
      tpu.enqueue_dma source(%dma_start3A_359 : memref<128x64xf32, #tpu.memory_space<vmem_shared>>) target(%arg17 : memref<128x64xf32, #tpu.memory_space<vmem>>) target_semaphore(%run_scoped3A : memref<!tpu.dma_semaphore, #tpu.memory_space<semaphore_mem>>)
      %dma_wait3A_360 = arith.constant 0 : i32
      %dma_wait3A_361 = tpu.memref_slice %arg24[%add3A_323, %dma_wait3A_360] : memref<10240x64xf32, #tpu.memory_space<vmem_shared>> -> memref<128x64xf32, #tpu.memory_space<vmem_shared>>
      %dma_wait3A_362 = arith.constant 0 : i32
      %dma_wait3A_363 = tpu.memref_slice %arg24[%add3A_323, %dma_wait3A_362] : memref<10240x64xf32, #tpu.memory_space<vmem_shared>> -> memref<128x64xf32, #tpu.memory_space<vmem_shared>>
      tpu.wait_dma2 semaphore(%run_scoped3A : memref<!tpu.dma_semaphore, #tpu.memory_space<semaphore_mem>>) src(%dma_wait3A_363 : memref<128x64xf32, #tpu.memory_space<vmem_shared>>) dst(%arg17 : memref<128x64xf32, #tpu.memory_space<vmem>>)
      tpu.yield
    }) : () -> ()
    %scan3A_324 = arith.constant 0 : i32
    %scan3A_325 = arith.constant 128 : i32
    %scan3A_326 = arith.addi %scan3A_324, %scan3A_325 : i32
    %scan3A_327 = arith.constant 1 : i32
    scf.for %scan3A_356 = %scan3A_324 to %scan3A_326 step %scan3A_327  : i32 {
      %mul3A_357 = arith.constant 1 : i32
      %mul3A_358 = arith.muli %scan3A_356, %mul3A_357 : i32
      %add3A_359 = arith.constant 0 : i32
      %add3A_360 = arith.addi %add3A_359, %mul3A_358 : i32
      %get3A = arith.index_cast %add3A_360 : i32 to index
      %get3A_361 = arith.constant 0 : index
      %get3A_362 = tpu.vector_load %arg21[%get3A, %get3A_361] {strides = array<i32>} : memref<128x16xf32, #tpu.memory_space<vmem>>, vector<1x16xf32>,
      %get3A_363 = vector.shape_cast %get3A_362 : vector<1x16xf32> to vector<16xf32>
      %add3A_364 = arith.constant 1.000000e+00 : f32
      %add3A_365 = vector.broadcast %add3A_364 : f32 to vector<16xf32>
      %add3A_366 = arith.addf %get3A_363, %add3A_365 : vector<16xf32>
      %bitcast_convert_type3A = tpu.bitcast %add3A_366 : vector<16xf32> -> vector<16xi32>
      %shift_right_logical3A = arith.constant 1 : i32
      %shift_right_logical3A_367 = vector.broadcast %shift_right_logical3A : i32 to vector<16xi32>
      %shift_right_logical3A_368 = arith.shrui %bitcast_convert_type3A, %shift_right_logical3A_367 : vector<16xi32>
      %sub3A = arith.constant 1597463007 : i32
      %sub3A_369 = vector.broadcast %sub3A : i32 to vector<16xi32>
      %sub3A_370 = arith.subi %sub3A_369, %shift_right_logical3A_368 : vector<16xi32>
      %bitcast_convert_type3A_371 = tpu.bitcast %sub3A_370 : vector<16xi32> -> vector<16xf32>
      %mul3A_372 = arith.constant 5.000000e-01 : f32
      %mul3A_373 = vector.broadcast %mul3A_372 : f32 to vector<16xf32>
      %mul3A_374 = arith.mulf %mul3A_373, %add3A_366 : vector<16xf32>
      %mul3A_375 = arith.mulf %mul3A_374, %bitcast_convert_type3A_371 : vector<16xf32>
      %mul3A_376 = arith.mulf %mul3A_375, %bitcast_convert_type3A_371 : vector<16xf32>
      %sub3A_377 = arith.constant 1.500000e+00 : f32
      %sub3A_378 = vector.broadcast %sub3A_377 : f32 to vector<16xf32>
      %sub3A_379 = arith.subf %sub3A_378, %mul3A_376 : vector<16xf32>
      %mul3A_380 = arith.mulf %bitcast_convert_type3A_371, %sub3A_379 : vector<16xf32>
      %mul3A_381 = arith.constant 5.000000e-01 : f32
      %mul3A_382 = vector.broadcast %mul3A_381 : f32 to vector<16xf32>
      %mul3A_383 = arith.mulf %mul3A_382, %add3A_366 : vector<16xf32>
      %mul3A_384 = arith.mulf %mul3A_383, %mul3A_380 : vector<16xf32>
      %mul3A_385 = arith.mulf %mul3A_384, %mul3A_380 : vector<16xf32>
      %sub3A_386 = arith.constant 1.500000e+00 : f32
      %sub3A_387 = vector.broadcast %sub3A_386 : f32 to vector<16xf32>
      %sub3A_388 = arith.subf %sub3A_387, %mul3A_385 : vector<16xf32>
      %mul3A_389 = arith.mulf %mul3A_380, %sub3A_388 : vector<16xf32>
      %mul3A_390 = arith.constant 5.000000e-01 : f32
      %mul3A_391 = vector.broadcast %mul3A_390 : f32 to vector<16xf32>
      %mul3A_392 = arith.mulf %mul3A_391, %add3A_366 : vector<16xf32>
      %mul3A_393 = arith.mulf %mul3A_392, %mul3A_389 : vector<16xf32>
      %mul3A_394 = arith.mulf %mul3A_393, %mul3A_389 : vector<16xf32>
      %sub3A_395 = arith.constant 1.500000e+00 : f32
      %sub3A_396 = vector.broadcast %sub3A_395 : f32 to vector<16xf32>
      %sub3A_397 = arith.subf %sub3A_396, %mul3A_394 : vector<16xf32>
      %mul3A_398 = arith.mulf %mul3A_389, %sub3A_397 : vector<16xf32>
      %get3A_399 = arith.index_cast %add3A_360 : i32 to index
      %get3A_400 = arith.constant 0 : index
      %get3A_401 = tpu.vector_load %arg17[%get3A_399, %get3A_400] {strides = array<i32>} : memref<128x64xf32, #tpu.memory_space<vmem>>, vector<1x16xf32>,
      %get3A_402 = vector.shape_cast %get3A_401 : vector<1x16xf32> to vector<16xf32>
      %mul3A_403 = arith.mulf %get3A_402, %mul3A_398 : vector<16xf32>
      %swap3A = arith.index_cast %add3A_360 : i32 to index
      %swap3A_404 = arith.constant 0 : index
      %swap3A_405 = tpu.vector_load %arg17[%swap3A, %swap3A_404] {strides = array<i32>} : memref<128x64xf32, #tpu.memory_space<vmem>>, vector<1x16xf32>,
      %swap3A_406 = vector.shape_cast %swap3A_405 : vector<1x16xf32> to vector<16xf32>
      %swap3A_407 = vector.shape_cast %mul3A_403 : vector<16xf32> to vector<1x16xf32>
      tpu.vector_store %arg17[%swap3A, %swap3A_404], %swap3A_407 {strides = array<i32>} : memref<128x64xf32, #tpu.memory_space<vmem>>, vector<1x16xf32>,
      %get3A_408 = arith.index_cast %add3A_360 : i32 to index
      %get3A_409 = arith.constant 16 : index
      %get3A_410 = tpu.vector_load %arg17[%get3A_408, %get3A_409] {strides = array<i32>} : memref<128x64xf32, #tpu.memory_space<vmem>>, vector<1x16xf32>,
      %get3A_411 = vector.shape_cast %get3A_410 : vector<1x16xf32> to vector<16xf32>
      %mul3A_412 = arith.mulf %get3A_411, %mul3A_398 : vector<16xf32>
      %swap3A_413 = arith.index_cast %add3A_360 : i32 to index
      %swap3A_414 = arith.constant 16 : index
      %swap3A_415 = tpu.vector_load %arg17[%swap3A_413, %swap3A_414] {strides = array<i32>} : memref<128x64xf32, #tpu.memory_space<vmem>>, vector<1x16xf32>,
      %swap3A_416 = vector.shape_cast %swap3A_415 : vector<1x16xf32> to vector<16xf32>
      %swap3A_417 = vector.shape_cast %mul3A_412 : vector<16xf32> to vector<1x16xf32>
      tpu.vector_store %arg17[%swap3A_413, %swap3A_414], %swap3A_417 {strides = array<i32>} : memref<128x64xf32, #tpu.memory_space<vmem>>, vector<1x16xf32>,
      %get3A_418 = arith.index_cast %add3A_360 : i32 to index
      %get3A_419 = arith.constant 32 : index
      %get3A_420 = tpu.vector_load %arg17[%get3A_418, %get3A_419] {strides = array<i32>} : memref<128x64xf32, #tpu.memory_space<vmem>>, vector<1x16xf32>,
      %get3A_421 = vector.shape_cast %get3A_420 : vector<1x16xf32> to vector<16xf32>
      %mul3A_422 = arith.mulf %get3A_421, %mul3A_398 : vector<16xf32>
      %swap3A_423 = arith.index_cast %add3A_360 : i32 to index
      %swap3A_424 = arith.constant 32 : index
      %swap3A_425 = tpu.vector_load %arg17[%swap3A_423, %swap3A_424] {strides = array<i32>} : memref<128x64xf32, #tpu.memory_space<vmem>>, vector<1x16xf32>,
      %swap3A_426 = vector.shape_cast %swap3A_425 : vector<1x16xf32> to vector<16xf32>
      %swap3A_427 = vector.shape_cast %mul3A_422 : vector<16xf32> to vector<1x16xf32>
      tpu.vector_store %arg17[%swap3A_423, %swap3A_424], %swap3A_427 {strides = array<i32>} : memref<128x64xf32, #tpu.memory_space<vmem>>, vector<1x16xf32>,
      %get3A_428 = arith.index_cast %add3A_360 : i32 to index
      %get3A_429 = arith.constant 48 : index
      %get3A_430 = tpu.vector_load %arg17[%get3A_428, %get3A_429] {strides = array<i32>} : memref<128x64xf32, #tpu.memory_space<vmem>>, vector<1x16xf32>,
      %get3A_431 = vector.shape_cast %get3A_430 : vector<1x16xf32> to vector<16xf32>
      %mul3A_432 = arith.mulf %get3A_431, %mul3A_398 : vector<16xf32>
      %swap3A_433 = arith.index_cast %add3A_360 : i32 to index
      %swap3A_434 = arith.constant 48 : index
      %swap3A_435 = tpu.vector_load %arg17[%swap3A_433, %swap3A_434] {strides = array<i32>} : memref<128x64xf32, #tpu.memory_space<vmem>>, vector<1x16xf32>,
      %swap3A_436 = vector.shape_cast %swap3A_435 : vector<1x16xf32> to vector<16xf32>
      %swap3A_437 = vector.shape_cast %mul3A_432 : vector<16xf32> to vector<1x16xf32>
      tpu.vector_store %arg17[%swap3A_433, %swap3A_434], %swap3A_437 {strides = array<i32>} : memref<128x64xf32, #tpu.memory_space<vmem>>, vector<1x16xf32>,
    }
    %scan3A_328 = arith.constant 128 : i32
    "tpu.region"() ({
      %run_scoped3A = tpu.sem_alloc : memref<!tpu.dma_semaphore, #tpu.memory_space<semaphore_mem>>
      %dma_start3A_356 = arith.constant 0 : i32
      %dma_start3A_357 = tpu.memref_slice %arg7[%arg0, %add3A_323, %dma_start3A_356] : memref<2x10240x64xf32, #tpu.memory_space<hbm>> -> memref<1x128x64xf32, #tpu.memory_space<hbm>>
      %dma_start3A_358 = tpu.memref_squeeze %dma_start3A_357 : memref<1x128x64xf32, #tpu.memory_space<hbm>> -> memref<128x64xf32, #tpu.memory_space<hbm>>
      %dma_start3A_359 = arith.constant 0 : i32
      %dma_start3A_360 = tpu.memref_slice %arg7[%arg0, %add3A_323, %dma_start3A_359] : memref<2x10240x64xf32, #tpu.memory_space<hbm>> -> memref<1x128x64xf32, #tpu.memory_space<hbm>>
      %dma_start3A_361 = tpu.memref_squeeze %dma_start3A_360 : memref<1x128x64xf32, #tpu.memory_space<hbm>> -> memref<128x64xf32, #tpu.memory_space<hbm>>
      tpu.enqueue_dma source(%arg17 : memref<128x64xf32, #tpu.memory_space<vmem>>) target(%dma_start3A_361 : memref<128x64xf32, #tpu.memory_space<hbm>>) target_semaphore(%run_scoped3A : memref<!tpu.dma_semaphore, #tpu.memory_space<semaphore_mem>>)
      %dma_wait3A_362 = arith.constant 0 : i32
      %dma_wait3A_363 = tpu.memref_slice %arg7[%arg0, %add3A_323, %dma_wait3A_362] : memref<2x10240x64xf32, #tpu.memory_space<hbm>> -> memref<1x128x64xf32, #tpu.memory_space<hbm>>
      %dma_wait3A_364 = tpu.memref_squeeze %dma_wait3A_363 : memref<1x128x64xf32, #tpu.memory_space<hbm>> -> memref<128x64xf32, #tpu.memory_space<hbm>>
      %dma_wait3A_365 = arith.constant 0 : i32
      %dma_wait3A_366 = tpu.memref_slice %arg7[%arg0, %add3A_323, %dma_wait3A_365] : memref<2x10240x64xf32, #tpu.memory_space<hbm>> -> memref<1x128x64xf32, #tpu.memory_space<hbm>>
      %dma_wait3A_367 = tpu.memref_squeeze %dma_wait3A_366 : memref<1x128x64xf32, #tpu.memory_space<hbm>> -> memref<128x64xf32, #tpu.memory_space<hbm>>
      tpu.wait_dma2 semaphore(%run_scoped3A : memref<!tpu.dma_semaphore, #tpu.memory_space<semaphore_mem>>) src(%arg17 : memref<128x64xf32, #tpu.memory_space<vmem>>) dst(%dma_wait3A_367 : memref<128x64xf32, #tpu.memory_space<hbm>>)
      tpu.yield
    }) : () -> ()
    %mul3A_329 = arith.constant 640 : i32
    %mul3A_330 = arith.muli %arg1, %mul3A_329 : i32
    %add3A_331 = arith.constant 256 : i32
    %add3A_332 = arith.addi %mul3A_330, %add3A_331 : i32
    "tpu.region"() ({
      %run_scoped3A = tpu.sem_alloc : memref<!tpu.dma_semaphore, #tpu.memory_space<semaphore_mem>>
      %dma_start3A_356 = arith.constant 0 : i32
      %dma_start3A_357 = tpu.memref_slice %arg22[%add3A_332, %dma_start3A_356] : memref<10240x16xf32, #tpu.memory_space<vmem_shared>> -> memref<128x16xf32, #tpu.memory_space<vmem_shared>>
      %dma_start3A_358 = arith.constant 0 : i32
      %dma_start3A_359 = tpu.memref_slice %arg22[%add3A_332, %dma_start3A_358] : memref<10240x16xf32, #tpu.memory_space<vmem_shared>> -> memref<128x16xf32, #tpu.memory_space<vmem_shared>>
      tpu.enqueue_dma source(%dma_start3A_359 : memref<128x16xf32, #tpu.memory_space<vmem_shared>>) target(%arg21 : memref<128x16xf32, #tpu.memory_space<vmem>>) target_semaphore(%run_scoped3A : memref<!tpu.dma_semaphore, #tpu.memory_space<semaphore_mem>>)
      %dma_wait3A_360 = arith.constant 0 : i32
      %dma_wait3A_361 = tpu.memref_slice %arg22[%add3A_332, %dma_wait3A_360] : memref<10240x16xf32, #tpu.memory_space<vmem_shared>> -> memref<128x16xf32, #tpu.memory_space<vmem_shared>>
      %dma_wait3A_362 = arith.constant 0 : i32
      %dma_wait3A_363 = tpu.memref_slice %arg22[%add3A_332, %dma_wait3A_362] : memref<10240x16xf32, #tpu.memory_space<vmem_shared>> -> memref<128x16xf32, #tpu.memory_space<vmem_shared>>
      tpu.wait_dma2 semaphore(%run_scoped3A : memref<!tpu.dma_semaphore, #tpu.memory_space<semaphore_mem>>) src(%dma_wait3A_363 : memref<128x16xf32, #tpu.memory_space<vmem_shared>>) dst(%arg21 : memref<128x16xf32, #tpu.memory_space<vmem>>)
      tpu.yield
    }) : () -> ()
    "tpu.region"() ({
      %run_scoped3A = tpu.sem_alloc : memref<!tpu.dma_semaphore, #tpu.memory_space<semaphore_mem>>
      %dma_start3A_356 = arith.constant 0 : i32
      %dma_start3A_357 = tpu.memref_slice %arg24[%add3A_332, %dma_start3A_356] : memref<10240x64xf32, #tpu.memory_space<vmem_shared>> -> memref<128x64xf32, #tpu.memory_space<vmem_shared>>
      %dma_start3A_358 = arith.constant 0 : i32
      %dma_start3A_359 = tpu.memref_slice %arg24[%add3A_332, %dma_start3A_358] : memref<10240x64xf32, #tpu.memory_space<vmem_shared>> -> memref<128x64xf32, #tpu.memory_space<vmem_shared>>
      tpu.enqueue_dma source(%dma_start3A_359 : memref<128x64xf32, #tpu.memory_space<vmem_shared>>) target(%arg17 : memref<128x64xf32, #tpu.memory_space<vmem>>) target_semaphore(%run_scoped3A : memref<!tpu.dma_semaphore, #tpu.memory_space<semaphore_mem>>)
      %dma_wait3A_360 = arith.constant 0 : i32
      %dma_wait3A_361 = tpu.memref_slice %arg24[%add3A_332, %dma_wait3A_360] : memref<10240x64xf32, #tpu.memory_space<vmem_shared>> -> memref<128x64xf32, #tpu.memory_space<vmem_shared>>
      %dma_wait3A_362 = arith.constant 0 : i32
      %dma_wait3A_363 = tpu.memref_slice %arg24[%add3A_332, %dma_wait3A_362] : memref<10240x64xf32, #tpu.memory_space<vmem_shared>> -> memref<128x64xf32, #tpu.memory_space<vmem_shared>>
      tpu.wait_dma2 semaphore(%run_scoped3A : memref<!tpu.dma_semaphore, #tpu.memory_space<semaphore_mem>>) src(%dma_wait3A_363 : memref<128x64xf32, #tpu.memory_space<vmem_shared>>) dst(%arg17 : memref<128x64xf32, #tpu.memory_space<vmem>>)
      tpu.yield
    }) : () -> ()
    %scan3A_333 = arith.constant 0 : i32
    %scan3A_334 = arith.constant 128 : i32
    %scan3A_335 = arith.addi %scan3A_333, %scan3A_334 : i32
    %scan3A_336 = arith.constant 1 : i32
    scf.for %scan3A_356 = %scan3A_333 to %scan3A_335 step %scan3A_336  : i32 {
      %mul3A_357 = arith.constant 1 : i32
      %mul3A_358 = arith.muli %scan3A_356, %mul3A_357 : i32
      %add3A_359 = arith.constant 0 : i32
      %add3A_360 = arith.addi %add3A_359, %mul3A_358 : i32
      %get3A = arith.index_cast %add3A_360 : i32 to index
      %get3A_361 = arith.constant 0 : index
      %get3A_362 = tpu.vector_load %arg21[%get3A, %get3A_361] {strides = array<i32>} : memref<128x16xf32, #tpu.memory_space<vmem>>, vector<1x16xf32>,
      %get3A_363 = vector.shape_cast %get3A_362 : vector<1x16xf32> to vector<16xf32>
      %add3A_364 = arith.constant 1.000000e+00 : f32
      %add3A_365 = vector.broadcast %add3A_364 : f32 to vector<16xf32>
      %add3A_366 = arith.addf %get3A_363, %add3A_365 : vector<16xf32>
      %bitcast_convert_type3A = tpu.bitcast %add3A_366 : vector<16xf32> -> vector<16xi32>
      %shift_right_logical3A = arith.constant 1 : i32
      %shift_right_logical3A_367 = vector.broadcast %shift_right_logical3A : i32 to vector<16xi32>
      %shift_right_logical3A_368 = arith.shrui %bitcast_convert_type3A, %shift_right_logical3A_367 : vector<16xi32>
      %sub3A = arith.constant 1597463007 : i32
      %sub3A_369 = vector.broadcast %sub3A : i32 to vector<16xi32>
      %sub3A_370 = arith.subi %sub3A_369, %shift_right_logical3A_368 : vector<16xi32>
      %bitcast_convert_type3A_371 = tpu.bitcast %sub3A_370 : vector<16xi32> -> vector<16xf32>
      %mul3A_372 = arith.constant 5.000000e-01 : f32
      %mul3A_373 = vector.broadcast %mul3A_372 : f32 to vector<16xf32>
      %mul3A_374 = arith.mulf %mul3A_373, %add3A_366 : vector<16xf32>
      %mul3A_375 = arith.mulf %mul3A_374, %bitcast_convert_type3A_371 : vector<16xf32>
      %mul3A_376 = arith.mulf %mul3A_375, %bitcast_convert_type3A_371 : vector<16xf32>
      %sub3A_377 = arith.constant 1.500000e+00 : f32
      %sub3A_378 = vector.broadcast %sub3A_377 : f32 to vector<16xf32>
      %sub3A_379 = arith.subf %sub3A_378, %mul3A_376 : vector<16xf32>
      %mul3A_380 = arith.mulf %bitcast_convert_type3A_371, %sub3A_379 : vector<16xf32>
      %mul3A_381 = arith.constant 5.000000e-01 : f32
      %mul3A_382 = vector.broadcast %mul3A_381 : f32 to vector<16xf32>
      %mul3A_383 = arith.mulf %mul3A_382, %add3A_366 : vector<16xf32>
      %mul3A_384 = arith.mulf %mul3A_383, %mul3A_380 : vector<16xf32>
      %mul3A_385 = arith.mulf %mul3A_384, %mul3A_380 : vector<16xf32>
      %sub3A_386 = arith.constant 1.500000e+00 : f32
      %sub3A_387 = vector.broadcast %sub3A_386 : f32 to vector<16xf32>
      %sub3A_388 = arith.subf %sub3A_387, %mul3A_385 : vector<16xf32>
      %mul3A_389 = arith.mulf %mul3A_380, %sub3A_388 : vector<16xf32>
      %mul3A_390 = arith.constant 5.000000e-01 : f32
      %mul3A_391 = vector.broadcast %mul3A_390 : f32 to vector<16xf32>
      %mul3A_392 = arith.mulf %mul3A_391, %add3A_366 : vector<16xf32>
      %mul3A_393 = arith.mulf %mul3A_392, %mul3A_389 : vector<16xf32>
      %mul3A_394 = arith.mulf %mul3A_393, %mul3A_389 : vector<16xf32>
      %sub3A_395 = arith.constant 1.500000e+00 : f32
      %sub3A_396 = vector.broadcast %sub3A_395 : f32 to vector<16xf32>
      %sub3A_397 = arith.subf %sub3A_396, %mul3A_394 : vector<16xf32>
      %mul3A_398 = arith.mulf %mul3A_389, %sub3A_397 : vector<16xf32>
      %get3A_399 = arith.index_cast %add3A_360 : i32 to index
      %get3A_400 = arith.constant 0 : index
      %get3A_401 = tpu.vector_load %arg17[%get3A_399, %get3A_400] {strides = array<i32>} : memref<128x64xf32, #tpu.memory_space<vmem>>, vector<1x16xf32>,
      %get3A_402 = vector.shape_cast %get3A_401 : vector<1x16xf32> to vector<16xf32>
      %mul3A_403 = arith.mulf %get3A_402, %mul3A_398 : vector<16xf32>
      %swap3A = arith.index_cast %add3A_360 : i32 to index
      %swap3A_404 = arith.constant 0 : index
      %swap3A_405 = tpu.vector_load %arg17[%swap3A, %swap3A_404] {strides = array<i32>} : memref<128x64xf32, #tpu.memory_space<vmem>>, vector<1x16xf32>,
      %swap3A_406 = vector.shape_cast %swap3A_405 : vector<1x16xf32> to vector<16xf32>
      %swap3A_407 = vector.shape_cast %mul3A_403 : vector<16xf32> to vector<1x16xf32>
      tpu.vector_store %arg17[%swap3A, %swap3A_404], %swap3A_407 {strides = array<i32>} : memref<128x64xf32, #tpu.memory_space<vmem>>, vector<1x16xf32>,
      %get3A_408 = arith.index_cast %add3A_360 : i32 to index
      %get3A_409 = arith.constant 16 : index
      %get3A_410 = tpu.vector_load %arg17[%get3A_408, %get3A_409] {strides = array<i32>} : memref<128x64xf32, #tpu.memory_space<vmem>>, vector<1x16xf32>,
      %get3A_411 = vector.shape_cast %get3A_410 : vector<1x16xf32> to vector<16xf32>
      %mul3A_412 = arith.mulf %get3A_411, %mul3A_398 : vector<16xf32>
      %swap3A_413 = arith.index_cast %add3A_360 : i32 to index
      %swap3A_414 = arith.constant 16 : index
      %swap3A_415 = tpu.vector_load %arg17[%swap3A_413, %swap3A_414] {strides = array<i32>} : memref<128x64xf32, #tpu.memory_space<vmem>>, vector<1x16xf32>,
      %swap3A_416 = vector.shape_cast %swap3A_415 : vector<1x16xf32> to vector<16xf32>
      %swap3A_417 = vector.shape_cast %mul3A_412 : vector<16xf32> to vector<1x16xf32>
      tpu.vector_store %arg17[%swap3A_413, %swap3A_414], %swap3A_417 {strides = array<i32>} : memref<128x64xf32, #tpu.memory_space<vmem>>, vector<1x16xf32>,
      %get3A_418 = arith.index_cast %add3A_360 : i32 to index
      %get3A_419 = arith.constant 32 : index
      %get3A_420 = tpu.vector_load %arg17[%get3A_418, %get3A_419] {strides = array<i32>} : memref<128x64xf32, #tpu.memory_space<vmem>>, vector<1x16xf32>,
      %get3A_421 = vector.shape_cast %get3A_420 : vector<1x16xf32> to vector<16xf32>
      %mul3A_422 = arith.mulf %get3A_421, %mul3A_398 : vector<16xf32>
      %swap3A_423 = arith.index_cast %add3A_360 : i32 to index
      %swap3A_424 = arith.constant 32 : index
      %swap3A_425 = tpu.vector_load %arg17[%swap3A_423, %swap3A_424] {strides = array<i32>} : memref<128x64xf32, #tpu.memory_space<vmem>>, vector<1x16xf32>,
      %swap3A_426 = vector.shape_cast %swap3A_425 : vector<1x16xf32> to vector<16xf32>
      %swap3A_427 = vector.shape_cast %mul3A_422 : vector<16xf32> to vector<1x16xf32>
      tpu.vector_store %arg17[%swap3A_423, %swap3A_424], %swap3A_427 {strides = array<i32>} : memref<128x64xf32, #tpu.memory_space<vmem>>, vector<1x16xf32>,
      %get3A_428 = arith.index_cast %add3A_360 : i32 to index
      %get3A_429 = arith.constant 48 : index
      %get3A_430 = tpu.vector_load %arg17[%get3A_428, %get3A_429] {strides = array<i32>} : memref<128x64xf32, #tpu.memory_space<vmem>>, vector<1x16xf32>,
      %get3A_431 = vector.shape_cast %get3A_430 : vector<1x16xf32> to vector<16xf32>
      %mul3A_432 = arith.mulf %get3A_431, %mul3A_398 : vector<16xf32>
      %swap3A_433 = arith.index_cast %add3A_360 : i32 to index
      %swap3A_434 = arith.constant 48 : index
      %swap3A_435 = tpu.vector_load %arg17[%swap3A_433, %swap3A_434] {strides = array<i32>} : memref<128x64xf32, #tpu.memory_space<vmem>>, vector<1x16xf32>,
      %swap3A_436 = vector.shape_cast %swap3A_435 : vector<1x16xf32> to vector<16xf32>
      %swap3A_437 = vector.shape_cast %mul3A_432 : vector<16xf32> to vector<1x16xf32>
      tpu.vector_store %arg17[%swap3A_433, %swap3A_434], %swap3A_437 {strides = array<i32>} : memref<128x64xf32, #tpu.memory_space<vmem>>, vector<1x16xf32>,
    }
    %scan3A_337 = arith.constant 128 : i32
    "tpu.region"() ({
      %run_scoped3A = tpu.sem_alloc : memref<!tpu.dma_semaphore, #tpu.memory_space<semaphore_mem>>
      %dma_start3A_356 = arith.constant 0 : i32
      %dma_start3A_357 = tpu.memref_slice %arg7[%arg0, %add3A_332, %dma_start3A_356] : memref<2x10240x64xf32, #tpu.memory_space<hbm>> -> memref<1x128x64xf32, #tpu.memory_space<hbm>>
      %dma_start3A_358 = tpu.memref_squeeze %dma_start3A_357 : memref<1x128x64xf32, #tpu.memory_space<hbm>> -> memref<128x64xf32, #tpu.memory_space<hbm>>
      %dma_start3A_359 = arith.constant 0 : i32
      %dma_start3A_360 = tpu.memref_slice %arg7[%arg0, %add3A_332, %dma_start3A_359] : memref<2x10240x64xf32, #tpu.memory_space<hbm>> -> memref<1x128x64xf32, #tpu.memory_space<hbm>>
      %dma_start3A_361 = tpu.memref_squeeze %dma_start3A_360 : memref<1x128x64xf32, #tpu.memory_space<hbm>> -> memref<128x64xf32, #tpu.memory_space<hbm>>
      tpu.enqueue_dma source(%arg17 : memref<128x64xf32, #tpu.memory_space<vmem>>) target(%dma_start3A_361 : memref<128x64xf32, #tpu.memory_space<hbm>>) target_semaphore(%run_scoped3A : memref<!tpu.dma_semaphore, #tpu.memory_space<semaphore_mem>>)
      %dma_wait3A_362 = arith.constant 0 : i32
      %dma_wait3A_363 = tpu.memref_slice %arg7[%arg0, %add3A_332, %dma_wait3A_362] : memref<2x10240x64xf32, #tpu.memory_space<hbm>> -> memref<1x128x64xf32, #tpu.memory_space<hbm>>
      %dma_wait3A_364 = tpu.memref_squeeze %dma_wait3A_363 : memref<1x128x64xf32, #tpu.memory_space<hbm>> -> memref<128x64xf32, #tpu.memory_space<hbm>>
      %dma_wait3A_365 = arith.constant 0 : i32
      %dma_wait3A_366 = tpu.memref_slice %arg7[%arg0, %add3A_332, %dma_wait3A_365] : memref<2x10240x64xf32, #tpu.memory_space<hbm>> -> memref<1x128x64xf32, #tpu.memory_space<hbm>>
      %dma_wait3A_367 = tpu.memref_squeeze %dma_wait3A_366 : memref<1x128x64xf32, #tpu.memory_space<hbm>> -> memref<128x64xf32, #tpu.memory_space<hbm>>
      tpu.wait_dma2 semaphore(%run_scoped3A : memref<!tpu.dma_semaphore, #tpu.memory_space<semaphore_mem>>) src(%arg17 : memref<128x64xf32, #tpu.memory_space<vmem>>) dst(%dma_wait3A_367 : memref<128x64xf32, #tpu.memory_space<hbm>>)
      tpu.yield
    }) : () -> ()
    %mul3A_338 = arith.constant 640 : i32
    %mul3A_339 = arith.muli %arg1, %mul3A_338 : i32
    %add3A_340 = arith.constant 384 : i32
    %add3A_341 = arith.addi %mul3A_339, %add3A_340 : i32
    "tpu.region"() ({
      %run_scoped3A = tpu.sem_alloc : memref<!tpu.dma_semaphore, #tpu.memory_space<semaphore_mem>>
      %dma_start3A_356 = arith.constant 0 : i32
      %dma_start3A_357 = tpu.memref_slice %arg22[%add3A_341, %dma_start3A_356] : memref<10240x16xf32, #tpu.memory_space<vmem_shared>> -> memref<128x16xf32, #tpu.memory_space<vmem_shared>>
      %dma_start3A_358 = arith.constant 0 : i32
      %dma_start3A_359 = tpu.memref_slice %arg22[%add3A_341, %dma_start3A_358] : memref<10240x16xf32, #tpu.memory_space<vmem_shared>> -> memref<128x16xf32, #tpu.memory_space<vmem_shared>>
      tpu.enqueue_dma source(%dma_start3A_359 : memref<128x16xf32, #tpu.memory_space<vmem_shared>>) target(%arg21 : memref<128x16xf32, #tpu.memory_space<vmem>>) target_semaphore(%run_scoped3A : memref<!tpu.dma_semaphore, #tpu.memory_space<semaphore_mem>>)
      %dma_wait3A_360 = arith.constant 0 : i32
      %dma_wait3A_361 = tpu.memref_slice %arg22[%add3A_341, %dma_wait3A_360] : memref<10240x16xf32, #tpu.memory_space<vmem_shared>> -> memref<128x16xf32, #tpu.memory_space<vmem_shared>>
      %dma_wait3A_362 = arith.constant 0 : i32
      %dma_wait3A_363 = tpu.memref_slice %arg22[%add3A_341, %dma_wait3A_362] : memref<10240x16xf32, #tpu.memory_space<vmem_shared>> -> memref<128x16xf32, #tpu.memory_space<vmem_shared>>
      tpu.wait_dma2 semaphore(%run_scoped3A : memref<!tpu.dma_semaphore, #tpu.memory_space<semaphore_mem>>) src(%dma_wait3A_363 : memref<128x16xf32, #tpu.memory_space<vmem_shared>>) dst(%arg21 : memref<128x16xf32, #tpu.memory_space<vmem>>)
      tpu.yield
    }) : () -> ()
    "tpu.region"() ({
      %run_scoped3A = tpu.sem_alloc : memref<!tpu.dma_semaphore, #tpu.memory_space<semaphore_mem>>
      %dma_start3A_356 = arith.constant 0 : i32
      %dma_start3A_357 = tpu.memref_slice %arg24[%add3A_341, %dma_start3A_356] : memref<10240x64xf32, #tpu.memory_space<vmem_shared>> -> memref<128x64xf32, #tpu.memory_space<vmem_shared>>
      %dma_start3A_358 = arith.constant 0 : i32
      %dma_start3A_359 = tpu.memref_slice %arg24[%add3A_341, %dma_start3A_358] : memref<10240x64xf32, #tpu.memory_space<vmem_shared>> -> memref<128x64xf32, #tpu.memory_space<vmem_shared>>
      tpu.enqueue_dma source(%dma_start3A_359 : memref<128x64xf32, #tpu.memory_space<vmem_shared>>) target(%arg17 : memref<128x64xf32, #tpu.memory_space<vmem>>) target_semaphore(%run_scoped3A : memref<!tpu.dma_semaphore, #tpu.memory_space<semaphore_mem>>)
      %dma_wait3A_360 = arith.constant 0 : i32
      %dma_wait3A_361 = tpu.memref_slice %arg24[%add3A_341, %dma_wait3A_360] : memref<10240x64xf32, #tpu.memory_space<vmem_shared>> -> memref<128x64xf32, #tpu.memory_space<vmem_shared>>
      %dma_wait3A_362 = arith.constant 0 : i32
      %dma_wait3A_363 = tpu.memref_slice %arg24[%add3A_341, %dma_wait3A_362] : memref<10240x64xf32, #tpu.memory_space<vmem_shared>> -> memref<128x64xf32, #tpu.memory_space<vmem_shared>>
      tpu.wait_dma2 semaphore(%run_scoped3A : memref<!tpu.dma_semaphore, #tpu.memory_space<semaphore_mem>>) src(%dma_wait3A_363 : memref<128x64xf32, #tpu.memory_space<vmem_shared>>) dst(%arg17 : memref<128x64xf32, #tpu.memory_space<vmem>>)
      tpu.yield
    }) : () -> ()
    %scan3A_342 = arith.constant 0 : i32
    %scan3A_343 = arith.constant 128 : i32
    %scan3A_344 = arith.addi %scan3A_342, %scan3A_343 : i32
    %scan3A_345 = arith.constant 1 : i32
    scf.for %scan3A_356 = %scan3A_342 to %scan3A_344 step %scan3A_345  : i32 {
      %mul3A_357 = arith.constant 1 : i32
      %mul3A_358 = arith.muli %scan3A_356, %mul3A_357 : i32
      %add3A_359 = arith.constant 0 : i32
      %add3A_360 = arith.addi %add3A_359, %mul3A_358 : i32
      %get3A = arith.index_cast %add3A_360 : i32 to index
      %get3A_361 = arith.constant 0 : index
      %get3A_362 = tpu.vector_load %arg21[%get3A, %get3A_361] {strides = array<i32>} : memref<128x16xf32, #tpu.memory_space<vmem>>, vector<1x16xf32>,
      %get3A_363 = vector.shape_cast %get3A_362 : vector<1x16xf32> to vector<16xf32>
      %add3A_364 = arith.constant 1.000000e+00 : f32
      %add3A_365 = vector.broadcast %add3A_364 : f32 to vector<16xf32>
      %add3A_366 = arith.addf %get3A_363, %add3A_365 : vector<16xf32>
      %bitcast_convert_type3A = tpu.bitcast %add3A_366 : vector<16xf32> -> vector<16xi32>
      %shift_right_logical3A = arith.constant 1 : i32
      %shift_right_logical3A_367 = vector.broadcast %shift_right_logical3A : i32 to vector<16xi32>
      %shift_right_logical3A_368 = arith.shrui %bitcast_convert_type3A, %shift_right_logical3A_367 : vector<16xi32>
      %sub3A = arith.constant 1597463007 : i32
      %sub3A_369 = vector.broadcast %sub3A : i32 to vector<16xi32>
      %sub3A_370 = arith.subi %sub3A_369, %shift_right_logical3A_368 : vector<16xi32>
      %bitcast_convert_type3A_371 = tpu.bitcast %sub3A_370 : vector<16xi32> -> vector<16xf32>
      %mul3A_372 = arith.constant 5.000000e-01 : f32
      %mul3A_373 = vector.broadcast %mul3A_372 : f32 to vector<16xf32>
      %mul3A_374 = arith.mulf %mul3A_373, %add3A_366 : vector<16xf32>
      %mul3A_375 = arith.mulf %mul3A_374, %bitcast_convert_type3A_371 : vector<16xf32>
      %mul3A_376 = arith.mulf %mul3A_375, %bitcast_convert_type3A_371 : vector<16xf32>
      %sub3A_377 = arith.constant 1.500000e+00 : f32
      %sub3A_378 = vector.broadcast %sub3A_377 : f32 to vector<16xf32>
      %sub3A_379 = arith.subf %sub3A_378, %mul3A_376 : vector<16xf32>
      %mul3A_380 = arith.mulf %bitcast_convert_type3A_371, %sub3A_379 : vector<16xf32>
      %mul3A_381 = arith.constant 5.000000e-01 : f32
      %mul3A_382 = vector.broadcast %mul3A_381 : f32 to vector<16xf32>
      %mul3A_383 = arith.mulf %mul3A_382, %add3A_366 : vector<16xf32>
      %mul3A_384 = arith.mulf %mul3A_383, %mul3A_380 : vector<16xf32>
      %mul3A_385 = arith.mulf %mul3A_384, %mul3A_380 : vector<16xf32>
      %sub3A_386 = arith.constant 1.500000e+00 : f32
      %sub3A_387 = vector.broadcast %sub3A_386 : f32 to vector<16xf32>
      %sub3A_388 = arith.subf %sub3A_387, %mul3A_385 : vector<16xf32>
      %mul3A_389 = arith.mulf %mul3A_380, %sub3A_388 : vector<16xf32>
      %mul3A_390 = arith.constant 5.000000e-01 : f32
      %mul3A_391 = vector.broadcast %mul3A_390 : f32 to vector<16xf32>
      %mul3A_392 = arith.mulf %mul3A_391, %add3A_366 : vector<16xf32>
      %mul3A_393 = arith.mulf %mul3A_392, %mul3A_389 : vector<16xf32>
      %mul3A_394 = arith.mulf %mul3A_393, %mul3A_389 : vector<16xf32>
      %sub3A_395 = arith.constant 1.500000e+00 : f32
      %sub3A_396 = vector.broadcast %sub3A_395 : f32 to vector<16xf32>
      %sub3A_397 = arith.subf %sub3A_396, %mul3A_394 : vector<16xf32>
      %mul3A_398 = arith.mulf %mul3A_389, %sub3A_397 : vector<16xf32>
      %get3A_399 = arith.index_cast %add3A_360 : i32 to index
      %get3A_400 = arith.constant 0 : index
      %get3A_401 = tpu.vector_load %arg17[%get3A_399, %get3A_400] {strides = array<i32>} : memref<128x64xf32, #tpu.memory_space<vmem>>, vector<1x16xf32>,
      %get3A_402 = vector.shape_cast %get3A_401 : vector<1x16xf32> to vector<16xf32>
      %mul3A_403 = arith.mulf %get3A_402, %mul3A_398 : vector<16xf32>
      %swap3A = arith.index_cast %add3A_360 : i32 to index
      %swap3A_404 = arith.constant 0 : index
      %swap3A_405 = tpu.vector_load %arg17[%swap3A, %swap3A_404] {strides = array<i32>} : memref<128x64xf32, #tpu.memory_space<vmem>>, vector<1x16xf32>,
      %swap3A_406 = vector.shape_cast %swap3A_405 : vector<1x16xf32> to vector<16xf32>
      %swap3A_407 = vector.shape_cast %mul3A_403 : vector<16xf32> to vector<1x16xf32>
      tpu.vector_store %arg17[%swap3A, %swap3A_404], %swap3A_407 {strides = array<i32>} : memref<128x64xf32, #tpu.memory_space<vmem>>, vector<1x16xf32>,
      %get3A_408 = arith.index_cast %add3A_360 : i32 to index
      %get3A_409 = arith.constant 16 : index
      %get3A_410 = tpu.vector_load %arg17[%get3A_408, %get3A_409] {strides = array<i32>} : memref<128x64xf32, #tpu.memory_space<vmem>>, vector<1x16xf32>,
      %get3A_411 = vector.shape_cast %get3A_410 : vector<1x16xf32> to vector<16xf32>
      %mul3A_412 = arith.mulf %get3A_411, %mul3A_398 : vector<16xf32>
      %swap3A_413 = arith.index_cast %add3A_360 : i32 to index
      %swap3A_414 = arith.constant 16 : index
      %swap3A_415 = tpu.vector_load %arg17[%swap3A_413, %swap3A_414] {strides = array<i32>} : memref<128x64xf32, #tpu.memory_space<vmem>>, vector<1x16xf32>,
      %swap3A_416 = vector.shape_cast %swap3A_415 : vector<1x16xf32> to vector<16xf32>
      %swap3A_417 = vector.shape_cast %mul3A_412 : vector<16xf32> to vector<1x16xf32>
      tpu.vector_store %arg17[%swap3A_413, %swap3A_414], %swap3A_417 {strides = array<i32>} : memref<128x64xf32, #tpu.memory_space<vmem>>, vector<1x16xf32>,
      %get3A_418 = arith.index_cast %add3A_360 : i32 to index
      %get3A_419 = arith.constant 32 : index
      %get3A_420 = tpu.vector_load %arg17[%get3A_418, %get3A_419] {strides = array<i32>} : memref<128x64xf32, #tpu.memory_space<vmem>>, vector<1x16xf32>,
      %get3A_421 = vector.shape_cast %get3A_420 : vector<1x16xf32> to vector<16xf32>
      %mul3A_422 = arith.mulf %get3A_421, %mul3A_398 : vector<16xf32>
      %swap3A_423 = arith.index_cast %add3A_360 : i32 to index
      %swap3A_424 = arith.constant 32 : index
      %swap3A_425 = tpu.vector_load %arg17[%swap3A_423, %swap3A_424] {strides = array<i32>} : memref<128x64xf32, #tpu.memory_space<vmem>>, vector<1x16xf32>,
      %swap3A_426 = vector.shape_cast %swap3A_425 : vector<1x16xf32> to vector<16xf32>
      %swap3A_427 = vector.shape_cast %mul3A_422 : vector<16xf32> to vector<1x16xf32>
      tpu.vector_store %arg17[%swap3A_423, %swap3A_424], %swap3A_427 {strides = array<i32>} : memref<128x64xf32, #tpu.memory_space<vmem>>, vector<1x16xf32>,
      %get3A_428 = arith.index_cast %add3A_360 : i32 to index
      %get3A_429 = arith.constant 48 : index
      %get3A_430 = tpu.vector_load %arg17[%get3A_428, %get3A_429] {strides = array<i32>} : memref<128x64xf32, #tpu.memory_space<vmem>>, vector<1x16xf32>,
      %get3A_431 = vector.shape_cast %get3A_430 : vector<1x16xf32> to vector<16xf32>
      %mul3A_432 = arith.mulf %get3A_431, %mul3A_398 : vector<16xf32>
      %swap3A_433 = arith.index_cast %add3A_360 : i32 to index
      %swap3A_434 = arith.constant 48 : index
      %swap3A_435 = tpu.vector_load %arg17[%swap3A_433, %swap3A_434] {strides = array<i32>} : memref<128x64xf32, #tpu.memory_space<vmem>>, vector<1x16xf32>,
      %swap3A_436 = vector.shape_cast %swap3A_435 : vector<1x16xf32> to vector<16xf32>
      %swap3A_437 = vector.shape_cast %mul3A_432 : vector<16xf32> to vector<1x16xf32>
      tpu.vector_store %arg17[%swap3A_433, %swap3A_434], %swap3A_437 {strides = array<i32>} : memref<128x64xf32, #tpu.memory_space<vmem>>, vector<1x16xf32>,
    }
    %scan3A_346 = arith.constant 128 : i32
    "tpu.region"() ({
      %run_scoped3A = tpu.sem_alloc : memref<!tpu.dma_semaphore, #tpu.memory_space<semaphore_mem>>
      %dma_start3A_356 = arith.constant 0 : i32
      %dma_start3A_357 = tpu.memref_slice %arg7[%arg0, %add3A_341, %dma_start3A_356] : memref<2x10240x64xf32, #tpu.memory_space<hbm>> -> memref<1x128x64xf32, #tpu.memory_space<hbm>>
      %dma_start3A_358 = tpu.memref_squeeze %dma_start3A_357 : memref<1x128x64xf32, #tpu.memory_space<hbm>> -> memref<128x64xf32, #tpu.memory_space<hbm>>
      %dma_start3A_359 = arith.constant 0 : i32
      %dma_start3A_360 = tpu.memref_slice %arg7[%arg0, %add3A_341, %dma_start3A_359] : memref<2x10240x64xf32, #tpu.memory_space<hbm>> -> memref<1x128x64xf32, #tpu.memory_space<hbm>>
      %dma_start3A_361 = tpu.memref_squeeze %dma_start3A_360 : memref<1x128x64xf32, #tpu.memory_space<hbm>> -> memref<128x64xf32, #tpu.memory_space<hbm>>
      tpu.enqueue_dma source(%arg17 : memref<128x64xf32, #tpu.memory_space<vmem>>) target(%dma_start3A_361 : memref<128x64xf32, #tpu.memory_space<hbm>>) target_semaphore(%run_scoped3A : memref<!tpu.dma_semaphore, #tpu.memory_space<semaphore_mem>>)
      %dma_wait3A_362 = arith.constant 0 : i32
      %dma_wait3A_363 = tpu.memref_slice %arg7[%arg0, %add3A_341, %dma_wait3A_362] : memref<2x10240x64xf32, #tpu.memory_space<hbm>> -> memref<1x128x64xf32, #tpu.memory_space<hbm>>
      %dma_wait3A_364 = tpu.memref_squeeze %dma_wait3A_363 : memref<1x128x64xf32, #tpu.memory_space<hbm>> -> memref<128x64xf32, #tpu.memory_space<hbm>>
      %dma_wait3A_365 = arith.constant 0 : i32
      %dma_wait3A_366 = tpu.memref_slice %arg7[%arg0, %add3A_341, %dma_wait3A_365] : memref<2x10240x64xf32, #tpu.memory_space<hbm>> -> memref<1x128x64xf32, #tpu.memory_space<hbm>>
      %dma_wait3A_367 = tpu.memref_squeeze %dma_wait3A_366 : memref<1x128x64xf32, #tpu.memory_space<hbm>> -> memref<128x64xf32, #tpu.memory_space<hbm>>
      tpu.wait_dma2 semaphore(%run_scoped3A : memref<!tpu.dma_semaphore, #tpu.memory_space<semaphore_mem>>) src(%arg17 : memref<128x64xf32, #tpu.memory_space<vmem>>) dst(%dma_wait3A_367 : memref<128x64xf32, #tpu.memory_space<hbm>>)
      tpu.yield
    }) : () -> ()
    %mul3A_347 = arith.constant 640 : i32
    %mul3A_348 = arith.muli %arg1, %mul3A_347 : i32
    %add3A_349 = arith.constant 512 : i32
    %add3A_350 = arith.addi %mul3A_348, %add3A_349 : i32
    "tpu.region"() ({
      %run_scoped3A = tpu.sem_alloc : memref<!tpu.dma_semaphore, #tpu.memory_space<semaphore_mem>>
      %dma_start3A_356 = arith.constant 0 : i32
      %dma_start3A_357 = tpu.memref_slice %arg22[%add3A_350, %dma_start3A_356] : memref<10240x16xf32, #tpu.memory_space<vmem_shared>> -> memref<128x16xf32, #tpu.memory_space<vmem_shared>>
      %dma_start3A_358 = arith.constant 0 : i32
      %dma_start3A_359 = tpu.memref_slice %arg22[%add3A_350, %dma_start3A_358] : memref<10240x16xf32, #tpu.memory_space<vmem_shared>> -> memref<128x16xf32, #tpu.memory_space<vmem_shared>>
      tpu.enqueue_dma source(%dma_start3A_359 : memref<128x16xf32, #tpu.memory_space<vmem_shared>>) target(%arg21 : memref<128x16xf32, #tpu.memory_space<vmem>>) target_semaphore(%run_scoped3A : memref<!tpu.dma_semaphore, #tpu.memory_space<semaphore_mem>>)
      %dma_wait3A_360 = arith.constant 0 : i32
      %dma_wait3A_361 = tpu.memref_slice %arg22[%add3A_350, %dma_wait3A_360] : memref<10240x16xf32, #tpu.memory_space<vmem_shared>> -> memref<128x16xf32, #tpu.memory_space<vmem_shared>>
      %dma_wait3A_362 = arith.constant 0 : i32
      %dma_wait3A_363 = tpu.memref_slice %arg22[%add3A_350, %dma_wait3A_362] : memref<10240x16xf32, #tpu.memory_space<vmem_shared>> -> memref<128x16xf32, #tpu.memory_space<vmem_shared>>
      tpu.wait_dma2 semaphore(%run_scoped3A : memref<!tpu.dma_semaphore, #tpu.memory_space<semaphore_mem>>) src(%dma_wait3A_363 : memref<128x16xf32, #tpu.memory_space<vmem_shared>>) dst(%arg21 : memref<128x16xf32, #tpu.memory_space<vmem>>)
      tpu.yield
    }) : () -> ()
    "tpu.region"() ({
      %run_scoped3A = tpu.sem_alloc : memref<!tpu.dma_semaphore, #tpu.memory_space<semaphore_mem>>
      %dma_start3A_356 = arith.constant 0 : i32
      %dma_start3A_357 = tpu.memref_slice %arg24[%add3A_350, %dma_start3A_356] : memref<10240x64xf32, #tpu.memory_space<vmem_shared>> -> memref<128x64xf32, #tpu.memory_space<vmem_shared>>
      %dma_start3A_358 = arith.constant 0 : i32
      %dma_start3A_359 = tpu.memref_slice %arg24[%add3A_350, %dma_start3A_358] : memref<10240x64xf32, #tpu.memory_space<vmem_shared>> -> memref<128x64xf32, #tpu.memory_space<vmem_shared>>
      tpu.enqueue_dma source(%dma_start3A_359 : memref<128x64xf32, #tpu.memory_space<vmem_shared>>) target(%arg17 : memref<128x64xf32, #tpu.memory_space<vmem>>) target_semaphore(%run_scoped3A : memref<!tpu.dma_semaphore, #tpu.memory_space<semaphore_mem>>)
      %dma_wait3A_360 = arith.constant 0 : i32
      %dma_wait3A_361 = tpu.memref_slice %arg24[%add3A_350, %dma_wait3A_360] : memref<10240x64xf32, #tpu.memory_space<vmem_shared>> -> memref<128x64xf32, #tpu.memory_space<vmem_shared>>
      %dma_wait3A_362 = arith.constant 0 : i32
      %dma_wait3A_363 = tpu.memref_slice %arg24[%add3A_350, %dma_wait3A_362] : memref<10240x64xf32, #tpu.memory_space<vmem_shared>> -> memref<128x64xf32, #tpu.memory_space<vmem_shared>>
      tpu.wait_dma2 semaphore(%run_scoped3A : memref<!tpu.dma_semaphore, #tpu.memory_space<semaphore_mem>>) src(%dma_wait3A_363 : memref<128x64xf32, #tpu.memory_space<vmem_shared>>) dst(%arg17 : memref<128x64xf32, #tpu.memory_space<vmem>>)
      tpu.yield
    }) : () -> ()
    %scan3A_351 = arith.constant 0 : i32
    %scan3A_352 = arith.constant 128 : i32
    %scan3A_353 = arith.addi %scan3A_351, %scan3A_352 : i32
    %scan3A_354 = arith.constant 1 : i32
    scf.for %scan3A_356 = %scan3A_351 to %scan3A_353 step %scan3A_354  : i32 {
      %mul3A_357 = arith.constant 1 : i32
      %mul3A_358 = arith.muli %scan3A_356, %mul3A_357 : i32
      %add3A_359 = arith.constant 0 : i32
      %add3A_360 = arith.addi %add3A_359, %mul3A_358 : i32
      %get3A = arith.index_cast %add3A_360 : i32 to index
      %get3A_361 = arith.constant 0 : index
      %get3A_362 = tpu.vector_load %arg21[%get3A, %get3A_361] {strides = array<i32>} : memref<128x16xf32, #tpu.memory_space<vmem>>, vector<1x16xf32>,
      %get3A_363 = vector.shape_cast %get3A_362 : vector<1x16xf32> to vector<16xf32>
      %add3A_364 = arith.constant 1.000000e+00 : f32
      %add3A_365 = vector.broadcast %add3A_364 : f32 to vector<16xf32>
      %add3A_366 = arith.addf %get3A_363, %add3A_365 : vector<16xf32>
      %bitcast_convert_type3A = tpu.bitcast %add3A_366 : vector<16xf32> -> vector<16xi32>
      %shift_right_logical3A = arith.constant 1 : i32
      %shift_right_logical3A_367 = vector.broadcast %shift_right_logical3A : i32 to vector<16xi32>
      %shift_right_logical3A_368 = arith.shrui %bitcast_convert_type3A, %shift_right_logical3A_367 : vector<16xi32>
      %sub3A = arith.constant 1597463007 : i32
      %sub3A_369 = vector.broadcast %sub3A : i32 to vector<16xi32>
      %sub3A_370 = arith.subi %sub3A_369, %shift_right_logical3A_368 : vector<16xi32>
      %bitcast_convert_type3A_371 = tpu.bitcast %sub3A_370 : vector<16xi32> -> vector<16xf32>
      %mul3A_372 = arith.constant 5.000000e-01 : f32
      %mul3A_373 = vector.broadcast %mul3A_372 : f32 to vector<16xf32>
      %mul3A_374 = arith.mulf %mul3A_373, %add3A_366 : vector<16xf32>
      %mul3A_375 = arith.mulf %mul3A_374, %bitcast_convert_type3A_371 : vector<16xf32>
      %mul3A_376 = arith.mulf %mul3A_375, %bitcast_convert_type3A_371 : vector<16xf32>
      %sub3A_377 = arith.constant 1.500000e+00 : f32
      %sub3A_378 = vector.broadcast %sub3A_377 : f32 to vector<16xf32>
      %sub3A_379 = arith.subf %sub3A_378, %mul3A_376 : vector<16xf32>
      %mul3A_380 = arith.mulf %bitcast_convert_type3A_371, %sub3A_379 : vector<16xf32>
      %mul3A_381 = arith.constant 5.000000e-01 : f32
      %mul3A_382 = vector.broadcast %mul3A_381 : f32 to vector<16xf32>
      %mul3A_383 = arith.mulf %mul3A_382, %add3A_366 : vector<16xf32>
      %mul3A_384 = arith.mulf %mul3A_383, %mul3A_380 : vector<16xf32>
      %mul3A_385 = arith.mulf %mul3A_384, %mul3A_380 : vector<16xf32>
      %sub3A_386 = arith.constant 1.500000e+00 : f32
      %sub3A_387 = vector.broadcast %sub3A_386 : f32 to vector<16xf32>
      %sub3A_388 = arith.subf %sub3A_387, %mul3A_385 : vector<16xf32>
      %mul3A_389 = arith.mulf %mul3A_380, %sub3A_388 : vector<16xf32>
      %mul3A_390 = arith.constant 5.000000e-01 : f32
      %mul3A_391 = vector.broadcast %mul3A_390 : f32 to vector<16xf32>
      %mul3A_392 = arith.mulf %mul3A_391, %add3A_366 : vector<16xf32>
      %mul3A_393 = arith.mulf %mul3A_392, %mul3A_389 : vector<16xf32>
      %mul3A_394 = arith.mulf %mul3A_393, %mul3A_389 : vector<16xf32>
      %sub3A_395 = arith.constant 1.500000e+00 : f32
      %sub3A_396 = vector.broadcast %sub3A_395 : f32 to vector<16xf32>
      %sub3A_397 = arith.subf %sub3A_396, %mul3A_394 : vector<16xf32>
      %mul3A_398 = arith.mulf %mul3A_389, %sub3A_397 : vector<16xf32>
      %get3A_399 = arith.index_cast %add3A_360 : i32 to index
      %get3A_400 = arith.constant 0 : index
      %get3A_401 = tpu.vector_load %arg17[%get3A_399, %get3A_400] {strides = array<i32>} : memref<128x64xf32, #tpu.memory_space<vmem>>, vector<1x16xf32>,
      %get3A_402 = vector.shape_cast %get3A_401 : vector<1x16xf32> to vector<16xf32>
      %mul3A_403 = arith.mulf %get3A_402, %mul3A_398 : vector<16xf32>
      %swap3A = arith.index_cast %add3A_360 : i32 to index
      %swap3A_404 = arith.constant 0 : index
      %swap3A_405 = tpu.vector_load %arg17[%swap3A, %swap3A_404] {strides = array<i32>} : memref<128x64xf32, #tpu.memory_space<vmem>>, vector<1x16xf32>,
      %swap3A_406 = vector.shape_cast %swap3A_405 : vector<1x16xf32> to vector<16xf32>
      %swap3A_407 = vector.shape_cast %mul3A_403 : vector<16xf32> to vector<1x16xf32>
      tpu.vector_store %arg17[%swap3A, %swap3A_404], %swap3A_407 {strides = array<i32>} : memref<128x64xf32, #tpu.memory_space<vmem>>, vector<1x16xf32>,
      %get3A_408 = arith.index_cast %add3A_360 : i32 to index
      %get3A_409 = arith.constant 16 : index
      %get3A_410 = tpu.vector_load %arg17[%get3A_408, %get3A_409] {strides = array<i32>} : memref<128x64xf32, #tpu.memory_space<vmem>>, vector<1x16xf32>,
      %get3A_411 = vector.shape_cast %get3A_410 : vector<1x16xf32> to vector<16xf32>
      %mul3A_412 = arith.mulf %get3A_411, %mul3A_398 : vector<16xf32>
      %swap3A_413 = arith.index_cast %add3A_360 : i32 to index
      %swap3A_414 = arith.constant 16 : index
      %swap3A_415 = tpu.vector_load %arg17[%swap3A_413, %swap3A_414] {strides = array<i32>} : memref<128x64xf32, #tpu.memory_space<vmem>>, vector<1x16xf32>,
      %swap3A_416 = vector.shape_cast %swap3A_415 : vector<1x16xf32> to vector<16xf32>
      %swap3A_417 = vector.shape_cast %mul3A_412 : vector<16xf32> to vector<1x16xf32>
      tpu.vector_store %arg17[%swap3A_413, %swap3A_414], %swap3A_417 {strides = array<i32>} : memref<128x64xf32, #tpu.memory_space<vmem>>, vector<1x16xf32>,
      %get3A_418 = arith.index_cast %add3A_360 : i32 to index
      %get3A_419 = arith.constant 32 : index
      %get3A_420 = tpu.vector_load %arg17[%get3A_418, %get3A_419] {strides = array<i32>} : memref<128x64xf32, #tpu.memory_space<vmem>>, vector<1x16xf32>,
      %get3A_421 = vector.shape_cast %get3A_420 : vector<1x16xf32> to vector<16xf32>
      %mul3A_422 = arith.mulf %get3A_421, %mul3A_398 : vector<16xf32>
      %swap3A_423 = arith.index_cast %add3A_360 : i32 to index
      %swap3A_424 = arith.constant 32 : index
      %swap3A_425 = tpu.vector_load %arg17[%swap3A_423, %swap3A_424] {strides = array<i32>} : memref<128x64xf32, #tpu.memory_space<vmem>>, vector<1x16xf32>,
      %swap3A_426 = vector.shape_cast %swap3A_425 : vector<1x16xf32> to vector<16xf32>
      %swap3A_427 = vector.shape_cast %mul3A_422 : vector<16xf32> to vector<1x16xf32>
      tpu.vector_store %arg17[%swap3A_423, %swap3A_424], %swap3A_427 {strides = array<i32>} : memref<128x64xf32, #tpu.memory_space<vmem>>, vector<1x16xf32>,
      %get3A_428 = arith.index_cast %add3A_360 : i32 to index
      %get3A_429 = arith.constant 48 : index
      %get3A_430 = tpu.vector_load %arg17[%get3A_428, %get3A_429] {strides = array<i32>} : memref<128x64xf32, #tpu.memory_space<vmem>>, vector<1x16xf32>,
      %get3A_431 = vector.shape_cast %get3A_430 : vector<1x16xf32> to vector<16xf32>
      %mul3A_432 = arith.mulf %get3A_431, %mul3A_398 : vector<16xf32>
      %swap3A_433 = arith.index_cast %add3A_360 : i32 to index
      %swap3A_434 = arith.constant 48 : index
      %swap3A_435 = tpu.vector_load %arg17[%swap3A_433, %swap3A_434] {strides = array<i32>} : memref<128x64xf32, #tpu.memory_space<vmem>>, vector<1x16xf32>,
      %swap3A_436 = vector.shape_cast %swap3A_435 : vector<1x16xf32> to vector<16xf32>
      %swap3A_437 = vector.shape_cast %mul3A_432 : vector<16xf32> to vector<1x16xf32>
      tpu.vector_store %arg17[%swap3A_433, %swap3A_434], %swap3A_437 {strides = array<i32>} : memref<128x64xf32, #tpu.memory_space<vmem>>, vector<1x16xf32>,
    }
    %scan3A_355 = arith.constant 128 : i32
    "tpu.region"() ({
      %run_scoped3A = tpu.sem_alloc : memref<!tpu.dma_semaphore, #tpu.memory_space<semaphore_mem>>
      %dma_start3A_356 = arith.constant 0 : i32
      %dma_start3A_357 = tpu.memref_slice %arg7[%arg0, %add3A_350, %dma_start3A_356] : memref<2x10240x64xf32, #tpu.memory_space<hbm>> -> memref<1x128x64xf32, #tpu.memory_space<hbm>>
      %dma_start3A_358 = tpu.memref_squeeze %dma_start3A_357 : memref<1x128x64xf32, #tpu.memory_space<hbm>> -> memref<128x64xf32, #tpu.memory_space<hbm>>
      %dma_start3A_359 = arith.constant 0 : i32
      %dma_start3A_360 = tpu.memref_slice %arg7[%arg0, %add3A_350, %dma_start3A_359] : memref<2x10240x64xf32, #tpu.memory_space<hbm>> -> memref<1x128x64xf32, #tpu.memory_space<hbm>>
      %dma_start3A_361 = tpu.memref_squeeze %dma_start3A_360 : memref<1x128x64xf32, #tpu.memory_space<hbm>> -> memref<128x64xf32, #tpu.memory_space<hbm>>
      tpu.enqueue_dma source(%arg17 : memref<128x64xf32, #tpu.memory_space<vmem>>) target(%dma_start3A_361 : memref<128x64xf32, #tpu.memory_space<hbm>>) target_semaphore(%run_scoped3A : memref<!tpu.dma_semaphore, #tpu.memory_space<semaphore_mem>>)
      %dma_wait3A_362 = arith.constant 0 : i32
      %dma_wait3A_363 = tpu.memref_slice %arg7[%arg0, %add3A_350, %dma_wait3A_362] : memref<2x10240x64xf32, #tpu.memory_space<hbm>> -> memref<1x128x64xf32, #tpu.memory_space<hbm>>
      %dma_wait3A_364 = tpu.memref_squeeze %dma_wait3A_363 : memref<1x128x64xf32, #tpu.memory_space<hbm>> -> memref<128x64xf32, #tpu.memory_space<hbm>>
      %dma_wait3A_365 = arith.constant 0 : i32
      %dma_wait3A_366 = tpu.memref_slice %arg7[%arg0, %add3A_350, %dma_wait3A_365] : memref<2x10240x64xf32, #tpu.memory_space<hbm>> -> memref<1x128x64xf32, #tpu.memory_space<hbm>>
      %dma_wait3A_367 = tpu.memref_squeeze %dma_wait3A_366 : memref<1x128x64xf32, #tpu.memory_space<hbm>> -> memref<128x64xf32, #tpu.memory_space<hbm>>
      tpu.wait_dma2 semaphore(%run_scoped3A : memref<!tpu.dma_semaphore, #tpu.memory_space<semaphore_mem>>) src(%arg17 : memref<128x64xf32, #tpu.memory_space<vmem>>) dst(%dma_wait3A_367 : memref<128x64xf32, #tpu.memory_space<hbm>>)
      tpu.yield
    }) : () -> ()
    return
  }
}

module attributes {stable_mosaic.version = 14 : i64} {
  func.func @_mm_body(%arg0: i32, %arg1: memref<2x1024x64xf32, #tpu.memory_space<vmem>>, %arg2: memref<2x64x256xf32, #tpu.memory_space<vmem>>, %arg3: memref<1x256xf32, #tpu.memory_space<vmem>>, %arg4: memref<256x64xf32, #tpu.memory_space<vmem>>, %arg5: memref<2x1024x32xf32, #tpu.memory_space<vmem>>) attributes {dimension_semantics = [#tpu.dimension_semantics<arbitrary>], iteration_bounds = array<i64: 10>, scalar_prefetch = 0 : i64, scratch_operands = 0 : i64, tpu.core_type = #tpu.core_type<tc>, window_params = [{transform_indices = @transform_0, window_bounds = array<i64: 2, 1024, 64>}, {pipeline_mode = #tpu.pipeline_mode<synchronous>, transform_indices = @transform_1, window_bounds = array<i64: 2, 64, 256>}, {pipeline_mode = #tpu.pipeline_mode<synchronous>, transform_indices = @transform_2, window_bounds = array<i64: 1, 256>}, {pipeline_mode = #tpu.pipeline_mode<synchronous>, transform_indices = @transform_3, window_bounds = array<i64: 256, 64>}, {transform_indices = @transform_4, window_bounds = array<i64: 2, 1024, 32>}]} {
    %get3A = arith.constant 0 : index
    %get3A_0 = arith.constant 0 : index
    %get3A_1 = arith.constant 0 : index
    %get3A_2 = vector.load %arg1[%get3A, %get3A_0, %get3A_1] : memref<2x1024x64xf32, #tpu.memory_space<vmem>>, vector<1x1024x64xf32>
    %get3A_3 = vector.shape_cast %get3A_2 : vector<1x1024x64xf32> to vector<1024x64xf32>
    %get3A_4 = arith.constant 0 : index
    %get3A_5 = arith.constant 0 : index
    %get3A_6 = arith.constant 0 : index
    %get3A_7 = vector.load %arg2[%get3A_4, %get3A_5, %get3A_6] : memref<2x64x256xf32, #tpu.memory_space<vmem>>, vector<1x64x256xf32>
    %get3A_8 = vector.shape_cast %get3A_7 : vector<1x64x256xf32> to vector<64x256xf32>
    %dot_general3A = arith.constant dense<0.000000e+00> : vector<1024x256xf32>
    %dot_general3A_9 = tpu.matmul %get3A_3, %get3A_8, %dot_general3A {dimension_numbers = #tpu.dot_dimension_numbers<[1], [0], [0], [1], [0, 0, 1, 1], [], []>, transpose_lhs_hint = false} : vector<1024x64xf32>, vector<64x256xf32>, vector<1024x256xf32> -> vector<1024x256xf32>
    %get3A_10 = arith.constant 1 : index
    %get3A_11 = arith.constant 0 : index
    %get3A_12 = arith.constant 0 : index
    %get3A_13 = vector.load %arg1[%get3A_10, %get3A_11, %get3A_12] : memref<2x1024x64xf32, #tpu.memory_space<vmem>>, vector<1x1024x64xf32>
    %get3A_14 = vector.shape_cast %get3A_13 : vector<1x1024x64xf32> to vector<1024x64xf32>
    %get3A_15 = arith.constant 1 : index
    %get3A_16 = arith.constant 0 : index
    %get3A_17 = arith.constant 0 : index
    %get3A_18 = vector.load %arg2[%get3A_15, %get3A_16, %get3A_17] : memref<2x64x256xf32, #tpu.memory_space<vmem>>, vector<1x64x256xf32>
    %get3A_19 = vector.shape_cast %get3A_18 : vector<1x64x256xf32> to vector<64x256xf32>
    %dot_general3A_20 = arith.constant dense<0.000000e+00> : vector<1024x256xf32>
    %dot_general3A_21 = tpu.matmul %get3A_14, %get3A_19, %dot_general3A_20 {dimension_numbers = #tpu.dot_dimension_numbers<[1], [0], [0], [1], [0, 0, 1, 1], [], []>, transpose_lhs_hint = false} : vector<1024x64xf32>, vector<64x256xf32>, vector<1024x256xf32> -> vector<1024x256xf32>
    %add3A = arith.addf %dot_general3A_9, %dot_general3A_21 : vector<1024x256xf32>
    %get3A_22 = arith.constant 0 : index
    %get3A_23 = arith.constant 0 : index
    %get3A_24 = vector.load %arg3[%get3A_22, %get3A_23] : memref<1x256xf32, #tpu.memory_space<vmem>>, vector<1x256xf32>
    %add3A_25 = vector.broadcast %get3A_24 : vector<1x256xf32> to vector<1024x256xf32>
    %add3A_26 = arith.addf %add3A, %add3A_25 : vector<1024x256xf32>
    %max3A = arith.constant 0.000000e+00 : f32
    %max3A_27 = vector.broadcast %max3A : f32 to vector<1024x256xf32>
    %max3A_28 = arith.maximumf %add3A_26, %max3A_27 : vector<1024x256xf32>
    %get3A_29 = arith.constant 0 : index
    %get3A_30 = arith.constant 0 : index
    %get3A_31 = vector.load %arg4[%get3A_29, %get3A_30] : memref<256x64xf32, #tpu.memory_space<vmem>>, vector<256x64xf32>
    %dot_general3A_32 = arith.constant dense<0.000000e+00> : vector<1024x64xf32>
    %dot_general3A_33 = tpu.matmul %max3A_28, %get3A_31, %dot_general3A_32 {dimension_numbers = #tpu.dot_dimension_numbers<[1], [0], [0], [1], [0, 0, 1, 1], [], []>, transpose_lhs_hint = false} : vector<1024x256xf32>, vector<256x64xf32>, vector<1024x64xf32> -> vector<1024x64xf32>
    %slice3A = vector.extract_strided_slice %dot_general3A_33 {offsets = [0, 0], sizes = [1024, 32], strides = [1, 1]} : vector<1024x64xf32> to vector<1024x32xf32>
    %swap3A = arith.constant 0 : index
    %swap3A_34 = arith.constant 0 : index
    %swap3A_35 = arith.constant 0 : index
    %swap3A_36 = vector.load %arg5[%swap3A, %swap3A_34, %swap3A_35] : memref<2x1024x32xf32, #tpu.memory_space<vmem>>, vector<1x1024x32xf32>
    %swap3A_37 = vector.shape_cast %swap3A_36 : vector<1x1024x32xf32> to vector<1024x32xf32>
    %swap3A_38 = vector.shape_cast %slice3A : vector<1024x32xf32> to vector<1x1024x32xf32>
    tpu.vector_store %arg5[%swap3A, %swap3A_34, %swap3A_35], %swap3A_38 {strides = array<i32>} : memref<2x1024x32xf32, #tpu.memory_space<vmem>>, vector<1x1024x32xf32>,
    %slice3A_39 = vector.extract_strided_slice %dot_general3A_33 {offsets = [0, 32], sizes = [1024, 32], strides = [1, 1]} : vector<1024x64xf32> to vector<1024x32xf32>
    %swap3A_40 = arith.constant 1 : index
    %swap3A_41 = arith.constant 0 : index
    %swap3A_42 = arith.constant 0 : index
    %swap3A_43 = vector.load %arg5[%swap3A_40, %swap3A_41, %swap3A_42] : memref<2x1024x32xf32, #tpu.memory_space<vmem>>, vector<1x1024x32xf32>
    %swap3A_44 = vector.shape_cast %swap3A_43 : vector<1x1024x32xf32> to vector<1024x32xf32>
    %swap3A_45 = vector.shape_cast %slice3A_39 : vector<1024x32xf32> to vector<1x1024x32xf32>
    tpu.vector_store %arg5[%swap3A_40, %swap3A_41, %swap3A_42], %swap3A_45 {strides = array<i32>} : memref<2x1024x32xf32, #tpu.memory_space<vmem>>, vector<1x1024x32xf32>,
    return
  }
  func.func @transform_0(%arg0: i32) -> (i32, i32, i32) {
    %c0_i32 = arith.constant 0 : i32
    %c0_i32_0 = arith.constant 0 : i32
    %c0_i32_1 = arith.constant 0 : i32
    return %c0_i32, %arg0, %c0_i32_0 : i32, i32, i32
  }
  func.func @transform_1(%arg0: i32) -> (i32, i32, i32) {
    %c0_i32 = arith.constant 0 : i32
    %c0_i32_0 = arith.constant 0 : i32
    %c0_i32_1 = arith.constant 0 : i32
    %c0_i32_2 = arith.constant 0 : i32
    return %c0_i32, %c0_i32_0, %c0_i32_1 : i32, i32, i32
  }
  func.func @transform_2(%arg0: i32) -> (i32, i32) {
    %c0_i32 = arith.constant 0 : i32
    %c0_i32_0 = arith.constant 0 : i32
    %c0_i32_1 = arith.constant 0 : i32
    return %c0_i32, %c0_i32_0 : i32, i32
  }
  func.func @transform_3(%arg0: i32) -> (i32, i32) {
    %c0_i32 = arith.constant 0 : i32
    %c0_i32_0 = arith.constant 0 : i32
    %c0_i32_1 = arith.constant 0 : i32
    return %c0_i32, %c0_i32_0 : i32, i32
  }
  func.func @transform_4(%arg0: i32) -> (i32, i32, i32) {
    %c0_i32 = arith.constant 0 : i32
    %c0_i32_0 = arith.constant 0 : i32
    %c0_i32_1 = arith.constant 0 : i32
    return %c0_i32, %arg0, %c0_i32_0 : i32, i32, i32
  }
}

</mosaic_0001>

<sc_bundles>
// kernel: kernel.5.cloned.1.call-start
scs
__scs_entry_jumppad:
0x0: {  	(pc) =	sbr.rel $0x88, $3  }
0x1: {  	(tag) =	ssettag $0x0;
	lr =	simm.s32 $0x1  }
0x2: {  	[smem:$0x3F9B] =	sst lr;
	_ =	strace $0xD0000000  }
0x3: {  	_ = 	snop  }
0x4: {  	_ = 	snop  }
0x5: {  	_ = 	snop  }
0x6: {  	_ = 	snop  }
0x7: {  	_ = 	snop  }
__scs_overlays_trampoline_lowered:
0x8: {  	[smem:$0x3FAA] =	sst s0  }
0x9: {  	[smem:$0x3FAB] =	sst s1  }
0xa: {  	[smem:$0x3FAC] =	sst s2  }
0xb: {  	[smem:$0x3FAD] =	sst s3  }
0xc: {  	[smem:$0x3FAE] =	sst s4  }
0xd: {  	[smem:$0x3FAF] =	sst s5  }
0xe: {  	[smem:$0x3FB0] =	sst s6  }
0xf: {  	[smem:$0x3FB1] =	sst s7  }
0x10: {  	[smem:$0x3FB2] =	sst s8  }
0x11: {  	[smem:$0x3FB3] =	sst s9;
	s0 =	simm.s32 @!p0 $0x0  }
0x12: {  	s1 =	sld [smem:$0x3F99];
	s0 =	simm.s32 @p0 $0x1  }
0x13: {  	[smem:$0x3FB4] =	sst s0;
	s0 =	simm.s32 @!p1 $0x0  }
0x14: {  	s2 =	sld [smem:$0x3F98];
	s0 =	simm.s32 @p1 $0x1  }
0x15: {  	[smem:$0x3FB5] =	sst s0;
	s0 =	simm.s32 @!p2 $0x0  }
0x16: {  	s3 =	sld [smem:$0x3FDB];
	s0 =	simm.s32 @p2 $0x1  }
0x17: {  	s4 =	simm.s32 $0x1BF5;
	[smem:$0x3FB7] =	sst s0  }
0x18: {  	s0 =	sld [smem:$0x3F9A];
	_ =	swait.ge [sflag:s4], $0x0  }
0x19: {  	s7 =	sld [smem:$0x3F9B]  }
0x1a: {  	s8 =	sadd.s32 $0xFFFFE003, lr  }
0x1b: {  	s9 =	sadd.s32 $0xFFFFFEF7, lr;
	s5 =	simm.s32 $0xFFFFFFFF;
	p2 =	slt.u32 s8, $0xFFFFF086  }
0x1c: {  	p1 =	slt.u32 s9, $0xF7A;
	s5 =	simm.s32 @!p2 $0x0  }
0x1d: {  	s5 =	simm.s32 @p1 $0x1;
	p0 =	seq.s32 s7, s2  }
0x1e: {  	s7 =	smul.u32 @!p0 $0xF7A, s2;
	p2 =	seq.s32 @!p0 s5, $0x0  }
0x1f: {  	s9 =	smul.u32 $0xF7A, s1;
	s8 =	simm.s32 @!p0 $0x1BF5;
	p2 =	por !p2, p0  }
0x20: {  	[sflag:s8] =	ssyncset.s32 @!p0 $0xFFFFF086;
	s6 =	sadd.s32 @!p0 s3, s7;
	s7 =	simm.s32 @!p0 $0x108  }
0x21: {  	s3 =	sadd.s32 s3, s9;
	s6 =	sadd.s32 @!p0 $0x88, s6;
	s7 =	simm.s32 @p2 $0x1082  }
0x22: {  	[simem:s7], [sflag:s8] =	dma.local @!p0 [hbm:s6], $0xF7A  }
0x23: {  	s9 =	sor.u32 $0xD0000000, s2;
	s6 =	simm.s32 $0x108;
	_ =	swait.ge @!p0 [sflag:s8], $0x0  }
0x24: {  	s3 =	sadd.s32 $0x88, s3;
	s6 =	simm.s32 @!p1 $0x1082;
	[sflag:s4] =	ssyncset.s32 $0xFFFFF086  }
0x25: {  	[simem:s6], [sflag:s4] =	dma.local [hbm:s3], $0xF7A  }
0x26: {  	[smem:$0x3F9B] =	sst s1;
	(tag) =	ssettag s2;
	_ =	strace s9  }
0x27: {  	s1 =	sld [smem:$0x3FAB]  }
0x28: {  	s2 =	sld [smem:$0x3FAC]  }
0x29: {  	s4 =	sld [smem:$0x3FAE]  }
0x2a: {  	p0 =	seq.s32 s5, $0x0;
	s5 =	sld [smem:$0x3FAF]  }
0x2b: {  	s6 =	sld [smem:$0x3FB0]  }
0x2c: {  	s7 =	sld [smem:$0x3FB1]  }
0x2d: {  	s3 =	simm.s32 $0x108;
	s8 =	sld [smem:$0x3FB2]  }
0x2e: {  	s3 =	simm.s32 @!p0 $0x1082;
	s9 =	sld [smem:$0x3FB3]  }
0x2f: {  	lr =	sadd.s32 s0, s3;
	s0 =	sld [smem:$0x3FAA]  }
0x30: {  	s3 =	sld [smem:$0x3FAD]  }
0x31: {  	[smem:$0x3FB6] =	sst s10  }
0x32: {  	s10 =	sld [smem:$0x3FB4];
	_ =	sdelay $0x3  }
0x33: {  	p0 =	seq.s32 s10, $0x1;
	s10 =	sld [smem:$0x3FB6];
	_ =	sdelay $0x3  }
0x34: {  	[smem:$0x3FB6] =	sst s10  }
0x35: {  	s10 =	sld [smem:$0x3FB5];
	_ =	sdelay $0x3  }
0x36: {  	p1 =	seq.s32 s10, $0x1;
	s10 =	sld [smem:$0x3FB6];
	_ =	sdelay $0x3  }
0x37: {  	[smem:$0x3FB6] =	sst s10  }
0x38: {  	s10 =	sld [smem:$0x3FB7]  }
0x39: {  	_ = 	snop;
	(pc) =	sbr.ind lr, $3  }
0x3a: {  	_ = 	snop  }
0x3b: {  	_ = 	snop  }
0x3c: {  	p2 =	seq.s32 s10, $0x1;
	s10 =	sld [smem:$0x3FB6]  }
0x3d: {  	_ =	shalt  }
0x3e: {  	_ =	shalt  }
0x3f: {  	_ =	shalt  }
0x40: {  	_ =	shalt  }
0x41: {  	_ =	shalt  }
0x42: {  	_ =	shalt  }
0x43: {  	_ =	shalt  }
0x44: {  	_ =	shalt  }
0x45: {  	_ =	shalt  }
0x46: {  	_ =	shalt  }
0x47: {  	_ =	shalt  }
0x48: {  	_ =	shalt  }
0x49: {  	_ =	shalt  }
0x4a: {  	_ =	shalt  }
0x4b: {  	_ =	shalt  }
0x4c: {  	_ =	shalt  }
0x4d: {  	_ =	shalt  }
0x4e: {  	_ =	shalt  }
0x4f: {  	_ =	shalt  }
0x50: {  	_ =	shalt  }
0x51: {  	_ =	shalt  }
0x52: {  	_ =	shalt  }
0x53: {  	_ =	shalt  }
0x54: {  	_ =	shalt  }
0x55: {  	_ =	shalt  }
0x56: {  	_ =	shalt  }
0x57: {  	_ =	shalt  }
0x58: {  	_ =	shalt  }
0x59: {  	_ =	shalt  }
0x5a: {  	_ =	shalt  }
0x5b: {  	_ =	shalt  }
0x5c: {  	_ =	shalt  }
0x5d: {  	_ =	shalt  }
0x5e: {  	_ =	shalt  }
0x5f: {  	_ =	shalt  }
0x60: {  	_ =	shalt  }
0x61: {  	_ =	shalt  }
0x62: {  	_ =	shalt  }
0x63: {  	_ =	shalt  }
0x64: {  	_ =	shalt  }
0x65: {  	_ =	shalt  }
0x66: {  	_ =	shalt  }
0x67: {  	_ =	shalt  }
0x68: {  	_ =	shalt  }
0x69: {  	_ =	shalt  }
0x6a: {  	_ =	shalt  }
0x6b: {  	_ =	shalt  }
0x6c: {  	_ =	shalt  }
0x6d: {  	_ =	shalt  }
0x6e: {  	_ =	shalt  }
0x6f: {  	_ =	shalt  }
0x70: {  	_ =	shalt  }
0x71: {  	_ =	shalt  }
0x72: {  	_ =	shalt  }
0x73: {  	_ =	shalt  }
0x74: {  	_ =	shalt  }
0x75: {  	_ =	shalt  }
0x76: {  	_ =	shalt  }
0x77: {  	_ =	shalt  }
0x78: {  	_ =	shalt  }
0x79: {  	_ =	shalt  }
0x7a: {  	_ =	shalt  }
0x7b: {  	_ =	shalt  }
0x7c: {  	_ =	shalt  }
0x7d: {  	_ =	shalt  }
0x7e: {  	_ =	shalt  }
0x7f: {  	_ =	shalt  }
0x80: {  	_ =	shalt  }
0x81: {  	_ =	shalt  }
0x82: {  	_ =	shalt  }
0x83: {  	_ =	shalt  }
0x84: {  	_ =	shalt  }
0x85: {  	_ =	shalt  }
0x86: {  	_ =	shalt  }
0x87: {  	_ =	shalt  }
.Lfunc_end0:
.L_simem_size_0:
called_computation_lowered:
.L_overlay_start_0:
0x88: {  	s2 =	sld [smem:$0x3FD9]  }
0x89: {  	s3 =	sld [smem:$0x3FFE];
	_ =	sdelay $0x1  }
0x8a: {  	s1 =	srdreg.scid  }
0x8b: {  	s0 =	sand.u32 $0x1, s1  }
0x8c: {  	s17 =	sshll.u32 s0, $0xA;
	s2 =	sadd.s32 s3, s2  }
0x8d: {  	s2 =	sadd.s32 s2, s17  }
0x8e: {  	[smem:$0x3FC2] =	sst s2  }
0x8f: {  	_ = 	snop  }
0x90: {  	s2 =	sld [smem:$0x3FD0];
	(tm) =	ssettm $0x1  }
0x91: {  	s18 =	sld [smem:$0x3FFB];
	_ =	sdelay $0x3  }
0x92: {  	_ =	strace s18  }
0x93: {  	s3 =	sld [smem:$0x3FFC];
	_ =	sdelay $0x3  }
0x94: {  	_ =	strace s3  }
0x95: {  	s3 =	sld [smem:$0x3FFD];
	_ =	sdelay $0x3  }
0x96: {  	_ =	strace s3  }
0x97: {  	_ =	strace $0x8FFFFFFF  }
0x98: {  	s19 =	sld [smem:$0x3FDB];
	_ =	sdelay $0x1  }
0x99: {  	s4 =	simm.s32 $_scs_section_size  }
0x9a: {  	s5 =	simm.s32 $_size__tile_overlayer_lowered;
	s6 =	simm.s32 $_tile_overlayer_lowered  }
0x9b: {  	s22 =	simm.s32 $0x1BFF;
	s21 =	sshll.u32 s6, $0x1;
	s3 =	sadd.s32 s4, s19  }
0x9c: {  	s7 =	simm.s32 $0x0;
	s20 =	sshll.u32 s5, $0x1;
	s5 =	sadd.s32 s21, s3  }
0x9d: {  	[timem:s7], [sflag:s22] =	dma.local [hbm:s5], s20  }
0x9e: {  	_ =	swait.ge [sflag:s22], s20  }
0x9f: {  	s4 =	ssub.s32 $0x0, s20;
	[sflag:s22] =	ssyncset.done $0x0  }
0xa0: {  	[sflag:s22] =	ssyncadd.s32 s4;
	_ =	sdelay $0x1  }
0xa1: {  	s23 =	simm.s32 $0x1B8B  }
0xa2: {  	_ =	swait.ge [sflag:s23], $0x1  }
0xa3: {  	[sflag:s23] =	ssyncset.done $0x0  }
0xa4: {  	s25 =	simm.s32 $0x1B8E;
	s24 =	sld [smem:$0x3FFE];
	[sflag:s23] =	ssyncadd.s32 $0xFFFFFFFF  }
0xa5: {  	s26 =	simm.s32 $execute0_lowered;
	[smem:$0x3FD2] =	sst s25  }
0xa6: {  	s5 =	sshll.u32 s26, $0x1;
	_ =	strace $0x80000046;
	[dreg:$0x1] =	wrdreg $0xFFFFFFFF  }
0xa7: {  	s28 =	simm.s32 $_size_execute0_lowered;
	s3 =	sadd.s32 s3, s5;
	[dreg:$0x0] =	wrdreg $0x0  }
0xa8: {  	s5 =	sshll.u32 s28, $0x1;
	[dreg:$0x2] =	wrdreg s3  }
0xa9: {  	[dreg:$0x3] =	wrdreg s5  }
0xaa: {  	[dreg:$0x4] =	wrdreg $0xC0  }
0xab: {  	_ =	task [dreg:s7], $0x5FFFF  }
0xac: {  	[dreg:$0x1] =	wrdreg $0xFFFFFFFF  }
0xad: {  	[dreg:$0x0] =	wrdreg $0x60  }
0xae: {  	[dreg:$0x2] =	wrdreg s24  }
0xaf: {  	[dreg:$0x3] =	wrdreg s2  }
0xb0: {  	[dreg:$0x4] =	wrdreg $0x74800  }
0xb1: {  	[dreg:$0x5] =	wrdreg $0x9C800  }
0xb2: {  	[dreg:$0x6] =	wrdreg $0x13C800  }
0xb3: {  	[dreg:$0x7] =	wrdreg $0x9  }
0xb4: {  	_ =	task.clear_ibuf [dreg:s7], $0x8FFFF;
	_ =	strace $0x90000046  }
0xb5: {  	s29 =	simm.s32 $0x9;
	_ =	strace $0x80000048  }
0xb6: {  	_ =	swait.ge [sflag:s29], $0x1  }
0xb7: {  	[sflag:s29] =	ssyncadd.s32 $0xFFFFFFFF  }
0xb8: {  	_ =	strace $0x90000048  }
0xb9: {  	_ =	sfence  }
0xba: {  	s30 =	sld [smem:$0x0];
	_ =	sdelay $0x2  }
0xbb: {  	s31 =	sshll.u32 s1, $0xD;
	s1 =	sshrl.u32 s1, $0x2  }
0xbc: {  	s3 =	sand.u32 $0x4000, s31;
	s1 =	sadd.s32 s1, s30  }
0xbd: {  	s0 =	sor.u32 s3, s0;
	s1 =	sshll.u32 s1, $0x11  }
0xbe: {  	s0 =	sor.u32 s1, s0  }
0xbf: {  	s0 =	sadd.s32 $0x8F2B, s0  }
0xc0: {  	[sflag:s0] =	ssyncadd.remote.s32 $0x1  }
0xc1: {  	_ =	sfence.sel $0xFFFF  }
0xc2: {  	[dreg:$0x0] =	wrdreg $0xFFFFFFFF;
	(pc) =	sbr.abs _section_cstart, $3  }
0xc3: {  	[dreg:$0x1] =	wrdreg $0xFFFFFFFF  }
0xc4: {  	_ =	task.clear_ibuf [dreg:s7], $0x2FFFF;
	_ =	strace $0x9FFFFFFF  }
0xc5: {  	(tm) =	ssettm $0x7FFFFFFF  }
tec
execute0_lowered:
.L_overlay_start_1:
0x0: {  	(tag) =	ssettag $0x1  }
0x1: {  	s1 =	rddreg [dreg:$0x0]  }
0x2: {  	s2 =	rddreg [dreg:$0x2]  }
0x3: {  	s3 =	rddreg [dreg:$0x3]  }
0x4: {  	s4 =	rddreg [dreg:$0x4]  }
0x5: {  	s6 =	simm.s32 $0x0;
	s0 =	srdreg.scid;
	s18 =	stileid.u32  }
0x6: {  	[smem:$0x7FF] =	sst s6;
	s7 =	smul.u32 $0x14000, s18  }
0x7: {  	s8 =	sadd.s32 $0x14E00, s1;
	s9 =	sand.u32 $0x1, s0;
	s11 =	smul.u32 $0x280, s18  }
0x8: {  	s10 =	sadd.s32 $0x3D000, s1;
	s13 =	smul.u32 $0x5100, s18;
	s0 =	ssub.s32 $0x2, s9  }
0x9: {  	s12 =	sshll.u32 s9, $0x6;
	s9 =	smul.u32 $0xA0000, s9;
	s5 =	sshrl.u32 s0, $0x1  }
0xa: {  	s7 =	sor.u32 s12, s7;
	s14 =	sadd.s32 $0x80, s11;
	s16 =	sadd.s32 $0x100, s11  }
0xb: {  	s17 =	sadd.s32 $0x180, s11;
	s11 =	sadd.s32 $0x200, s11;
	s0 =	ssub.s32 s0, s5  }
0xc: {  	s5 =	smul.u32 $0xA000, s18;
	s7 =	sshrl.u32 s7, $0x3;
	s15 =	sshll.u32 s14, $0x7  }
0xd: {  	s24 =	sshll.u32 s16, $0x7;
	s26 =	sshll.u32 s17, $0x7;
	s16 =	sshll.u32 s16, $0x6  }
0xe: {  	s19 =	sshll.u32 s11, $0x7;
	s11 =	sshll.u32 s11, $0x6;
	s7 =	sadd.s32 s8, s7  }
0xf: {  	s23 =	sor.u32 s12, s15;
	s15 =	sor.u32 s12, s24;
	s24 =	sadd.s32 s9, s16  }
0x10: {  	[dreg:$0x7] =	wrdreg s7;
	s7 =	sshll.u32 s14, $0x6;
	s14 =	sshrl.u32 s23, $0x3  }
0x11: {  	s25 =	sshrl.u32 s15, $0x3;
	s15 =	sor.u32 s12, s26;
	s12 =	sor.u32 s12, s19  }
0x12: {  	s20 =	sadd.s32 s5, s9;
	s19 =	sshrl.u32 s13, $0x3;
	s14 =	sadd.s32 s8, s14  }
0x13: {  	s12 =	sshrl.u32 s12, $0x3;
	s21 =	sadd.s32 s9, s7;
	s13 =	sadd.s32 $0x20, s19  }
0x14: {  	[dreg:$0x8] =	wrdreg s14;
	s14 =	sadd.s32 s8, s25;
	s23 =	sshrl.u32 s21, $0x3  }
0x15: {  	[dreg:$0x9] =	wrdreg s14;
	s14 =	sshrl.u32 s15, $0x3;
	s15 =	sshll.u32 s17, $0x6  }
0x16: {  	s14 =	sadd.s32 s8, s14;
	s8 =	sadd.s32 s8, s12;
	s25 =	sadd.s32 s9, s15  }
0x17: {  	s9 =	sadd.s32 s9, s11;
	[dreg:$0xa] =	wrdreg s14;
	s14 =	sshrl.u32 s20, $0x3  }
0x18: {  	[dreg:$0xb] =	wrdreg s8;
	s8 =	sadd.s32 s10, s23;
	s12 =	sshrl.u32 s25, $0x3  }
0x19: {  	s22 =	sadd.s32 s10, s14;
	[dreg:$0xd] =	wrdreg s8;
	s8 =	sshrl.u32 s24, $0x3  }
0x1a: {  	s26 =	sadd.s32 s10, s12;
	s12 =	sshrl.u32 s9, $0x3;
	[dreg:$0xc] =	wrdreg s22  }
0x1b: {  	s14 =	sadd.s32 $0xA00, s1;
	s8 =	sadd.s32 s10, s8;
	[dreg:$0xf] =	wrdreg s26  }
0x1c: {  	s22 =	sor.u32 $0x10, s19;
	[dreg:$0xe] =	wrdreg s8;
	s8 =	sadd.s32 s10, s12  }
0x1d: {  	s20 =	sadd.s32 $0xAC00, s1;
	s24 =	sadd.s32 s14, s22;
	[dreg:$0x10] =	wrdreg s8  }
0x1e: {  	s25 =	sadd.s32 s20, s22;
	_ =	strace $0x80000047;
	[dreg:$0x13] =	wrdreg s24  }
0x1f: {  	s23 =	smul.u32 $0xA20, s18;
	s26 =	sadd.s32 s14, s13;
	[dreg:$0x14] =	wrdreg s25  }
0x20: {  	s1 =	sadd.s32 $0x3CE00, s1;
	s12 =	sadd.s32 s20, s13;
	[dreg:$0x15] =	wrdreg s26  }
0x21: {  	s21 =	sadd.s32 s14, s19;
	s13 =	sadd.s32 s23, s20;
	[dreg:$0x16] =	wrdreg s12  }
0x22: {  	s23 =	sadd.s32 s23, s14;
	s14 =	sshrl.u32 s5, $0x2;
	[dreg:$0x6] =	wrdreg s13  }
0x23: {  	s17 =	sadd.s32 s20, s19;
	s19 =	sadd.s32 s14, s2;
	[dreg:$0x17] =	wrdreg s1  }
0x24: {  	s22 =	sadd.s32 s5, s3;
	[dreg:$0x18] =	wrdreg s19  }
0x25: {  	s28 =	simm.s32 $0xD;
	s5 =	sadd.s32 s5, s4;
	[dreg:$0x1a] =	wrdreg s22  }
0x26: {  	s29 =	simm.s32 $0x6480;
	s8 =	sadd.s32 s7, s4;
	[dreg:$0x1b] =	wrdreg s5  }
0x27: {  	s31 =	simm.s32 $0x100;
	s9 =	sadd.s32 s16, s3;
	[dreg:$0x1e] =	wrdreg s8  }
0x28: {  	s30 =	simm.s32 $0x280;
	s10 =	sadd.s32 s16, s4;
	[smem:$0x7EF] =	sst s9  }
0x29: {  	s20 =	sshll.u32 s18, $0x6;
	s18 =	sadd.s32 s11, s4;
	[smem:$0x7F0] =	sst s10  }
0x2a: {  	s0 =	smax.u32 s0, $0x1;
	s14 =	sshrl.u32 s11, $0x2;
	[smem:$0x7F6] =	sst s18  }
0x2b: {  	s1 =	sor.u32 $0x1C0D, s20;
	s24 =	sshrl.u32 s7, $0x2;
	[smem:$0x7F7] =	sst s0  }
0x2c: {  	s25 =	sshrl.u32 s16, $0x2;
	s26 =	sadd.s32 s7, s3;
	[dreg:$0x12] =	wrdreg s17  }
0x2d: {  	s12 =	sshrl.u32 s15, $0x2;
	s13 =	sadd.s32 s15, s3;
	[dreg:$0x11] =	wrdreg s21  }
0x2e: {  	s15 =	sadd.s32 s15, s4;
	s16 =	sadd.s32 s11, s3;
	[dreg:$0x19] =	wrdreg s1  }
0x2f: {  	s19 =	sadd.s32 $0x30, s17;
	s20 =	sadd.s32 $0x40, s17;
	[dreg:$0x1d] =	wrdreg s26  }
0x30: {  	s22 =	sadd.s32 $0x50, s17;
	s9 =	simm.s32 $0x380;
	[smem:$0x7F2] =	sst s13  }
0x31: {  	s5 =	simm.s32 $0x2480;
	s8 =	simm.s32 $0x4480;
	[smem:$0x7F3] =	sst s15  }
0x32: {  	s10 =	simm.s32 $0xA;
	s11 =	simm.s32 $0x4;
	[smem:$0x7F5] =	sst s16  }
0x33: {  	s17 =	simm.s32 $0x5;
	s0 =	simm.s32 $0x0;
	[smem:$0x7F8] =	sst s19  }
0x34: {  	s7 =	simm.s32 $0x2;
	s1 =	sadd.s32 s24, s2;
	[smem:$0x7F9] =	sst s20  }
0x35: {  	[smem:$0x7FA] =	sst s22;
	s24 =	sadd.s32 $0x9F0, s21;
	s26 =	sadd.s32 $0xA10, s21  }
0x36: {  	s15 =	simm.s32 $0x80;
	s16 =	simm.s32 $0x8;
	[dreg:$0x1c] =	wrdreg s1  }
0x37: {  	s20 =	simm.s32 $0x9;
	s13 =	simm.s32 $0xB;
	[smem:$0x7FB] =	sst s24  }
0x38: {  	s1 =	sadd.s32 s25, s2;
	s25 =	sadd.s32 $0xA00, s21;
	[smem:$0x7FD] =	sst s26  }
0x39: {  	s26 =	simm.s32 $0x480;
	s24 =	simm.s32 $0xC;
	[dreg:$0x1f] =	wrdreg s1  }
0x3a: {  	s1 =	sadd.s32 s12, s2;
	[smem:$0x7FC] =	sst s25;
	s12 =	simm.s32 $0x400  }
0x3b: {  	s25 =	simm.s32 $0x6;
	[smem:$0x7F1] =	sst s1;
	s1 =	sadd.s32 s14, s2  }
0x3c: {  	s14 =	simm.s32 $0x7;
	[smem:$0x7F4] =	sst s1;
	s1 =	simm.s32 $0x300  }
.LBB2_1:
0x3d: {  	s18 =	rddreg [dreg:$0x18]  }
0x3e: {  	s19 =	rddreg [dreg:$0x1]  }
0x3f: {  	s22 =	rddreg [dreg:$0x19];
	s18 =	sshrl.u32 s18, $0x3  }
0x40: {  	[spmem:s18], [sflag:s22] =	dma.local [hbm:s19], $0x500  }
0x41: {  	_ =	swait.ge [sflag:s28], $0x500  }
0x42: {  	[sflag:s28] =	ssyncset.done $0x0  }
0x43: {  	s19 =	rddreg [dreg:$0x17];
	[sflag:s28] =	ssyncadd.s32 $0xFFFFFB00  }
0x44: {  	[tilespmem:s29], [sflag:$0xD] =	stream.linear.gather [hbm4b:s19+s6], $0x800, $0x38;
	[tilespmem:$0x1DC80] =	vst v63  }
0x45: {  	_ =	swait.ge [sflag:s28], $0x800  }
0x46: {  	[sflag:s28] =	ssyncset.done $0x0  }
0x47: {  	[sflag:s28] =	ssyncadd.s32 $0xFFFFF800  }
0x48: {  	[bflag:$0x0] =	sbarrier.arrive $0xFFFF  }
0x49: {  	[tilespmem:s1], [sflag:$0x7] =	stream.linear.gather [hbm4b:s21+s6], $0x80, $0x38;
	[tilespmem:$0x1DC80] =	vst v63  }
0x4a: {  	s22 =	rddreg [dreg:$0x13]  }
0x4b: {  	[tilespmem:s9], [sflag:$0x8] =	stream.linear.gather [hbm4b:s22+s6], $0x80, $0x38;
	[tilespmem:$0x1DC80] =	vst v63  }
0x4c: {  	s19 =	rddreg [dreg:$0x15]  }
0x4d: {  	[tilespmem:s12], [sflag:$0x9] =	stream.linear.gather [hbm4b:s19+s6], $0x80, $0x38;
	[tilespmem:$0x1DC80] =	vst v63  }
0x4e: {  	_ =	swait.ge [sflag:s14], $0x80  }
0x4f: {  	[sflag:s14] =	ssyncset.done $0x0  }
0x50: {  	[sflag:s14] =	ssyncadd.s32 $0xFFFFFF80  }
0x51: {  	[spmem:s2] =	stream.indirect.scatter.add.f32 [tilespmem:s29], [sflag:$0xD], $0x10, s1, s15, $0xb8;
	[tilespmem:$0x1DC80] =	vst v63  }
0x52: {  	_ =	swait.ge [sflag:s28], $0x800  }
0x53: {  	s19 =	sadd.s32 $0xFFFFF610, s23;
	[sflag:s28] =	ssyncset.done $0x0  }
0x54: {  	s22 =	sadd.s32 $0xA20, s19;
	[sflag:s28] =	ssyncadd.s32 $0xFFFFF800  }
0x55: {  	[tilespmem:s1], [sflag:$0x7] =	stream.linear.gather [hbm4b:s22+s6], $0x80, $0x38;
	[tilespmem:$0x1DC80] =	vst v63  }
0x56: {  	_ =	swait.ge [sflag:s16], $0x80  }
0x57: {  	[sflag:s16] =	ssyncset.done $0x0  }
0x58: {  	[sflag:s16] =	ssyncadd.s32 $0xFFFFFF80  }
0x59: {  	[spmem:s2] =	stream.indirect.scatter.add.f32 [tilespmem:s29], [sflag:$0xD], $0x10, s9, s15, $0xb8;
	[tilespmem:$0x1DC80] =	vst v63  }
0x5a: {  	_ =	swait.ge [sflag:s28], $0x800  }
0x5b: {  	[sflag:s28] =	ssyncset.done $0x0  }
0x5c: {  	s22 =	sadd.s32 $0xA30, s19;
	[sflag:s28] =	ssyncadd.s32 $0xFFFFF800  }
0x5d: {  	[tilespmem:s9], [sflag:$0x8] =	stream.linear.gather [hbm4b:s22+s6], $0x80, $0x38;
	[tilespmem:$0x1DC80] =	vst v63  }
0x5e: {  	_ =	swait.ge [sflag:s20], $0x80  }
0x5f: {  	[sflag:s20] =	ssyncset.done $0x0  }
0x60: {  	[sflag:s20] =	ssyncadd.s32 $0xFFFFFF80  }
0x61: {  	[spmem:s2] =	stream.indirect.scatter.add.f32 [tilespmem:s29], [sflag:$0xD], $0x10, s12, s15, $0xb8;
	[tilespmem:$0x1DC80] =	vst v63  }
0x62: {  	_ =	swait.ge [sflag:s28], $0x800  }
0x63: {  	[sflag:s28] =	ssyncset.done $0x0  }
0x64: {  	s18 =	simm.s32 $0xFFFFF640;
	s19 =	sadd.s32 $0xA40, s19;
	[sflag:s28] =	ssyncadd.s32 $0xFFFFF800  }
.LBB2_2:
0x65: {  	[tilespmem:s12], [sflag:$0x9] =	stream.linear.gather [hbm4b:s19+s6], $0x80, $0x38;
	[tilespmem:$0x1DC80] =	vst v63  }
0x66: {  	s19 =	smov.u32 s18  }
0x67: {  	p0 =	sne.s32 s18, $0xFFFFFFD0;
	s18 =	sadd.s32 $0x30, s18;
	_ =	swait.ge [sflag:s14], $0x80  }
0x68: {  	[sflag:s14] =	ssyncset.done $0x0  }
0x69: {  	[sflag:s14] =	ssyncadd.s32 $0xFFFFFF80  }
0x6a: {  	[spmem:s2] =	stream.indirect.scatter.add.f32 [tilespmem:s29], [sflag:$0xD], $0x10, s1, s15, $0xb8;
	[tilespmem:$0x1DC80] =	vst v63  }
0x6b: {  	_ =	swait.ge [sflag:s28], $0x800  }
0x6c: {  	s19 =	sadd.s32 s19, s23;
	[sflag:s28] =	ssyncset.done $0x0  }
0x6d: {  	s22 =	sadd.s32 $0xA20, s19;
	[sflag:s28] =	ssyncadd.s32 $0xFFFFF800  }
0x6e: {  	[tilespmem:s1], [sflag:$0x7] =	stream.linear.gather [hbm4b:s22+s6], $0x80, $0x38;
	[tilespmem:$0x1DC80] =	vst v63  }
0x6f: {  	_ =	swait.ge [sflag:s16], $0x80  }
0x70: {  	[sflag:s16] =	ssyncset.done $0x0  }
0x71: {  	[sflag:s16] =	ssyncadd.s32 $0xFFFFFF80  }
0x72: {  	[spmem:s2] =	stream.indirect.scatter.add.f32 [tilespmem:s29], [sflag:$0xD], $0x10, s9, s15, $0xb8;
	[tilespmem:$0x1DC80] =	vst v63  }
0x73: {  	_ =	swait.ge [sflag:s28], $0x800  }
0x74: {  	[sflag:s28] =	ssyncset.done $0x0  }
0x75: {  	s22 =	sadd.s32 $0xA30, s19;
	[sflag:s28] =	ssyncadd.s32 $0xFFFFF800  }
0x76: {  	[tilespmem:s9], [sflag:$0x8] =	stream.linear.gather [hbm4b:s22+s6], $0x80, $0x38;
	[tilespmem:$0x1DC80] =	vst v63  }
0x77: {  	_ =	swait.ge [sflag:s20], $0x80  }
0x78: {  	[sflag:s20] =	ssyncset.done $0x0  }
.Ltmp0:
0x79: {  	[sflag:s20] =	ssyncadd.s32 $0xFFFFFF80;
	(pc) =	sbr.rel @p0 .LBB2_2-.Ltmp0, $4  }
0x7a: {  	[spmem:s2] =	stream.indirect.scatter.add.f32 [tilespmem:s29], [sflag:$0xD], $0x10, s12, s15, $0xb8;
	[tilespmem:$0x1DC80] =	vst v63  }
0x7b: {  	_ =	swait.ge [sflag:s28], $0x800  }
0x7c: {  	[sflag:s28] =	ssyncset.done $0x0  }
0x7d: {  	s19 =	sadd.s32 $0xA40, s19;
	[sflag:s28] =	ssyncadd.s32 $0xFFFFF800  }
0x7e: {  	[tilespmem:s12], [sflag:$0x9] =	stream.linear.gather [hbm4b:s19+s6], $0x80, $0x38;
	[tilespmem:$0x1DC80] =	vst v63  }
0x7f: {  	_ =	swait.ge [sflag:s14], $0x80  }
0x80: {  	[sflag:s14] =	ssyncset.done $0x0  }
0x81: {  	[sflag:s14] =	ssyncadd.s32 $0xFFFFFF80  }
0x82: {  	[spmem:s2] =	stream.indirect.scatter.add.f32 [tilespmem:s29], [sflag:$0xD], $0x10, s1, s15, $0xb8;
	[tilespmem:$0x1DC80] =	vst v63  }
0x83: {  	_ =	swait.ge [sflag:s28], $0x800  }
0x84: {  	[sflag:s28] =	ssyncset.done $0x0  }
0x85: {  	[sflag:s28] =	ssyncadd.s32 $0xFFFFF800  }
0x86: {  	_ =	swait.ge [sflag:s16], $0x80  }
0x87: {  	[sflag:s16] =	ssyncset.done $0x0  }
0x88: {  	[sflag:s16] =	ssyncadd.s32 $0xFFFFFF80  }
0x89: {  	[spmem:s2] =	stream.indirect.scatter.add.f32 [tilespmem:s29], [sflag:$0xD], $0x10, s9, s15, $0xb8;
	[tilespmem:$0x1DC80] =	vst v63  }
0x8a: {  	_ =	swait.ge [sflag:s28], $0x800  }
0x8b: {  	[sflag:s28] =	ssyncset.done $0x0  }
0x8c: {  	[sflag:s28] =	ssyncadd.s32 $0xFFFFF800  }
0x8d: {  	_ =	swait.ge [sflag:s20], $0x80  }
0x8e: {  	[sflag:s20] =	ssyncset.done $0x0  }
0x8f: {  	[sflag:s20] =	ssyncadd.s32 $0xFFFFFF80  }
0x90: {  	[spmem:s2] =	stream.indirect.scatter.add.f32 [tilespmem:s29], [sflag:$0xD], $0x10, s12, s15, $0xb8;
	[tilespmem:$0x1DC80] =	vst v63  }
0x91: {  	_ =	swait.ge [sflag:s28], $0x800  }
0x92: {  	[sflag:s28] =	ssyncset.done $0x0  }
0x93: {  	[sflag:s28] =	ssyncadd.s32 $0xFFFFF800  }
0x94: {  	[bflag:$0x0] =	sbarrier.arrive $0xFFFF  }
0x95: {  	s2 =	simm.s32 $0x6C80;
	s18 =	rddreg [dreg:$0x18]  }
0x96: {  	[tilespmem:s2], [sflag:$0xD] =	stream.linear.gather [spmem:s18], $0x800, $0x38;
	[tilespmem:$0x1DC80] =	vst v63  }
0x97: {  	_ =	swait.ge [sflag:s28], $0x800  }
0x98: {  	[sflag:s28] =	ssyncset.done $0x0  }
0x99: {  	s22 =	simm.s32 $0x40;
	s19 =	rddreg [dreg:$0x7];
	[sflag:s28] =	ssyncadd.s32 $0xFFFFF800  }
0x9a: {  	[tilespmem:s26], [sflag:$0xD] =	stream.strided.gather [hbm4b:s19+s22], $0x2000, s15, s22, $0x38;
	[tilespmem:$0x1DC80] =	vst v63  }
0x9b: {  	_ =	swait.ge [sflag:s28], $0x2000  }
0x9c: {  	[sflag:s28] =	ssyncset.done $0x0  }
0x9d: {  	s29 =	simm.s32 $0x0;
	[sflag:s28] =	ssyncadd.s32 $0xFFFFE000  }
0x9e: {  	v0 =	vld [tilespmem:s29+$0x6C80];
	_ =	sdelay $0x4  }
0x9f: {  	v0 =	vadd.f32 $1.000000000e+00, v0;
	_ =	sdelay $0x1  }
0xa0: {  	v1 =	vshrl.u32 v0, $0x1;
	v0 =	vmul.f32 $5.000000000e-01, v0  }
0xa1: {  	v1 =	vsub.s32 $0x5F3759DF, v1  }
0xa2: {  	v2 =	vmul.f32 v1, v0;
	_ =	sdelay $0x1  }
0xa3: {  	v2 =	vmul.f32 v1, v2;
	_ =	sdelay $0x1  }
0xa4: {  	v2 =	vsub.f32 $1.500000000e+00, v2;
	_ =	sdelay $0x1  }
0xa5: {  	v1 =	vmul.f32 v1, v2;
	_ =	sdelay $0x1  }
0xa6: {  	v2 =	vmul.f32 v1, v0;
	_ =	sdelay $0x1  }
0xa7: {  	v2 =	vmul.f32 v2, v1;
	_ =	sdelay $0x1  }
0xa8: {  	v2 =	vsub.f32 $1.500000000e+00, v2;
	_ =	sdelay $0x1  }
0xa9: {  	v1 =	vmul.f32 v2, v1;
	_ =	sdelay $0x1  }
0xaa: {  	v0 =	vmul.f32 v1, v0;
	_ =	sdelay $0x1  }
0xab: {  	s18 =	simm.s32 $0x4A0;
	v0 =	vmul.f32 v0, v1  }
0xac: {  	v61 =	vld [tilespmem:s18+$0xFFFFFFE0]  }
0xad: {  	v3 =	vld [tilespmem:s18+$0xFFFFFFF0];
	v0 =	vsub.f32 $1.500000000e+00, v0  }
0xae: {  	v4 =	vld [tilespmem:s18+$0x0]  }
0xaf: {  	v5 =	vld [tilespmem:s18+$0x10];
	v0 =	vmul.f32 v0, v1;
	_ =	sdelay $0x1  }
0xb0: {  	v1 =	vmul.f32 v0, v61  }
0xb1: {  	v62 =	vmul.f32 v0, v3  }
0xb2: {  	v63 =	vmul.f32 v0, v4;
	[tilespmem:s18+$0xFFFFFFE0] =	vst v1  }
0xb3: {  	v0 =	vmul.f32 v0, v5;
	[tilespmem:s18+$0xFFFFFFF0] =	vst v62  }
0xb4: {  	[tilespmem:s18+$0x0] =	vst v63  }
0xb5: {  	s22 =	simm.s32 $0x10;
	s19 =	simm.s32 $0x80;
	[tilespmem:s18+$0x10] =	vst v0  }
.LBB2_4:
0xb6: {  	p0 =	sne.s32 s19, $0x1FC0;
	v0 =	vld [tilespmem:s22+$0x6C80];
	_ =	sdelay $0x4  }
0xb7: {  	v0 =	vadd.f32 $1.000000000e+00, v0;
	_ =	sdelay $0x1  }
0xb8: {  	v1 =	vshrl.u32 v0, $0x1;
	v0 =	vmul.f32 $5.000000000e-01, v0  }
0xb9: {  	v1 =	vsub.s32 $0x5F3759DF, v1  }
0xba: {  	v2 =	vmul.f32 v1, v0;
	_ =	sdelay $0x1  }
0xbb: {  	v2 =	vmul.f32 v1, v2;
	_ =	sdelay $0x1  }
0xbc: {  	v2 =	vsub.f32 $1.500000000e+00, v2;
	_ =	sdelay $0x1  }
0xbd: {  	v1 =	vmul.f32 v1, v2;
	_ =	sdelay $0x1  }
0xbe: {  	v2 =	vmul.f32 v1, v0;
	_ =	sdelay $0x1  }
0xbf: {  	v2 =	vmul.f32 v2, v1;
	_ =	sdelay $0x1  }
0xc0: {  	v2 =	vsub.f32 $1.500000000e+00, v2;
	_ =	sdelay $0x1  }
0xc1: {  	v1 =	vmul.f32 v2, v1;
	_ =	sdelay $0x1  }
0xc2: {  	s18 =	sadd.s32 $0x40, s18;
	v0 =	vmul.f32 v1, v0  }
0xc3: {  	v2 =	vld [tilespmem:s18+$0xFFFFFFF0]  }
0xc4: {  	v0 =	vmul.f32 v0, v1;
	v3 =	vld [tilespmem:s18+$0x10]  }
0xc5: {  	v4 =	vld [tilespmem:s18+$0xFFFFFFE0]  }
0xc6: {  	v0 =	vsub.f32 $1.500000000e+00, v0;
	v5 =	vld [tilespmem:s18+$0x0];
	_ =	sdelay $0x1  }
0xc7: {  	v0 =	vmul.f32 v0, v1;
	_ =	sdelay $0x1  }
0xc8: {  	v1 =	vmul.f32 v0, v4;
	v2 =	vmul.f32 v0, v2  }
.Ltmp1:
0xc9: {  	v4 =	vmul.f32 v0, v5;
	v0 =	vmul.f32 v0, v3;
	(pc) =	sbr.rel @p0 .LBB2_4-.Ltmp1, $4  }
0xca: {  	[tilespmem:s18+$0xFFFFFFE0] =	vst v1  }
0xcb: {  	[tilespmem:s18+$0xFFFFFFF0] =	vst v2  }
0xcc: {  	[tilespmem:s18+$0x0] =	vst v4  }
0xcd: {  	s22 =	sshra.s32 s19, $0x2;
	s19 =	sadd.s32 $0x40, s19;
	[tilespmem:s18+$0x10] =	vst v0  }
0xce: {  	v0 =	vld [tilespmem:s22+$0x6C80];
	_ =	sdelay $0x4  }
0xcf: {  	v0 =	vadd.f32 $1.000000000e+00, v0;
	_ =	sdelay $0x1  }
0xd0: {  	v1 =	vshrl.u32 v0, $0x1;
	v0 =	vmul.f32 $5.000000000e-01, v0  }
0xd1: {  	v1 =	vsub.s32 $0x5F3759DF, v1  }
0xd2: {  	v2 =	vmul.f32 v1, v0;
	_ =	sdelay $0x1  }
0xd3: {  	v2 =	vmul.f32 v1, v2;
	_ =	sdelay $0x1  }
0xd4: {  	v2 =	vsub.f32 $1.500000000e+00, v2;
	_ =	sdelay $0x1  }
0xd5: {  	v1 =	vmul.f32 v1, v2;
	_ =	sdelay $0x1  }
0xd6: {  	v2 =	vmul.f32 v1, v0;
	_ =	sdelay $0x1  }
0xd7: {  	v2 =	vmul.f32 v2, v1;
	_ =	sdelay $0x1  }
0xd8: {  	v2 =	vsub.f32 $1.500000000e+00, v2;
	_ =	sdelay $0x1  }
0xd9: {  	v1 =	vmul.f32 v2, v1;
	_ =	sdelay $0x1  }
0xda: {  	v0 =	vmul.f32 v1, v0;
	_ =	sdelay $0x1  }
0xdb: {  	s18 =	sadd.s32 $0x40, s18;
	v0 =	vmul.f32 v0, v1  }
0xdc: {  	v52 =	vld [tilespmem:s18+$0xFFFFFFE0]  }
0xdd: {  	v3 =	vld [tilespmem:s18+$0xFFFFFFF0];
	v0 =	vsub.f32 $1.500000000e+00, v0  }
0xde: {  	v4 =	vld [tilespmem:s18+$0x0]  }
0xdf: {  	v5 =	vld [tilespmem:s18+$0x10];
	v0 =	vmul.f32 v0, v1;
	_ =	sdelay $0x1  }
0xe0: {  	v1 =	vmul.f32 v0, v52  }
0xe1: {  	v53 =	vmul.f32 v0, v3  }
0xe2: {  	v54 =	vmul.f32 v0, v4;
	[tilespmem:s18+$0xFFFFFFE0] =	vst v1  }
0xe3: {  	v0 =	vmul.f32 v0, v5;
	[tilespmem:s18+$0xFFFFFFF0] =	vst v53  }
0xe4: {  	[tilespmem:s18+$0x0] =	vst v54  }
0xe5: {  	s22 =	rddreg [dreg:$0x1a];
	[tilespmem:s18+$0x10] =	vst v0  }
0xe6: {  	[spmem:s22] =	stream.linear.scatter [tilespmem:s26], [sflag:$0xD], $0x2000, $0x38;
	[tilespmem:$0x1DC80] =	vst v63  }
0xe7: {  	_ =	swait.ge [sflag:s28], $0x2000  }
0xe8: {  	[sflag:s28] =	ssyncset.done $0x0  }
0xe9: {  	s29 =	rddreg [dreg:$0x1b];
	[sflag:s28] =	ssyncadd.s32 $0xFFFFE000  }
0xea: {  	[spmem:s29] =	stream.linear.scatter [tilespmem:s26], [sflag:$0xD], $0x2000, $0x38;
	[tilespmem:$0x1DC80] =	vst v63  }
0xeb: {  	_ =	swait.ge [sflag:s28], $0x2000  }
0xec: {  	[sflag:s28] =	ssyncset.done $0x0  }
0xed: {  	s19 =	simm.s32 $0x6C80;
	s2 =	rddreg [dreg:$0x1c];
	[sflag:s28] =	ssyncadd.s32 $0xFFFFE000  }
0xee: {  	[tilespmem:s19], [sflag:$0xD] =	stream.linear.gather [spmem:s2], $0x800, $0x38;
	[tilespmem:$0x1DC80] =	vst v63  }
0xef: {  	_ =	swait.ge [sflag:s28], $0x800  }
0xf0: {  	[sflag:s28] =	ssyncset.done $0x0  }
0xf1: {  	s22 =	simm.s32 $0x40;
	s19 =	rddreg [dreg:$0x8];
	[sflag:s28] =	ssyncadd.s32 $0xFFFFF800  }
0xf2: {  	[tilespmem:s26], [sflag:$0xD] =	stream.strided.gather [hbm4b:s19+s22], $0x2000, s15, s22, $0x38;
	[tilespmem:$0x1DC80] =	vst v63  }
0xf3: {  	_ =	swait.ge [sflag:s28], $0x2000  }
0xf4: {  	[sflag:s28] =	ssyncset.done $0x0  }
0xf5: {  	s29 =	simm.s32 $0x0;
	[sflag:s28] =	ssyncadd.s32 $0xFFFFE000  }
0xf6: {  	v55 =	vld [tilespmem:s29+$0x6C80];
	_ =	sdelay $0x4  }
0xf7: {  	v0 =	vadd.f32 $1.000000000e+00, v55;
	_ =	sdelay $0x1  }
0xf8: {  	v56 =	vshrl.u32 v0, $0x1;
	v0 =	vmul.f32 $5.000000000e-01, v0  }
0xf9: {  	v1 =	vsub.s32 $0x5F3759DF, v56  }
0xfa: {  	v57 =	vmul.f32 v1, v0;
	_ =	sdelay $0x1  }
0xfb: {  	v2 =	vmul.f32 v1, v57;
	_ =	sdelay $0x1  }
0xfc: {  	v2 =	vsub.f32 $1.500000000e+00, v2;
	_ =	sdelay $0x1  }
0xfd: {  	v1 =	vmul.f32 v1, v2;
	_ =	sdelay $0x1  }
0xfe: {  	v2 =	vmul.f32 v1, v0;
	_ =	sdelay $0x1  }
0xff: {  	v2 =	vmul.f32 v2, v1;
	_ =	sdelay $0x1  }
0x100: {  	v2 =	vsub.f32 $1.500000000e+00, v2;
	_ =	sdelay $0x1  }
0x101: {  	v1 =	vmul.f32 v2, v1;
	_ =	sdelay $0x1  }
0x102: {  	v0 =	vmul.f32 v1, v0;
	_ =	sdelay $0x1  }
0x103: {  	s18 =	simm.s32 $0x4A0;
	v0 =	vmul.f32 v0, v1  }
0x104: {  	v58 =	vld [tilespmem:s18+$0xFFFFFFE0]  }
0x105: {  	v59 =	vld [tilespmem:s18+$0xFFFFFFF0];
	v0 =	vsub.f32 $1.500000000e+00, v0  }
0x106: {  	v60 =	vld [tilespmem:s18+$0x0]  }
0x107: {  	v61 =	vld [tilespmem:s18+$0x10];
	v0 =	vmul.f32 v0, v1;
	_ =	sdelay $0x1  }
0x108: {  	v1 =	vmul.f32 v0, v58  }
0x109: {  	v62 =	vmul.f32 v0, v59  }
0x10a: {  	v63 =	vmul.f32 v0, v60;
	[tilespmem:s18+$0xFFFFFFE0] =	vst v1  }
0x10b: {  	v0 =	vmul.f32 v0, v61;
	[tilespmem:s18+$0xFFFFFFF0] =	vst v62  }
0x10c: {  	[tilespmem:s18+$0x0] =	vst v63  }
0x10d: {  	s22 =	simm.s32 $0x10;
	s19 =	simm.s32 $0x80;
	[tilespmem:s18+$0x10] =	vst v0  }
.LBB2_6:
0x10e: {  	p0 =	sne.s32 s19, $0x1FC0;
	v0 =	vld [tilespmem:s22+$0x6C80];
	_ =	sdelay $0x4  }
0x10f: {  	v0 =	vadd.f32 $1.000000000e+00, v0;
	_ =	sdelay $0x1  }
0x110: {  	v1 =	vshrl.u32 v0, $0x1;
	v0 =	vmul.f32 $5.000000000e-01, v0  }
0x111: {  	v1 =	vsub.s32 $0x5F3759DF, v1  }
0x112: {  	v2 =	vmul.f32 v1, v0;
	_ =	sdelay $0x1  }
0x113: {  	v2 =	vmul.f32 v1, v2;
	_ =	sdelay $0x1  }
0x114: {  	v2 =	vsub.f32 $1.500000000e+00, v2;
	_ =	sdelay $0x1  }
0x115: {  	v1 =	vmul.f32 v1, v2;
	_ =	sdelay $0x1  }
0x116: {  	v2 =	vmul.f32 v1, v0;
	_ =	sdelay $0x1  }
0x117: {  	v2 =	vmul.f32 v2, v1;
	_ =	sdelay $0x1  }
0x118: {  	v2 =	vsub.f32 $1.500000000e+00, v2;
	_ =	sdelay $0x1  }
0x119: {  	v1 =	vmul.f32 v2, v1;
	_ =	sdelay $0x1  }
0x11a: {  	s18 =	sadd.s32 $0x40, s18;
	v0 =	vmul.f32 v1, v0  }
0x11b: {  	v2 =	vld [tilespmem:s18+$0xFFFFFFF0]  }
0x11c: {  	v0 =	vmul.f32 v0, v1;
	v3 =	vld [tilespmem:s18+$0x10]  }
0x11d: {  	v4 =	vld [tilespmem:s18+$0xFFFFFFE0]  }
0x11e: {  	v0 =	vsub.f32 $1.500000000e+00, v0;
	v5 =	vld [tilespmem:s18+$0x0];
	_ =	sdelay $0x1  }
0x11f: {  	v0 =	vmul.f32 v0, v1;
	_ =	sdelay $0x1  }
0x120: {  	v1 =	vmul.f32 v0, v4;
	v2 =	vmul.f32 v0, v2  }
.Ltmp2:
0x121: {  	v4 =	vmul.f32 v0, v5;
	v0 =	vmul.f32 v0, v3;
	(pc) =	sbr.rel @p0 .LBB2_6-.Ltmp2, $4  }
0x122: {  	[tilespmem:s18+$0xFFFFFFE0] =	vst v1  }
0x123: {  	[tilespmem:s18+$0xFFFFFFF0] =	vst v2  }
0x124: {  	[tilespmem:s18+$0x0] =	vst v4  }
0x125: {  	s22 =	sshra.s32 s19, $0x2;
	s19 =	sadd.s32 $0x40, s19;
	[tilespmem:s18+$0x10] =	vst v0  }
0x126: {  	v0 =	vld [tilespmem:s22+$0x6C80];
	_ =	sdelay $0x4  }
0x127: {  	v0 =	vadd.f32 $1.000000000e+00, v0;
	_ =	sdelay $0x1  }
0x128: {  	v1 =	vshrl.u32 v0, $0x1;
	v0 =	vmul.f32 $5.000000000e-01, v0  }
0x129: {  	v1 =	vsub.s32 $0x5F3759DF, v1  }
0x12a: {  	v2 =	vmul.f32 v1, v0;
	_ =	sdelay $0x1  }
0x12b: {  	v2 =	vmul.f32 v1, v2;
	_ =	sdelay $0x1  }
0x12c: {  	v2 =	vsub.f32 $1.500000000e+00, v2;
	_ =	sdelay $0x1  }
0x12d: {  	v1 =	vmul.f32 v1, v2;
	_ =	sdelay $0x1  }
0x12e: {  	v2 =	vmul.f32 v1, v0;
	_ =	sdelay $0x1  }
0x12f: {  	v2 =	vmul.f32 v2, v1;
	_ =	sdelay $0x1  }
0x130: {  	v2 =	vsub.f32 $1.500000000e+00, v2;
	_ =	sdelay $0x1  }
0x131: {  	v1 =	vmul.f32 v2, v1;
	_ =	sdelay $0x1  }
0x132: {  	v0 =	vmul.f32 v1, v0;
	_ =	sdelay $0x1  }
0x133: {  	s18 =	sadd.s32 $0x40, s18;
	v0 =	vmul.f32 v0, v1  }
0x134: {  	v52 =	vld [tilespmem:s18+$0xFFFFFFE0]  }
0x135: {  	v3 =	vld [tilespmem:s18+$0xFFFFFFF0];
	v0 =	vsub.f32 $1.500000000e+00, v0  }
0x136: {  	v4 =	vld [tilespmem:s18+$0x0]  }
0x137: {  	v5 =	vld [tilespmem:s18+$0x10];
	v0 =	vmul.f32 v0, v1;
	_ =	sdelay $0x1  }
0x138: {  	v1 =	vmul.f32 v0, v52  }
0x139: {  	v53 =	vmul.f32 v0, v3  }
0x13a: {  	v54 =	vmul.f32 v0, v4;
	[tilespmem:s18+$0xFFFFFFE0] =	vst v1  }
0x13b: {  	v0 =	vmul.f32 v0, v5;
	[tilespmem:s18+$0xFFFFFFF0] =	vst v53  }
0x13c: {  	[tilespmem:s18+$0x0] =	vst v54  }
0x13d: {  	s22 =	rddreg [dreg:$0x1d];
	[tilespmem:s18+$0x10] =	vst v0  }
0x13e: {  	[spmem:s22] =	stream.linear.scatter [tilespmem:s26], [sflag:$0xD], $0x2000, $0x38;
	[tilespmem:$0x1DC80] =	vst v63  }
0x13f: {  	_ =	swait.ge [sflag:s28], $0x2000  }
0x140: {  	[sflag:s28] =	ssyncset.done $0x0  }
0x141: {  	s29 =	rddreg [dreg:$0x1e];
	[sflag:s28] =	ssyncadd.s32 $0xFFFFE000  }
0x142: {  	[spmem:s29] =	stream.linear.scatter [tilespmem:s26], [sflag:$0xD], $0x2000, $0x38;
	[tilespmem:$0x1DC80] =	vst v63  }
0x143: {  	_ =	swait.ge [sflag:s28], $0x2000  }
0x144: {  	[sflag:s28] =	ssyncset.done $0x0  }
0x145: {  	s19 =	simm.s32 $0x6C80;
	s2 =	rddreg [dreg:$0x1f];
	[sflag:s28] =	ssyncadd.s32 $0xFFFFE000  }
0x146: {  	[tilespmem:s19], [sflag:$0xD] =	stream.linear.gather [spmem:s2], $0x800, $0x38;
	[tilespmem:$0x1DC80] =	vst v63  }
0x147: {  	_ =	swait.ge [sflag:s28], $0x800  }
0x148: {  	[sflag:s28] =	ssyncset.done $0x0  }
0x149: {  	s22 =	simm.s32 $0x40;
	s19 =	rddreg [dreg:$0x9];
	[sflag:s28] =	ssyncadd.s32 $0xFFFFF800  }
0x14a: {  	[tilespmem:s26], [sflag:$0xD] =	stream.strided.gather [hbm4b:s19+s22], $0x2000, s15, s22, $0x38;
	[tilespmem:$0x1DC80] =	vst v63  }
0x14b: {  	_ =	swait.ge [sflag:s28], $0x2000  }
0x14c: {  	[sflag:s28] =	ssyncset.done $0x0  }
0x14d: {  	s29 =	simm.s32 $0x0;
	[sflag:s28] =	ssyncadd.s32 $0xFFFFE000  }
0x14e: {  	v55 =	vld [tilespmem:s29+$0x6C80];
	_ =	sdelay $0x4  }
0x14f: {  	v0 =	vadd.f32 $1.000000000e+00, v55;
	_ =	sdelay $0x1  }
0x150: {  	v56 =	vshrl.u32 v0, $0x1;
	v0 =	vmul.f32 $5.000000000e-01, v0  }
0x151: {  	v1 =	vsub.s32 $0x5F3759DF, v56  }
0x152: {  	v57 =	vmul.f32 v1, v0;
	_ =	sdelay $0x1  }
0x153: {  	v2 =	vmul.f32 v1, v57;
	_ =	sdelay $0x1  }
0x154: {  	v2 =	vsub.f32 $1.500000000e+00, v2;
	_ =	sdelay $0x1  }
0x155: {  	v1 =	vmul.f32 v1, v2;
	_ =	sdelay $0x1  }
0x156: {  	v2 =	vmul.f32 v1, v0;
	_ =	sdelay $0x1  }
0x157: {  	v2 =	vmul.f32 v2, v1;
	_ =	sdelay $0x1  }
0x158: {  	v2 =	vsub.f32 $1.500000000e+00, v2;
	_ =	sdelay $0x1  }
0x159: {  	v1 =	vmul.f32 v2, v1;
	_ =	sdelay $0x1  }
0x15a: {  	v0 =	vmul.f32 v1, v0;
	_ =	sdelay $0x1  }
0x15b: {  	s18 =	simm.s32 $0x4A0;
	v0 =	vmul.f32 v0, v1  }
0x15c: {  	v58 =	vld [tilespmem:s18+$0xFFFFFFE0]  }
0x15d: {  	v59 =	vld [tilespmem:s18+$0xFFFFFFF0];
	v0 =	vsub.f32 $1.500000000e+00, v0  }
0x15e: {  	v60 =	vld [tilespmem:s18+$0x0]  }
0x15f: {  	v61 =	vld [tilespmem:s18+$0x10];
	v0 =	vmul.f32 v0, v1;
	_ =	sdelay $0x1  }
0x160: {  	v1 =	vmul.f32 v0, v58  }
0x161: {  	v62 =	vmul.f32 v0, v59  }
0x162: {  	v63 =	vmul.f32 v0, v60;
	[tilespmem:s18+$0xFFFFFFE0] =	vst v1  }
0x163: {  	v0 =	vmul.f32 v0, v61;
	[tilespmem:s18+$0xFFFFFFF0] =	vst v62  }
0x164: {  	[tilespmem:s18+$0x0] =	vst v63  }
0x165: {  	s22 =	simm.s32 $0x10;
	s19 =	simm.s32 $0x80;
	[tilespmem:s18+$0x10] =	vst v0  }
.LBB2_8:
0x166: {  	p0 =	sne.s32 s19, $0x1FC0;
	v0 =	vld [tilespmem:s22+$0x6C80];
	_ =	sdelay $0x4  }
0x167: {  	v0 =	vadd.f32 $1.000000000e+00, v0;
	_ =	sdelay $0x1  }
0x168: {  	v1 =	vshrl.u32 v0, $0x1;
	v0 =	vmul.f32 $5.000000000e-01, v0  }
0x169: {  	v1 =	vsub.s32 $0x5F3759DF, v1  }
0x16a: {  	v2 =	vmul.f32 v1, v0;
	_ =	sdelay $0x1  }
0x16b: {  	v2 =	vmul.f32 v1, v2;
	_ =	sdelay $0x1  }
0x16c: {  	v2 =	vsub.f32 $1.500000000e+00, v2;
	_ =	sdelay $0x1  }
0x16d: {  	v1 =	vmul.f32 v1, v2;
	_ =	sdelay $0x1  }
0x16e: {  	v2 =	vmul.f32 v1, v0;
	_ =	sdelay $0x1  }
0x16f: {  	v2 =	vmul.f32 v2, v1;
	_ =	sdelay $0x1  }
0x170: {  	v2 =	vsub.f32 $1.500000000e+00, v2;
	_ =	sdelay $0x1  }
0x171: {  	v1 =	vmul.f32 v2, v1;
	_ =	sdelay $0x1  }
0x172: {  	s18 =	sadd.s32 $0x40, s18;
	v0 =	vmul.f32 v1, v0  }
0x173: {  	v2 =	vld [tilespmem:s18+$0xFFFFFFF0]  }
0x174: {  	v0 =	vmul.f32 v0, v1;
	v3 =	vld [tilespmem:s18+$0x10]  }
0x175: {  	v4 =	vld [tilespmem:s18+$0xFFFFFFE0]  }
0x176: {  	v0 =	vsub.f32 $1.500000000e+00, v0;
	v5 =	vld [tilespmem:s18+$0x0];
	_ =	sdelay $0x1  }
0x177: {  	v0 =	vmul.f32 v0, v1;
	_ =	sdelay $0x1  }
0x178: {  	v1 =	vmul.f32 v0, v4;
	v2 =	vmul.f32 v0, v2  }
.Ltmp3:
0x179: {  	v4 =	vmul.f32 v0, v5;
	v0 =	vmul.f32 v0, v3;
	(pc) =	sbr.rel @p0 .LBB2_8-.Ltmp3, $4  }
0x17a: {  	[tilespmem:s18+$0xFFFFFFE0] =	vst v1  }
0x17b: {  	[tilespmem:s18+$0xFFFFFFF0] =	vst v2  }
0x17c: {  	[tilespmem:s18+$0x0] =	vst v4  }
0x17d: {  	s22 =	sshra.s32 s19, $0x2;
	s19 =	sadd.s32 $0x40, s19;
	[tilespmem:s18+$0x10] =	vst v0  }
0x17e: {  	v0 =	vld [tilespmem:s22+$0x6C80];
	_ =	sdelay $0x4  }
0x17f: {  	v0 =	vadd.f32 $1.000000000e+00, v0;
	_ =	sdelay $0x1  }
0x180: {  	v1 =	vshrl.u32 v0, $0x1;
	v0 =	vmul.f32 $5.000000000e-01, v0  }
0x181: {  	v1 =	vsub.s32 $0x5F3759DF, v1  }
0x182: {  	v2 =	vmul.f32 v1, v0;
	_ =	sdelay $0x1  }
0x183: {  	v2 =	vmul.f32 v1, v2;
	_ =	sdelay $0x1  }
0x184: {  	v2 =	vsub.f32 $1.500000000e+00, v2;
	_ =	sdelay $0x1  }
0x185: {  	v1 =	vmul.f32 v1, v2;
	_ =	sdelay $0x1  }
0x186: {  	v2 =	vmul.f32 v1, v0;
	_ =	sdelay $0x1  }
0x187: {  	v2 =	vmul.f32 v2, v1;
	_ =	sdelay $0x1  }
0x188: {  	v2 =	vsub.f32 $1.500000000e+00, v2;
	_ =	sdelay $0x1  }
0x189: {  	v1 =	vmul.f32 v2, v1;
	_ =	sdelay $0x1  }
0x18a: {  	v0 =	vmul.f32 v1, v0;
	_ =	sdelay $0x1  }
0x18b: {  	s18 =	sadd.s32 $0x40, s18;
	v0 =	vmul.f32 v0, v1  }
0x18c: {  	v52 =	vld [tilespmem:s18+$0xFFFFFFE0]  }
0x18d: {  	v3 =	vld [tilespmem:s18+$0xFFFFFFF0];
	v0 =	vsub.f32 $1.500000000e+00, v0  }
0x18e: {  	v4 =	vld [tilespmem:s18+$0x0]  }
0x18f: {  	v5 =	vld [tilespmem:s18+$0x10];
	v0 =	vmul.f32 v0, v1;
	_ =	sdelay $0x1  }
0x190: {  	v1 =	vmul.f32 v0, v52  }
0x191: {  	v53 =	vmul.f32 v0, v3  }
0x192: {  	v54 =	vmul.f32 v0, v4;
	[tilespmem:s18+$0xFFFFFFE0] =	vst v1  }
0x193: {  	s22 =	sld [smem:$0x7EF];
	v0 =	vmul.f32 v0, v5;
	[tilespmem:s18+$0xFFFFFFF0] =	vst v53  }
0x194: {  	[tilespmem:s18+$0x0] =	vst v54  }
0x195: {  	[tilespmem:s18+$0x10] =	vst v0  }
0x196: {  	[spmem:s22] =	stream.linear.scatter [tilespmem:s26], [sflag:$0xD], $0x2000, $0x38;
	[tilespmem:$0x1DC80] =	vst v63  }
0x197: {  	_ =	swait.ge [sflag:s28], $0x2000  }
0x198: {  	s29 =	sld [smem:$0x7F0]  }
0x199: {  	[sflag:s28] =	ssyncset.done $0x0  }
0x19a: {  	[sflag:s28] =	ssyncadd.s32 $0xFFFFE000  }
0x19b: {  	[spmem:s29] =	stream.linear.scatter [tilespmem:s26], [sflag:$0xD], $0x2000, $0x38;
	[tilespmem:$0x1DC80] =	vst v63  }
0x19c: {  	_ =	swait.ge [sflag:s28], $0x2000  }
0x19d: {  	s2 =	sld [smem:$0x7F1]  }
0x19e: {  	[sflag:s28] =	ssyncset.done $0x0  }
0x19f: {  	s19 =	simm.s32 $0x6C80;
	[sflag:s28] =	ssyncadd.s32 $0xFFFFE000  }
0x1a0: {  	[tilespmem:s19], [sflag:$0xD] =	stream.linear.gather [spmem:s2], $0x800, $0x38;
	[tilespmem:$0x1DC80] =	vst v63  }
0x1a1: {  	_ =	swait.ge [sflag:s28], $0x800  }
0x1a2: {  	[sflag:s28] =	ssyncset.done $0x0  }
0x1a3: {  	s22 =	simm.s32 $0x40;
	s19 =	rddreg [dreg:$0xa];
	[sflag:s28] =	ssyncadd.s32 $0xFFFFF800  }
0x1a4: {  	[tilespmem:s26], [sflag:$0xD] =	stream.strided.gather [hbm4b:s19+s22], $0x2000, s15, s22, $0x38;
	[tilespmem:$0x1DC80] =	vst v63  }
0x1a5: {  	_ =	swait.ge [sflag:s28], $0x2000  }
0x1a6: {  	[sflag:s28] =	ssyncset.done $0x0  }
0x1a7: {  	s29 =	simm.s32 $0x0;
	[sflag:s28] =	ssyncadd.s32 $0xFFFFE000  }
0x1a8: {  	v55 =	vld [tilespmem:s29+$0x6C80];
	_ =	sdelay $0x4  }
0x1a9: {  	v0 =	vadd.f32 $1.000000000e+00, v55;
	_ =	sdelay $0x1  }
0x1aa: {  	v56 =	vshrl.u32 v0, $0x1;
	v0 =	vmul.f32 $5.000000000e-01, v0  }
0x1ab: {  	v1 =	vsub.s32 $0x5F3759DF, v56  }
0x1ac: {  	v57 =	vmul.f32 v1, v0;
	_ =	sdelay $0x1  }
0x1ad: {  	v2 =	vmul.f32 v1, v57;
	_ =	sdelay $0x1  }
0x1ae: {  	v2 =	vsub.f32 $1.500000000e+00, v2;
	_ =	sdelay $0x1  }
0x1af: {  	v1 =	vmul.f32 v1, v2;
	_ =	sdelay $0x1  }
0x1b0: {  	v2 =	vmul.f32 v1, v0;
	_ =	sdelay $0x1  }
0x1b1: {  	v2 =	vmul.f32 v2, v1;
	_ =	sdelay $0x1  }
0x1b2: {  	v2 =	vsub.f32 $1.500000000e+00, v2;
	_ =	sdelay $0x1  }
0x1b3: {  	v1 =	vmul.f32 v2, v1;
	_ =	sdelay $0x1  }
0x1b4: {  	v0 =	vmul.f32 v1, v0;
	_ =	sdelay $0x1  }
0x1b5: {  	s18 =	simm.s32 $0x4A0;
	v0 =	vmul.f32 v0, v1  }
0x1b6: {  	v58 =	vld [tilespmem:s18+$0xFFFFFFE0]  }
0x1b7: {  	v59 =	vld [tilespmem:s18+$0xFFFFFFF0];
	v0 =	vsub.f32 $1.500000000e+00, v0  }
0x1b8: {  	v60 =	vld [tilespmem:s18+$0x0]  }
0x1b9: {  	v61 =	vld [tilespmem:s18+$0x10];
	v0 =	vmul.f32 v0, v1;
	_ =	sdelay $0x1  }
0x1ba: {  	v1 =	vmul.f32 v0, v58  }
0x1bb: {  	v62 =	vmul.f32 v0, v59  }
0x1bc: {  	v63 =	vmul.f32 v0, v60;
	[tilespmem:s18+$0xFFFFFFE0] =	vst v1  }
0x1bd: {  	v0 =	vmul.f32 v0, v61;
	[tilespmem:s18+$0xFFFFFFF0] =	vst v62  }
0x1be: {  	[tilespmem:s18+$0x0] =	vst v63  }
0x1bf: {  	s22 =	simm.s32 $0x10;
	s19 =	simm.s32 $0x80;
	[tilespmem:s18+$0x10] =	vst v0  }
.LBB2_10:
0x1c0: {  	p0 =	sne.s32 s19, $0x1FC0;
	v0 =	vld [tilespmem:s22+$0x6C80];
	_ =	sdelay $0x4  }
0x1c1: {  	v0 =	vadd.f32 $1.000000000e+00, v0;
	_ =	sdelay $0x1  }
0x1c2: {  	v1 =	vshrl.u32 v0, $0x1;
	v0 =	vmul.f32 $5.000000000e-01, v0  }
0x1c3: {  	v1 =	vsub.s32 $0x5F3759DF, v1  }
0x1c4: {  	v2 =	vmul.f32 v1, v0;
	_ =	sdelay $0x1  }
0x1c5: {  	v2 =	vmul.f32 v1, v2;
	_ =	sdelay $0x1  }
0x1c6: {  	v2 =	vsub.f32 $1.500000000e+00, v2;
	_ =	sdelay $0x1  }
0x1c7: {  	v1 =	vmul.f32 v1, v2;
	_ =	sdelay $0x1  }
0x1c8: {  	v2 =	vmul.f32 v1, v0;
	_ =	sdelay $0x1  }
0x1c9: {  	v2 =	vmul.f32 v2, v1;
	_ =	sdelay $0x1  }
0x1ca: {  	v2 =	vsub.f32 $1.500000000e+00, v2;
	_ =	sdelay $0x1  }
0x1cb: {  	v1 =	vmul.f32 v2, v1;
	_ =	sdelay $0x1  }
0x1cc: {  	s18 =	sadd.s32 $0x40, s18;
	v0 =	vmul.f32 v1, v0  }
0x1cd: {  	v2 =	vld [tilespmem:s18+$0xFFFFFFF0]  }
0x1ce: {  	v0 =	vmul.f32 v0, v1;
	v3 =	vld [tilespmem:s18+$0x10]  }
0x1cf: {  	v4 =	vld [tilespmem:s18+$0xFFFFFFE0]  }
0x1d0: {  	v0 =	vsub.f32 $1.500000000e+00, v0;
	v5 =	vld [tilespmem:s18+$0x0];
	_ =	sdelay $0x1  }
0x1d1: {  	v0 =	vmul.f32 v0, v1;
	_ =	sdelay $0x1  }
0x1d2: {  	v1 =	vmul.f32 v0, v4;
	v2 =	vmul.f32 v0, v2  }
.Ltmp4:
0x1d3: {  	v4 =	vmul.f32 v0, v5;
	v0 =	vmul.f32 v0, v3;
	(pc) =	sbr.rel @p0 .LBB2_10-.Ltmp4, $4  }
0x1d4: {  	[tilespmem:s18+$0xFFFFFFE0] =	vst v1  }
0x1d5: {  	[tilespmem:s18+$0xFFFFFFF0] =	vst v2  }
0x1d6: {  	[tilespmem:s18+$0x0] =	vst v4  }
0x1d7: {  	s22 =	sshra.s32 s19, $0x2;
	s19 =	sadd.s32 $0x40, s19;
	[tilespmem:s18+$0x10] =	vst v0  }
0x1d8: {  	v0 =	vld [tilespmem:s22+$0x6C80];
	_ =	sdelay $0x4  }
0x1d9: {  	v0 =	vadd.f32 $1.000000000e+00, v0;
	_ =	sdelay $0x1  }
0x1da: {  	v1 =	vshrl.u32 v0, $0x1;
	v0 =	vmul.f32 $5.000000000e-01, v0  }
0x1db: {  	v1 =	vsub.s32 $0x5F3759DF, v1  }
0x1dc: {  	v2 =	vmul.f32 v1, v0;
	_ =	sdelay $0x1  }
0x1dd: {  	v2 =	vmul.f32 v1, v2;
	_ =	sdelay $0x1  }
0x1de: {  	v2 =	vsub.f32 $1.500000000e+00, v2;
	_ =	sdelay $0x1  }
0x1df: {  	v1 =	vmul.f32 v1, v2;
	_ =	sdelay $0x1  }
0x1e0: {  	v2 =	vmul.f32 v1, v0;
	_ =	sdelay $0x1  }
0x1e1: {  	v2 =	vmul.f32 v2, v1;
	_ =	sdelay $0x1  }
0x1e2: {  	v2 =	vsub.f32 $1.500000000e+00, v2;
	_ =	sdelay $0x1  }
0x1e3: {  	v1 =	vmul.f32 v2, v1;
	_ =	sdelay $0x1  }
0x1e4: {  	v0 =	vmul.f32 v1, v0;
	_ =	sdelay $0x1  }
0x1e5: {  	s18 =	sadd.s32 $0x40, s18;
	v0 =	vmul.f32 v0, v1  }
0x1e6: {  	v52 =	vld [tilespmem:s18+$0xFFFFFFE0]  }
0x1e7: {  	v3 =	vld [tilespmem:s18+$0xFFFFFFF0];
	v0 =	vsub.f32 $1.500000000e+00, v0  }
0x1e8: {  	v4 =	vld [tilespmem:s18+$0x0]  }
0x1e9: {  	v5 =	vld [tilespmem:s18+$0x10];
	v0 =	vmul.f32 v0, v1;
	_ =	sdelay $0x1  }
0x1ea: {  	v1 =	vmul.f32 v0, v52  }
0x1eb: {  	v53 =	vmul.f32 v0, v3  }
0x1ec: {  	v54 =	vmul.f32 v0, v4;
	[tilespmem:s18+$0xFFFFFFE0] =	vst v1  }
0x1ed: {  	s29 =	sld [smem:$0x7F2];
	v0 =	vmul.f32 v0, v5;
	[tilespmem:s18+$0xFFFFFFF0] =	vst v53  }
0x1ee: {  	[tilespmem:s18+$0x0] =	vst v54  }
0x1ef: {  	[smem:$0x7EE] =	sst s0;
	[tilespmem:s18+$0x10] =	vst v0  }
0x1f0: {  	[spmem:s29] =	stream.linear.scatter [tilespmem:s26], [sflag:$0xD], $0x2000, $0x38;
	[tilespmem:$0x1DC80] =	vst v63  }
0x1f1: {  	_ =	swait.ge [sflag:s28], $0x2000  }
0x1f2: {  	s0 =	sld [smem:$0x7F3]  }
0x1f3: {  	[sflag:s28] =	ssyncset.done $0x0  }
0x1f4: {  	[sflag:s28] =	ssyncadd.s32 $0xFFFFE000  }
0x1f5: {  	[spmem:s0] =	stream.linear.scatter [tilespmem:s26], [sflag:$0xD], $0x2000, $0x38;
	[tilespmem:$0x1DC80] =	vst v63  }
0x1f6: {  	_ =	swait.ge [sflag:s28], $0x2000  }
0x1f7: {  	s2 =	sld [smem:$0x7F4]  }
0x1f8: {  	[sflag:s28] =	ssyncset.done $0x0  }
0x1f9: {  	s19 =	simm.s32 $0x6C80;
	[sflag:s28] =	ssyncadd.s32 $0xFFFFE000  }
0x1fa: {  	[tilespmem:s19], [sflag:$0xD] =	stream.linear.gather [spmem:s2], $0x800, $0x38;
	[tilespmem:$0x1DC80] =	vst v63  }
0x1fb: {  	_ =	swait.ge [sflag:s28], $0x800  }
0x1fc: {  	[sflag:s28] =	ssyncset.done $0x0  }
0x1fd: {  	s22 =	simm.s32 $0x40;
	s19 =	rddreg [dreg:$0xb];
	[sflag:s28] =	ssyncadd.s32 $0xFFFFF800  }
0x1fe: {  	[tilespmem:s26], [sflag:$0xD] =	stream.strided.gather [hbm4b:s19+s22], $0x2000, s15, s22, $0x38;
	[tilespmem:$0x1DC80] =	vst v63  }
0x1ff: {  	_ =	swait.ge [sflag:s28], $0x2000  }
0x200: {  	[sflag:s28] =	ssyncset.done $0x0  }
0x201: {  	s29 =	simm.s32 $0x0;
	[sflag:s28] =	ssyncadd.s32 $0xFFFFE000  }
0x202: {  	v55 =	vld [tilespmem:s29+$0x6C80];
	_ =	sdelay $0x4  }
0x203: {  	v0 =	vadd.f32 $1.000000000e+00, v55;
	_ =	sdelay $0x1  }
0x204: {  	v56 =	vshrl.u32 v0, $0x1;
	v0 =	vmul.f32 $5.000000000e-01, v0  }
0x205: {  	v1 =	vsub.s32 $0x5F3759DF, v56  }
0x206: {  	v57 =	vmul.f32 v1, v0;
	_ =	sdelay $0x1  }
0x207: {  	v2 =	vmul.f32 v1, v57;
	_ =	sdelay $0x1  }
0x208: {  	v2 =	vsub.f32 $1.500000000e+00, v2;
	_ =	sdelay $0x1  }
0x209: {  	v1 =	vmul.f32 v1, v2;
	_ =	sdelay $0x1  }
0x20a: {  	v2 =	vmul.f32 v1, v0;
	_ =	sdelay $0x1  }
0x20b: {  	v2 =	vmul.f32 v2, v1;
	_ =	sdelay $0x1  }
0x20c: {  	v2 =	vsub.f32 $1.500000000e+00, v2;
	_ =	sdelay $0x1  }
0x20d: {  	v1 =	vmul.f32 v2, v1;
	_ =	sdelay $0x1  }
0x20e: {  	v0 =	vmul.f32 v1, v0;
	_ =	sdelay $0x1  }
0x20f: {  	s18 =	simm.s32 $0x4A0;
	v0 =	vmul.f32 v0, v1  }
0x210: {  	v58 =	vld [tilespmem:s18+$0xFFFFFFE0]  }
0x211: {  	v59 =	vld [tilespmem:s18+$0xFFFFFFF0];
	v0 =	vsub.f32 $1.500000000e+00, v0  }
0x212: {  	v60 =	vld [tilespmem:s18+$0x0]  }
0x213: {  	v61 =	vld [tilespmem:s18+$0x10];
	v0 =	vmul.f32 v0, v1;
	_ =	sdelay $0x1  }
0x214: {  	v1 =	vmul.f32 v0, v58  }
0x215: {  	v62 =	vmul.f32 v0, v59  }
0x216: {  	v63 =	vmul.f32 v0, v60;
	[tilespmem:s18+$0xFFFFFFE0] =	vst v1  }
0x217: {  	v0 =	vmul.f32 v0, v61;
	[tilespmem:s18+$0xFFFFFFF0] =	vst v62  }
0x218: {  	[tilespmem:s18+$0x0] =	vst v63  }
0x219: {  	s22 =	simm.s32 $0x10;
	s19 =	simm.s32 $0x80;
	[tilespmem:s18+$0x10] =	vst v0  }
.LBB2_12:
0x21a: {  	p0 =	sne.s32 s19, $0x1FC0;
	v0 =	vld [tilespmem:s22+$0x6C80];
	_ =	sdelay $0x4  }
0x21b: {  	v0 =	vadd.f32 $1.000000000e+00, v0;
	_ =	sdelay $0x1  }
0x21c: {  	v1 =	vshrl.u32 v0, $0x1;
	v0 =	vmul.f32 $5.000000000e-01, v0  }
0x21d: {  	v1 =	vsub.s32 $0x5F3759DF, v1  }
0x21e: {  	v2 =	vmul.f32 v1, v0;
	_ =	sdelay $0x1  }
0x21f: {  	v2 =	vmul.f32 v1, v2;
	_ =	sdelay $0x1  }
0x220: {  	v2 =	vsub.f32 $1.500000000e+00, v2;
	_ =	sdelay $0x1  }
0x221: {  	v1 =	vmul.f32 v1, v2;
	_ =	sdelay $0x1  }
0x222: {  	v2 =	vmul.f32 v1, v0;
	_ =	sdelay $0x1  }
0x223: {  	v2 =	vmul.f32 v2, v1;
	_ =	sdelay $0x1  }
0x224: {  	v2 =	vsub.f32 $1.500000000e+00, v2;
	_ =	sdelay $0x1  }
0x225: {  	v1 =	vmul.f32 v2, v1;
	_ =	sdelay $0x1  }
0x226: {  	s18 =	sadd.s32 $0x40, s18;
	v0 =	vmul.f32 v1, v0  }
0x227: {  	v2 =	vld [tilespmem:s18+$0xFFFFFFF0]  }
0x228: {  	v0 =	vmul.f32 v0, v1;
	v3 =	vld [tilespmem:s18+$0x10]  }
0x229: {  	v4 =	vld [tilespmem:s18+$0xFFFFFFE0]  }
0x22a: {  	v0 =	vsub.f32 $1.500000000e+00, v0;
	v5 =	vld [tilespmem:s18+$0x0];
	_ =	sdelay $0x1  }
0x22b: {  	v0 =	vmul.f32 v0, v1;
	_ =	sdelay $0x1  }
0x22c: {  	v1 =	vmul.f32 v0, v4;
	v2 =	vmul.f32 v0, v2  }
.Ltmp5:
0x22d: {  	v4 =	vmul.f32 v0, v5;
	v0 =	vmul.f32 v0, v3;
	(pc) =	sbr.rel @p0 .LBB2_12-.Ltmp5, $4  }
0x22e: {  	[tilespmem:s18+$0xFFFFFFE0] =	vst v1  }
0x22f: {  	[tilespmem:s18+$0xFFFFFFF0] =	vst v2  }
0x230: {  	[tilespmem:s18+$0x0] =	vst v4  }
0x231: {  	s22 =	sshra.s32 s19, $0x2;
	s19 =	sadd.s32 $0x40, s19;
	[tilespmem:s18+$0x10] =	vst v0  }
0x232: {  	v0 =	vld [tilespmem:s22+$0x6C80];
	_ =	sdelay $0x4  }
0x233: {  	v0 =	vadd.f32 $1.000000000e+00, v0;
	_ =	sdelay $0x1  }
0x234: {  	v1 =	vshrl.u32 v0, $0x1;
	v0 =	vmul.f32 $5.000000000e-01, v0  }
0x235: {  	v1 =	vsub.s32 $0x5F3759DF, v1  }
0x236: {  	v2 =	vmul.f32 v1, v0;
	_ =	sdelay $0x1  }
0x237: {  	v2 =	vmul.f32 v1, v2;
	_ =	sdelay $0x1  }
0x238: {  	v2 =	vsub.f32 $1.500000000e+00, v2;
	_ =	sdelay $0x1  }
0x239: {  	v1 =	vmul.f32 v1, v2;
	_ =	sdelay $0x1  }
0x23a: {  	v2 =	vmul.f32 v1, v0;
	_ =	sdelay $0x1  }
0x23b: {  	v2 =	vmul.f32 v2, v1;
	_ =	sdelay $0x1  }
0x23c: {  	v2 =	vsub.f32 $1.500000000e+00, v2;
	_ =	sdelay $0x1  }
0x23d: {  	v1 =	vmul.f32 v2, v1;
	_ =	sdelay $0x1  }
0x23e: {  	v0 =	vmul.f32 v1, v0;
	_ =	sdelay $0x1  }
0x23f: {  	s18 =	sadd.s32 $0x40, s18;
	v0 =	vmul.f32 v0, v1  }
0x240: {  	v61 =	vld [tilespmem:s18+$0xFFFFFFE0]  }
0x241: {  	v3 =	vld [tilespmem:s18+$0xFFFFFFF0];
	v0 =	vsub.f32 $1.500000000e+00, v0  }
0x242: {  	v4 =	vld [tilespmem:s18+$0x0]  }
0x243: {  	v5 =	vld [tilespmem:s18+$0x10];
	v0 =	vmul.f32 v0, v1;
	_ =	sdelay $0x1  }
0x244: {  	v1 =	vmul.f32 v0, v61  }
0x245: {  	v62 =	vmul.f32 v0, v3  }
0x246: {  	v63 =	vmul.f32 v0, v4;
	[tilespmem:s18+$0xFFFFFFE0] =	vst v1  }
0x247: {  	s22 =	sld [smem:$0x7F5];
	v0 =	vmul.f32 v0, v5;
	[tilespmem:s18+$0xFFFFFFF0] =	vst v62  }
0x248: {  	[tilespmem:s18+$0x0] =	vst v63  }
0x249: {  	[tilespmem:s18+$0x10] =	vst v0  }
0x24a: {  	[spmem:s22] =	stream.linear.scatter [tilespmem:s26], [sflag:$0xD], $0x2000, $0x38;
	[tilespmem:$0x1DC80] =	vst v63  }
0x24b: {  	_ =	swait.ge [sflag:s28], $0x2000  }
0x24c: {  	s0 =	sld [smem:$0x7F6]  }
0x24d: {  	[sflag:s28] =	ssyncset.done $0x0  }
0x24e: {  	[sflag:s28] =	ssyncadd.s32 $0xFFFFE000  }
0x24f: {  	[spmem:s0] =	stream.linear.scatter [tilespmem:s26], [sflag:$0xD], $0x2000, $0x38;
	[tilespmem:$0x1DC80] =	vst v63  }
0x250: {  	_ =	swait.ge [sflag:s28], $0x2000  }
0x251: {  	[sflag:s28] =	ssyncset.done $0x0  }
0x252: {  	[sflag:s28] =	ssyncadd.s32 $0xFFFFE000  }
0x253: {  	[bflag:$0x0] =	sbarrier.arrive $0xFFFF  }
0x254: {  	s19 =	rddreg [dreg:$0x12]  }
0x255: {  	s18 =	simm.s32 $0x0;
	s2 =	sld [smem:$0x7F8]  }
0x256: {  	[tilespmem:s18], [sflag:$0x1] =	stream.linear.gather [hbm4b:s19+s18], $0x80, $0x38;
	[tilespmem:$0x1DC80] =	vst v63  }
0x257: {  	s29 =	simm.s32 $0x180  }
0x258: {  	[tilespmem:s29], [sflag:$0x4] =	stream.linear.gather [hbm4b:s2+s18], $0x80, $0x38;
	[tilespmem:$0x1DC80] =	vst v63  }
0x259: {  	s22 =	rddreg [dreg:$0x14]  }
0x25a: {  	[tilespmem:s1], [sflag:$0x7] =	stream.linear.gather [hbm4b:s21+s18], $0x80, $0x38;
	[tilespmem:$0x1DC80] =	vst v63  }
0x25b: {  	s0 =	sld [smem:$0x7F9]  }
0x25c: {  	[tilespmem:s15], [sflag:$0x2] =	stream.linear.gather [hbm4b:s22+s18], $0x80, $0x38;
	[tilespmem:$0x1DC80] =	vst v63  }
0x25d: {  	s2 =	simm.s32 $0x200;
	s21 =	rddreg [dreg:$0x13]  }
0x25e: {  	[tilespmem:s2], [sflag:$0x5] =	stream.linear.gather [hbm4b:s0+s18], $0x80, $0x38;
	[tilespmem:$0x1DC80] =	vst v63  }
0x25f: {  	s22 =	rddreg [dreg:$0x16]  }
0x260: {  	[tilespmem:s9], [sflag:$0x8] =	stream.linear.gather [hbm4b:s21+s18], $0x80, $0x38;
	[tilespmem:$0x1DC80] =	vst v63  }
0x261: {  	s0 =	sld [smem:$0x7FA]  }
0x262: {  	[tilespmem:s31], [sflag:$0x3] =	stream.linear.gather [hbm4b:s22+s18], $0x80, $0x38;
	[tilespmem:$0x1DC80] =	vst v63  }
0x263: {  	_ = 	snop  }
0x264: {  	[tilespmem:s30], [sflag:$0x6] =	stream.linear.gather [hbm4b:s0+s18], $0x80, $0x38;
	[tilespmem:$0x1DC80] =	vst v63  }
0x265: {  	s21 =	rddreg [dreg:$0x15];
	s0 =	simm.s32 $0x1  }
0x266: {  	[tilespmem:s12], [sflag:$0x9] =	stream.linear.gather [hbm4b:s21+s18], $0x80, $0x38;
	[tilespmem:$0x1DC80] =	vst v63  }
0x267: {  	_ =	swait.ge [sflag:s0], $0x80  }
0x268: {  	[sflag:s0] =	ssyncset.done $0x0  }
0x269: {  	[sflag:s0] =	ssyncadd.s32 $0xFFFFFF80  }
0x26a: {  	[tilespmem:s26], [sflag:$0xA] =	stream.indirect.gather [spmem:s3], $0x40, s18, s15, $0xb8;
	[tilespmem:$0x1DC80] =	vst v63  }
0x26b: {  	_ =	swait.ge [sflag:s7], $0x80  }
0x26c: {  	[sflag:s7] =	ssyncset.done $0x0  }
0x26d: {  	s21 =	simm.s32 $0x3;
	[sflag:s7] =	ssyncadd.s32 $0xFFFFFF80  }
0x26e: {  	[tilespmem:s5], [sflag:$0xB] =	stream.indirect.gather [spmem:s3], $0x40, s15, s15, $0xb8;
	[tilespmem:$0x1DC80] =	vst v63  }
0x26f: {  	_ =	swait.ge [sflag:s21], $0x80  }
0x270: {  	[sflag:s21] =	ssyncset.done $0x0  }
0x271: {  	[sflag:s21] =	ssyncadd.s32 $0xFFFFFF80  }
0x272: {  	[tilespmem:s8], [sflag:$0xC] =	stream.indirect.gather [spmem:s3], $0x40, s31, s15, $0xb8;
	[tilespmem:$0x1DC80] =	vst v63  }
0x273: {  	_ =	swait.ge [sflag:s14], $0x80  }
0x274: {  	[sflag:s14] =	ssyncset.done $0x0  }
0x275: {  	[sflag:s14] =	ssyncadd.s32 $0xFFFFFF80  }
0x276: {  	_ =	swait.ge [sflag:s10], $0x2000  }
0x277: {  	[sflag:s10] =	ssyncset.done $0x0  }
0x278: {  	[sflag:s10] =	ssyncadd.s32 $0xFFFFE000  }
0x279: {  	[spmem:s4] =	stream.indirect.scatter.add.f32 [tilespmem:s26], [sflag:$0xD], $0x40, s1, s15, $0xb8;
	[tilespmem:$0x1DC80] =	vst v63  }
0x27a: {  	_ =	swait.ge [sflag:s28], $0x2000  }
0x27b: {  	s18 =	sadd.s32 $0x0, s23;
	[sflag:s28] =	ssyncset.done $0x0  }
0x27c: {  	s22 =	sadd.s32 $0x30, s18;
	[sflag:s28] =	ssyncadd.s32 $0xFFFFE000  }
0x27d: {  	[tilespmem:s1], [sflag:$0x7] =	stream.linear.gather [hbm4b:s22+s6], $0x80, $0x38;
	[tilespmem:$0x1DC80] =	vst v63  }
0x27e: {  	_ =	swait.ge [sflag:s11], $0x80  }
0x27f: {  	[sflag:s11] =	ssyncset.done $0x0;
	s22 =	rddreg [dreg:$0x6]  }
0x280: {  	[sflag:s11] =	ssyncadd.s32 $0xFFFFFF80;
	s19 =	sadd.s32 $0x0, s22  }
0x281: {  	[tilespmem:s26], [sflag:$0xA] =	stream.indirect.gather [spmem:s3], $0x40, s29, s15, $0xb8;
	[tilespmem:$0x1DC80] =	vst v63  }
0x282: {  	s22 =	sadd.s32 $0x60, s19  }
0x283: {  	[tilespmem:s6], [sflag:$0x1] =	stream.linear.gather [hbm4b:s22+s6], $0x80, $0x38;
	[tilespmem:$0x1DC80] =	vst v63  }
0x284: {  	_ =	swait.ge [sflag:s16], $0x80  }
0x285: {  	[sflag:s16] =	ssyncset.done $0x0  }
0x286: {  	[sflag:s16] =	ssyncadd.s32 $0xFFFFFF80  }
0x287: {  	_ =	swait.ge [sflag:s13], $0x2000  }
0x288: {  	[sflag:s13] =	ssyncset.done $0x0  }
0x289: {  	[sflag:s13] =	ssyncadd.s32 $0xFFFFE000  }
0x28a: {  	[spmem:s4] =	stream.indirect.scatter.add.f32 [tilespmem:s5], [sflag:$0xD], $0x40, s9, s15, $0xb8;
	[tilespmem:$0x1DC80] =	vst v63  }
0x28b: {  	_ =	swait.ge [sflag:s28], $0x2000  }
0x28c: {  	[sflag:s28] =	ssyncset.done $0x0  }
0x28d: {  	s22 =	sadd.s32 $0x40, s18;
	[sflag:s28] =	ssyncadd.s32 $0xFFFFE000  }
0x28e: {  	[tilespmem:s9], [sflag:$0x8] =	stream.linear.gather [hbm4b:s22+s6], $0x80, $0x38;
	[tilespmem:$0x1DC80] =	vst v63  }
0x28f: {  	_ =	swait.ge [sflag:s17], $0x80  }
0x290: {  	[sflag:s17] =	ssyncset.done $0x0  }
0x291: {  	[sflag:s17] =	ssyncadd.s32 $0xFFFFFF80  }
0x292: {  	[tilespmem:s5], [sflag:$0xB] =	stream.indirect.gather [spmem:s3], $0x40, s2, s15, $0xb8;
	[tilespmem:$0x1DC80] =	vst v63  }
0x293: {  	s22 =	sadd.s32 $0x70, s19  }
0x294: {  	[tilespmem:s15], [sflag:$0x2] =	stream.linear.gather [hbm4b:s22+s6], $0x80, $0x38;
	[tilespmem:$0x1DC80] =	vst v63  }
0x295: {  	_ =	swait.ge [sflag:s20], $0x80  }
0x296: {  	[sflag:s20] =	ssyncset.done $0x0  }
0x297: {  	[sflag:s20] =	ssyncadd.s32 $0xFFFFFF80  }
0x298: {  	_ =	swait.ge [sflag:s24], $0x2000  }
0x299: {  	[sflag:s24] =	ssyncset.done $0x0  }
0x29a: {  	[sflag:s24] =	ssyncadd.s32 $0xFFFFE000  }
0x29b: {  	[spmem:s4] =	stream.indirect.scatter.add.f32 [tilespmem:s8], [sflag:$0xD], $0x40, s12, s15, $0xb8;
	[tilespmem:$0x1DC80] =	vst v63  }
0x29c: {  	_ =	swait.ge [sflag:s28], $0x2000  }
0x29d: {  	[sflag:s28] =	ssyncset.done $0x0  }
0x29e: {  	s22 =	sadd.s32 $0x50, s18;
	[sflag:s28] =	ssyncadd.s32 $0xFFFFE000  }
0x29f: {  	[tilespmem:s12], [sflag:$0x9] =	stream.linear.gather [hbm4b:s22+s6], $0x80, $0x38;
	[tilespmem:$0x1DC80] =	vst v63  }
0x2a0: {  	_ =	swait.ge [sflag:s25], $0x80  }
0x2a1: {  	[sflag:s25] =	ssyncset.done $0x0  }
0x2a2: {  	[sflag:s25] =	ssyncadd.s32 $0xFFFFFF80  }
0x2a3: {  	[tilespmem:s8], [sflag:$0xC] =	stream.indirect.gather [spmem:s3], $0x40, s30, s15, $0xb8;
	[tilespmem:$0x1DC80] =	vst v63  }
0x2a4: {  	s22 =	sadd.s32 $0x80, s19  }
0x2a5: {  	[tilespmem:s31], [sflag:$0x3] =	stream.linear.gather [hbm4b:s22+s6], $0x80, $0x38;
	[tilespmem:$0x1DC80] =	vst v63  }
0x2a6: {  	_ =	swait.ge [sflag:s14], $0x80  }
0x2a7: {  	[sflag:s14] =	ssyncset.done $0x0  }
0x2a8: {  	[sflag:s14] =	ssyncadd.s32 $0xFFFFFF80  }
0x2a9: {  	_ =	swait.ge [sflag:s10], $0x2000  }
0x2aa: {  	[sflag:s10] =	ssyncset.done $0x0  }
0x2ab: {  	[sflag:s10] =	ssyncadd.s32 $0xFFFFE000  }
0x2ac: {  	[spmem:s4] =	stream.indirect.scatter.add.f32 [tilespmem:s26], [sflag:$0xD], $0x40, s1, s15, $0xb8;
	[tilespmem:$0x1DC80] =	vst v63  }
0x2ad: {  	_ =	swait.ge [sflag:s28], $0x2000  }
0x2ae: {  	[sflag:s28] =	ssyncset.done $0x0  }
0x2af: {  	s22 =	sadd.s32 $0x60, s18;
	[sflag:s28] =	ssyncadd.s32 $0xFFFFE000  }
0x2b0: {  	[tilespmem:s1], [sflag:$0x7] =	stream.linear.gather [hbm4b:s22+s6], $0x80, $0x38;
	[tilespmem:$0x1DC80] =	vst v63  }
0x2b1: {  	_ =	swait.ge [sflag:s0], $0x80  }
0x2b2: {  	[sflag:s0] =	ssyncset.done $0x0  }
0x2b3: {  	[sflag:s0] =	ssyncadd.s32 $0xFFFFFF80  }
0x2b4: {  	[tilespmem:s26], [sflag:$0xA] =	stream.indirect.gather [spmem:s3], $0x40, s6, s15, $0xb8;
	[tilespmem:$0x1DC80] =	vst v63  }
0x2b5: {  	s22 =	sadd.s32 $0x90, s19  }
0x2b6: {  	[tilespmem:s29], [sflag:$0x4] =	stream.linear.gather [hbm4b:s22+s6], $0x80, $0x38;
	[tilespmem:$0x1DC80] =	vst v63  }
0x2b7: {  	_ =	swait.ge [sflag:s16], $0x80  }
0x2b8: {  	[sflag:s16] =	ssyncset.done $0x0  }
0x2b9: {  	[sflag:s16] =	ssyncadd.s32 $0xFFFFFF80  }
0x2ba: {  	_ =	swait.ge [sflag:s13], $0x2000  }
0x2bb: {  	[sflag:s13] =	ssyncset.done $0x0  }
0x2bc: {  	[sflag:s13] =	ssyncadd.s32 $0xFFFFE000  }
0x2bd: {  	[spmem:s4] =	stream.indirect.scatter.add.f32 [tilespmem:s5], [sflag:$0xD], $0x40, s9, s15, $0xb8;
	[tilespmem:$0x1DC80] =	vst v63  }
0x2be: {  	_ =	swait.ge [sflag:s28], $0x2000  }
0x2bf: {  	[sflag:s28] =	ssyncset.done $0x0  }
0x2c0: {  	s22 =	sadd.s32 $0x70, s18;
	[sflag:s28] =	ssyncadd.s32 $0xFFFFE000  }
0x2c1: {  	[tilespmem:s9], [sflag:$0x8] =	stream.linear.gather [hbm4b:s22+s6], $0x80, $0x38;
	[tilespmem:$0x1DC80] =	vst v63  }
0x2c2: {  	_ =	swait.ge [sflag:s7], $0x80  }
0x2c3: {  	[sflag:s7] =	ssyncset.done $0x0  }
0x2c4: {  	[sflag:s7] =	ssyncadd.s32 $0xFFFFFF80  }
0x2c5: {  	[tilespmem:s5], [sflag:$0xB] =	stream.indirect.gather [spmem:s3], $0x40, s15, s15, $0xb8;
	[tilespmem:$0x1DC80] =	vst v63  }
0x2c6: {  	s22 =	sadd.s32 $0xA0, s19  }
0x2c7: {  	[tilespmem:s2], [sflag:$0x5] =	stream.linear.gather [hbm4b:s22+s6], $0x80, $0x38;
	[tilespmem:$0x1DC80] =	vst v63  }
0x2c8: {  	_ =	swait.ge [sflag:s20], $0x80  }
0x2c9: {  	[sflag:s20] =	ssyncset.done $0x0  }
0x2ca: {  	[sflag:s20] =	ssyncadd.s32 $0xFFFFFF80  }
0x2cb: {  	_ =	swait.ge [sflag:s24], $0x2000  }
0x2cc: {  	[sflag:s24] =	ssyncset.done $0x0  }
0x2cd: {  	[sflag:s24] =	ssyncadd.s32 $0xFFFFE000  }
0x2ce: {  	[spmem:s4] =	stream.indirect.scatter.add.f32 [tilespmem:s8], [sflag:$0xD], $0x40, s12, s15, $0xb8;
	[tilespmem:$0x1DC80] =	vst v63  }
0x2cf: {  	_ =	swait.ge [sflag:s28], $0x2000  }
0x2d0: {  	[sflag:s28] =	ssyncset.done $0x0  }
0x2d1: {  	s18 =	sadd.s32 $0x80, s18;
	[sflag:s28] =	ssyncadd.s32 $0xFFFFE000  }
0x2d2: {  	[tilespmem:s12], [sflag:$0x9] =	stream.linear.gather [hbm4b:s18+s6], $0x80, $0x38;
	[tilespmem:$0x1DC80] =	vst v63  }
0x2d3: {  	_ =	swait.ge [sflag:s21], $0x80  }
0x2d4: {  	[sflag:s21] =	ssyncset.done $0x0  }
0x2d5: {  	s22 =	simm.s32 $0x60;
	s18 =	sadd.s32 $0xB0, s19;
	[sflag:s21] =	ssyncadd.s32 $0xFFFFFF80  }
0x2d6: {  	[tilespmem:s8], [sflag:$0xC] =	stream.indirect.gather [spmem:s3], $0x40, s31, s15, $0xb8;
	[tilespmem:$0x1DC80] =	vst v63  }
.LBB2_14:
0x2d7: {  	[tilespmem:s30], [sflag:$0x6] =	stream.linear.gather [hbm4b:s18+s6], $0x80, $0x38;
	[tilespmem:$0x1DC80] =	vst v63  }
0x2d8: {  	_ =	swait.ge [sflag:s14], $0x80  }
0x2d9: {  	[sflag:s14] =	ssyncset.done $0x0  }
0x2da: {  	[sflag:s14] =	ssyncadd.s32 $0xFFFFFF80  }
0x2db: {  	_ =	swait.ge [sflag:s10], $0x2000  }
0x2dc: {  	[sflag:s10] =	ssyncset.done $0x0  }
0x2dd: {  	[sflag:s10] =	ssyncadd.s32 $0xFFFFE000  }
0x2de: {  	[spmem:s4] =	stream.indirect.scatter.add.f32 [tilespmem:s26], [sflag:$0xD], $0x40, s1, s15, $0xb8;
	[tilespmem:$0x1DC80] =	vst v63  }
0x2df: {  	s19 =	smov.u32 s22;
	_ =	swait.ge [sflag:s28], $0x2000  }
0x2e0: {  	s18 =	sadd.s32 s19, s23;
	[sflag:s28] =	ssyncset.done $0x0  }
0x2e1: {  	s21 =	sadd.s32 $0x30, s18;
	[sflag:s28] =	ssyncadd.s32 $0xFFFFE000  }
0x2e2: {  	[tilespmem:s1], [sflag:$0x7] =	stream.linear.gather [hbm4b:s21+s6], $0x80, $0x38;
	[tilespmem:$0x1DC80] =	vst v63  }
0x2e3: {  	_ =	swait.ge [sflag:s11], $0x80  }
0x2e4: {  	[sflag:s11] =	ssyncset.done $0x0;
	s21 =	rddreg [dreg:$0x6]  }
0x2e5: {  	[sflag:s11] =	ssyncadd.s32 $0xFFFFFF80;
	s19 =	sadd.s32 s19, s21  }
0x2e6: {  	[tilespmem:s26], [sflag:$0xA] =	stream.indirect.gather [spmem:s3], $0x40, s29, s15, $0xb8;
	[tilespmem:$0x1DC80] =	vst v63  }
0x2e7: {  	s21 =	sadd.s32 $0x60, s19  }
0x2e8: {  	[tilespmem:s6], [sflag:$0x1] =	stream.linear.gather [hbm4b:s21+s6], $0x80, $0x38;
	[tilespmem:$0x1DC80] =	vst v63  }
0x2e9: {  	_ =	swait.ge [sflag:s16], $0x80  }
0x2ea: {  	[sflag:s16] =	ssyncset.done $0x0  }
0x2eb: {  	[sflag:s16] =	ssyncadd.s32 $0xFFFFFF80  }
0x2ec: {  	_ =	swait.ge [sflag:s13], $0x2000  }
0x2ed: {  	[sflag:s13] =	ssyncset.done $0x0  }
0x2ee: {  	[sflag:s13] =	ssyncadd.s32 $0xFFFFE000  }
0x2ef: {  	[spmem:s4] =	stream.indirect.scatter.add.f32 [tilespmem:s5], [sflag:$0xD], $0x40, s9, s15, $0xb8;
	[tilespmem:$0x1DC80] =	vst v63  }
0x2f0: {  	_ =	swait.ge [sflag:s28], $0x2000  }
0x2f1: {  	[sflag:s28] =	ssyncset.done $0x0  }
0x2f2: {  	s21 =	sadd.s32 $0x40, s18;
	[sflag:s28] =	ssyncadd.s32 $0xFFFFE000  }
0x2f3: {  	[tilespmem:s9], [sflag:$0x8] =	stream.linear.gather [hbm4b:s21+s6], $0x80, $0x38;
	[tilespmem:$0x1DC80] =	vst v63  }
0x2f4: {  	_ =	swait.ge [sflag:s17], $0x80  }
0x2f5: {  	[sflag:s17] =	ssyncset.done $0x0  }
0x2f6: {  	[sflag:s17] =	ssyncadd.s32 $0xFFFFFF80  }
0x2f7: {  	[tilespmem:s5], [sflag:$0xB] =	stream.indirect.gather [spmem:s3], $0x40, s2, s15, $0xb8;
	[tilespmem:$0x1DC80] =	vst v63  }
0x2f8: {  	s21 =	sadd.s32 $0x70, s19  }
0x2f9: {  	[tilespmem:s15], [sflag:$0x2] =	stream.linear.gather [hbm4b:s21+s6], $0x80, $0x38;
	[tilespmem:$0x1DC80] =	vst v63  }
0x2fa: {  	_ =	swait.ge [sflag:s20], $0x80  }
0x2fb: {  	[sflag:s20] =	ssyncset.done $0x0  }
0x2fc: {  	[sflag:s20] =	ssyncadd.s32 $0xFFFFFF80  }
0x2fd: {  	_ =	swait.ge [sflag:s24], $0x2000  }
0x2fe: {  	[sflag:s24] =	ssyncset.done $0x0  }
0x2ff: {  	[sflag:s24] =	ssyncadd.s32 $0xFFFFE000  }
0x300: {  	[spmem:s4] =	stream.indirect.scatter.add.f32 [tilespmem:s8], [sflag:$0xD], $0x40, s12, s15, $0xb8;
	[tilespmem:$0x1DC80] =	vst v63  }
0x301: {  	_ =	swait.ge [sflag:s28], $0x2000  }
0x302: {  	[sflag:s28] =	ssyncset.done $0x0  }
0x303: {  	s21 =	sadd.s32 $0x50, s18;
	[sflag:s28] =	ssyncadd.s32 $0xFFFFE000  }
0x304: {  	[tilespmem:s12], [sflag:$0x9] =	stream.linear.gather [hbm4b:s21+s6], $0x80, $0x38;
	[tilespmem:$0x1DC80] =	vst v63  }
0x305: {  	_ =	swait.ge [sflag:s25], $0x80  }
0x306: {  	[sflag:s25] =	ssyncset.done $0x0  }
0x307: {  	[sflag:s25] =	ssyncadd.s32 $0xFFFFFF80  }
0x308: {  	[tilespmem:s8], [sflag:$0xC] =	stream.indirect.gather [spmem:s3], $0x40, s30, s15, $0xb8;
	[tilespmem:$0x1DC80] =	vst v63  }
0x309: {  	s21 =	sadd.s32 $0x80, s19  }
0x30a: {  	[tilespmem:s31], [sflag:$0x3] =	stream.linear.gather [hbm4b:s21+s6], $0x80, $0x38;
	[tilespmem:$0x1DC80] =	vst v63  }
0x30b: {  	_ =	swait.ge [sflag:s14], $0x80  }
0x30c: {  	[sflag:s14] =	ssyncset.done $0x0  }
0x30d: {  	[sflag:s14] =	ssyncadd.s32 $0xFFFFFF80  }
0x30e: {  	_ =	swait.ge [sflag:s10], $0x2000  }
0x30f: {  	[sflag:s10] =	ssyncset.done $0x0  }
0x310: {  	[sflag:s10] =	ssyncadd.s32 $0xFFFFE000  }
0x311: {  	[spmem:s4] =	stream.indirect.scatter.add.f32 [tilespmem:s26], [sflag:$0xD], $0x40, s1, s15, $0xb8;
	[tilespmem:$0x1DC80] =	vst v63  }
0x312: {  	_ =	swait.ge [sflag:s28], $0x2000  }
0x313: {  	[sflag:s28] =	ssyncset.done $0x0  }
0x314: {  	s21 =	sadd.s32 $0x60, s18;
	[sflag:s28] =	ssyncadd.s32 $0xFFFFE000  }
0x315: {  	[tilespmem:s1], [sflag:$0x7] =	stream.linear.gather [hbm4b:s21+s6], $0x80, $0x38;
	[tilespmem:$0x1DC80] =	vst v63  }
0x316: {  	_ =	swait.ge [sflag:s0], $0x80  }
0x317: {  	[sflag:s0] =	ssyncset.done $0x0  }
0x318: {  	[sflag:s0] =	ssyncadd.s32 $0xFFFFFF80  }
0x319: {  	[tilespmem:s26], [sflag:$0xA] =	stream.indirect.gather [spmem:s3], $0x40, s6, s15, $0xb8;
	[tilespmem:$0x1DC80] =	vst v63  }
0x31a: {  	s21 =	sadd.s32 $0x90, s19  }
0x31b: {  	[tilespmem:s29], [sflag:$0x4] =	stream.linear.gather [hbm4b:s21+s6], $0x80, $0x38;
	[tilespmem:$0x1DC80] =	vst v63  }
0x31c: {  	_ =	swait.ge [sflag:s16], $0x80  }
0x31d: {  	[sflag:s16] =	ssyncset.done $0x0  }
0x31e: {  	[sflag:s16] =	ssyncadd.s32 $0xFFFFFF80  }
0x31f: {  	_ =	swait.ge [sflag:s13], $0x2000  }
0x320: {  	[sflag:s13] =	ssyncset.done $0x0  }
0x321: {  	[sflag:s13] =	ssyncadd.s32 $0xFFFFE000  }
0x322: {  	[spmem:s4] =	stream.indirect.scatter.add.f32 [tilespmem:s5], [sflag:$0xD], $0x40, s9, s15, $0xb8;
	[tilespmem:$0x1DC80] =	vst v63  }
0x323: {  	_ =	swait.ge [sflag:s28], $0x2000  }
0x324: {  	[sflag:s28] =	ssyncset.done $0x0  }
0x325: {  	s21 =	sadd.s32 $0x70, s18;
	[sflag:s28] =	ssyncadd.s32 $0xFFFFE000  }
0x326: {  	[tilespmem:s9], [sflag:$0x8] =	stream.linear.gather [hbm4b:s21+s6], $0x80, $0x38;
	[tilespmem:$0x1DC80] =	vst v63  }
0x327: {  	_ =	swait.ge [sflag:s7], $0x80  }
0x328: {  	[sflag:s7] =	ssyncset.done $0x0  }
0x329: {  	[sflag:s7] =	ssyncadd.s32 $0xFFFFFF80  }
0x32a: {  	[tilespmem:s5], [sflag:$0xB] =	stream.indirect.gather [spmem:s3], $0x40, s15, s15, $0xb8;
	[tilespmem:$0x1DC80] =	vst v63  }
0x32b: {  	s21 =	sadd.s32 $0xA0, s19  }
0x32c: {  	[tilespmem:s2], [sflag:$0x5] =	stream.linear.gather [hbm4b:s21+s6], $0x80, $0x38;
	[tilespmem:$0x1DC80] =	vst v63  }
0x32d: {  	_ =	swait.ge [sflag:s20], $0x80  }
0x32e: {  	[sflag:s20] =	ssyncset.done $0x0  }
0x32f: {  	[sflag:s20] =	ssyncadd.s32 $0xFFFFFF80  }
0x330: {  	_ =	swait.ge [sflag:s24], $0x2000  }
0x331: {  	[sflag:s24] =	ssyncset.done $0x0  }
0x332: {  	[sflag:s24] =	ssyncadd.s32 $0xFFFFE000  }
0x333: {  	[spmem:s4] =	stream.indirect.scatter.add.f32 [tilespmem:s8], [sflag:$0xD], $0x40, s12, s15, $0xb8;
	[tilespmem:$0x1DC80] =	vst v63  }
0x334: {  	_ =	swait.ge [sflag:s28], $0x2000  }
0x335: {  	[sflag:s28] =	ssyncset.done $0x0  }
0x336: {  	p0 =	sne.s32 s22, $0x960;
	s18 =	sadd.s32 $0x80, s18;
	[sflag:s28] =	ssyncadd.s32 $0xFFFFE000  }
0x337: {  	[tilespmem:s12], [sflag:$0x9] =	stream.linear.gather [hbm4b:s18+s6], $0x80, $0x38;
	[tilespmem:$0x1DC80] =	vst v63  }
.Ltmp6:
0x338: {  	s21 =	simm.s32 $0x3;
	(pc) =	sbr.rel @p0 .LBB2_14-.Ltmp6, $4  }
0x339: {  	_ =	swait.ge [sflag:s21], $0x80  }
0x33a: {  	[sflag:s21] =	ssyncset.done $0x0  }
0x33b: {  	s22 =	sadd.s32 $0x60, s22;
	s18 =	sadd.s32 $0xB0, s19;
	[sflag:s21] =	ssyncadd.s32 $0xFFFFFF80  }
0x33c: {  	[tilespmem:s8], [sflag:$0xC] =	stream.indirect.gather [spmem:s3], $0x40, s31, s15, $0xb8;
	[tilespmem:$0x1DC80] =	vst v63  }
0x33d: {  	[tilespmem:s30], [sflag:$0x6] =	stream.linear.gather [hbm4b:s18+s6], $0x80, $0x38;
	[tilespmem:$0x1DC80] =	vst v63  }
0x33e: {  	_ =	swait.ge [sflag:s14], $0x80  }
0x33f: {  	[sflag:s14] =	ssyncset.done $0x0  }
0x340: {  	[sflag:s14] =	ssyncadd.s32 $0xFFFFFF80  }
0x341: {  	_ =	swait.ge [sflag:s10], $0x2000  }
0x342: {  	[sflag:s10] =	ssyncset.done $0x0  }
0x343: {  	[sflag:s10] =	ssyncadd.s32 $0xFFFFE000  }
0x344: {  	[spmem:s4] =	stream.indirect.scatter.add.f32 [tilespmem:s26], [sflag:$0xD], $0x40, s1, s15, $0xb8;
	[tilespmem:$0x1DC80] =	vst v63  }
0x345: {  	_ =	swait.ge [sflag:s28], $0x2000  }
0x346: {  	s19 =	sld [smem:$0x7FB]  }
0x347: {  	[sflag:s28] =	ssyncset.done $0x0  }
0x348: {  	s22 =	simm.s32 $0x0;
	[sflag:s28] =	ssyncadd.s32 $0xFFFFE000  }
0x349: {  	[tilespmem:s1], [sflag:$0x7] =	stream.linear.gather [hbm4b:s19+s22], $0x80, $0x38;
	[tilespmem:$0x1DC80] =	vst v63  }
0x34a: {  	_ =	swait.ge [sflag:s11], $0x80  }
0x34b: {  	[sflag:s11] =	ssyncset.done $0x0  }
0x34c: {  	[sflag:s11] =	ssyncadd.s32 $0xFFFFFF80  }
0x34d: {  	[tilespmem:s26], [sflag:$0xA] =	stream.indirect.gather [spmem:s3], $0x40, s29, s15, $0xb8;
	[tilespmem:$0x1DC80] =	vst v63  }
0x34e: {  	_ =	swait.ge [sflag:s16], $0x80  }
0x34f: {  	[sflag:s16] =	ssyncset.done $0x0  }
0x350: {  	[sflag:s16] =	ssyncadd.s32 $0xFFFFFF80  }
0x351: {  	_ =	swait.ge [sflag:s13], $0x2000  }
0x352: {  	[sflag:s13] =	ssyncset.done $0x0  }
0x353: {  	[sflag:s13] =	ssyncadd.s32 $0xFFFFE000  }
0x354: {  	[spmem:s4] =	stream.indirect.scatter.add.f32 [tilespmem:s5], [sflag:$0xD], $0x40, s9, s15, $0xb8;
	[tilespmem:$0x1DC80] =	vst v63  }
0x355: {  	_ =	swait.ge [sflag:s28], $0x2000  }
0x356: {  	s0 =	sld [smem:$0x7FC]  }
0x357: {  	[sflag:s28] =	ssyncset.done $0x0  }
0x358: {  	[sflag:s28] =	ssyncadd.s32 $0xFFFFE000  }
0x359: {  	[tilespmem:s9], [sflag:$0x8] =	stream.linear.gather [hbm4b:s0+s22], $0x80, $0x38;
	[tilespmem:$0x1DC80] =	vst v63  }
0x35a: {  	_ =	swait.ge [sflag:s17], $0x80  }
0x35b: {  	[sflag:s17] =	ssyncset.done $0x0  }
0x35c: {  	[sflag:s17] =	ssyncadd.s32 $0xFFFFFF80  }
0x35d: {  	[tilespmem:s5], [sflag:$0xB] =	stream.indirect.gather [spmem:s3], $0x40, s2, s15, $0xb8;
	[tilespmem:$0x1DC80] =	vst v63  }
0x35e: {  	_ =	swait.ge [sflag:s20], $0x80  }
0x35f: {  	[sflag:s20] =	ssyncset.done $0x0  }
0x360: {  	[sflag:s20] =	ssyncadd.s32 $0xFFFFFF80  }
0x361: {  	_ =	swait.ge [sflag:s24], $0x2000  }
0x362: {  	[sflag:s24] =	ssyncset.done $0x0  }
0x363: {  	[sflag:s24] =	ssyncadd.s32 $0xFFFFE000  }
0x364: {  	[spmem:s4] =	stream.indirect.scatter.add.f32 [tilespmem:s8], [sflag:$0xD], $0x40, s12, s15, $0xb8;
	[tilespmem:$0x1DC80] =	vst v63  }
0x365: {  	_ =	swait.ge [sflag:s28], $0x2000  }
0x366: {  	s2 =	sld [smem:$0x7FD]  }
0x367: {  	[sflag:s28] =	ssyncset.done $0x0  }
0x368: {  	[sflag:s28] =	ssyncadd.s32 $0xFFFFE000  }
0x369: {  	[tilespmem:s12], [sflag:$0x9] =	stream.linear.gather [hbm4b:s2+s22], $0x80, $0x38;
	[tilespmem:$0x1DC80] =	vst v63  }
0x36a: {  	_ =	swait.ge [sflag:s25], $0x80  }
0x36b: {  	[sflag:s25] =	ssyncset.done $0x0  }
0x36c: {  	[sflag:s25] =	ssyncadd.s32 $0xFFFFFF80  }
0x36d: {  	[tilespmem:s8], [sflag:$0xC] =	stream.indirect.gather [spmem:s3], $0x40, s30, s15, $0xb8;
	[tilespmem:$0x1DC80] =	vst v63  }
0x36e: {  	_ =	swait.ge [sflag:s14], $0x80  }
0x36f: {  	[sflag:s14] =	ssyncset.done $0x0  }
0x370: {  	[sflag:s14] =	ssyncadd.s32 $0xFFFFFF80  }
0x371: {  	_ =	swait.ge [sflag:s10], $0x2000  }
0x372: {  	[sflag:s10] =	ssyncset.done $0x0  }
0x373: {  	[sflag:s10] =	ssyncadd.s32 $0xFFFFE000  }
0x374: {  	[spmem:s4] =	stream.indirect.scatter.add.f32 [tilespmem:s26], [sflag:$0xD], $0x40, s1, s15, $0xb8;
	[tilespmem:$0x1DC80] =	vst v63  }
0x375: {  	_ =	swait.ge [sflag:s28], $0x2000  }
0x376: {  	[sflag:s28] =	ssyncset.done $0x0  }
0x377: {  	[sflag:s28] =	ssyncadd.s32 $0xFFFFE000  }
0x378: {  	_ =	swait.ge [sflag:s16], $0x80  }
0x379: {  	[sflag:s16] =	ssyncset.done $0x0  }
0x37a: {  	[sflag:s16] =	ssyncadd.s32 $0xFFFFFF80  }
0x37b: {  	_ =	swait.ge [sflag:s13], $0x2000  }
0x37c: {  	[sflag:s13] =	ssyncset.done $0x0  }
0x37d: {  	[sflag:s13] =	ssyncadd.s32 $0xFFFFE000  }
0x37e: {  	[spmem:s4] =	stream.indirect.scatter.add.f32 [tilespmem:s5], [sflag:$0xD], $0x40, s9, s15, $0xb8;
	[tilespmem:$0x1DC80] =	vst v63  }
0x37f: {  	_ =	swait.ge [sflag:s28], $0x2000  }
0x380: {  	[sflag:s28] =	ssyncset.done $0x0  }
0x381: {  	[sflag:s28] =	ssyncadd.s32 $0xFFFFE000  }
0x382: {  	_ =	swait.ge [sflag:s20], $0x80  }
0x383: {  	[sflag:s20] =	ssyncset.done $0x0  }
0x384: {  	[sflag:s20] =	ssyncadd.s32 $0xFFFFFF80  }
0x385: {  	_ =	swait.ge [sflag:s24], $0x2000  }
0x386: {  	[sflag:s24] =	ssyncset.done $0x0  }
0x387: {  	[sflag:s24] =	ssyncadd.s32 $0xFFFFE000  }
0x388: {  	[spmem:s4] =	stream.indirect.scatter.add.f32 [tilespmem:s8], [sflag:$0xD], $0x40, s12, s15, $0xb8;
	[tilespmem:$0x1DC80] =	vst v63  }
0x389: {  	_ =	swait.ge [sflag:s28], $0x2000  }
0x38a: {  	[sflag:s28] =	ssyncset.done $0x0  }
0x38b: {  	[sflag:s28] =	ssyncadd.s32 $0xFFFFE000  }
0x38c: {  	[bflag:$0x0] =	sbarrier.arrive $0xFFFF  }
0x38d: {  	s21 =	simm.s32 $0x6C80;
	s19 =	rddreg [dreg:$0x18]  }
0x38e: {  	[tilespmem:s21], [sflag:$0xD] =	stream.linear.gather [spmem:s19], $0x800, $0x38;
	[tilespmem:$0x1DC80] =	vst v63  }
0x38f: {  	_ =	swait.ge [sflag:s28], $0x800  }
0x390: {  	[sflag:s28] =	ssyncset.done $0x0  }
0x391: {  	s22 =	rddreg [dreg:$0x1b];
	[sflag:s28] =	ssyncadd.s32 $0xFFFFF800  }
0x392: {  	[tilespmem:s26], [sflag:$0xD] =	stream.linear.gather [spmem:s22], $0x2000, $0x38;
	[tilespmem:$0x1DC80] =	vst v63  }
0x393: {  	_ =	swait.ge [sflag:s28], $0x2000  }
0x394: {  	[sflag:s28] =	ssyncset.done $0x0  }
0x395: {  	s29 =	simm.s32 $0x0;
	[sflag:s28] =	ssyncadd.s32 $0xFFFFE000  }
0x396: {  	v0 =	vld [tilespmem:s29+$0x6C80];
	_ =	sdelay $0x4  }
0x397: {  	v0 =	vadd.f32 $1.000000000e+00, v0;
	_ =	sdelay $0x1  }
0x398: {  	v1 =	vshrl.u32 v0, $0x1;
	v0 =	vmul.f32 $5.000000000e-01, v0  }
0x399: {  	v1 =	vsub.s32 $0x5F3759DF, v1  }
0x39a: {  	v2 =	vmul.f32 v1, v0;
	_ =	sdelay $0x1  }
0x39b: {  	v2 =	vmul.f32 v1, v2;
	_ =	sdelay $0x1  }
0x39c: {  	v2 =	vsub.f32 $1.500000000e+00, v2;
	_ =	sdelay $0x1  }
0x39d: {  	v1 =	vmul.f32 v1, v2;
	_ =	sdelay $0x1  }
0x39e: {  	v2 =	vmul.f32 v1, v0;
	_ =	sdelay $0x1  }
0x39f: {  	v2 =	vmul.f32 v2, v1;
	_ =	sdelay $0x1  }
0x3a0: {  	v2 =	vsub.f32 $1.500000000e+00, v2;
	_ =	sdelay $0x1  }
0x3a1: {  	v1 =	vmul.f32 v2, v1;
	_ =	sdelay $0x1  }
0x3a2: {  	v0 =	vmul.f32 v1, v0;
	_ =	sdelay $0x1  }
0x3a3: {  	s18 =	simm.s32 $0x4A0;
	v0 =	vmul.f32 v0, v1  }
0x3a4: {  	v61 =	vld [tilespmem:s18+$0xFFFFFFE0]  }
0x3a5: {  	v3 =	vld [tilespmem:s18+$0xFFFFFFF0];
	v0 =	vsub.f32 $1.500000000e+00, v0  }
0x3a6: {  	v4 =	vld [tilespmem:s18+$0x0]  }
0x3a7: {  	v5 =	vld [tilespmem:s18+$0x10];
	v0 =	vmul.f32 v0, v1;
	_ =	sdelay $0x1  }
0x3a8: {  	v1 =	vmul.f32 v0, v61  }
0x3a9: {  	v62 =	vmul.f32 v0, v3  }
0x3aa: {  	v63 =	vmul.f32 v0, v4;
	[tilespmem:s18+$0xFFFFFFE0] =	vst v1  }
0x3ab: {  	v0 =	vmul.f32 v0, v5;
	[tilespmem:s18+$0xFFFFFFF0] =	vst v62  }
0x3ac: {  	[tilespmem:s18+$0x0] =	vst v63  }
0x3ad: {  	s19 =	simm.s32 $0x80;
	s22 =	simm.s32 $0x10;
	[tilespmem:s18+$0x10] =	vst v0  }
.LBB2_16:
0x3ae: {  	p0 =	sne.s32 s19, $0x1FC0;
	v0 =	vld [tilespmem:s22+$0x6C80];
	_ =	sdelay $0x4  }
0x3af: {  	v0 =	vadd.f32 $1.000000000e+00, v0;
	_ =	sdelay $0x1  }
0x3b0: {  	v1 =	vshrl.u32 v0, $0x1;
	v0 =	vmul.f32 $5.000000000e-01, v0  }
0x3b1: {  	v1 =	vsub.s32 $0x5F3759DF, v1  }
0x3b2: {  	v2 =	vmul.f32 v1, v0;
	_ =	sdelay $0x1  }
0x3b3: {  	v2 =	vmul.f32 v1, v2;
	_ =	sdelay $0x1  }
0x3b4: {  	v2 =	vsub.f32 $1.500000000e+00, v2;
	_ =	sdelay $0x1  }
0x3b5: {  	v1 =	vmul.f32 v1, v2;
	_ =	sdelay $0x1  }
0x3b6: {  	v2 =	vmul.f32 v1, v0;
	_ =	sdelay $0x1  }
0x3b7: {  	v2 =	vmul.f32 v2, v1;
	_ =	sdelay $0x1  }
0x3b8: {  	v2 =	vsub.f32 $1.500000000e+00, v2;
	_ =	sdelay $0x1  }
0x3b9: {  	v1 =	vmul.f32 v2, v1;
	_ =	sdelay $0x1  }
0x3ba: {  	s18 =	sadd.s32 $0x40, s18;
	v0 =	vmul.f32 v1, v0  }
0x3bb: {  	v2 =	vld [tilespmem:s18+$0xFFFFFFF0]  }
0x3bc: {  	v0 =	vmul.f32 v0, v1;
	v3 =	vld [tilespmem:s18+$0x10]  }
0x3bd: {  	v4 =	vld [tilespmem:s18+$0xFFFFFFE0]  }
0x3be: {  	v0 =	vsub.f32 $1.500000000e+00, v0;
	v5 =	vld [tilespmem:s18+$0x0];
	_ =	sdelay $0x1  }
0x3bf: {  	v0 =	vmul.f32 v0, v1;
	_ =	sdelay $0x1  }
0x3c0: {  	v1 =	vmul.f32 v0, v4;
	v2 =	vmul.f32 v0, v2  }
.Ltmp7:
0x3c1: {  	v4 =	vmul.f32 v0, v5;
	v0 =	vmul.f32 v0, v3;
	(pc) =	sbr.rel @p0 .LBB2_16-.Ltmp7, $4  }
0x3c2: {  	[tilespmem:s18+$0xFFFFFFE0] =	vst v1  }
0x3c3: {  	[tilespmem:s18+$0xFFFFFFF0] =	vst v2  }
0x3c4: {  	[tilespmem:s18+$0x0] =	vst v4  }
0x3c5: {  	s22 =	sshra.s32 s19, $0x2;
	s19 =	sadd.s32 $0x40, s19;
	[tilespmem:s18+$0x10] =	vst v0  }
0x3c6: {  	v0 =	vld [tilespmem:s22+$0x6C80];
	_ =	sdelay $0x4  }
0x3c7: {  	v0 =	vadd.f32 $1.000000000e+00, v0;
	_ =	sdelay $0x1  }
0x3c8: {  	v1 =	vshrl.u32 v0, $0x1;
	v0 =	vmul.f32 $5.000000000e-01, v0  }
0x3c9: {  	v1 =	vsub.s32 $0x5F3759DF, v1  }
0x3ca: {  	v2 =	vmul.f32 v1, v0;
	_ =	sdelay $0x1  }
0x3cb: {  	v2 =	vmul.f32 v1, v2;
	_ =	sdelay $0x1  }
0x3cc: {  	v2 =	vsub.f32 $1.500000000e+00, v2;
	_ =	sdelay $0x1  }
0x3cd: {  	v1 =	vmul.f32 v1, v2;
	_ =	sdelay $0x1  }
0x3ce: {  	v2 =	vmul.f32 v1, v0;
	_ =	sdelay $0x1  }
0x3cf: {  	v2 =	vmul.f32 v2, v1;
	_ =	sdelay $0x1  }
0x3d0: {  	v2 =	vsub.f32 $1.500000000e+00, v2;
	_ =	sdelay $0x1  }
0x3d1: {  	v1 =	vmul.f32 v2, v1;
	_ =	sdelay $0x1  }
0x3d2: {  	v0 =	vmul.f32 v1, v0;
	_ =	sdelay $0x1  }
0x3d3: {  	s18 =	sadd.s32 $0x40, s18;
	v0 =	vmul.f32 v0, v1  }
0x3d4: {  	v52 =	vld [tilespmem:s18+$0xFFFFFFE0]  }
0x3d5: {  	v3 =	vld [tilespmem:s18+$0xFFFFFFF0];
	v0 =	vsub.f32 $1.500000000e+00, v0  }
0x3d6: {  	v4 =	vld [tilespmem:s18+$0x0]  }
0x3d7: {  	v5 =	vld [tilespmem:s18+$0x10];
	v0 =	vmul.f32 v0, v1;
	_ =	sdelay $0x1  }
0x3d8: {  	v1 =	vmul.f32 v0, v52  }
0x3d9: {  	v53 =	vmul.f32 v0, v3  }
0x3da: {  	v54 =	vmul.f32 v0, v4;
	[tilespmem:s18+$0xFFFFFFE0] =	vst v1  }
0x3db: {  	v0 =	vmul.f32 v0, v5;
	[tilespmem:s18+$0xFFFFFFF0] =	vst v53  }
0x3dc: {  	[tilespmem:s18+$0x0] =	vst v54  }
0x3dd: {  	s22 =	simm.s32 $0x0;
	s19 =	rddreg [dreg:$0xc];
	[tilespmem:s18+$0x10] =	vst v0  }
0x3de: {  	[hbm4b:s19+s22] =	stream.linear.scatter [tilespmem:s26], [sflag:$0xD], $0x2000, $0x38;
	[tilespmem:$0x1DC80] =	vst v63  }
0x3df: {  	_ =	swait.ge [sflag:s28], $0x2000  }
0x3e0: {  	[sflag:s28] =	ssyncset.done $0x0  }
0x3e1: {  	s2 =	simm.s32 $0x6C80;
	s0 =	rddreg [dreg:$0x1c];
	[sflag:s28] =	ssyncadd.s32 $0xFFFFE000  }
0x3e2: {  	[tilespmem:s2], [sflag:$0xD] =	stream.linear.gather [spmem:s0], $0x800, $0x38;
	[tilespmem:$0x1DC80] =	vst v63  }
0x3e3: {  	_ =	swait.ge [sflag:s28], $0x800  }
0x3e4: {  	[sflag:s28] =	ssyncset.done $0x0  }
0x3e5: {  	s21 =	rddreg [dreg:$0x1e];
	[sflag:s28] =	ssyncadd.s32 $0xFFFFF800  }
0x3e6: {  	[tilespmem:s26], [sflag:$0xD] =	stream.linear.gather [spmem:s21], $0x2000, $0x38;
	[tilespmem:$0x1DC80] =	vst v63  }
0x3e7: {  	_ =	swait.ge [sflag:s28], $0x2000  }
0x3e8: {  	[sflag:s28] =	ssyncset.done $0x0  }
0x3e9: {  	s22 =	simm.s32 $0x0;
	[sflag:s28] =	ssyncadd.s32 $0xFFFFE000  }
0x3ea: {  	v55 =	vld [tilespmem:s22+$0x6C80];
	_ =	sdelay $0x4  }
0x3eb: {  	v0 =	vadd.f32 $1.000000000e+00, v55;
	_ =	sdelay $0x1  }
0x3ec: {  	v56 =	vshrl.u32 v0, $0x1;
	v0 =	vmul.f32 $5.000000000e-01, v0  }
0x3ed: {  	v1 =	vsub.s32 $0x5F3759DF, v56  }
0x3ee: {  	v57 =	vmul.f32 v1, v0;
	_ =	sdelay $0x1  }
0x3ef: {  	v2 =	vmul.f32 v1, v57;
	_ =	sdelay $0x1  }
0x3f0: {  	v2 =	vsub.f32 $1.500000000e+00, v2;
	_ =	sdelay $0x1  }
0x3f1: {  	v1 =	vmul.f32 v1, v2;
	_ =	sdelay $0x1  }
0x3f2: {  	v2 =	vmul.f32 v1, v0;
	_ =	sdelay $0x1  }
0x3f3: {  	v2 =	vmul.f32 v2, v1;
	_ =	sdelay $0x1  }
0x3f4: {  	v2 =	vsub.f32 $1.500000000e+00, v2;
	_ =	sdelay $0x1  }
0x3f5: {  	v1 =	vmul.f32 v2, v1;
	_ =	sdelay $0x1  }
0x3f6: {  	v0 =	vmul.f32 v1, v0;
	_ =	sdelay $0x1  }
0x3f7: {  	s18 =	simm.s32 $0x4A0;
	v0 =	vmul.f32 v0, v1  }
0x3f8: {  	v58 =	vld [tilespmem:s18+$0xFFFFFFE0]  }
0x3f9: {  	v59 =	vld [tilespmem:s18+$0xFFFFFFF0];
	v0 =	vsub.f32 $1.500000000e+00, v0  }
0x3fa: {  	v60 =	vld [tilespmem:s18+$0x0]  }
0x3fb: {  	v61 =	vld [tilespmem:s18+$0x10];
	v0 =	vmul.f32 v0, v1;
	_ =	sdelay $0x1  }
0x3fc: {  	v1 =	vmul.f32 v0, v58  }
0x3fd: {  	v62 =	vmul.f32 v0, v59  }
0x3fe: {  	v63 =	vmul.f32 v0, v60;
	[tilespmem:s18+$0xFFFFFFE0] =	vst v1  }
0x3ff: {  	v0 =	vmul.f32 v0, v61;
	[tilespmem:s18+$0xFFFFFFF0] =	vst v62  }
0x400: {  	s29 =	simm.s32 $0x6480;
	s0 =	sld [smem:$0x7EE];
	[tilespmem:s18+$0x0] =	vst v63  }
0x401: {  	s19 =	simm.s32 $0x80;
	s22 =	simm.s32 $0x10;
	s2 =	rddreg [dreg:$0x2];
	[tilespmem:s18+$0x10] =	vst v0  }
.LBB2_18:
0x402: {  	p0 =	sne.s32 s19, $0x1FC0;
	v0 =	vld [tilespmem:s22+$0x6C80];
	_ =	sdelay $0x4  }
0x403: {  	v0 =	vadd.f32 $1.000000000e+00, v0;
	_ =	sdelay $0x1  }
0x404: {  	v1 =	vshrl.u32 v0, $0x1;
	v0 =	vmul.f32 $5.000000000e-01, v0  }
0x405: {  	v1 =	vsub.s32 $0x5F3759DF, v1  }
0x406: {  	v2 =	vmul.f32 v1, v0;
	_ =	sdelay $0x1  }
0x407: {  	v2 =	vmul.f32 v1, v2;
	_ =	sdelay $0x1  }
0x408: {  	v2 =	vsub.f32 $1.500000000e+00, v2;
	_ =	sdelay $0x1  }
0x409: {  	v1 =	vmul.f32 v1, v2;
	_ =	sdelay $0x1  }
0x40a: {  	v2 =	vmul.f32 v1, v0;
	_ =	sdelay $0x1  }
0x40b: {  	v2 =	vmul.f32 v2, v1;
	_ =	sdelay $0x1  }
0x40c: {  	v2 =	vsub.f32 $1.500000000e+00, v2;
	_ =	sdelay $0x1  }
0x40d: {  	v1 =	vmul.f32 v2, v1;
	_ =	sdelay $0x1  }
0x40e: {  	s18 =	sadd.s32 $0x40, s18;
	v0 =	vmul.f32 v1, v0  }
0x40f: {  	v2 =	vld [tilespmem:s18+$0xFFFFFFF0]  }
0x410: {  	v0 =	vmul.f32 v0, v1;
	v3 =	vld [tilespmem:s18+$0x10]  }
0x411: {  	v4 =	vld [tilespmem:s18+$0xFFFFFFE0]  }
0x412: {  	v0 =	vsub.f32 $1.500000000e+00, v0;
	v5 =	vld [tilespmem:s18+$0x0];
	_ =	sdelay $0x1  }
0x413: {  	v0 =	vmul.f32 v0, v1;
	_ =	sdelay $0x1  }
0x414: {  	v1 =	vmul.f32 v0, v4;
	v2 =	vmul.f32 v0, v2  }
.Ltmp8:
0x415: {  	v4 =	vmul.f32 v0, v5;
	v0 =	vmul.f32 v0, v3;
	(pc) =	sbr.rel @p0 .LBB2_18-.Ltmp8, $4  }
0x416: {  	[tilespmem:s18+$0xFFFFFFE0] =	vst v1  }
0x417: {  	[tilespmem:s18+$0xFFFFFFF0] =	vst v2  }
0x418: {  	[tilespmem:s18+$0x0] =	vst v4  }
0x419: {  	s22 =	sshra.s32 s19, $0x2;
	s19 =	sadd.s32 $0x40, s19;
	[tilespmem:s18+$0x10] =	vst v0  }
0x41a: {  	v0 =	vld [tilespmem:s22+$0x6C80];
	_ =	sdelay $0x4  }
0x41b: {  	v0 =	vadd.f32 $1.000000000e+00, v0;
	_ =	sdelay $0x1  }
0x41c: {  	v1 =	vshrl.u32 v0, $0x1;
	v0 =	vmul.f32 $5.000000000e-01, v0  }
0x41d: {  	v1 =	vsub.s32 $0x5F3759DF, v1  }
0x41e: {  	v2 =	vmul.f32 v1, v0;
	_ =	sdelay $0x1  }
0x41f: {  	v2 =	vmul.f32 v1, v2;
	_ =	sdelay $0x1  }
0x420: {  	v2 =	vsub.f32 $1.500000000e+00, v2;
	_ =	sdelay $0x1  }
0x421: {  	v1 =	vmul.f32 v1, v2;
	_ =	sdelay $0x1  }
0x422: {  	v2 =	vmul.f32 v1, v0;
	_ =	sdelay $0x1  }
0x423: {  	v2 =	vmul.f32 v2, v1;
	_ =	sdelay $0x1  }
0x424: {  	v2 =	vsub.f32 $1.500000000e+00, v2;
	_ =	sdelay $0x1  }
0x425: {  	v1 =	vmul.f32 v2, v1;
	_ =	sdelay $0x1  }
0x426: {  	v0 =	vmul.f32 v1, v0;
	_ =	sdelay $0x1  }
0x427: {  	s18 =	sadd.s32 $0x40, s18;
	v0 =	vmul.f32 v0, v1  }
0x428: {  	v52 =	vld [tilespmem:s18+$0xFFFFFFE0]  }
0x429: {  	v3 =	vld [tilespmem:s18+$0xFFFFFFF0];
	v0 =	vsub.f32 $1.500000000e+00, v0  }
0x42a: {  	v4 =	vld [tilespmem:s18+$0x0]  }
0x42b: {  	v5 =	vld [tilespmem:s18+$0x10];
	v0 =	vmul.f32 v0, v1;
	_ =	sdelay $0x1  }
0x42c: {  	v1 =	vmul.f32 v0, v52  }
0x42d: {  	v53 =	vmul.f32 v0, v3  }
0x42e: {  	v54 =	vmul.f32 v0, v4;
	[tilespmem:s18+$0xFFFFFFE0] =	vst v1  }
0x42f: {  	v0 =	vmul.f32 v0, v5;
	[tilespmem:s18+$0xFFFFFFF0] =	vst v53  }
0x430: {  	[tilespmem:s18+$0x0] =	vst v54  }
0x431: {  	s22 =	simm.s32 $0x0;
	s19 =	rddreg [dreg:$0xd];
	[tilespmem:s18+$0x10] =	vst v0  }
0x432: {  	[hbm4b:s19+s22] =	stream.linear.scatter [tilespmem:s26], [sflag:$0xD], $0x2000, $0x38;
	[tilespmem:$0x1DC80] =	vst v63  }
0x433: {  	_ =	swait.ge [sflag:s28], $0x2000  }
0x434: {  	[sflag:s28] =	ssyncset.done $0x0  }
0x435: {  	s22 =	simm.s32 $0x6C80;
	s21 =	rddreg [dreg:$0x1f];
	[sflag:s28] =	ssyncadd.s32 $0xFFFFE000  }
0x436: {  	[tilespmem:s22], [sflag:$0xD] =	stream.linear.gather [spmem:s21], $0x800, $0x38;
	[tilespmem:$0x1DC80] =	vst v63  }
0x437: {  	_ =	swait.ge [sflag:s28], $0x800  }
0x438: {  	s21 =	sld [smem:$0x7F0]  }
0x439: {  	[sflag:s28] =	ssyncset.done $0x0  }
0x43a: {  	[sflag:s28] =	ssyncadd.s32 $0xFFFFF800  }
0x43b: {  	[tilespmem:s26], [sflag:$0xD] =	stream.linear.gather [spmem:s21], $0x2000, $0x38;
	[tilespmem:$0x1DC80] =	vst v63  }
0x43c: {  	_ =	swait.ge [sflag:s28], $0x2000  }
0x43d: {  	[sflag:s28] =	ssyncset.done $0x0  }
0x43e: {  	s22 =	simm.s32 $0x0;
	[sflag:s28] =	ssyncadd.s32 $0xFFFFE000  }
0x43f: {  	v55 =	vld [tilespmem:s22+$0x6C80];
	_ =	sdelay $0x4  }
0x440: {  	v0 =	vadd.f32 $1.000000000e+00, v55;
	_ =	sdelay $0x1  }
0x441: {  	v56 =	vshrl.u32 v0, $0x1;
	v0 =	vmul.f32 $5.000000000e-01, v0  }
0x442: {  	v1 =	vsub.s32 $0x5F3759DF, v56  }
0x443: {  	v57 =	vmul.f32 v1, v0;
	_ =	sdelay $0x1  }
0x444: {  	v2 =	vmul.f32 v1, v57;
	_ =	sdelay $0x1  }
0x445: {  	v2 =	vsub.f32 $1.500000000e+00, v2;
	_ =	sdelay $0x1  }
0x446: {  	v1 =	vmul.f32 v1, v2;
	_ =	sdelay $0x1  }
0x447: {  	v2 =	vmul.f32 v1, v0;
	_ =	sdelay $0x1  }
0x448: {  	v2 =	vmul.f32 v2, v1;
	_ =	sdelay $0x1  }
0x449: {  	v2 =	vsub.f32 $1.500000000e+00, v2;
	_ =	sdelay $0x1  }
0x44a: {  	v1 =	vmul.f32 v2, v1;
	_ =	sdelay $0x1  }
0x44b: {  	v0 =	vmul.f32 v1, v0;
	_ =	sdelay $0x1  }
0x44c: {  	s18 =	simm.s32 $0x4A0;
	v0 =	vmul.f32 v0, v1  }
0x44d: {  	v58 =	vld [tilespmem:s18+$0xFFFFFFE0]  }
0x44e: {  	v59 =	vld [tilespmem:s18+$0xFFFFFFF0];
	v0 =	vsub.f32 $1.500000000e+00, v0  }
0x44f: {  	v60 =	vld [tilespmem:s18+$0x0]  }
0x450: {  	v61 =	vld [tilespmem:s18+$0x10];
	v0 =	vmul.f32 v0, v1;
	_ =	sdelay $0x1  }
0x451: {  	v1 =	vmul.f32 v0, v58  }
0x452: {  	v62 =	vmul.f32 v0, v59  }
0x453: {  	v63 =	vmul.f32 v0, v60;
	[tilespmem:s18+$0xFFFFFFE0] =	vst v1  }
0x454: {  	v0 =	vmul.f32 v0, v61;
	[tilespmem:s18+$0xFFFFFFF0] =	vst v62  }
0x455: {  	[tilespmem:s18+$0x0] =	vst v63  }
0x456: {  	s19 =	simm.s32 $0x80;
	s22 =	simm.s32 $0x10;
	[tilespmem:s18+$0x10] =	vst v0  }
.LBB2_20:
0x457: {  	p0 =	sne.s32 s19, $0x1FC0;
	v0 =	vld [tilespmem:s22+$0x6C80];
	_ =	sdelay $0x4  }
0x458: {  	v0 =	vadd.f32 $1.000000000e+00, v0;
	_ =	sdelay $0x1  }
0x459: {  	v1 =	vshrl.u32 v0, $0x1;
	v0 =	vmul.f32 $5.000000000e-01, v0  }
0x45a: {  	v1 =	vsub.s32 $0x5F3759DF, v1  }
0x45b: {  	v2 =	vmul.f32 v1, v0;
	_ =	sdelay $0x1  }
0x45c: {  	v2 =	vmul.f32 v1, v2;
	_ =	sdelay $0x1  }
0x45d: {  	v2 =	vsub.f32 $1.500000000e+00, v2;
	_ =	sdelay $0x1  }
0x45e: {  	v1 =	vmul.f32 v1, v2;
	_ =	sdelay $0x1  }
0x45f: {  	v2 =	vmul.f32 v1, v0;
	_ =	sdelay $0x1  }
0x460: {  	v2 =	vmul.f32 v2, v1;
	_ =	sdelay $0x1  }
0x461: {  	v2 =	vsub.f32 $1.500000000e+00, v2;
	_ =	sdelay $0x1  }
0x462: {  	v1 =	vmul.f32 v2, v1;
	_ =	sdelay $0x1  }
0x463: {  	s18 =	sadd.s32 $0x40, s18;
	v0 =	vmul.f32 v1, v0  }
0x464: {  	v2 =	vld [tilespmem:s18+$0xFFFFFFF0]  }
0x465: {  	v0 =	vmul.f32 v0, v1;
	v3 =	vld [tilespmem:s18+$0x10]  }
0x466: {  	v4 =	vld [tilespmem:s18+$0xFFFFFFE0]  }
0x467: {  	v0 =	vsub.f32 $1.500000000e+00, v0;
	v5 =	vld [tilespmem:s18+$0x0];
	_ =	sdelay $0x1  }
0x468: {  	v0 =	vmul.f32 v0, v1;
	_ =	sdelay $0x1  }
0x469: {  	v1 =	vmul.f32 v0, v4;
	v2 =	vmul.f32 v0, v2  }
.Ltmp9:
0x46a: {  	v4 =	vmul.f32 v0, v5;
	v0 =	vmul.f32 v0, v3;
	(pc) =	sbr.rel @p0 .LBB2_20-.Ltmp9, $4  }
0x46b: {  	[tilespmem:s18+$0xFFFFFFE0] =	vst v1  }
0x46c: {  	[tilespmem:s18+$0xFFFFFFF0] =	vst v2  }
0x46d: {  	[tilespmem:s18+$0x0] =	vst v4  }
0x46e: {  	s22 =	sshra.s32 s19, $0x2;
	s19 =	sadd.s32 $0x40, s19;
	[tilespmem:s18+$0x10] =	vst v0  }
0x46f: {  	v0 =	vld [tilespmem:s22+$0x6C80];
	_ =	sdelay $0x4  }
0x470: {  	v0 =	vadd.f32 $1.000000000e+00, v0;
	_ =	sdelay $0x1  }
0x471: {  	v1 =	vshrl.u32 v0, $0x1;
	v0 =	vmul.f32 $5.000000000e-01, v0  }
0x472: {  	v1 =	vsub.s32 $0x5F3759DF, v1  }
0x473: {  	v2 =	vmul.f32 v1, v0;
	_ =	sdelay $0x1  }
0x474: {  	v2 =	vmul.f32 v1, v2;
	_ =	sdelay $0x1  }
0x475: {  	v2 =	vsub.f32 $1.500000000e+00, v2;
	_ =	sdelay $0x1  }
0x476: {  	v1 =	vmul.f32 v1, v2;
	_ =	sdelay $0x1  }
0x477: {  	v2 =	vmul.f32 v1, v0;
	_ =	sdelay $0x1  }
0x478: {  	v2 =	vmul.f32 v2, v1;
	_ =	sdelay $0x1  }
0x479: {  	v2 =	vsub.f32 $1.500000000e+00, v2;
	_ =	sdelay $0x1  }
0x47a: {  	v1 =	vmul.f32 v2, v1;
	_ =	sdelay $0x1  }
0x47b: {  	v0 =	vmul.f32 v1, v0;
	_ =	sdelay $0x1  }
0x47c: {  	s18 =	sadd.s32 $0x40, s18;
	v0 =	vmul.f32 v0, v1  }
0x47d: {  	v52 =	vld [tilespmem:s18+$0xFFFFFFE0]  }
0x47e: {  	v3 =	vld [tilespmem:s18+$0xFFFFFFF0];
	v0 =	vsub.f32 $1.500000000e+00, v0  }
0x47f: {  	v4 =	vld [tilespmem:s18+$0x0]  }
0x480: {  	v5 =	vld [tilespmem:s18+$0x10];
	v0 =	vmul.f32 v0, v1;
	_ =	sdelay $0x1  }
0x481: {  	v1 =	vmul.f32 v0, v52  }
0x482: {  	v53 =	vmul.f32 v0, v3  }
0x483: {  	v54 =	vmul.f32 v0, v4;
	[tilespmem:s18+$0xFFFFFFE0] =	vst v1  }
0x484: {  	v0 =	vmul.f32 v0, v5;
	[tilespmem:s18+$0xFFFFFFF0] =	vst v53  }
0x485: {  	[tilespmem:s18+$0x0] =	vst v54  }
0x486: {  	s22 =	simm.s32 $0x0;
	s19 =	rddreg [dreg:$0xe];
	[tilespmem:s18+$0x10] =	vst v0  }
0x487: {  	[hbm4b:s19+s22] =	stream.linear.scatter [tilespmem:s26], [sflag:$0xD], $0x2000, $0x38;
	[tilespmem:$0x1DC80] =	vst v63  }
0x488: {  	_ =	swait.ge [sflag:s28], $0x2000  }
0x489: {  	s21 =	sld [smem:$0x7F1]  }
0x48a: {  	[sflag:s28] =	ssyncset.done $0x0  }
0x48b: {  	s22 =	simm.s32 $0x6C80;
	[sflag:s28] =	ssyncadd.s32 $0xFFFFE000  }
0x48c: {  	[tilespmem:s22], [sflag:$0xD] =	stream.linear.gather [spmem:s21], $0x800, $0x38;
	[tilespmem:$0x1DC80] =	vst v63  }
0x48d: {  	_ =	swait.ge [sflag:s28], $0x800  }
0x48e: {  	s21 =	sld [smem:$0x7F3]  }
0x48f: {  	[sflag:s28] =	ssyncset.done $0x0  }
0x490: {  	[sflag:s28] =	ssyncadd.s32 $0xFFFFF800  }
0x491: {  	[tilespmem:s26], [sflag:$0xD] =	stream.linear.gather [spmem:s21], $0x2000, $0x38;
	[tilespmem:$0x1DC80] =	vst v63  }
0x492: {  	_ =	swait.ge [sflag:s28], $0x2000  }
0x493: {  	[sflag:s28] =	ssyncset.done $0x0  }
0x494: {  	s22 =	simm.s32 $0x0;
	[sflag:s28] =	ssyncadd.s32 $0xFFFFE000  }
0x495: {  	v55 =	vld [tilespmem:s22+$0x6C80];
	_ =	sdelay $0x4  }
0x496: {  	v0 =	vadd.f32 $1.000000000e+00, v55;
	_ =	sdelay $0x1  }
0x497: {  	v56 =	vshrl.u32 v0, $0x1;
	v0 =	vmul.f32 $5.000000000e-01, v0  }
0x498: {  	v1 =	vsub.s32 $0x5F3759DF, v56  }
0x499: {  	v57 =	vmul.f32 v1, v0;
	_ =	sdelay $0x1  }
0x49a: {  	v2 =	vmul.f32 v1, v57;
	_ =	sdelay $0x1  }
0x49b: {  	v2 =	vsub.f32 $1.500000000e+00, v2;
	_ =	sdelay $0x1  }
0x49c: {  	v1 =	vmul.f32 v1, v2;
	_ =	sdelay $0x1  }
0x49d: {  	v2 =	vmul.f32 v1, v0;
	_ =	sdelay $0x1  }
0x49e: {  	v2 =	vmul.f32 v2, v1;
	_ =	sdelay $0x1  }
0x49f: {  	v2 =	vsub.f32 $1.500000000e+00, v2;
	_ =	sdelay $0x1  }
0x4a0: {  	v1 =	vmul.f32 v2, v1;
	_ =	sdelay $0x1  }
0x4a1: {  	v0 =	vmul.f32 v1, v0;
	_ =	sdelay $0x1  }
0x4a2: {  	s18 =	simm.s32 $0x4A0;
	v0 =	vmul.f32 v0, v1  }
0x4a3: {  	v58 =	vld [tilespmem:s18+$0xFFFFFFE0]  }
0x4a4: {  	v59 =	vld [tilespmem:s18+$0xFFFFFFF0];
	v0 =	vsub.f32 $1.500000000e+00, v0  }
0x4a5: {  	v60 =	vld [tilespmem:s18+$0x0]  }
0x4a6: {  	v61 =	vld [tilespmem:s18+$0x10];
	v0 =	vmul.f32 v0, v1;
	_ =	sdelay $0x1  }
0x4a7: {  	v1 =	vmul.f32 v0, v58  }
0x4a8: {  	v62 =	vmul.f32 v0, v59  }
0x4a9: {  	v63 =	vmul.f32 v0, v60;
	[tilespmem:s18+$0xFFFFFFE0] =	vst v1  }
0x4aa: {  	v0 =	vmul.f32 v0, v61;
	[tilespmem:s18+$0xFFFFFFF0] =	vst v62  }
0x4ab: {  	[tilespmem:s18+$0x0] =	vst v63  }
0x4ac: {  	s19 =	simm.s32 $0x80;
	s21 =	rddreg [dreg:$0x11];
	s22 =	simm.s32 $0x10;
	[tilespmem:s18+$0x10] =	vst v0  }
.LBB2_22:
0x4ad: {  	p0 =	sne.s32 s19, $0x1FC0;
	v0 =	vld [tilespmem:s22+$0x6C80];
	_ =	sdelay $0x4  }
0x4ae: {  	v0 =	vadd.f32 $1.000000000e+00, v0;
	_ =	sdelay $0x1  }
0x4af: {  	v1 =	vshrl.u32 v0, $0x1;
	v0 =	vmul.f32 $5.000000000e-01, v0  }
0x4b0: {  	v1 =	vsub.s32 $0x5F3759DF, v1  }
0x4b1: {  	v2 =	vmul.f32 v1, v0;
	_ =	sdelay $0x1  }
0x4b2: {  	v2 =	vmul.f32 v1, v2;
	_ =	sdelay $0x1  }
0x4b3: {  	v2 =	vsub.f32 $1.500000000e+00, v2;
	_ =	sdelay $0x1  }
0x4b4: {  	v1 =	vmul.f32 v1, v2;
	_ =	sdelay $0x1  }
0x4b5: {  	v2 =	vmul.f32 v1, v0;
	_ =	sdelay $0x1  }
0x4b6: {  	v2 =	vmul.f32 v2, v1;
	_ =	sdelay $0x1  }
0x4b7: {  	v2 =	vsub.f32 $1.500000000e+00, v2;
	_ =	sdelay $0x1  }
0x4b8: {  	v1 =	vmul.f32 v2, v1;
	_ =	sdelay $0x1  }
0x4b9: {  	s18 =	sadd.s32 $0x40, s18;
	v0 =	vmul.f32 v1, v0  }
0x4ba: {  	v2 =	vld [tilespmem:s18+$0xFFFFFFF0]  }
0x4bb: {  	v0 =	vmul.f32 v0, v1;
	v3 =	vld [tilespmem:s18+$0x10]  }
0x4bc: {  	v4 =	vld [tilespmem:s18+$0xFFFFFFE0]  }
0x4bd: {  	v0 =	vsub.f32 $1.500000000e+00, v0;
	v5 =	vld [tilespmem:s18+$0x0];
	_ =	sdelay $0x1  }
0x4be: {  	v0 =	vmul.f32 v0, v1;
	_ =	sdelay $0x1  }
0x4bf: {  	v1 =	vmul.f32 v0, v4;
	v2 =	vmul.f32 v0, v2  }
.Ltmp10:
0x4c0: {  	v4 =	vmul.f32 v0, v5;
	v0 =	vmul.f32 v0, v3;
	(pc) =	sbr.rel @p0 .LBB2_22-.Ltmp10, $4  }
0x4c1: {  	[tilespmem:s18+$0xFFFFFFE0] =	vst v1  }
0x4c2: {  	[tilespmem:s18+$0xFFFFFFF0] =	vst v2  }
0x4c3: {  	[tilespmem:s18+$0x0] =	vst v4  }
0x4c4: {  	s22 =	sshra.s32 s19, $0x2;
	s19 =	sadd.s32 $0x40, s19;
	[tilespmem:s18+$0x10] =	vst v0  }
0x4c5: {  	v0 =	vld [tilespmem:s22+$0x6C80];
	_ =	sdelay $0x4  }
0x4c6: {  	v0 =	vadd.f32 $1.000000000e+00, v0;
	_ =	sdelay $0x1  }
0x4c7: {  	v1 =	vshrl.u32 v0, $0x1;
	v0 =	vmul.f32 $5.000000000e-01, v0  }
0x4c8: {  	v1 =	vsub.s32 $0x5F3759DF, v1  }
0x4c9: {  	v2 =	vmul.f32 v1, v0;
	_ =	sdelay $0x1  }
0x4ca: {  	v2 =	vmul.f32 v1, v2;
	_ =	sdelay $0x1  }
0x4cb: {  	v2 =	vsub.f32 $1.500000000e+00, v2;
	_ =	sdelay $0x1  }
0x4cc: {  	v1 =	vmul.f32 v1, v2;
	_ =	sdelay $0x1  }
0x4cd: {  	v2 =	vmul.f32 v1, v0;
	_ =	sdelay $0x1  }
0x4ce: {  	v2 =	vmul.f32 v2, v1;
	_ =	sdelay $0x1  }
0x4cf: {  	v2 =	vsub.f32 $1.500000000e+00, v2;
	_ =	sdelay $0x1  }
0x4d0: {  	v1 =	vmul.f32 v2, v1;
	_ =	sdelay $0x1  }
0x4d1: {  	v0 =	vmul.f32 v1, v0;
	_ =	sdelay $0x1  }
0x4d2: {  	s18 =	sadd.s32 $0x40, s18;
	v0 =	vmul.f32 v0, v1  }
0x4d3: {  	v52 =	vld [tilespmem:s18+$0xFFFFFFE0]  }
0x4d4: {  	v3 =	vld [tilespmem:s18+$0xFFFFFFF0];
	v0 =	vsub.f32 $1.500000000e+00, v0  }
0x4d5: {  	v4 =	vld [tilespmem:s18+$0x0]  }
0x4d6: {  	v5 =	vld [tilespmem:s18+$0x10];
	v0 =	vmul.f32 v0, v1;
	_ =	sdelay $0x1  }
0x4d7: {  	v1 =	vmul.f32 v0, v52  }
0x4d8: {  	v53 =	vmul.f32 v0, v3  }
0x4d9: {  	v54 =	vmul.f32 v0, v4;
	[tilespmem:s18+$0xFFFFFFE0] =	vst v1  }
0x4da: {  	v0 =	vmul.f32 v0, v5;
	[tilespmem:s18+$0xFFFFFFF0] =	vst v53  }
0x4db: {  	[tilespmem:s18+$0x0] =	vst v54  }
0x4dc: {  	s22 =	simm.s32 $0x0;
	s19 =	rddreg [dreg:$0xf];
	[tilespmem:s18+$0x10] =	vst v0  }
0x4dd: {  	[hbm4b:s19+s22] =	stream.linear.scatter [tilespmem:s26], [sflag:$0xD], $0x2000, $0x38;
	[tilespmem:$0x1DC80] =	vst v63  }
0x4de: {  	_ =	swait.ge [sflag:s28], $0x2000  }
0x4df: {  	s19 =	sld [smem:$0x7F4]  }
0x4e0: {  	[sflag:s28] =	ssyncset.done $0x0  }
0x4e1: {  	s22 =	simm.s32 $0x6C80;
	[sflag:s28] =	ssyncadd.s32 $0xFFFFE000  }
0x4e2: {  	[tilespmem:s22], [sflag:$0xD] =	stream.linear.gather [spmem:s19], $0x800, $0x38;
	[tilespmem:$0x1DC80] =	vst v63  }
0x4e3: {  	_ =	swait.ge [sflag:s28], $0x800  }
0x4e4: {  	s19 =	sld [smem:$0x7F6]  }
0x4e5: {  	[sflag:s28] =	ssyncset.done $0x0  }
0x4e6: {  	[sflag:s28] =	ssyncadd.s32 $0xFFFFF800  }
0x4e7: {  	[tilespmem:s26], [sflag:$0xD] =	stream.linear.gather [spmem:s19], $0x2000, $0x38;
	[tilespmem:$0x1DC80] =	vst v63  }
0x4e8: {  	_ =	swait.ge [sflag:s28], $0x2000  }
0x4e9: {  	[sflag:s28] =	ssyncset.done $0x0  }
0x4ea: {  	s22 =	simm.s32 $0x0;
	[sflag:s28] =	ssyncadd.s32 $0xFFFFE000  }
0x4eb: {  	v55 =	vld [tilespmem:s22+$0x6C80];
	_ =	sdelay $0x4  }
0x4ec: {  	v0 =	vadd.f32 $1.000000000e+00, v55;
	_ =	sdelay $0x1  }
0x4ed: {  	v56 =	vshrl.u32 v0, $0x1;
	v0 =	vmul.f32 $5.000000000e-01, v0  }
0x4ee: {  	v1 =	vsub.s32 $0x5F3759DF, v56  }
0x4ef: {  	v57 =	vmul.f32 v1, v0;
	_ =	sdelay $0x1  }
0x4f0: {  	v2 =	vmul.f32 v1, v57;
	_ =	sdelay $0x1  }
0x4f1: {  	v2 =	vsub.f32 $1.500000000e+00, v2;
	_ =	sdelay $0x1  }
0x4f2: {  	v1 =	vmul.f32 v1, v2;
	_ =	sdelay $0x1  }
0x4f3: {  	v2 =	vmul.f32 v1, v0;
	_ =	sdelay $0x1  }
0x4f4: {  	v2 =	vmul.f32 v2, v1;
	_ =	sdelay $0x1  }
0x4f5: {  	v2 =	vsub.f32 $1.500000000e+00, v2;
	_ =	sdelay $0x1  }
0x4f6: {  	v1 =	vmul.f32 v2, v1;
	_ =	sdelay $0x1  }
0x4f7: {  	v0 =	vmul.f32 v1, v0;
	_ =	sdelay $0x1  }
0x4f8: {  	s18 =	simm.s32 $0x4A0;
	v0 =	vmul.f32 v0, v1  }
0x4f9: {  	v58 =	vld [tilespmem:s18+$0xFFFFFFE0]  }
0x4fa: {  	v59 =	vld [tilespmem:s18+$0xFFFFFFF0];
	v0 =	vsub.f32 $1.500000000e+00, v0  }
0x4fb: {  	v60 =	vld [tilespmem:s18+$0x0]  }
0x4fc: {  	v61 =	vld [tilespmem:s18+$0x10];
	v0 =	vmul.f32 v0, v1;
	_ =	sdelay $0x1  }
0x4fd: {  	v1 =	vmul.f32 v0, v58  }
0x4fe: {  	v62 =	vmul.f32 v0, v59  }
0x4ff: {  	v63 =	vmul.f32 v0, v60;
	[tilespmem:s18+$0xFFFFFFE0] =	vst v1  }
0x500: {  	v0 =	vmul.f32 v0, v61;
	[tilespmem:s18+$0xFFFFFFF0] =	vst v62  }
0x501: {  	[tilespmem:s18+$0x0] =	vst v63  }
0x502: {  	s19 =	simm.s32 $0x80;
	s22 =	simm.s32 $0x10;
	[tilespmem:s18+$0x10] =	vst v0  }
.LBB2_24:
0x503: {  	p0 =	sne.s32 s19, $0x1FC0;
	v0 =	vld [tilespmem:s22+$0x6C80];
	_ =	sdelay $0x4  }
0x504: {  	v0 =	vadd.f32 $1.000000000e+00, v0;
	_ =	sdelay $0x1  }
0x505: {  	v1 =	vshrl.u32 v0, $0x1;
	v0 =	vmul.f32 $5.000000000e-01, v0  }
0x506: {  	v1 =	vsub.s32 $0x5F3759DF, v1  }
0x507: {  	v2 =	vmul.f32 v1, v0;
	_ =	sdelay $0x1  }
0x508: {  	v2 =	vmul.f32 v1, v2;
	_ =	sdelay $0x1  }
0x509: {  	v2 =	vsub.f32 $1.500000000e+00, v2;
	_ =	sdelay $0x1  }
0x50a: {  	v1 =	vmul.f32 v1, v2;
	_ =	sdelay $0x1  }
0x50b: {  	v2 =	vmul.f32 v1, v0;
	_ =	sdelay $0x1  }
0x50c: {  	v2 =	vmul.f32 v2, v1;
	_ =	sdelay $0x1  }
0x50d: {  	v2 =	vsub.f32 $1.500000000e+00, v2;
	_ =	sdelay $0x1  }
0x50e: {  	v1 =	vmul.f32 v2, v1;
	_ =	sdelay $0x1  }
0x50f: {  	s18 =	sadd.s32 $0x40, s18;
	v0 =	vmul.f32 v1, v0  }
0x510: {  	v2 =	vld [tilespmem:s18+$0xFFFFFFF0]  }
0x511: {  	v0 =	vmul.f32 v0, v1;
	v3 =	vld [tilespmem:s18+$0x10]  }
0x512: {  	v4 =	vld [tilespmem:s18+$0xFFFFFFE0]  }
0x513: {  	v0 =	vsub.f32 $1.500000000e+00, v0;
	v5 =	vld [tilespmem:s18+$0x0];
	_ =	sdelay $0x1  }
0x514: {  	v0 =	vmul.f32 v0, v1;
	_ =	sdelay $0x1  }
0x515: {  	v1 =	vmul.f32 v0, v4;
	v2 =	vmul.f32 v0, v2  }
.Ltmp11:
0x516: {  	v4 =	vmul.f32 v0, v5;
	v0 =	vmul.f32 v0, v3;
	(pc) =	sbr.rel @p0 .LBB2_24-.Ltmp11, $4  }
0x517: {  	[tilespmem:s18+$0xFFFFFFE0] =	vst v1  }
0x518: {  	[tilespmem:s18+$0xFFFFFFF0] =	vst v2  }
0x519: {  	[tilespmem:s18+$0x0] =	vst v4  }
0x51a: {  	s22 =	sshra.s32 s19, $0x2;
	s19 =	sadd.s32 $0x40, s19;
	[tilespmem:s18+$0x10] =	vst v0  }
0x51b: {  	v0 =	vld [tilespmem:s22+$0x6C80];
	_ =	sdelay $0x4  }
0x51c: {  	v0 =	vadd.f32 $1.000000000e+00, v0;
	_ =	sdelay $0x1  }
0x51d: {  	v1 =	vshrl.u32 v0, $0x1;
	v0 =	vmul.f32 $5.000000000e-01, v0  }
0x51e: {  	v1 =	vsub.s32 $0x5F3759DF, v1  }
0x51f: {  	v2 =	vmul.f32 v1, v0;
	_ =	sdelay $0x1  }
0x520: {  	v2 =	vmul.f32 v1, v2;
	_ =	sdelay $0x1  }
0x521: {  	v2 =	vsub.f32 $1.500000000e+00, v2;
	_ =	sdelay $0x1  }
0x522: {  	v1 =	vmul.f32 v1, v2;
	_ =	sdelay $0x1  }
0x523: {  	v2 =	vmul.f32 v1, v0;
	_ =	sdelay $0x1  }
0x524: {  	v2 =	vmul.f32 v2, v1;
	_ =	sdelay $0x1  }
0x525: {  	v2 =	vsub.f32 $1.500000000e+00, v2;
	_ =	sdelay $0x1  }
0x526: {  	v1 =	vmul.f32 v2, v1;
	_ =	sdelay $0x1  }
0x527: {  	v0 =	vmul.f32 v1, v0;
	_ =	sdelay $0x1  }
0x528: {  	s18 =	sadd.s32 $0x40, s18;
	v0 =	vmul.f32 v0, v1  }
0x529: {  	v61 =	vld [tilespmem:s18+$0xFFFFFFE0]  }
0x52a: {  	v3 =	vld [tilespmem:s18+$0xFFFFFFF0];
	v0 =	vsub.f32 $1.500000000e+00, v0  }
0x52b: {  	v4 =	vld [tilespmem:s18+$0x0]  }
0x52c: {  	v5 =	vld [tilespmem:s18+$0x10];
	v0 =	vmul.f32 v0, v1;
	_ =	sdelay $0x1  }
0x52d: {  	v1 =	vmul.f32 v0, v61  }
0x52e: {  	v62 =	vmul.f32 v0, v3  }
0x52f: {  	v63 =	vmul.f32 v0, v4;
	[tilespmem:s18+$0xFFFFFFE0] =	vst v1  }
0x530: {  	v0 =	vmul.f32 v0, v5;
	[tilespmem:s18+$0xFFFFFFF0] =	vst v62  }
0x531: {  	[tilespmem:s18+$0x0] =	vst v63  }
0x532: {  	s19 =	rddreg [dreg:$0x10];
	[tilespmem:s18+$0x10] =	vst v0  }
0x533: {  	[hbm4b:s19+s6] =	stream.linear.scatter [tilespmem:s26], [sflag:$0xD], $0x2000, $0x38;
	[tilespmem:$0x1DC80] =	vst v63  }
0x534: {  	_ =	swait.ge [sflag:s28], $0x2000  }
0x535: {  	s22 =	sld [smem:$0x7F7];
	_ =	sdelay $0x1  }
0x536: {  	s0 =	sadd.s32 $0x1, s0  }
0x537: {  	p0 =	sne.s32 s0, s22  }
.Ltmp12:
0x538: {  	_ = 	snop;
	(pc) =	sbr.rel @p0 .LBB2_1-.Ltmp12, $3  }
0x539: {  	_ =	sdelay $0x1  }
0x53a: {  	[sflag:s28] =	ssyncset.done $0x0  }
0x53b: {  	[sflag:s28] =	ssyncadd.s32 $0xFFFFE000  }
0x53c: {  	_ =	sfence.sel $0x180000  }
0x53d: {  	[bflag:$0x0] =	sbarrier.arrive $0xFFFF  }
0x53e: {  	_ =	strace $0x90000047  }
0x53f: {  	s0 =	stileid.u32;
	[bflag:$0x2] =	sbarrier.arrive $0xFFFF  }
0x540: {  	p0 =	sne.s32 s0, $0x0;
	s0 =	rddreg [dreg:$0x5]  }
0x541: {  	s0 =	sadd.s32 @!p0 $0x100000, s0  }
0x542: {  	[sflag:s0] =	ssyncadd.tile.s32 @!p0 $0x1;
	_ =	shalt  }
.Lfunc_end2:
_tile_overlayer_lowered:
.L_overlay_start_2:
0x543: {  	(tag) =	ssettag $0x2  }
0x544: {  	s0 =	rddreg [dreg:$0x0];
	s2 =	stileid.u32  }
0x545: {  	s1 =	rddreg [dreg:$0x1];
	p0 =	sne.s32 s2, $0x0  }
0x546: {  	s3 =	rddreg [dreg:$0x2];
	[bflag:$0x3] =	sbarrier.arrive $0xFFFF;
	s2 =	simm.s32 @!p0 $0x1C0D  }
0x547: {  	[timem:s3], [sflag:s2] =	dma.local @!p0 [hbm:s0], s1  }
0x548: {  	s0 =	simm.s32 @!p0 $0xD  }
0x549: {  	_ =	swait.ge @!p0 [sflag:s0], s1  }
0x54a: {  	s1 =	ssub.s32 @!p0 $0x0, s1;
	[sflag:s0] =	ssyncset.done @!p0 $0x0  }
0x54b: {  	[sflag:s0] =	ssyncadd.s32 @!p0 s1  }
0x54c: {  	[bflag:$0x3] =	sbarrier.arrive $0xFFFF  }
0x54d: {  	_ =	shalt  }

// kernel: kernel.8.cloned.1.call-start
scs
__scs_entry_jumppad:
0x0: {  	(pc) =	sbr.rel $0x88, $3  }
0x1: {  	(tag) =	ssettag $0x0;
	lr =	simm.s32 $0x1  }
0x2: {  	[smem:$0x3F9B] =	sst lr;
	_ =	strace $0xD0000000  }
0x3: {  	_ = 	snop  }
0x4: {  	_ = 	snop  }
0x5: {  	_ = 	snop  }
0x6: {  	_ = 	snop  }
0x7: {  	_ = 	snop  }
__scs_overlays_trampoline_lowered:
0x8: {  	[smem:$0x3FAA] =	sst s0  }
0x9: {  	[smem:$0x3FAB] =	sst s1  }
0xa: {  	[smem:$0x3FAC] =	sst s2  }
0xb: {  	[smem:$0x3FAD] =	sst s3  }
0xc: {  	[smem:$0x3FAE] =	sst s4  }
0xd: {  	[smem:$0x3FAF] =	sst s5  }
0xe: {  	[smem:$0x3FB0] =	sst s6  }
0xf: {  	[smem:$0x3FB1] =	sst s7  }
0x10: {  	[smem:$0x3FB2] =	sst s8  }
0x11: {  	[smem:$0x3FB3] =	sst s9;
	s0 =	simm.s32 @!p0 $0x0  }
0x12: {  	s1 =	sld [smem:$0x3F99];
	s0 =	simm.s32 @p0 $0x1  }
0x13: {  	[smem:$0x3FB4] =	sst s0;
	s0 =	simm.s32 @!p1 $0x0  }
0x14: {  	s2 =	sld [smem:$0x3F98];
	s0 =	simm.s32 @p1 $0x1  }
0x15: {  	[smem:$0x3FB5] =	sst s0;
	s0 =	simm.s32 @!p2 $0x0  }
0x16: {  	s3 =	sld [smem:$0x3FDB];
	s0 =	simm.s32 @p2 $0x1  }
0x17: {  	s4 =	simm.s32 $0x1BF5;
	[smem:$0x3FB7] =	sst s0  }
0x18: {  	s0 =	sld [smem:$0x3F9A];
	_ =	swait.ge [sflag:s4], $0x0  }
0x19: {  	s7 =	sld [smem:$0x3F9B]  }
0x1a: {  	s8 =	sadd.s32 $0xFFFFE003, lr  }
0x1b: {  	s9 =	sadd.s32 $0xFFFFFEF7, lr;
	s5 =	simm.s32 $0xFFFFFFFF;
	p2 =	slt.u32 s8, $0xFFFFF086  }
0x1c: {  	p1 =	slt.u32 s9, $0xF7A;
	s5 =	simm.s32 @!p2 $0x0  }
0x1d: {  	s5 =	simm.s32 @p1 $0x1;
	p0 =	seq.s32 s7, s2  }
0x1e: {  	s7 =	smul.u32 @!p0 $0xF7A, s2;
	p2 =	seq.s32 @!p0 s5, $0x0  }
0x1f: {  	s9 =	smul.u32 $0xF7A, s1;
	s8 =	simm.s32 @!p0 $0x1BF5;
	p2 =	por !p2, p0  }
0x20: {  	[sflag:s8] =	ssyncset.s32 @!p0 $0xFFFFF086;
	s6 =	sadd.s32 @!p0 s3, s7;
	s7 =	simm.s32 @!p0 $0x108  }
0x21: {  	s3 =	sadd.s32 s3, s9;
	s6 =	sadd.s32 @!p0 $0x88, s6;
	s7 =	simm.s32 @p2 $0x1082  }
0x22: {  	[simem:s7], [sflag:s8] =	dma.local @!p0 [hbm:s6], $0xF7A  }
0x23: {  	s9 =	sor.u32 $0xD0000000, s2;
	s6 =	simm.s32 $0x108;
	_ =	swait.ge @!p0 [sflag:s8], $0x0  }
0x24: {  	s3 =	sadd.s32 $0x88, s3;
	s6 =	simm.s32 @!p1 $0x1082;
	[sflag:s4] =	ssyncset.s32 $0xFFFFF086  }
0x25: {  	[simem:s6], [sflag:s4] =	dma.local [hbm:s3], $0xF7A  }
0x26: {  	[smem:$0x3F9B] =	sst s1;
	(tag) =	ssettag s2;
	_ =	strace s9  }
0x27: {  	s1 =	sld [smem:$0x3FAB]  }
0x28: {  	s2 =	sld [smem:$0x3FAC]  }
0x29: {  	s4 =	sld [smem:$0x3FAE]  }
0x2a: {  	p0 =	seq.s32 s5, $0x0;
	s5 =	sld [smem:$0x3FAF]  }
0x2b: {  	s6 =	sld [smem:$0x3FB0]  }
0x2c: {  	s7 =	sld [smem:$0x3FB1]  }
0x2d: {  	s3 =	simm.s32 $0x108;
	s8 =	sld [smem:$0x3FB2]  }
0x2e: {  	s3 =	simm.s32 @!p0 $0x1082;
	s9 =	sld [smem:$0x3FB3]  }
0x2f: {  	lr =	sadd.s32 s0, s3;
	s0 =	sld [smem:$0x3FAA]  }
0x30: {  	s3 =	sld [smem:$0x3FAD]  }
0x31: {  	[smem:$0x3FB6] =	sst s10  }
0x32: {  	s10 =	sld [smem:$0x3FB4];
	_ =	sdelay $0x3  }
0x33: {  	p0 =	seq.s32 s10, $0x1;
	s10 =	sld [smem:$0x3FB6];
	_ =	sdelay $0x3  }
0x34: {  	[smem:$0x3FB6] =	sst s10  }
0x35: {  	s10 =	sld [smem:$0x3FB5];
	_ =	sdelay $0x3  }
0x36: {  	p1 =	seq.s32 s10, $0x1;
	s10 =	sld [smem:$0x3FB6];
	_ =	sdelay $0x3  }
0x37: {  	[smem:$0x3FB6] =	sst s10  }
0x38: {  	s10 =	sld [smem:$0x3FB7]  }
0x39: {  	_ = 	snop;
	(pc) =	sbr.ind lr, $3  }
0x3a: {  	_ = 	snop  }
0x3b: {  	_ = 	snop  }
0x3c: {  	p2 =	seq.s32 s10, $0x1;
	s10 =	sld [smem:$0x3FB6]  }
0x3d: {  	_ =	shalt  }
0x3e: {  	_ =	shalt  }
0x3f: {  	_ =	shalt  }
0x40: {  	_ =	shalt  }
0x41: {  	_ =	shalt  }
0x42: {  	_ =	shalt  }
0x43: {  	_ =	shalt  }
0x44: {  	_ =	shalt  }
0x45: {  	_ =	shalt  }
0x46: {  	_ =	shalt  }
0x47: {  	_ =	shalt  }
0x48: {  	_ =	shalt  }
0x49: {  	_ =	shalt  }
0x4a: {  	_ =	shalt  }
0x4b: {  	_ =	shalt  }
0x4c: {  	_ =	shalt  }
0x4d: {  	_ =	shalt  }
0x4e: {  	_ =	shalt  }
0x4f: {  	_ =	shalt  }
0x50: {  	_ =	shalt  }
0x51: {  	_ =	shalt  }
0x52: {  	_ =	shalt  }
0x53: {  	_ =	shalt  }
0x54: {  	_ =	shalt  }
0x55: {  	_ =	shalt  }
0x56: {  	_ =	shalt  }
0x57: {  	_ =	shalt  }
0x58: {  	_ =	shalt  }
0x59: {  	_ =	shalt  }
0x5a: {  	_ =	shalt  }
0x5b: {  	_ =	shalt  }
0x5c: {  	_ =	shalt  }
0x5d: {  	_ =	shalt  }
0x5e: {  	_ =	shalt  }
0x5f: {  	_ =	shalt  }
0x60: {  	_ =	shalt  }
0x61: {  	_ =	shalt  }
0x62: {  	_ =	shalt  }
0x63: {  	_ =	shalt  }
0x64: {  	_ =	shalt  }
0x65: {  	_ =	shalt  }
0x66: {  	_ =	shalt  }
0x67: {  	_ =	shalt  }
0x68: {  	_ =	shalt  }
0x69: {  	_ =	shalt  }
0x6a: {  	_ =	shalt  }
0x6b: {  	_ =	shalt  }
0x6c: {  	_ =	shalt  }
0x6d: {  	_ =	shalt  }
0x6e: {  	_ =	shalt  }
0x6f: {  	_ =	shalt  }
0x70: {  	_ =	shalt  }
0x71: {  	_ =	shalt  }
0x72: {  	_ =	shalt  }
0x73: {  	_ =	shalt  }
0x74: {  	_ =	shalt  }
0x75: {  	_ =	shalt  }
0x76: {  	_ =	shalt  }
0x77: {  	_ =	shalt  }
0x78: {  	_ =	shalt  }
0x79: {  	_ =	shalt  }
0x7a: {  	_ =	shalt  }
0x7b: {  	_ =	shalt  }
0x7c: {  	_ =	shalt  }
0x7d: {  	_ =	shalt  }
0x7e: {  	_ =	shalt  }
0x7f: {  	_ =	shalt  }
0x80: {  	_ =	shalt  }
0x81: {  	_ =	shalt  }
0x82: {  	_ =	shalt  }
0x83: {  	_ =	shalt  }
0x84: {  	_ =	shalt  }
0x85: {  	_ =	shalt  }
0x86: {  	_ =	shalt  }
0x87: {  	_ =	shalt  }
.Lfunc_end0:
.L_simem_size_0:
called_computation.1_lowered:
.L_overlay_start_0:
0x88: {  	s2 =	sld [smem:$0x3FD9]  }
0x89: {  	s3 =	sld [smem:$0x3FFE];
	_ =	sdelay $0x1  }
0x8a: {  	s1 =	srdreg.scid  }
0x8b: {  	s0 =	sand.u32 $0x1, s1  }
0x8c: {  	s17 =	sshll.u32 s0, $0xA;
	s2 =	sadd.s32 s3, s2  }
0x8d: {  	s2 =	sadd.s32 s2, s17  }
0x8e: {  	[smem:$0x3FC2] =	sst s2  }
0x8f: {  	_ = 	snop  }
0x90: {  	s2 =	sld [smem:$0x3FD0];
	(tm) =	ssettm $0x1  }
0x91: {  	s18 =	sld [smem:$0x3FFB];
	_ =	sdelay $0x3  }
0x92: {  	_ =	strace s18  }
0x93: {  	s3 =	sld [smem:$0x3FFC];
	_ =	sdelay $0x3  }
0x94: {  	_ =	strace s3  }
0x95: {  	s3 =	sld [smem:$0x3FFD];
	_ =	sdelay $0x3  }
0x96: {  	_ =	strace s3  }
0x97: {  	_ =	strace $0x8FFFFFFF  }
0x98: {  	s19 =	sld [smem:$0x3FDB];
	_ =	sdelay $0x1  }
0x99: {  	s4 =	simm.s32 $_scs_section_size  }
0x9a: {  	s5 =	simm.s32 $_size__tile_overlayer_lowered;
	s6 =	simm.s32 $_tile_overlayer_lowered  }
0x9b: {  	s22 =	simm.s32 $0x1BFF;
	s21 =	sshll.u32 s6, $0x1;
	s3 =	sadd.s32 s4, s19  }
0x9c: {  	s7 =	simm.s32 $0x0;
	s20 =	sshll.u32 s5, $0x1;
	s5 =	sadd.s32 s21, s3  }
0x9d: {  	[timem:s7], [sflag:s22] =	dma.local [hbm:s5], s20  }
0x9e: {  	_ =	swait.ge [sflag:s22], s20  }
0x9f: {  	s4 =	ssub.s32 $0x0, s20;
	[sflag:s22] =	ssyncset.done $0x0  }
0xa0: {  	[sflag:s22] =	ssyncadd.s32 s4;
	_ =	sdelay $0x1  }
0xa1: {  	s23 =	simm.s32 $0x1B8B  }
0xa2: {  	_ =	swait.ge [sflag:s23], $0x1  }
0xa3: {  	[sflag:s23] =	ssyncset.done $0x0  }
0xa4: {  	s25 =	simm.s32 $0x1B8E;
	s24 =	sld [smem:$0x3FFE];
	[sflag:s23] =	ssyncadd.s32 $0xFFFFFFFF  }
0xa5: {  	s26 =	simm.s32 $execute0_lowered;
	[smem:$0x3FD2] =	sst s25  }
0xa6: {  	s5 =	sshll.u32 s26, $0x1;
	_ =	strace $0x80000049;
	[dreg:$0x1] =	wrdreg $0xFFFFFFFF  }
0xa7: {  	s28 =	simm.s32 $_size_execute0_lowered;
	s3 =	sadd.s32 s3, s5;
	[dreg:$0x0] =	wrdreg $0x0  }
0xa8: {  	s5 =	sshll.u32 s28, $0x1;
	[dreg:$0x2] =	wrdreg s3  }
0xa9: {  	[dreg:$0x3] =	wrdreg s5  }
0xaa: {  	[dreg:$0x4] =	wrdreg $0xC0  }
0xab: {  	_ =	task [dreg:s7], $0x5FFFF  }
0xac: {  	[dreg:$0x1] =	wrdreg $0xFFFFFFFF  }
0xad: {  	[dreg:$0x0] =	wrdreg $0x60  }
0xae: {  	[dreg:$0x2] =	wrdreg s24  }
0xaf: {  	[dreg:$0x3] =	wrdreg s2  }
0xb0: {  	[dreg:$0x4] =	wrdreg $0xD2800  }
0xb1: {  	[dreg:$0x5] =	wrdreg $0x82800  }
0xb2: {  	[dreg:$0x6] =	wrdreg $0x9  }
0xb3: {  	_ =	task.clear_ibuf [dreg:s7], $0x7FFFF;
	_ =	strace $0x90000049  }
0xb4: {  	s29 =	simm.s32 $0x9;
	_ =	strace $0x8000004B  }
0xb5: {  	_ =	swait.ge [sflag:s29], $0x1  }
0xb6: {  	[sflag:s29] =	ssyncadd.s32 $0xFFFFFFFF  }
0xb7: {  	_ =	strace $0x9000004B  }
0xb8: {  	_ =	sfence  }
0xb9: {  	s30 =	sld [smem:$0x0];
	_ =	sdelay $0x2  }
0xba: {  	s31 =	sshll.u32 s1, $0xD;
	s1 =	sshrl.u32 s1, $0x2  }
0xbb: {  	s3 =	sand.u32 $0x4000, s31;
	s1 =	sadd.s32 s1, s30  }
0xbc: {  	s0 =	sor.u32 s3, s0;
	s1 =	sshll.u32 s1, $0x11  }
0xbd: {  	s0 =	sor.u32 s1, s0  }
0xbe: {  	s0 =	sadd.s32 $0x8F2B, s0  }
0xbf: {  	[sflag:s0] =	ssyncadd.remote.s32 $0x1  }
0xc0: {  	_ =	sfence.sel $0xFFFF  }
0xc1: {  	[dreg:$0x0] =	wrdreg $0xFFFFFFFF;
	(pc) =	sbr.abs _section_cstart, $3  }
0xc2: {  	[dreg:$0x1] =	wrdreg $0xFFFFFFFF  }
0xc3: {  	_ =	task.clear_ibuf [dreg:s7], $0x2FFFF;
	_ =	strace $0x9FFFFFFF  }
0xc4: {  	(tm) =	ssettm $0x7FFFFFFF  }
0xc5: {  	_ =	shalt  }
tec
execute0_lowered:
.L_overlay_start_1:
0x0: {  	(tag) =	ssettag $0x1  }
0x1: {  	s0 =	rddreg [dreg:$0x0]  }
0x2: {  	s1 =	rddreg [dreg:$0x1];
	s3 =	srdreg.scid  }
0x3: {  	s16 =	stileid.u32;
	s2 =	rddreg [dreg:$0x2]  }
0x4: {  	s4 =	simm.s32 $0x0;
	s28 =	simm.s32 $0x4;
	s7 =	smul.u32 $0x5000, s16  }
0x5: {  	s29 =	simm.s32 $0x1;
	s30 =	simm.s32 $0x5;
	s8 =	smul.u32 $0x5100, s16  }
0x6: {  	s5 =	sand.u32 $0x1, s3;
	s3 =	rddreg [dreg:$0x3];
	s20 =	smul.u32 $0x9C40, s16  }
0x7: {  	s31 =	simm.s32 $0x2;
	[smem:$0x7FF] =	sst s4;
	s23 =	smul.u32 $0x13880, s16  }
0x8: {  	s14 =	sadd.s32 $0xA00, s0;
	s18 =	sshll.u32 s16, $0x6;
	s24 =	smul.u32 $0xA20, s16  }
0x9: {  	s16 =	simm.s32 $0x7;
	s6 =	smul.u32 $0x50000, s5;
	_ =	strace $0x8000004A  }
0xa: {  	s9 =	smul.u32 $0xA00, s5;
	s10 =	ssub.s32 $0x2, s5;
	s5 =	sshll.u32 s5, $0x5  }
0xb: {  	s8 =	sshrl.u32 s8, $0x3;
	s17 =	sshrl.u32 s10, $0x1;
	s15 =	sadd.s32 s7, s2  }
0xc: {  	s19 =	sadd.s32 s7, s3;
	s5 =	sor.u32 s5, s20;
	s25 =	sshrl.u32 s23, $0x2  }
0xd: {  	s26 =	sadd.s32 s24, s14;
	s20 =	simm.s32 $0x5280;
	s23 =	simm.s32 $0x5200  }
0xe: {  	s24 =	simm.s32 $0x0;
	s6 =	sadd.s32 s7, s6;
	s12 =	sadd.s32 s8, s0  }
0xf: {  	s13 =	ssub.s32 s10, s17;
	s5 =	sshrl.u32 s5, $0x3;
	s15 =	sshrl.u32 s15, $0x3  }
0x10: {  	s17 =	sshrl.u32 s19, $0x3;
	s19 =	simm.s32 $0x80;
	s6 =	sshrl.u32 s6, $0x3  }
0x11: {  	s22 =	sadd.s32 $0xAC00, s12;
	s12 =	sadd.s32 s1, s5;
	s1 =	sadd.s32 s25, s2  }
0x12: {  	s13 =	smax.u32 s13, $0x1;
	s11 =	sadd.s32 s6, s0;
	s0 =	sadd.s32 s9, s0  }
0x13: {  	s6 =	sor.u32 $0x1C07, s18;
	[dreg:$0x7] =	wrdreg s22;
	s9 =	sadd.s32 s14, s8  }
0x14: {  	s14 =	sadd.s32 $0x50, s26;
	s18 =	simm.s32 $0x5100;
	s22 =	simm.s32 $0x6280  }
0x15: {  	s25 =	sshrl.u32 s1, $0x3;
	s26 =	simm.s32 $0x7280;
	s0 =	sadd.s32 $0x65000, s0  }
0x16: {  	s1 =	simm.s32 $0x6;
	s21 =	sadd.s32 $0x14E00, s11;
	[dreg:$0x5] =	wrdreg s0  }
0x17: {  	s8 =	sadd.s32 $0x10, s9;
	s11 =	sadd.s32 $0x20, s9;
	[dreg:$0x6] =	wrdreg s21  }
0x18: {  	[dreg:$0x8] =	wrdreg s8;
	s21 =	simm.s32 $0x5180;
	s0 =	simm.s32 $0x3  }
.LBB2_1:
0x19: {  	s5 =	rddreg [dreg:$0x5]  }
0x1a: {  	[spmem:s15], [sflag:s6] =	dma.local [hbm:s5], $0xA00  }
0x1b: {  	_ =	swait.ge [sflag:s16], $0xA00  }
0x1c: {  	[sflag:s16] =	ssyncset.done $0x0  }
0x1d: {  	s8 =	rddreg [dreg:$0x6];
	[sflag:s16] =	ssyncadd.s32 $0xFFFFF600  }
0x1e: {  	[spmem:s17], [sflag:s6] =	dma.local [hbm:s8], $0xA00  }
0x1f: {  	_ =	swait.ge [sflag:s16], $0xA00  }
0x20: {  	[sflag:s16] =	ssyncset.done $0x0  }
0x21: {  	s10 =	rddreg [dreg:$0x7];
	[sflag:s16] =	ssyncadd.s32 $0xFFFFF600  }
0x22: {  	[tilespmem:s4], [sflag:$0x7] =	stream.linear.gather [hbm4b:s10+s4], $0x5100, $0x38;
	[tilespmem:$0x12280] =	vst v63  }
0x23: {  	_ =	swait.ge [sflag:s16], $0x5100  }
0x24: {  	[sflag:s16] =	ssyncset.done $0x0  }
0x25: {  	[sflag:s16] =	ssyncadd.s32 $0xFFFFAF00  }
0x26: {  	[bflag:$0x0] =	sbarrier.arrive $0xFFFF  }
0x27: {  	[tilespmem:s18], [sflag:$0x4] =	stream.linear.gather [hbm4b:s9+s4], $0x80, $0x38;
	[tilespmem:$0x12280] =	vst v63  }
0x28: {  	_ = 	snop  }
0x29: {  	[tilespmem:s20], [sflag:$0x1] =	stream.indirect.gather [spmem:s3], $0x20, s4, s19, $0xb8;
	[tilespmem:$0x12280] =	vst v63  }
0x2a: {  	s7 =	rddreg [dreg:$0x8]  }
0x2b: {  	[tilespmem:s21], [sflag:$0x5] =	stream.linear.gather [hbm4b:s7+s4], $0x80, $0x38;
	[tilespmem:$0x12280] =	vst v63  }
0x2c: {  	_ = 	snop  }
0x2d: {  	[tilespmem:s22], [sflag:$0x2] =	stream.indirect.gather [spmem:s3], $0x20, s19, s19, $0xb8;
	[tilespmem:$0x12280] =	vst v63  }
0x2e: {  	_ = 	snop  }
0x2f: {  	[tilespmem:s23], [sflag:$0x6] =	stream.linear.gather [hbm4b:s11+s4], $0x80, $0x38;
	[tilespmem:$0x12280] =	vst v63  }
0x30: {  	s8 =	simm.s32 $0x100  }
0x31: {  	[tilespmem:s26], [sflag:$0x3] =	stream.indirect.gather [spmem:s3], $0x20, s8, s19, $0xb8;
	[tilespmem:$0x12280] =	vst v63  }
0x32: {  	_ =	swait.ge [sflag:s28], $0x80  }
0x33: {  	[sflag:s28] =	ssyncset.done $0x0  }
0x34: {  	[sflag:s28] =	ssyncadd.s32 $0xFFFFFF80  }
0x35: {  	_ =	swait.ge [sflag:s29], $0x1000  }
0x36: {  	[sflag:s29] =	ssyncset.done $0x0  }
0x37: {  	[sflag:s29] =	ssyncadd.s32 $0xFFFFF000  }
0x38: {  	[spmem:s2] =	stream.indirect.scatter.add.f32 [tilespmem:s20], [sflag:$0x7], $0x20, s18, s19, $0xb8;
	[tilespmem:$0x12280] =	vst v63  }
0x39: {  	_ =	swait.ge [sflag:s16], $0x1000  }
0x3a: {  	[sflag:s16] =	ssyncset.done $0x0  }
0x3b: {  	s10 =	sadd.s32 $0xFFFFFFE0, s14;
	[sflag:s16] =	ssyncadd.s32 $0xFFFFF000  }
0x3c: {  	[tilespmem:s18], [sflag:$0x4] =	stream.linear.gather [hbm4b:s10+s4], $0x80, $0x38;
	[tilespmem:$0x12280] =	vst v63  }
0x3d: {  	s7 =	simm.s32 $0x180  }
0x3e: {  	[tilespmem:s20], [sflag:$0x1] =	stream.indirect.gather [spmem:s3], $0x20, s7, s19, $0xb8;
	[tilespmem:$0x12280] =	vst v63  }
0x3f: {  	_ =	swait.ge [sflag:s30], $0x80  }
0x40: {  	[sflag:s30] =	ssyncset.done $0x0  }
0x41: {  	[sflag:s30] =	ssyncadd.s32 $0xFFFFFF80  }
0x42: {  	_ =	swait.ge [sflag:s31], $0x1000  }
0x43: {  	[sflag:s31] =	ssyncset.done $0x0  }
0x44: {  	[sflag:s31] =	ssyncadd.s32 $0xFFFFF000  }
0x45: {  	[spmem:s2] =	stream.indirect.scatter.add.f32 [tilespmem:s22], [sflag:$0x7], $0x20, s21, s19, $0xb8;
	[tilespmem:$0x12280] =	vst v63  }
0x46: {  	_ =	swait.ge [sflag:s16], $0x1000  }
0x47: {  	[sflag:s16] =	ssyncset.done $0x0  }
0x48: {  	s8 =	sadd.s32 $0xFFFFFFF0, s14;
	[sflag:s16] =	ssyncadd.s32 $0xFFFFF000  }
0x49: {  	[tilespmem:s21], [sflag:$0x5] =	stream.linear.gather [hbm4b:s8+s4], $0x80, $0x38;
	[tilespmem:$0x12280] =	vst v63  }
0x4a: {  	s10 =	simm.s32 $0x200  }
0x4b: {  	[tilespmem:s22], [sflag:$0x2] =	stream.indirect.gather [spmem:s3], $0x20, s10, s19, $0xb8;
	[tilespmem:$0x12280] =	vst v63  }
0x4c: {  	_ =	swait.ge [sflag:s1], $0x80  }
0x4d: {  	[sflag:s1] =	ssyncset.done $0x0  }
0x4e: {  	[sflag:s1] =	ssyncadd.s32 $0xFFFFFF80  }
0x4f: {  	_ =	swait.ge [sflag:s0], $0x1000  }
0x50: {  	[sflag:s0] =	ssyncset.done $0x0  }
0x51: {  	[sflag:s0] =	ssyncadd.s32 $0xFFFFF000  }
0x52: {  	[spmem:s2] =	stream.indirect.scatter.add.f32 [tilespmem:s26], [sflag:$0x7], $0x20, s23, s19, $0xb8;
	[tilespmem:$0x12280] =	vst v63  }
0x53: {  	_ =	swait.ge [sflag:s16], $0x1000  }
0x54: {  	s5 =	simm.s32 $0x600;
	[sflag:s16] =	ssyncset.done $0x0  }
0x55: {  	s7 =	sadd.s32 $0x30, s14;
	s8 =	simm.s32 $0x280;
	[sflag:s16] =	ssyncadd.s32 $0xFFFFF000  }
0x56: {  	[tilespmem:s23], [sflag:$0x6] =	stream.linear.gather [hbm4b:s14+s4], $0x80, $0x38;
	[tilespmem:$0x12280] =	vst v63  }
.LBB2_2:
0x57: {  	[tilespmem:s26], [sflag:$0x3] =	stream.indirect.gather [spmem:s3], $0x20, s8, s19, $0xb8;
	[tilespmem:$0x12280] =	vst v63  }
0x58: {  	s8 =	smov.u32 s5  }
0x59: {  	p0 =	sne.s32 s5, $0x13800;
	s5 =	sadd.s32 $0x600, s5;
	_ =	swait.ge [sflag:s28], $0x80  }
0x5a: {  	[sflag:s28] =	ssyncset.done $0x0  }
0x5b: {  	[sflag:s28] =	ssyncadd.s32 $0xFFFFFF80  }
0x5c: {  	_ =	swait.ge [sflag:s29], $0x1000  }
0x5d: {  	[sflag:s29] =	ssyncset.done $0x0  }
0x5e: {  	[sflag:s29] =	ssyncadd.s32 $0xFFFFF000  }
0x5f: {  	[spmem:s2] =	stream.indirect.scatter.add.f32 [tilespmem:s20], [sflag:$0x7], $0x20, s18, s19, $0xb8;
	[tilespmem:$0x12280] =	vst v63  }
0x60: {  	_ =	swait.ge [sflag:s16], $0x1000  }
0x61: {  	[sflag:s16] =	ssyncset.done $0x0  }
0x62: {  	s10 =	sadd.s32 $0xFFFFFFE0, s7;
	s8 =	sshra.s32 s8, $0x2;
	[sflag:s16] =	ssyncadd.s32 $0xFFFFF000  }
0x63: {  	[tilespmem:s18], [sflag:$0x4] =	stream.linear.gather [hbm4b:s10+s4], $0x80, $0x38;
	[tilespmem:$0x12280] =	vst v63  }
0x64: {  	s10 =	sadd.s32 $0x180, s8  }
0x65: {  	[tilespmem:s20], [sflag:$0x1] =	stream.indirect.gather [spmem:s3], $0x20, s10, s19, $0xb8;
	[tilespmem:$0x12280] =	vst v63  }
0x66: {  	_ =	swait.ge [sflag:s30], $0x80  }
0x67: {  	[sflag:s30] =	ssyncset.done $0x0  }
0x68: {  	[sflag:s30] =	ssyncadd.s32 $0xFFFFFF80  }
0x69: {  	_ =	swait.ge [sflag:s31], $0x1000  }
0x6a: {  	[sflag:s31] =	ssyncset.done $0x0  }
0x6b: {  	[sflag:s31] =	ssyncadd.s32 $0xFFFFF000  }
0x6c: {  	[spmem:s2] =	stream.indirect.scatter.add.f32 [tilespmem:s22], [sflag:$0x7], $0x20, s21, s19, $0xb8;
	[tilespmem:$0x12280] =	vst v63  }
0x6d: {  	_ =	swait.ge [sflag:s16], $0x1000  }
0x6e: {  	[sflag:s16] =	ssyncset.done $0x0  }
0x6f: {  	s10 =	sadd.s32 $0xFFFFFFF0, s7;
	[sflag:s16] =	ssyncadd.s32 $0xFFFFF000  }
0x70: {  	[tilespmem:s21], [sflag:$0x5] =	stream.linear.gather [hbm4b:s10+s4], $0x80, $0x38;
	[tilespmem:$0x12280] =	vst v63  }
0x71: {  	s10 =	sadd.s32 $0x200, s8  }
0x72: {  	[tilespmem:s22], [sflag:$0x2] =	stream.indirect.gather [spmem:s3], $0x20, s10, s19, $0xb8;
	[tilespmem:$0x12280] =	vst v63  }
0x73: {  	_ =	swait.ge [sflag:s1], $0x80  }
0x74: {  	[sflag:s1] =	ssyncset.done $0x0  }
0x75: {  	[sflag:s1] =	ssyncadd.s32 $0xFFFFFF80  }
0x76: {  	_ =	swait.ge [sflag:s0], $0x1000  }
0x77: {  	[sflag:s0] =	ssyncset.done $0x0  }
0x78: {  	[sflag:s0] =	ssyncadd.s32 $0xFFFFF000  }
0x79: {  	[spmem:s2] =	stream.indirect.scatter.add.f32 [tilespmem:s26], [sflag:$0x7], $0x20, s23, s19, $0xb8;
	[tilespmem:$0x12280] =	vst v63  }
.Ltmp0:
0x7a: {  	_ =	swait.ge [sflag:s16], $0x1000;
	(pc) =	sbr.rel @p0 .LBB2_2-.Ltmp0, $4  }
0x7b: {  	[sflag:s16] =	ssyncset.done $0x0  }
0x7c: {  	[sflag:s16] =	ssyncadd.s32 $0xFFFFF000  }
0x7d: {  	[tilespmem:s23], [sflag:$0x6] =	stream.linear.gather [hbm4b:s7+s4], $0x80, $0x38;
	[tilespmem:$0x12280] =	vst v63  }
0x7e: {  	s8 =	sadd.s32 $0x280, s8;
	s7 =	sadd.s32 $0x30, s7  }
0x7f: {  	[tilespmem:s26], [sflag:$0x3] =	stream.indirect.gather [spmem:s3], $0x20, s8, s19, $0xb8;
	[tilespmem:$0x12280] =	vst v63  }
0x80: {  	_ =	swait.ge [sflag:s28], $0x80  }
0x81: {  	[sflag:s28] =	ssyncset.done $0x0  }
0x82: {  	[sflag:s28] =	ssyncadd.s32 $0xFFFFFF80  }
0x83: {  	_ =	swait.ge [sflag:s29], $0x1000  }
0x84: {  	[sflag:s29] =	ssyncset.done $0x0  }
0x85: {  	[sflag:s29] =	ssyncadd.s32 $0xFFFFF000  }
0x86: {  	[spmem:s2] =	stream.indirect.scatter.add.f32 [tilespmem:s20], [sflag:$0x7], $0x20, s18, s19, $0xb8;
	[tilespmem:$0x12280] =	vst v63  }
0x87: {  	_ =	swait.ge [sflag:s16], $0x1000  }
0x88: {  	[sflag:s16] =	ssyncset.done $0x0  }
0x89: {  	[sflag:s16] =	ssyncadd.s32 $0xFFFFF000  }
0x8a: {  	_ =	swait.ge [sflag:s30], $0x80  }
0x8b: {  	[sflag:s30] =	ssyncset.done $0x0  }
0x8c: {  	[sflag:s30] =	ssyncadd.s32 $0xFFFFFF80  }
0x8d: {  	_ =	swait.ge [sflag:s31], $0x1000  }
0x8e: {  	[sflag:s31] =	ssyncset.done $0x0  }
0x8f: {  	[sflag:s31] =	ssyncadd.s32 $0xFFFFF000  }
0x90: {  	[spmem:s2] =	stream.indirect.scatter.add.f32 [tilespmem:s22], [sflag:$0x7], $0x20, s21, s19, $0xb8;
	[tilespmem:$0x12280] =	vst v63  }
0x91: {  	_ =	swait.ge [sflag:s16], $0x1000  }
0x92: {  	[sflag:s16] =	ssyncset.done $0x0  }
0x93: {  	[sflag:s16] =	ssyncadd.s32 $0xFFFFF000  }
0x94: {  	_ =	swait.ge [sflag:s1], $0x80  }
0x95: {  	[sflag:s1] =	ssyncset.done $0x0  }
0x96: {  	[sflag:s1] =	ssyncadd.s32 $0xFFFFFF80  }
0x97: {  	_ =	swait.ge [sflag:s0], $0x1000  }
0x98: {  	[sflag:s0] =	ssyncset.done $0x0  }
0x99: {  	[sflag:s0] =	ssyncadd.s32 $0xFFFFF000  }
0x9a: {  	[spmem:s2] =	stream.indirect.scatter.add.f32 [tilespmem:s26], [sflag:$0x7], $0x20, s23, s19, $0xb8;
	[tilespmem:$0x12280] =	vst v63  }
0x9b: {  	_ =	swait.ge [sflag:s16], $0x1000  }
0x9c: {  	s24 =	sadd.s32 $0x1, s24;
	[sflag:s16] =	ssyncset.done $0x0  }
0x9d: {  	p0 =	sne.s32 s24, s13;
	[sflag:s16] =	ssyncadd.s32 $0xFFFFF000  }
.Ltmp1:
0x9e: {  	s5 =	simm.s32 $0x8;
	[bflag:$0x0] =	sbarrier.arrive $0xFFFF;
	(pc) =	sbr.rel @p0 .LBB2_1-.Ltmp1, $4  }
0x9f: {  	[hbm:s12@s5], [sflag:s6] =	dma.strided [spmem:s25@s28], $0x9C4, s29, $0x4   }
0xa0: {  	_ =	swait.ge [sflag:s16], $0x9C4  }
0xa1: {  	[sflag:s16] =	ssyncset.done $0x0  }
0xa2: {  	[sflag:s16] =	ssyncadd.s32 $0xFFFFF63C  }
0xa3: {  	_ =	sfence.sel $0x180000  }
0xa4: {  	[bflag:$0x0] =	sbarrier.arrive $0xFFFF  }
0xa5: {  	_ =	strace $0x9000004A  }
0xa6: {  	s0 =	stileid.u32;
	[bflag:$0x2] =	sbarrier.arrive $0xFFFF  }
0xa7: {  	p0 =	sne.s32 s0, $0x0;
	s0 =	rddreg [dreg:$0x4]  }
0xa8: {  	s0 =	sadd.s32 @!p0 $0x100000, s0  }
0xa9: {  	[sflag:s0] =	ssyncadd.tile.s32 @!p0 $0x1;
	_ =	shalt  }
.Lfunc_end2:
_tile_overlayer_lowered:
.L_overlay_start_2:
0xaa: {  	(tag) =	ssettag $0x2  }
0xab: {  	s0 =	rddreg [dreg:$0x0];
	s2 =	stileid.u32  }
0xac: {  	s1 =	rddreg [dreg:$0x1];
	p0 =	sne.s32 s2, $0x0  }
0xad: {  	s3 =	rddreg [dreg:$0x2];
	[bflag:$0x3] =	sbarrier.arrive $0xFFFF;
	s2 =	simm.s32 @!p0 $0x1C07  }
0xae: {  	[timem:s3], [sflag:s2] =	dma.local @!p0 [hbm:s0], s1  }
0xaf: {  	s0 =	simm.s32 @!p0 $0x7  }
0xb0: {  	_ =	swait.ge @!p0 [sflag:s0], s1  }
0xb1: {  	s1 =	ssub.s32 @!p0 $0x0, s1;
	[sflag:s0] =	ssyncset.done @!p0 $0x0  }
0xb2: {  	[sflag:s0] =	ssyncadd.s32 @!p0 s1  }
0xb3: {  	[bflag:$0x3] =	sbarrier.arrive $0xFFFF  }
0xb4: {  	_ =	shalt  }

</sc_bundles>
